<compile_context>
chip_gen: v7x
topology: tpu7x:2x2x1
jax: 0.10.2.dev20260603
libtpu: 0.0.44.dev20260713+nightly
codegen_flags: <defaults>
</compile_context>

<pallas_src>
import functools

import jax
import jax.numpy as jnp
from jax import lax
from jax.experimental import pallas as pl
from jax.experimental.pallas import tpu as pltpu
from jax.experimental.pallas import tpu_sc as plsc

B, S, D, MAX_LEN = 4096, 200, 64, 512
SD = S * D
L = 16
N_CHUNK = (S + L - 1) // L
S_PAD = N_CHUNK * L
NC, NS = 2, 16
NW = NC * NS
ROWS_PER_W = B // NW


def _pe_body(x_hbm, td_hbm, pe_hbm, out_hbm, pe_v, td_v0, td_v1, cum_v, idx_v,
             x_v0, x_v1, sem_td0, sem_td1, sem_xin0, sem_xin1, sem_out0,
             sem_out1):
    td_vs, x_vs = (td_v0, td_v1), (x_v0, x_v1)
    sem_tds, sem_xins, sem_outs = (sem_td0, sem_td1), (sem_xin0, sem_xin1), (sem_out0, sem_out1)
    wid = lax.axis_index("s") * NC + lax.axis_index("c")
    row0 = wid * ROWS_PER_W

    pltpu.sync_copy(pe_hbm, pe_v)

    for slot in range(2):
        td_vs[slot][pl.ds(192, L)] = jnp.zeros((L,), jnp.float32)

    col = [lax.iota(jnp.int32, L) + (j * L) for j in range(D // L)]

    def td_copy(g, slot):
        off = pl.multiple_of((row0 + g) * S, 8)
        return pltpu.make_async_copy(
            td_hbm.at[pl.ds(off, S)], td_vs[slot].at[pl.ds(0, S)], sem_tds[slot]
        )

    def x_in_copy(g, slot):
        off = pl.multiple_of((row0 + g) * SD, 8)
        return pltpu.make_async_copy(
            x_hbm.at[pl.ds(off, SD)], x_vs[slot].at[pl.ds(0, SD)], sem_xins[slot]
        )

    def x_out_copy(g, slot):
        off = pl.multiple_of((row0 + g) * SD, 8)
        return pltpu.make_async_copy(
            x_vs[slot].at[pl.ds(0, SD)], out_hbm.at[pl.ds(off, SD)], sem_outs[slot]
        )

    td_copy(0, 0).start()
    x_in_copy(0, 0).start()

    def process_row(g, slot):
        nslot = 1 - slot
        td_copy(g, slot).wait()

        @pl.when(g >= 1)
        def _():
            x_out_copy(g - 1, nslot).wait()

        @pl.when(g + 1 < ROWS_PER_W)
        def _():
            td_copy(g + 1, nslot).start()
            x_in_copy(g + 1, nslot).start()

        carry = jnp.zeros((L,), jnp.float32)
        mx = jnp.full((L,), -jnp.inf, jnp.float32)
        for k in range(N_CHUNK):
            v = td_vs[slot][pl.ds(k * L, L)]
            cum = plsc.cumsum(v) + carry
            cum_v[pl.ds(k * L, L)] = cum
            carry = carry + jnp.sum(v)
            mx = jnp.maximum(mx, jnp.max(cum))

        dv = mx + jnp.float32(1e-8)
        for k in range(N_CHUNK):
            c = cum_v[pl.ds(k * L, L)]
            t = c / dv * jnp.float32(S)
            iv = jnp.clip(t.astype(jnp.int32), 0, MAX_LEN - 1)
            idx_v[pl.ds(k * L, L)] = iv

        x_in_copy(g, slot).wait()

        def chunk_body(k, _c):
            idxvec = idx_v[pl.ds(k * L, L)] * D
            base = pl.multiple_of(k * (L * D), L * D)
            for lane in range(L):
                rv = jnp.full((L,), idxvec[lane], jnp.int32)
                for j in range(D // L):
                    pe_row = plsc.load_gather(pe_v, [rv + col[j]])
                    off = base + lane * D + j * L
                    x_vs[slot][pl.ds(off, L)] = x_vs[slot][pl.ds(off, L)] + pe_row
            return 0

        lax.fori_loop(0, N_CHUNK, chunk_body, 0)
        x_out_copy(g, slot).start()

    def pair_body(t, _):
        process_row(t * 2, 0)
        process_row(t * 2 + 1, 1)
        return 0

    lax.fori_loop(0, ROWS_PER_W // 2, pair_body, 0)
    x_out_copy(ROWS_PER_W - 1, 1).wait()


_pe_kernel = functools.partial(
    pl.kernel,
    out_type=jax.ShapeDtypeStruct((B * S * D,), jnp.float32),
    mesh=plsc.VectorSubcoreMesh(
        core_axis_name="c", subcore_axis_name="s", num_cores=NC, num_subcores=NS
    ),
    scratch_types=[
        pltpu.VMEM((MAX_LEN * D,), jnp.float32),
        pltpu.VMEM((S_PAD,), jnp.float32),
        pltpu.VMEM((S_PAD,), jnp.float32),
        pltpu.VMEM((S_PAD,), jnp.float32),
        pltpu.VMEM((S_PAD,), jnp.int32),
        pltpu.VMEM((S_PAD * D,), jnp.float32),
        pltpu.VMEM((S_PAD * D,), jnp.float32),
        pltpu.SemaphoreType.DMA,
        pltpu.SemaphoreType.DMA,
        pltpu.SemaphoreType.DMA,
        pltpu.SemaphoreType.DMA,
        pltpu.SemaphoreType.DMA,
        pltpu.SemaphoreType.DMA,
    ],
    compiler_params=pltpu.CompilerParams(needs_layout_passes=False),
)(_pe_body)


def kernel(x, time_deltas, pe):
    out_flat = _pe_kernel(
        x.reshape(B * S * D), time_deltas.reshape(B * S), pe.reshape(MAX_LEN * D)
    )
    return out_flat.reshape(B, S, D)

# --- scband reference (transcript-rebuilt; emitter-appended) ---
"""Pipeline reference for scband-positional-encoding-67851893342428 (READ-ONLY COPY).

The authoritative reference and input builder live on the scoring server;
editing this copy changes nothing except your own understanding.
"""

import math
import jax, jax.numpy as jnp
import numpy as np

B = 4096
S = 200
D_MODEL = 64
MAX_LEN = 512


def _make_pe():
    position = np.arange(MAX_LEN, dtype=np.float32)[:, None]
    div_term = np.exp(np.arange(0, D_MODEL, 2).astype(np.float32) * (-math.log(10000.0) / D_MODEL))
    pe = np.zeros((MAX_LEN, D_MODEL), dtype=np.float32)
    pe[:, 0::2] = np.sin(position * div_term)
    pe[:, 1::2] = np.cos(position * div_term)
    return jnp.asarray(pe[None])  # [1, MAX_LEN, D_MODEL]


def setup_inputs(seed: int = 0) -> dict:
    key = jax.random.key(seed)
    k1, k2 = jax.random.split(key)
    x = jax.random.normal(k1, (B, S, D_MODEL), dtype=jnp.float32)
    time_deltas = jax.random.uniform(k2, (B, S), dtype=jnp.float32)
    return {"x": x, "time_deltas": time_deltas, "pe": _make_pe()}


def reference(x, time_deltas, pe):
    B_, S_, D_ = x.shape
    max_len = pe.shape[1]
    # time-aware index computation
    cum_time = jnp.cumsum(time_deltas, axis=1)
    cum_time = cum_time / (jnp.max(cum_time, axis=1, keepdims=True) + 1e-08) * S_
    idx = jnp.clip(cum_time.astype(jnp.int32), 0, max_len - 1)  # [B, S]
    # gather along positional axis (embedding-style lookup)
    pe_b = jnp.broadcast_to(pe, (B_, max_len, D_))
    idx_b = jnp.broadcast_to(idx[..., None], (B_, S_, D_))
    gathered = jnp.take_along_axis(pe_b, idx_b, axis=1)  # [B, S, D]
    out = x + gathered
    # dropout p=0.0 -> identity (eval-equivalent)
    return out

if __name__ == "__main__":
    import jax
    _d = setup_inputs()
    print(jax.jit(kernel)(*tuple(_d.values())))

</pallas_src>

<mosaic_0001>
#map = affine_map<(d0, d1) -> (0)>
module attributes {stable_mosaic.version = 14 : i64} {
  func.func @_pe_body(%arg0: i32, %arg1: i32, %arg2: memref<52428800xf32, #tpu.memory_space<hbm>>, %arg3: memref<819200xf32, #tpu.memory_space<hbm>>, %arg4: memref<32768xf32, #tpu.memory_space<hbm>>, %arg5: memref<52428800xf32, #tpu.memory_space<hbm>>, %arg6: memref<32768xf32, #tpu.memory_space<vmem>>, %arg7: memref<208xf32, #tpu.memory_space<vmem>>, %arg8: memref<208xf32, #tpu.memory_space<vmem>>, %arg9: memref<208xf32, #tpu.memory_space<vmem>>, %arg10: memref<208xi32, #tpu.memory_space<vmem>>, %arg11: memref<13312xf32, #tpu.memory_space<vmem>>, %arg12: memref<13312xf32, #tpu.memory_space<vmem>>, %arg13: memref<!tpu.dma_semaphore, #tpu.memory_space<semaphore_mem>>, %arg14: memref<!tpu.dma_semaphore, #tpu.memory_space<semaphore_mem>>, %arg15: memref<!tpu.dma_semaphore, #tpu.memory_space<semaphore_mem>>, %arg16: memref<!tpu.dma_semaphore, #tpu.memory_space<semaphore_mem>>, %arg17: memref<!tpu.dma_semaphore, #tpu.memory_space<semaphore_mem>>, %arg18: memref<!tpu.dma_semaphore, #tpu.memory_space<semaphore_mem>>) attributes {dimension_semantics = [#tpu.dimension_semantics<core_parallel>, #tpu.dimension_semantics<subcore_parallel>], iteration_bounds = array<i64: 2, 16>, scalar_prefetch = 0 : i64, scratch_operands = 13 : i64, tpu.core_type = #tpu.core_type<sc_vector_subcore>, window_params = [{transform_indices = #map}, {transform_indices = #map}, {transform_indices = #map}, {transform_indices = #map}]} {
    %mul3A = arith.constant 2 : i32
    %mul3A_0 = arith.muli %arg1, %mul3A : i32
    %add3A = arith.addi %mul3A_0, %arg0 : i32
    %mul3A_1 = arith.constant 128 : i32
    %mul3A_2 = arith.muli %add3A, %mul3A_1 : i32
    "tpu.region"() ({
      %run_scoped3A = tpu.sem_alloc : memref<!tpu.dma_semaphore, #tpu.memory_space<semaphore_mem>>
      tpu.enqueue_dma source(%arg4 : memref<32768xf32, #tpu.memory_space<hbm>>) target(%arg6 : memref<32768xf32, #tpu.memory_space<vmem>>) target_semaphore(%run_scoped3A : memref<!tpu.dma_semaphore, #tpu.memory_space<semaphore_mem>>)
      tpu.wait_dma2 semaphore(%run_scoped3A : memref<!tpu.dma_semaphore, #tpu.memory_space<semaphore_mem>>) src(%arg4 : memref<32768xf32, #tpu.memory_space<hbm>>) dst(%arg6 : memref<32768xf32, #tpu.memory_space<vmem>>)
      tpu.yield
    }) : () -> ()
    %broadcast_in_dim3A = arith.constant 0.000000e+00 : f32
    %broadcast_in_dim3A_3 = vector.broadcast %broadcast_in_dim3A : f32 to vector<16xf32>
    %swap3A = arith.constant 192 : index
    %swap3A_4 = tpu.vector_load %arg7[%swap3A] {strides = array<i32>} : memref<208xf32, #tpu.memory_space<vmem>>, vector<16xf32>,
    tpu.vector_store %arg7[%swap3A], %broadcast_in_dim3A_3 {strides = array<i32>} : memref<208xf32, #tpu.memory_space<vmem>>, vector<16xf32>,
    %broadcast_in_dim3A_5 = arith.constant 0.000000e+00 : f32
    %broadcast_in_dim3A_6 = vector.broadcast %broadcast_in_dim3A_5 : f32 to vector<16xf32>
    %swap3A_7 = arith.constant 192 : index
    %swap3A_8 = tpu.vector_load %arg8[%swap3A_7] {strides = array<i32>} : memref<208xf32, #tpu.memory_space<vmem>>, vector<16xf32>,
    tpu.vector_store %arg8[%swap3A_7], %broadcast_in_dim3A_6 {strides = array<i32>} : memref<208xf32, #tpu.memory_space<vmem>>, vector<16xf32>,
    %iota3A = tpu.iota {dimensions = array<i32: 0>} : vector<16xi32>
    %add3A_9 = arith.constant 0 : i32
    %add3A_10 = vector.broadcast %add3A_9 : i32 to vector<16xi32>
    %add3A_11 = arith.addi %iota3A, %add3A_10 : vector<16xi32>
    %iota3A_12 = tpu.iota {dimensions = array<i32: 0>} : vector<16xi32>
    %add3A_13 = arith.constant 16 : i32
    %add3A_14 = vector.broadcast %add3A_13 : i32 to vector<16xi32>
    %add3A_15 = arith.addi %iota3A_12, %add3A_14 : vector<16xi32>
    %iota3A_16 = tpu.iota {dimensions = array<i32: 0>} : vector<16xi32>
    %add3A_17 = arith.constant 32 : i32
    %add3A_18 = vector.broadcast %add3A_17 : i32 to vector<16xi32>
    %add3A_19 = arith.addi %iota3A_16, %add3A_18 : vector<16xi32>
    %iota3A_20 = tpu.iota {dimensions = array<i32: 0>} : vector<16xi32>
    %add3A_21 = arith.constant 48 : i32
    %add3A_22 = vector.broadcast %add3A_21 : i32 to vector<16xi32>
    %add3A_23 = arith.addi %iota3A_20, %add3A_22 : vector<16xi32>
    %add3A_24 = arith.constant 0 : i32
    %add3A_25 = arith.addi %mul3A_2, %add3A_24 : i32
    %mul3A_26 = arith.constant 200 : i32
    %mul3A_27 = arith.muli %add3A_25, %mul3A_26 : i32
    %multiple_of3A = tpu.assume_multiple %mul3A_27, 8 : i32
    %dma_start3A = arith.constant 0 : i32
    %dma_start3A_28 = tpu.memref_slice %arg7[%dma_start3A] : memref<208xf32, #tpu.memory_space<vmem>> -> memref<200xf32, #tpu.memory_space<vmem>>
    %dma_start3A_29 = tpu.memref_slice %arg3[%multiple_of3A] : memref<819200xf32, #tpu.memory_space<hbm>> -> memref<200xf32, #tpu.memory_space<hbm>>
    %dma_start3A_30 = arith.constant 0 : i32
    %dma_start3A_31 = tpu.memref_slice %arg7[%dma_start3A_30] : memref<208xf32, #tpu.memory_space<vmem>> -> memref<200xf32, #tpu.memory_space<vmem>>
    %dma_start3A_32 = tpu.memref_slice %arg3[%multiple_of3A] : memref<819200xf32, #tpu.memory_space<hbm>> -> memref<200xf32, #tpu.memory_space<hbm>>
    tpu.enqueue_dma source(%dma_start3A_32 : memref<200xf32, #tpu.memory_space<hbm>>) target(%dma_start3A_31 : memref<200xf32, #tpu.memory_space<vmem>>) target_semaphore(%arg13 : memref<!tpu.dma_semaphore, #tpu.memory_space<semaphore_mem>>)
    %add3A_33 = arith.constant 0 : i32
    %add3A_34 = arith.addi %mul3A_2, %add3A_33 : i32
    %mul3A_35 = arith.constant 12800 : i32
    %mul3A_36 = arith.muli %add3A_34, %mul3A_35 : i32
    %multiple_of3A_37 = tpu.assume_multiple %mul3A_36, 8 : i32
    %dma_start3A_38 = arith.constant 0 : i32
    %dma_start3A_39 = tpu.memref_slice %arg11[%dma_start3A_38] : memref<13312xf32, #tpu.memory_space<vmem>> -> memref<12800xf32, #tpu.memory_space<vmem>>
    %dma_start3A_40 = tpu.memref_slice %arg2[%multiple_of3A_37] : memref<52428800xf32, #tpu.memory_space<hbm>> -> memref<12800xf32, #tpu.memory_space<hbm>>
    %dma_start3A_41 = arith.constant 0 : i32
    %dma_start3A_42 = tpu.memref_slice %arg11[%dma_start3A_41] : memref<13312xf32, #tpu.memory_space<vmem>> -> memref<12800xf32, #tpu.memory_space<vmem>>
    %dma_start3A_43 = tpu.memref_slice %arg2[%multiple_of3A_37] : memref<52428800xf32, #tpu.memory_space<hbm>> -> memref<12800xf32, #tpu.memory_space<hbm>>
    tpu.enqueue_dma source(%dma_start3A_43 : memref<12800xf32, #tpu.memory_space<hbm>>) target(%dma_start3A_42 : memref<12800xf32, #tpu.memory_space<vmem>>) target_semaphore(%arg15 : memref<!tpu.dma_semaphore, #tpu.memory_space<semaphore_mem>>)
    %scan3A = arith.constant 0 : i32
    %scan3A_44 = arith.constant 0 : i32
    %scan3A_45 = arith.constant 64 : i32
    %scan3A_46 = arith.addi %scan3A_44, %scan3A_45 : i32
    %scan3A_47 = arith.constant 1 : i32
    %scan3A_48 = scf.for %scan3A_60 = %scan3A_44 to %scan3A_46 step %scan3A_47 iter_args(%scan3A_61 = %scan3A) -> (i32)  : i32 {
      %mul3A_62 = arith.constant 2 : i32
      %mul3A_63 = arith.muli %scan3A_60, %mul3A_62 : i32
      %add3A_64 = arith.addi %mul3A_2, %mul3A_63 : i32
      %mul3A_65 = arith.constant 200 : i32
      %mul3A_66 = arith.muli %add3A_64, %mul3A_65 : i32
      %multiple_of3A_67 = tpu.assume_multiple %mul3A_66, 8 : i32
      %dma_wait3A_68 = arith.constant 0 : i32
      %dma_wait3A_69 = tpu.memref_slice %arg7[%dma_wait3A_68] : memref<208xf32, #tpu.memory_space<vmem>> -> memref<200xf32, #tpu.memory_space<vmem>>
      %dma_wait3A_70 = tpu.memref_slice %arg3[%multiple_of3A_67] : memref<819200xf32, #tpu.memory_space<hbm>> -> memref<200xf32, #tpu.memory_space<hbm>>
      %dma_wait3A_71 = arith.constant 0 : i32
      %dma_wait3A_72 = tpu.memref_slice %arg7[%dma_wait3A_71] : memref<208xf32, #tpu.memory_space<vmem>> -> memref<200xf32, #tpu.memory_space<vmem>>
      %dma_wait3A_73 = tpu.memref_slice %arg3[%multiple_of3A_67] : memref<819200xf32, #tpu.memory_space<hbm>> -> memref<200xf32, #tpu.memory_space<hbm>>
      tpu.wait_dma2 semaphore(%arg13 : memref<!tpu.dma_semaphore, #tpu.memory_space<semaphore_mem>>) src(%dma_wait3A_73 : memref<200xf32, #tpu.memory_space<hbm>>) dst(%dma_wait3A_72 : memref<200xf32, #tpu.memory_space<vmem>>)
      %ge3A = arith.constant 1 : i32
      %ge3A_74 = arith.cmpi sge, %mul3A_63, %ge3A : i32
      %convert_element_type3A = arith.extui %ge3A_74 : i1 to i32
      %cond3A = arith.constant 0 : i32
      %cond3A_75 = arith.cmpi ne, %convert_element_type3A, %cond3A : i32
      scf.if %cond3A_75 {
        %sub3A = arith.constant 1 : i32
        %sub3A_1079 = arith.subi %mul3A_63, %sub3A : i32
        %add3A_1080 = arith.addi %mul3A_2, %sub3A_1079 : i32
        %mul3A_1081 = arith.constant 12800 : i32
        %mul3A_1082 = arith.muli %add3A_1080, %mul3A_1081 : i32
        %multiple_of3A_1083 = tpu.assume_multiple %mul3A_1082, 8 : i32
        %dma_wait3A_1084 = arith.constant 0 : i32
        %dma_wait3A_1085 = tpu.memref_slice %arg12[%dma_wait3A_1084] : memref<13312xf32, #tpu.memory_space<vmem>> -> memref<12800xf32, #tpu.memory_space<vmem>>
        %dma_wait3A_1086 = tpu.memref_slice %arg5[%multiple_of3A_1083] : memref<52428800xf32, #tpu.memory_space<hbm>> -> memref<12800xf32, #tpu.memory_space<hbm>>
        %dma_wait3A_1087 = tpu.memref_slice %arg5[%multiple_of3A_1083] : memref<52428800xf32, #tpu.memory_space<hbm>> -> memref<12800xf32, #tpu.memory_space<hbm>>
        %dma_wait3A_1088 = arith.constant 0 : i32
        %dma_wait3A_1089 = tpu.memref_slice %arg12[%dma_wait3A_1088] : memref<13312xf32, #tpu.memory_space<vmem>> -> memref<12800xf32, #tpu.memory_space<vmem>>
        tpu.wait_dma2 semaphore(%arg18 : memref<!tpu.dma_semaphore, #tpu.memory_space<semaphore_mem>>) src(%dma_wait3A_1089 : memref<12800xf32, #tpu.memory_space<vmem>>) dst(%dma_wait3A_1087 : memref<12800xf32, #tpu.memory_space<hbm>>)
      } else {
      }
      %add3A_76 = arith.constant 1 : i32
      %add3A_77 = arith.addi %mul3A_63, %add3A_76 : i32
      %lt3A = arith.constant 128 : i32
      %lt3A_78 = arith.cmpi slt, %add3A_77, %lt3A : i32
      %convert_element_type3A_79 = arith.extui %lt3A_78 : i1 to i32
      %cond3A_80 = arith.constant 0 : i32
      %cond3A_81 = arith.cmpi ne, %convert_element_type3A_79, %cond3A_80 : i32
      scf.if %cond3A_81 {
        %add3A_1079 = arith.constant 1 : i32
        %add3A_1080 = arith.addi %mul3A_63, %add3A_1079 : i32
        %add3A_1081 = arith.addi %mul3A_2, %add3A_1080 : i32
        %mul3A_1082 = arith.constant 200 : i32
        %mul3A_1083 = arith.muli %add3A_1081, %mul3A_1082 : i32
        %multiple_of3A_1084 = tpu.assume_multiple %mul3A_1083, 8 : i32
        %dma_start3A_1085 = arith.constant 0 : i32
        %dma_start3A_1086 = tpu.memref_slice %arg8[%dma_start3A_1085] : memref<208xf32, #tpu.memory_space<vmem>> -> memref<200xf32, #tpu.memory_space<vmem>>
        %dma_start3A_1087 = tpu.memref_slice %arg3[%multiple_of3A_1084] : memref<819200xf32, #tpu.memory_space<hbm>> -> memref<200xf32, #tpu.memory_space<hbm>>
        %dma_start3A_1088 = arith.constant 0 : i32
        %dma_start3A_1089 = tpu.memref_slice %arg8[%dma_start3A_1088] : memref<208xf32, #tpu.memory_space<vmem>> -> memref<200xf32, #tpu.memory_space<vmem>>
        %dma_start3A_1090 = tpu.memref_slice %arg3[%multiple_of3A_1084] : memref<819200xf32, #tpu.memory_space<hbm>> -> memref<200xf32, #tpu.memory_space<hbm>>
        tpu.enqueue_dma source(%dma_start3A_1090 : memref<200xf32, #tpu.memory_space<hbm>>) target(%dma_start3A_1089 : memref<200xf32, #tpu.memory_space<vmem>>) target_semaphore(%arg14 : memref<!tpu.dma_semaphore, #tpu.memory_space<semaphore_mem>>)
        %add3A_1091 = arith.constant 1 : i32
        %add3A_1092 = arith.addi %mul3A_63, %add3A_1091 : i32
        %add3A_1093 = arith.addi %mul3A_2, %add3A_1092 : i32
        %mul3A_1094 = arith.constant 12800 : i32
        %mul3A_1095 = arith.muli %add3A_1093, %mul3A_1094 : i32
        %multiple_of3A_1096 = tpu.assume_multiple %mul3A_1095, 8 : i32
        %dma_start3A_1097 = arith.constant 0 : i32
        %dma_start3A_1098 = tpu.memref_slice %arg12[%dma_start3A_1097] : memref<13312xf32, #tpu.memory_space<vmem>> -> memref<12800xf32, #tpu.memory_space<vmem>>
        %dma_start3A_1099 = tpu.memref_slice %arg2[%multiple_of3A_1096] : memref<52428800xf32, #tpu.memory_space<hbm>> -> memref<12800xf32, #tpu.memory_space<hbm>>
        %dma_start3A_1100 = arith.constant 0 : i32
        %dma_start3A_1101 = tpu.memref_slice %arg12[%dma_start3A_1100] : memref<13312xf32, #tpu.memory_space<vmem>> -> memref<12800xf32, #tpu.memory_space<vmem>>
        %dma_start3A_1102 = tpu.memref_slice %arg2[%multiple_of3A_1096] : memref<52428800xf32, #tpu.memory_space<hbm>> -> memref<12800xf32, #tpu.memory_space<hbm>>
        tpu.enqueue_dma source(%dma_start3A_1102 : memref<12800xf32, #tpu.memory_space<hbm>>) target(%dma_start3A_1101 : memref<12800xf32, #tpu.memory_space<vmem>>) target_semaphore(%arg16 : memref<!tpu.dma_semaphore, #tpu.memory_space<semaphore_mem>>)
      } else {
      }
      %broadcast_in_dim3A_82 = arith.constant 0.000000e+00 : f32
      %broadcast_in_dim3A_83 = vector.broadcast %broadcast_in_dim3A_82 : f32 to vector<16xf32>
      %broadcast_in_dim3A_84 = arith.constant 0xFF800000 : f32
      %broadcast_in_dim3A_85 = vector.broadcast %broadcast_in_dim3A_84 : f32 to vector<16xf32>
      %get3A = arith.constant 0 : index
      %get3A_86 = tpu.vector_load %arg7[%get3A] {strides = array<i32>} : memref<208xf32, #tpu.memory_space<vmem>>, vector<16xf32>,
      %broadcast_in_dim3A_87 = arith.constant true
      %broadcast_in_dim3A_88 = vector.broadcast %broadcast_in_dim3A_87 : i1 to vector<16xi1>
      %masked_cumsum3A = tpu.scan <sum>, %get3A_86 masked %broadcast_in_dim3A_88 : vector<16xf32>, vector<16xi1> -> vector<16xf32>
      %add3A_89 = arith.addf %masked_cumsum3A, %broadcast_in_dim3A_83 : vector<16xf32>
      %swap3A_90 = arith.constant 0 : index
      %swap3A_91 = tpu.vector_load %arg9[%swap3A_90] {strides = array<i32>} : memref<208xf32, #tpu.memory_space<vmem>>, vector<16xf32>,
      tpu.vector_store %arg9[%swap3A_90], %add3A_89 {strides = array<i32>} : memref<208xf32, #tpu.memory_space<vmem>>, vector<16xf32>,
      %reduce_sum3A = arith.constant true
      %reduce_sum3A_92 = vector.broadcast %reduce_sum3A : i1 to vector<16xi1>
      %reduce_sum3A_93 = tpu.scan <sum>, %get3A_86 masked %reduce_sum3A_92 : vector<16xf32>, vector<16xi1> -> vector<16xf32>
      %reduce_sum3A_94 = vector.extract %reduce_sum3A_93[15] : f32 from vector<16xf32>
      %add3A_95 = vector.broadcast %reduce_sum3A_94 : f32 to vector<16xf32>
      %add3A_96 = arith.addf %broadcast_in_dim3A_83, %add3A_95 : vector<16xf32>
      %reduce_max3A = arith.constant true
      %reduce_max3A_97 = vector.broadcast %reduce_max3A : i1 to vector<16xi1>
      %reduce_max3A_98 = tpu.scan <max>, %add3A_89 masked %reduce_max3A_97 : vector<16xf32>, vector<16xi1> -> vector<16xf32>
      %reduce_max3A_99 = vector.extract %reduce_max3A_98[15] : f32 from vector<16xf32>
      %max3A = vector.broadcast %reduce_max3A_99 : f32 to vector<16xf32>
      %max3A_100 = arith.maximumf %broadcast_in_dim3A_85, %max3A : vector<16xf32>
      %get3A_101 = arith.constant 16 : index
      %get3A_102 = tpu.vector_load %arg7[%get3A_101] {strides = array<i32>} : memref<208xf32, #tpu.memory_space<vmem>>, vector<16xf32>,
      %broadcast_in_dim3A_103 = arith.constant true
      %broadcast_in_dim3A_104 = vector.broadcast %broadcast_in_dim3A_103 : i1 to vector<16xi1>
      %masked_cumsum3A_105 = tpu.scan <sum>, %get3A_102 masked %broadcast_in_dim3A_104 : vector<16xf32>, vector<16xi1> -> vector<16xf32>
      %add3A_106 = arith.addf %masked_cumsum3A_105, %add3A_96 : vector<16xf32>
      %swap3A_107 = arith.constant 16 : index
      %swap3A_108 = tpu.vector_load %arg9[%swap3A_107] {strides = array<i32>} : memref<208xf32, #tpu.memory_space<vmem>>, vector<16xf32>,
      tpu.vector_store %arg9[%swap3A_107], %add3A_106 {strides = array<i32>} : memref<208xf32, #tpu.memory_space<vmem>>, vector<16xf32>,
      %reduce_sum3A_109 = arith.constant true
      %reduce_sum3A_110 = vector.broadcast %reduce_sum3A_109 : i1 to vector<16xi1>
      %reduce_sum3A_111 = tpu.scan <sum>, %get3A_102 masked %reduce_sum3A_110 : vector<16xf32>, vector<16xi1> -> vector<16xf32>
      %reduce_sum3A_112 = vector.extract %reduce_sum3A_111[15] : f32 from vector<16xf32>
      %add3A_113 = vector.broadcast %reduce_sum3A_112 : f32 to vector<16xf32>
      %add3A_114 = arith.addf %add3A_96, %add3A_113 : vector<16xf32>
      %reduce_max3A_115 = arith.constant true
      %reduce_max3A_116 = vector.broadcast %reduce_max3A_115 : i1 to vector<16xi1>
      %reduce_max3A_117 = tpu.scan <max>, %add3A_106 masked %reduce_max3A_116 : vector<16xf32>, vector<16xi1> -> vector<16xf32>
      %reduce_max3A_118 = vector.extract %reduce_max3A_117[15] : f32 from vector<16xf32>
      %max3A_119 = vector.broadcast %reduce_max3A_118 : f32 to vector<16xf32>
      %max3A_120 = arith.maximumf %max3A_100, %max3A_119 : vector<16xf32>
      %get3A_121 = arith.constant 32 : index
      %get3A_122 = tpu.vector_load %arg7[%get3A_121] {strides = array<i32>} : memref<208xf32, #tpu.memory_space<vmem>>, vector<16xf32>,
      %broadcast_in_dim3A_123 = arith.constant true
      %broadcast_in_dim3A_124 = vector.broadcast %broadcast_in_dim3A_123 : i1 to vector<16xi1>
      %masked_cumsum3A_125 = tpu.scan <sum>, %get3A_122 masked %broadcast_in_dim3A_124 : vector<16xf32>, vector<16xi1> -> vector<16xf32>
      %add3A_126 = arith.addf %masked_cumsum3A_125, %add3A_114 : vector<16xf32>
      %swap3A_127 = arith.constant 32 : index
      %swap3A_128 = tpu.vector_load %arg9[%swap3A_127] {strides = array<i32>} : memref<208xf32, #tpu.memory_space<vmem>>, vector<16xf32>,
      tpu.vector_store %arg9[%swap3A_127], %add3A_126 {strides = array<i32>} : memref<208xf32, #tpu.memory_space<vmem>>, vector<16xf32>,
      %reduce_sum3A_129 = arith.constant true
      %reduce_sum3A_130 = vector.broadcast %reduce_sum3A_129 : i1 to vector<16xi1>
      %reduce_sum3A_131 = tpu.scan <sum>, %get3A_122 masked %reduce_sum3A_130 : vector<16xf32>, vector<16xi1> -> vector<16xf32>
      %reduce_sum3A_132 = vector.extract %reduce_sum3A_131[15] : f32 from vector<16xf32>
      %add3A_133 = vector.broadcast %reduce_sum3A_132 : f32 to vector<16xf32>
      %add3A_134 = arith.addf %add3A_114, %add3A_133 : vector<16xf32>
      %reduce_max3A_135 = arith.constant true
      %reduce_max3A_136 = vector.broadcast %reduce_max3A_135 : i1 to vector<16xi1>
      %reduce_max3A_137 = tpu.scan <max>, %add3A_126 masked %reduce_max3A_136 : vector<16xf32>, vector<16xi1> -> vector<16xf32>
      %reduce_max3A_138 = vector.extract %reduce_max3A_137[15] : f32 from vector<16xf32>
      %max3A_139 = vector.broadcast %reduce_max3A_138 : f32 to vector<16xf32>
      %max3A_140 = arith.maximumf %max3A_120, %max3A_139 : vector<16xf32>
      %get3A_141 = arith.constant 48 : index
      %get3A_142 = tpu.vector_load %arg7[%get3A_141] {strides = array<i32>} : memref<208xf32, #tpu.memory_space<vmem>>, vector<16xf32>,
      %broadcast_in_dim3A_143 = arith.constant true
      %broadcast_in_dim3A_144 = vector.broadcast %broadcast_in_dim3A_143 : i1 to vector<16xi1>
      %masked_cumsum3A_145 = tpu.scan <sum>, %get3A_142 masked %broadcast_in_dim3A_144 : vector<16xf32>, vector<16xi1> -> vector<16xf32>
      %add3A_146 = arith.addf %masked_cumsum3A_145, %add3A_134 : vector<16xf32>
      %swap3A_147 = arith.constant 48 : index
      %swap3A_148 = tpu.vector_load %arg9[%swap3A_147] {strides = array<i32>} : memref<208xf32, #tpu.memory_space<vmem>>, vector<16xf32>,
      tpu.vector_store %arg9[%swap3A_147], %add3A_146 {strides = array<i32>} : memref<208xf32, #tpu.memory_space<vmem>>, vector<16xf32>,
      %reduce_sum3A_149 = arith.constant true
      %reduce_sum3A_150 = vector.broadcast %reduce_sum3A_149 : i1 to vector<16xi1>
      %reduce_sum3A_151 = tpu.scan <sum>, %get3A_142 masked %reduce_sum3A_150 : vector<16xf32>, vector<16xi1> -> vector<16xf32>
      %reduce_sum3A_152 = vector.extract %reduce_sum3A_151[15] : f32 from vector<16xf32>
      %add3A_153 = vector.broadcast %reduce_sum3A_152 : f32 to vector<16xf32>
      %add3A_154 = arith.addf %add3A_134, %add3A_153 : vector<16xf32>
      %reduce_max3A_155 = arith.constant true
      %reduce_max3A_156 = vector.broadcast %reduce_max3A_155 : i1 to vector<16xi1>
      %reduce_max3A_157 = tpu.scan <max>, %add3A_146 masked %reduce_max3A_156 : vector<16xf32>, vector<16xi1> -> vector<16xf32>
      %reduce_max3A_158 = vector.extract %reduce_max3A_157[15] : f32 from vector<16xf32>
      %max3A_159 = vector.broadcast %reduce_max3A_158 : f32 to vector<16xf32>
      %max3A_160 = arith.maximumf %max3A_140, %max3A_159 : vector<16xf32>
      %get3A_161 = arith.constant 64 : index
      %get3A_162 = tpu.vector_load %arg7[%get3A_161] {strides = array<i32>} : memref<208xf32, #tpu.memory_space<vmem>>, vector<16xf32>,
      %broadcast_in_dim3A_163 = arith.constant true
      %broadcast_in_dim3A_164 = vector.broadcast %broadcast_in_dim3A_163 : i1 to vector<16xi1>
      %masked_cumsum3A_165 = tpu.scan <sum>, %get3A_162 masked %broadcast_in_dim3A_164 : vector<16xf32>, vector<16xi1> -> vector<16xf32>
      %add3A_166 = arith.addf %masked_cumsum3A_165, %add3A_154 : vector<16xf32>
      %swap3A_167 = arith.constant 64 : index
      %swap3A_168 = tpu.vector_load %arg9[%swap3A_167] {strides = array<i32>} : memref<208xf32, #tpu.memory_space<vmem>>, vector<16xf32>,
      tpu.vector_store %arg9[%swap3A_167], %add3A_166 {strides = array<i32>} : memref<208xf32, #tpu.memory_space<vmem>>, vector<16xf32>,
      %reduce_sum3A_169 = arith.constant true
      %reduce_sum3A_170 = vector.broadcast %reduce_sum3A_169 : i1 to vector<16xi1>
      %reduce_sum3A_171 = tpu.scan <sum>, %get3A_162 masked %reduce_sum3A_170 : vector<16xf32>, vector<16xi1> -> vector<16xf32>
      %reduce_sum3A_172 = vector.extract %reduce_sum3A_171[15] : f32 from vector<16xf32>
      %add3A_173 = vector.broadcast %reduce_sum3A_172 : f32 to vector<16xf32>
      %add3A_174 = arith.addf %add3A_154, %add3A_173 : vector<16xf32>
      %reduce_max3A_175 = arith.constant true
      %reduce_max3A_176 = vector.broadcast %reduce_max3A_175 : i1 to vector<16xi1>
      %reduce_max3A_177 = tpu.scan <max>, %add3A_166 masked %reduce_max3A_176 : vector<16xf32>, vector<16xi1> -> vector<16xf32>
      %reduce_max3A_178 = vector.extract %reduce_max3A_177[15] : f32 from vector<16xf32>
      %max3A_179 = vector.broadcast %reduce_max3A_178 : f32 to vector<16xf32>
      %max3A_180 = arith.maximumf %max3A_160, %max3A_179 : vector<16xf32>
      %get3A_181 = arith.constant 80 : index
      %get3A_182 = tpu.vector_load %arg7[%get3A_181] {strides = array<i32>} : memref<208xf32, #tpu.memory_space<vmem>>, vector<16xf32>,
      %broadcast_in_dim3A_183 = arith.constant true
      %broadcast_in_dim3A_184 = vector.broadcast %broadcast_in_dim3A_183 : i1 to vector<16xi1>
      %masked_cumsum3A_185 = tpu.scan <sum>, %get3A_182 masked %broadcast_in_dim3A_184 : vector<16xf32>, vector<16xi1> -> vector<16xf32>
      %add3A_186 = arith.addf %masked_cumsum3A_185, %add3A_174 : vector<16xf32>
      %swap3A_187 = arith.constant 80 : index
      %swap3A_188 = tpu.vector_load %arg9[%swap3A_187] {strides = array<i32>} : memref<208xf32, #tpu.memory_space<vmem>>, vector<16xf32>,
      tpu.vector_store %arg9[%swap3A_187], %add3A_186 {strides = array<i32>} : memref<208xf32, #tpu.memory_space<vmem>>, vector<16xf32>,
      %reduce_sum3A_189 = arith.constant true
      %reduce_sum3A_190 = vector.broadcast %reduce_sum3A_189 : i1 to vector<16xi1>
      %reduce_sum3A_191 = tpu.scan <sum>, %get3A_182 masked %reduce_sum3A_190 : vector<16xf32>, vector<16xi1> -> vector<16xf32>
      %reduce_sum3A_192 = vector.extract %reduce_sum3A_191[15] : f32 from vector<16xf32>
      %add3A_193 = vector.broadcast %reduce_sum3A_192 : f32 to vector<16xf32>
      %add3A_194 = arith.addf %add3A_174, %add3A_193 : vector<16xf32>
      %reduce_max3A_195 = arith.constant true
      %reduce_max3A_196 = vector.broadcast %reduce_max3A_195 : i1 to vector<16xi1>
      %reduce_max3A_197 = tpu.scan <max>, %add3A_186 masked %reduce_max3A_196 : vector<16xf32>, vector<16xi1> -> vector<16xf32>
      %reduce_max3A_198 = vector.extract %reduce_max3A_197[15] : f32 from vector<16xf32>
      %max3A_199 = vector.broadcast %reduce_max3A_198 : f32 to vector<16xf32>
      %max3A_200 = arith.maximumf %max3A_180, %max3A_199 : vector<16xf32>
      %get3A_201 = arith.constant 96 : index
      %get3A_202 = tpu.vector_load %arg7[%get3A_201] {strides = array<i32>} : memref<208xf32, #tpu.memory_space<vmem>>, vector<16xf32>,
      %broadcast_in_dim3A_203 = arith.constant true
      %broadcast_in_dim3A_204 = vector.broadcast %broadcast_in_dim3A_203 : i1 to vector<16xi1>
      %masked_cumsum3A_205 = tpu.scan <sum>, %get3A_202 masked %broadcast_in_dim3A_204 : vector<16xf32>, vector<16xi1> -> vector<16xf32>
      %add3A_206 = arith.addf %masked_cumsum3A_205, %add3A_194 : vector<16xf32>
      %swap3A_207 = arith.constant 96 : index
      %swap3A_208 = tpu.vector_load %arg9[%swap3A_207] {strides = array<i32>} : memref<208xf32, #tpu.memory_space<vmem>>, vector<16xf32>,
      tpu.vector_store %arg9[%swap3A_207], %add3A_206 {strides = array<i32>} : memref<208xf32, #tpu.memory_space<vmem>>, vector<16xf32>,
      %reduce_sum3A_209 = arith.constant true
      %reduce_sum3A_210 = vector.broadcast %reduce_sum3A_209 : i1 to vector<16xi1>
      %reduce_sum3A_211 = tpu.scan <sum>, %get3A_202 masked %reduce_sum3A_210 : vector<16xf32>, vector<16xi1> -> vector<16xf32>
      %reduce_sum3A_212 = vector.extract %reduce_sum3A_211[15] : f32 from vector<16xf32>
      %add3A_213 = vector.broadcast %reduce_sum3A_212 : f32 to vector<16xf32>
      %add3A_214 = arith.addf %add3A_194, %add3A_213 : vector<16xf32>
      %reduce_max3A_215 = arith.constant true
      %reduce_max3A_216 = vector.broadcast %reduce_max3A_215 : i1 to vector<16xi1>
      %reduce_max3A_217 = tpu.scan <max>, %add3A_206 masked %reduce_max3A_216 : vector<16xf32>, vector<16xi1> -> vector<16xf32>
      %reduce_max3A_218 = vector.extract %reduce_max3A_217[15] : f32 from vector<16xf32>
      %max3A_219 = vector.broadcast %reduce_max3A_218 : f32 to vector<16xf32>
      %max3A_220 = arith.maximumf %max3A_200, %max3A_219 : vector<16xf32>
      %get3A_221 = arith.constant 112 : index
      %get3A_222 = tpu.vector_load %arg7[%get3A_221] {strides = array<i32>} : memref<208xf32, #tpu.memory_space<vmem>>, vector<16xf32>,
      %broadcast_in_dim3A_223 = arith.constant true
      %broadcast_in_dim3A_224 = vector.broadcast %broadcast_in_dim3A_223 : i1 to vector<16xi1>
      %masked_cumsum3A_225 = tpu.scan <sum>, %get3A_222 masked %broadcast_in_dim3A_224 : vector<16xf32>, vector<16xi1> -> vector<16xf32>
      %add3A_226 = arith.addf %masked_cumsum3A_225, %add3A_214 : vector<16xf32>
      %swap3A_227 = arith.constant 112 : index
      %swap3A_228 = tpu.vector_load %arg9[%swap3A_227] {strides = array<i32>} : memref<208xf32, #tpu.memory_space<vmem>>, vector<16xf32>,
      tpu.vector_store %arg9[%swap3A_227], %add3A_226 {strides = array<i32>} : memref<208xf32, #tpu.memory_space<vmem>>, vector<16xf32>,
      %reduce_sum3A_229 = arith.constant true
      %reduce_sum3A_230 = vector.broadcast %reduce_sum3A_229 : i1 to vector<16xi1>
      %reduce_sum3A_231 = tpu.scan <sum>, %get3A_222 masked %reduce_sum3A_230 : vector<16xf32>, vector<16xi1> -> vector<16xf32>
      %reduce_sum3A_232 = vector.extract %reduce_sum3A_231[15] : f32 from vector<16xf32>
      %add3A_233 = vector.broadcast %reduce_sum3A_232 : f32 to vector<16xf32>
      %add3A_234 = arith.addf %add3A_214, %add3A_233 : vector<16xf32>
      %reduce_max3A_235 = arith.constant true
      %reduce_max3A_236 = vector.broadcast %reduce_max3A_235 : i1 to vector<16xi1>
      %reduce_max3A_237 = tpu.scan <max>, %add3A_226 masked %reduce_max3A_236 : vector<16xf32>, vector<16xi1> -> vector<16xf32>
      %reduce_max3A_238 = vector.extract %reduce_max3A_237[15] : f32 from vector<16xf32>
      %max3A_239 = vector.broadcast %reduce_max3A_238 : f32 to vector<16xf32>
      %max3A_240 = arith.maximumf %max3A_220, %max3A_239 : vector<16xf32>
      %get3A_241 = arith.constant 128 : index
      %get3A_242 = tpu.vector_load %arg7[%get3A_241] {strides = array<i32>} : memref<208xf32, #tpu.memory_space<vmem>>, vector<16xf32>,
      %broadcast_in_dim3A_243 = arith.constant true
      %broadcast_in_dim3A_244 = vector.broadcast %broadcast_in_dim3A_243 : i1 to vector<16xi1>
      %masked_cumsum3A_245 = tpu.scan <sum>, %get3A_242 masked %broadcast_in_dim3A_244 : vector<16xf32>, vector<16xi1> -> vector<16xf32>
      %add3A_246 = arith.addf %masked_cumsum3A_245, %add3A_234 : vector<16xf32>
      %swap3A_247 = arith.constant 128 : index
      %swap3A_248 = tpu.vector_load %arg9[%swap3A_247] {strides = array<i32>} : memref<208xf32, #tpu.memory_space<vmem>>, vector<16xf32>,
      tpu.vector_store %arg9[%swap3A_247], %add3A_246 {strides = array<i32>} : memref<208xf32, #tpu.memory_space<vmem>>, vector<16xf32>,
      %reduce_sum3A_249 = arith.constant true
      %reduce_sum3A_250 = vector.broadcast %reduce_sum3A_249 : i1 to vector<16xi1>
      %reduce_sum3A_251 = tpu.scan <sum>, %get3A_242 masked %reduce_sum3A_250 : vector<16xf32>, vector<16xi1> -> vector<16xf32>
      %reduce_sum3A_252 = vector.extract %reduce_sum3A_251[15] : f32 from vector<16xf32>
      %add3A_253 = vector.broadcast %reduce_sum3A_252 : f32 to vector<16xf32>
      %add3A_254 = arith.addf %add3A_234, %add3A_253 : vector<16xf32>
      %reduce_max3A_255 = arith.constant true
      %reduce_max3A_256 = vector.broadcast %reduce_max3A_255 : i1 to vector<16xi1>
      %reduce_max3A_257 = tpu.scan <max>, %add3A_246 masked %reduce_max3A_256 : vector<16xf32>, vector<16xi1> -> vector<16xf32>
      %reduce_max3A_258 = vector.extract %reduce_max3A_257[15] : f32 from vector<16xf32>
      %max3A_259 = vector.broadcast %reduce_max3A_258 : f32 to vector<16xf32>
      %max3A_260 = arith.maximumf %max3A_240, %max3A_259 : vector<16xf32>
      %get3A_261 = arith.constant 144 : index
      %get3A_262 = tpu.vector_load %arg7[%get3A_261] {strides = array<i32>} : memref<208xf32, #tpu.memory_space<vmem>>, vector<16xf32>,
      %broadcast_in_dim3A_263 = arith.constant true
      %broadcast_in_dim3A_264 = vector.broadcast %broadcast_in_dim3A_263 : i1 to vector<16xi1>
      %masked_cumsum3A_265 = tpu.scan <sum>, %get3A_262 masked %broadcast_in_dim3A_264 : vector<16xf32>, vector<16xi1> -> vector<16xf32>
      %add3A_266 = arith.addf %masked_cumsum3A_265, %add3A_254 : vector<16xf32>
      %swap3A_267 = arith.constant 144 : index
      %swap3A_268 = tpu.vector_load %arg9[%swap3A_267] {strides = array<i32>} : memref<208xf32, #tpu.memory_space<vmem>>, vector<16xf32>,
      tpu.vector_store %arg9[%swap3A_267], %add3A_266 {strides = array<i32>} : memref<208xf32, #tpu.memory_space<vmem>>, vector<16xf32>,
      %reduce_sum3A_269 = arith.constant true
      %reduce_sum3A_270 = vector.broadcast %reduce_sum3A_269 : i1 to vector<16xi1>
      %reduce_sum3A_271 = tpu.scan <sum>, %get3A_262 masked %reduce_sum3A_270 : vector<16xf32>, vector<16xi1> -> vector<16xf32>
      %reduce_sum3A_272 = vector.extract %reduce_sum3A_271[15] : f32 from vector<16xf32>
      %add3A_273 = vector.broadcast %reduce_sum3A_272 : f32 to vector<16xf32>
      %add3A_274 = arith.addf %add3A_254, %add3A_273 : vector<16xf32>
      %reduce_max3A_275 = arith.constant true
      %reduce_max3A_276 = vector.broadcast %reduce_max3A_275 : i1 to vector<16xi1>
      %reduce_max3A_277 = tpu.scan <max>, %add3A_266 masked %reduce_max3A_276 : vector<16xf32>, vector<16xi1> -> vector<16xf32>
      %reduce_max3A_278 = vector.extract %reduce_max3A_277[15] : f32 from vector<16xf32>
      %max3A_279 = vector.broadcast %reduce_max3A_278 : f32 to vector<16xf32>
      %max3A_280 = arith.maximumf %max3A_260, %max3A_279 : vector<16xf32>
      %get3A_281 = arith.constant 160 : index
      %get3A_282 = tpu.vector_load %arg7[%get3A_281] {strides = array<i32>} : memref<208xf32, #tpu.memory_space<vmem>>, vector<16xf32>,
      %broadcast_in_dim3A_283 = arith.constant true
      %broadcast_in_dim3A_284 = vector.broadcast %broadcast_in_dim3A_283 : i1 to vector<16xi1>
      %masked_cumsum3A_285 = tpu.scan <sum>, %get3A_282 masked %broadcast_in_dim3A_284 : vector<16xf32>, vector<16xi1> -> vector<16xf32>
      %add3A_286 = arith.addf %masked_cumsum3A_285, %add3A_274 : vector<16xf32>
      %swap3A_287 = arith.constant 160 : index
      %swap3A_288 = tpu.vector_load %arg9[%swap3A_287] {strides = array<i32>} : memref<208xf32, #tpu.memory_space<vmem>>, vector<16xf32>,
      tpu.vector_store %arg9[%swap3A_287], %add3A_286 {strides = array<i32>} : memref<208xf32, #tpu.memory_space<vmem>>, vector<16xf32>,
      %reduce_sum3A_289 = arith.constant true
      %reduce_sum3A_290 = vector.broadcast %reduce_sum3A_289 : i1 to vector<16xi1>
      %reduce_sum3A_291 = tpu.scan <sum>, %get3A_282 masked %reduce_sum3A_290 : vector<16xf32>, vector<16xi1> -> vector<16xf32>
      %reduce_sum3A_292 = vector.extract %reduce_sum3A_291[15] : f32 from vector<16xf32>
      %add3A_293 = vector.broadcast %reduce_sum3A_292 : f32 to vector<16xf32>
      %add3A_294 = arith.addf %add3A_274, %add3A_293 : vector<16xf32>
      %reduce_max3A_295 = arith.constant true
      %reduce_max3A_296 = vector.broadcast %reduce_max3A_295 : i1 to vector<16xi1>
      %reduce_max3A_297 = tpu.scan <max>, %add3A_286 masked %reduce_max3A_296 : vector<16xf32>, vector<16xi1> -> vector<16xf32>
      %reduce_max3A_298 = vector.extract %reduce_max3A_297[15] : f32 from vector<16xf32>
      %max3A_299 = vector.broadcast %reduce_max3A_298 : f32 to vector<16xf32>
      %max3A_300 = arith.maximumf %max3A_280, %max3A_299 : vector<16xf32>
      %get3A_301 = arith.constant 176 : index
      %get3A_302 = tpu.vector_load %arg7[%get3A_301] {strides = array<i32>} : memref<208xf32, #tpu.memory_space<vmem>>, vector<16xf32>,
      %broadcast_in_dim3A_303 = arith.constant true
      %broadcast_in_dim3A_304 = vector.broadcast %broadcast_in_dim3A_303 : i1 to vector<16xi1>
      %masked_cumsum3A_305 = tpu.scan <sum>, %get3A_302 masked %broadcast_in_dim3A_304 : vector<16xf32>, vector<16xi1> -> vector<16xf32>
      %add3A_306 = arith.addf %masked_cumsum3A_305, %add3A_294 : vector<16xf32>
      %swap3A_307 = arith.constant 176 : index
      %swap3A_308 = tpu.vector_load %arg9[%swap3A_307] {strides = array<i32>} : memref<208xf32, #tpu.memory_space<vmem>>, vector<16xf32>,
      tpu.vector_store %arg9[%swap3A_307], %add3A_306 {strides = array<i32>} : memref<208xf32, #tpu.memory_space<vmem>>, vector<16xf32>,
      %reduce_sum3A_309 = arith.constant true
      %reduce_sum3A_310 = vector.broadcast %reduce_sum3A_309 : i1 to vector<16xi1>
      %reduce_sum3A_311 = tpu.scan <sum>, %get3A_302 masked %reduce_sum3A_310 : vector<16xf32>, vector<16xi1> -> vector<16xf32>
      %reduce_sum3A_312 = vector.extract %reduce_sum3A_311[15] : f32 from vector<16xf32>
      %add3A_313 = vector.broadcast %reduce_sum3A_312 : f32 to vector<16xf32>
      %add3A_314 = arith.addf %add3A_294, %add3A_313 : vector<16xf32>
      %reduce_max3A_315 = arith.constant true
      %reduce_max3A_316 = vector.broadcast %reduce_max3A_315 : i1 to vector<16xi1>
      %reduce_max3A_317 = tpu.scan <max>, %add3A_306 masked %reduce_max3A_316 : vector<16xf32>, vector<16xi1> -> vector<16xf32>
      %reduce_max3A_318 = vector.extract %reduce_max3A_317[15] : f32 from vector<16xf32>
      %max3A_319 = vector.broadcast %reduce_max3A_318 : f32 to vector<16xf32>
      %max3A_320 = arith.maximumf %max3A_300, %max3A_319 : vector<16xf32>
      %get3A_321 = arith.constant 192 : index
      %get3A_322 = tpu.vector_load %arg7[%get3A_321] {strides = array<i32>} : memref<208xf32, #tpu.memory_space<vmem>>, vector<16xf32>,
      %broadcast_in_dim3A_323 = arith.constant true
      %broadcast_in_dim3A_324 = vector.broadcast %broadcast_in_dim3A_323 : i1 to vector<16xi1>
      %masked_cumsum3A_325 = tpu.scan <sum>, %get3A_322 masked %broadcast_in_dim3A_324 : vector<16xf32>, vector<16xi1> -> vector<16xf32>
      %add3A_326 = arith.addf %masked_cumsum3A_325, %add3A_314 : vector<16xf32>
      %swap3A_327 = arith.constant 192 : index
      %swap3A_328 = tpu.vector_load %arg9[%swap3A_327] {strides = array<i32>} : memref<208xf32, #tpu.memory_space<vmem>>, vector<16xf32>,
      tpu.vector_store %arg9[%swap3A_327], %add3A_326 {strides = array<i32>} : memref<208xf32, #tpu.memory_space<vmem>>, vector<16xf32>,
      %reduce_sum3A_329 = arith.constant true
      %reduce_sum3A_330 = vector.broadcast %reduce_sum3A_329 : i1 to vector<16xi1>
      %reduce_sum3A_331 = tpu.scan <sum>, %get3A_322 masked %reduce_sum3A_330 : vector<16xf32>, vector<16xi1> -> vector<16xf32>
      %reduce_sum3A_332 = vector.extract %reduce_sum3A_331[15] : f32 from vector<16xf32>
      %add3A_333 = vector.broadcast %reduce_sum3A_332 : f32 to vector<16xf32>
      %add3A_334 = arith.addf %add3A_314, %add3A_333 : vector<16xf32>
      %reduce_max3A_335 = arith.constant true
      %reduce_max3A_336 = vector.broadcast %reduce_max3A_335 : i1 to vector<16xi1>
      %reduce_max3A_337 = tpu.scan <max>, %add3A_326 masked %reduce_max3A_336 : vector<16xf32>, vector<16xi1> -> vector<16xf32>
      %reduce_max3A_338 = vector.extract %reduce_max3A_337[15] : f32 from vector<16xf32>
      %max3A_339 = vector.broadcast %reduce_max3A_338 : f32 to vector<16xf32>
      %max3A_340 = arith.maximumf %max3A_320, %max3A_339 : vector<16xf32>
      %add3A_341 = arith.constant 9.99999993E-9 : f32
      %add3A_342 = vector.broadcast %add3A_341 : f32 to vector<16xf32>
      %add3A_343 = arith.addf %max3A_340, %add3A_342 : vector<16xf32>
      %get3A_344 = arith.constant 0 : index
      %get3A_345 = tpu.vector_load %arg9[%get3A_344] {strides = array<i32>} : memref<208xf32, #tpu.memory_space<vmem>>, vector<16xf32>,
      %div3A = arith.divf %get3A_345, %add3A_343 : vector<16xf32>
      %mul3A_346 = arith.constant 2.000000e+02 : f32
      %mul3A_347 = vector.broadcast %mul3A_346 : f32 to vector<16xf32>
      %mul3A_348 = arith.mulf %div3A, %mul3A_347 : vector<16xf32>
      %convert_element_type3A_349 = arith.fptosi %mul3A_348 : vector<16xf32> to vector<16xi32>
      %jit3A = arith.constant 0 : i32
      %jit3A_350 = arith.constant 511 : i32
      %max3A_351 = vector.broadcast %jit3A : i32 to vector<16xi32>
      %max3A_352 = arith.maxsi %max3A_351, %convert_element_type3A_349 : vector<16xi32>
      %min3A = vector.broadcast %jit3A_350 : i32 to vector<16xi32>
      %min3A_353 = arith.minsi %min3A, %max3A_352 : vector<16xi32>
      %swap3A_354 = arith.constant 0 : index
      %swap3A_355 = tpu.vector_load %arg10[%swap3A_354] {strides = array<i32>} : memref<208xi32, #tpu.memory_space<vmem>>, vector<16xi32>,
      tpu.vector_store %arg10[%swap3A_354], %min3A_353 {strides = array<i32>} : memref<208xi32, #tpu.memory_space<vmem>>, vector<16xi32>,
      %get3A_356 = arith.constant 16 : index
      %get3A_357 = tpu.vector_load %arg9[%get3A_356] {strides = array<i32>} : memref<208xf32, #tpu.memory_space<vmem>>, vector<16xf32>,
      %div3A_358 = arith.divf %get3A_357, %add3A_343 : vector<16xf32>
      %mul3A_359 = arith.constant 2.000000e+02 : f32
      %mul3A_360 = vector.broadcast %mul3A_359 : f32 to vector<16xf32>
      %mul3A_361 = arith.mulf %div3A_358, %mul3A_360 : vector<16xf32>
      %convert_element_type3A_362 = arith.fptosi %mul3A_361 : vector<16xf32> to vector<16xi32>
      %jit3A_363 = arith.constant 0 : i32
      %jit3A_364 = arith.constant 511 : i32
      %max3A_365 = vector.broadcast %jit3A_363 : i32 to vector<16xi32>
      %max3A_366 = arith.maxsi %max3A_365, %convert_element_type3A_362 : vector<16xi32>
      %min3A_367 = vector.broadcast %jit3A_364 : i32 to vector<16xi32>
      %min3A_368 = arith.minsi %min3A_367, %max3A_366 : vector<16xi32>
      %swap3A_369 = arith.constant 16 : index
      %swap3A_370 = tpu.vector_load %arg10[%swap3A_369] {strides = array<i32>} : memref<208xi32, #tpu.memory_space<vmem>>, vector<16xi32>,
      tpu.vector_store %arg10[%swap3A_369], %min3A_368 {strides = array<i32>} : memref<208xi32, #tpu.memory_space<vmem>>, vector<16xi32>,
      %get3A_371 = arith.constant 32 : index
      %get3A_372 = tpu.vector_load %arg9[%get3A_371] {strides = array<i32>} : memref<208xf32, #tpu.memory_space<vmem>>, vector<16xf32>,
      %div3A_373 = arith.divf %get3A_372, %add3A_343 : vector<16xf32>
      %mul3A_374 = arith.constant 2.000000e+02 : f32
      %mul3A_375 = vector.broadcast %mul3A_374 : f32 to vector<16xf32>
      %mul3A_376 = arith.mulf %div3A_373, %mul3A_375 : vector<16xf32>
      %convert_element_type3A_377 = arith.fptosi %mul3A_376 : vector<16xf32> to vector<16xi32>
      %jit3A_378 = arith.constant 0 : i32
      %jit3A_379 = arith.constant 511 : i32
      %max3A_380 = vector.broadcast %jit3A_378 : i32 to vector<16xi32>
      %max3A_381 = arith.maxsi %max3A_380, %convert_element_type3A_377 : vector<16xi32>
      %min3A_382 = vector.broadcast %jit3A_379 : i32 to vector<16xi32>
      %min3A_383 = arith.minsi %min3A_382, %max3A_381 : vector<16xi32>
      %swap3A_384 = arith.constant 32 : index
      %swap3A_385 = tpu.vector_load %arg10[%swap3A_384] {strides = array<i32>} : memref<208xi32, #tpu.memory_space<vmem>>, vector<16xi32>,
      tpu.vector_store %arg10[%swap3A_384], %min3A_383 {strides = array<i32>} : memref<208xi32, #tpu.memory_space<vmem>>, vector<16xi32>,
      %get3A_386 = arith.constant 48 : index
      %get3A_387 = tpu.vector_load %arg9[%get3A_386] {strides = array<i32>} : memref<208xf32, #tpu.memory_space<vmem>>, vector<16xf32>,
      %div3A_388 = arith.divf %get3A_387, %add3A_343 : vector<16xf32>
      %mul3A_389 = arith.constant 2.000000e+02 : f32
      %mul3A_390 = vector.broadcast %mul3A_389 : f32 to vector<16xf32>
      %mul3A_391 = arith.mulf %div3A_388, %mul3A_390 : vector<16xf32>
      %convert_element_type3A_392 = arith.fptosi %mul3A_391 : vector<16xf32> to vector<16xi32>
      %jit3A_393 = arith.constant 0 : i32
      %jit3A_394 = arith.constant 511 : i32
      %max3A_395 = vector.broadcast %jit3A_393 : i32 to vector<16xi32>
      %max3A_396 = arith.maxsi %max3A_395, %convert_element_type3A_392 : vector<16xi32>
      %min3A_397 = vector.broadcast %jit3A_394 : i32 to vector<16xi32>
      %min3A_398 = arith.minsi %min3A_397, %max3A_396 : vector<16xi32>
      %swap3A_399 = arith.constant 48 : index
      %swap3A_400 = tpu.vector_load %arg10[%swap3A_399] {strides = array<i32>} : memref<208xi32, #tpu.memory_space<vmem>>, vector<16xi32>,
      tpu.vector_store %arg10[%swap3A_399], %min3A_398 {strides = array<i32>} : memref<208xi32, #tpu.memory_space<vmem>>, vector<16xi32>,
      %get3A_401 = arith.constant 64 : index
      %get3A_402 = tpu.vector_load %arg9[%get3A_401] {strides = array<i32>} : memref<208xf32, #tpu.memory_space<vmem>>, vector<16xf32>,
      %div3A_403 = arith.divf %get3A_402, %add3A_343 : vector<16xf32>
      %mul3A_404 = arith.constant 2.000000e+02 : f32
      %mul3A_405 = vector.broadcast %mul3A_404 : f32 to vector<16xf32>
      %mul3A_406 = arith.mulf %div3A_403, %mul3A_405 : vector<16xf32>
      %convert_element_type3A_407 = arith.fptosi %mul3A_406 : vector<16xf32> to vector<16xi32>
      %jit3A_408 = arith.constant 0 : i32
      %jit3A_409 = arith.constant 511 : i32
      %max3A_410 = vector.broadcast %jit3A_408 : i32 to vector<16xi32>
      %max3A_411 = arith.maxsi %max3A_410, %convert_element_type3A_407 : vector<16xi32>
      %min3A_412 = vector.broadcast %jit3A_409 : i32 to vector<16xi32>
      %min3A_413 = arith.minsi %min3A_412, %max3A_411 : vector<16xi32>
      %swap3A_414 = arith.constant 64 : index
      %swap3A_415 = tpu.vector_load %arg10[%swap3A_414] {strides = array<i32>} : memref<208xi32, #tpu.memory_space<vmem>>, vector<16xi32>,
      tpu.vector_store %arg10[%swap3A_414], %min3A_413 {strides = array<i32>} : memref<208xi32, #tpu.memory_space<vmem>>, vector<16xi32>,
      %get3A_416 = arith.constant 80 : index
      %get3A_417 = tpu.vector_load %arg9[%get3A_416] {strides = array<i32>} : memref<208xf32, #tpu.memory_space<vmem>>, vector<16xf32>,
      %div3A_418 = arith.divf %get3A_417, %add3A_343 : vector<16xf32>
      %mul3A_419 = arith.constant 2.000000e+02 : f32
      %mul3A_420 = vector.broadcast %mul3A_419 : f32 to vector<16xf32>
      %mul3A_421 = arith.mulf %div3A_418, %mul3A_420 : vector<16xf32>
      %convert_element_type3A_422 = arith.fptosi %mul3A_421 : vector<16xf32> to vector<16xi32>
      %jit3A_423 = arith.constant 0 : i32
      %jit3A_424 = arith.constant 511 : i32
      %max3A_425 = vector.broadcast %jit3A_423 : i32 to vector<16xi32>
      %max3A_426 = arith.maxsi %max3A_425, %convert_element_type3A_422 : vector<16xi32>
      %min3A_427 = vector.broadcast %jit3A_424 : i32 to vector<16xi32>
      %min3A_428 = arith.minsi %min3A_427, %max3A_426 : vector<16xi32>
      %swap3A_429 = arith.constant 80 : index
      %swap3A_430 = tpu.vector_load %arg10[%swap3A_429] {strides = array<i32>} : memref<208xi32, #tpu.memory_space<vmem>>, vector<16xi32>,
      tpu.vector_store %arg10[%swap3A_429], %min3A_428 {strides = array<i32>} : memref<208xi32, #tpu.memory_space<vmem>>, vector<16xi32>,
      %get3A_431 = arith.constant 96 : index
      %get3A_432 = tpu.vector_load %arg9[%get3A_431] {strides = array<i32>} : memref<208xf32, #tpu.memory_space<vmem>>, vector<16xf32>,
      %div3A_433 = arith.divf %get3A_432, %add3A_343 : vector<16xf32>
      %mul3A_434 = arith.constant 2.000000e+02 : f32
      %mul3A_435 = vector.broadcast %mul3A_434 : f32 to vector<16xf32>
      %mul3A_436 = arith.mulf %div3A_433, %mul3A_435 : vector<16xf32>
      %convert_element_type3A_437 = arith.fptosi %mul3A_436 : vector<16xf32> to vector<16xi32>
      %jit3A_438 = arith.constant 0 : i32
      %jit3A_439 = arith.constant 511 : i32
      %max3A_440 = vector.broadcast %jit3A_438 : i32 to vector<16xi32>
      %max3A_441 = arith.maxsi %max3A_440, %convert_element_type3A_437 : vector<16xi32>
      %min3A_442 = vector.broadcast %jit3A_439 : i32 to vector<16xi32>
      %min3A_443 = arith.minsi %min3A_442, %max3A_441 : vector<16xi32>
      %swap3A_444 = arith.constant 96 : index
      %swap3A_445 = tpu.vector_load %arg10[%swap3A_444] {strides = array<i32>} : memref<208xi32, #tpu.memory_space<vmem>>, vector<16xi32>,
      tpu.vector_store %arg10[%swap3A_444], %min3A_443 {strides = array<i32>} : memref<208xi32, #tpu.memory_space<vmem>>, vector<16xi32>,
      %get3A_446 = arith.constant 112 : index
      %get3A_447 = tpu.vector_load %arg9[%get3A_446] {strides = array<i32>} : memref<208xf32, #tpu.memory_space<vmem>>, vector<16xf32>,
      %div3A_448 = arith.divf %get3A_447, %add3A_343 : vector<16xf32>
      %mul3A_449 = arith.constant 2.000000e+02 : f32
      %mul3A_450 = vector.broadcast %mul3A_449 : f32 to vector<16xf32>
      %mul3A_451 = arith.mulf %div3A_448, %mul3A_450 : vector<16xf32>
      %convert_element_type3A_452 = arith.fptosi %mul3A_451 : vector<16xf32> to vector<16xi32>
      %jit3A_453 = arith.constant 0 : i32
      %jit3A_454 = arith.constant 511 : i32
      %max3A_455 = vector.broadcast %jit3A_453 : i32 to vector<16xi32>
      %max3A_456 = arith.maxsi %max3A_455, %convert_element_type3A_452 : vector<16xi32>
      %min3A_457 = vector.broadcast %jit3A_454 : i32 to vector<16xi32>
      %min3A_458 = arith.minsi %min3A_457, %max3A_456 : vector<16xi32>
      %swap3A_459 = arith.constant 112 : index
      %swap3A_460 = tpu.vector_load %arg10[%swap3A_459] {strides = array<i32>} : memref<208xi32, #tpu.memory_space<vmem>>, vector<16xi32>,
      tpu.vector_store %arg10[%swap3A_459], %min3A_458 {strides = array<i32>} : memref<208xi32, #tpu.memory_space<vmem>>, vector<16xi32>,
      %get3A_461 = arith.constant 128 : index
      %get3A_462 = tpu.vector_load %arg9[%get3A_461] {strides = array<i32>} : memref<208xf32, #tpu.memory_space<vmem>>, vector<16xf32>,
      %div3A_463 = arith.divf %get3A_462, %add3A_343 : vector<16xf32>
      %mul3A_464 = arith.constant 2.000000e+02 : f32
      %mul3A_465 = vector.broadcast %mul3A_464 : f32 to vector<16xf32>
      %mul3A_466 = arith.mulf %div3A_463, %mul3A_465 : vector<16xf32>
      %convert_element_type3A_467 = arith.fptosi %mul3A_466 : vector<16xf32> to vector<16xi32>
      %jit3A_468 = arith.constant 0 : i32
      %jit3A_469 = arith.constant 511 : i32
      %max3A_470 = vector.broadcast %jit3A_468 : i32 to vector<16xi32>
      %max3A_471 = arith.maxsi %max3A_470, %convert_element_type3A_467 : vector<16xi32>
      %min3A_472 = vector.broadcast %jit3A_469 : i32 to vector<16xi32>
      %min3A_473 = arith.minsi %min3A_472, %max3A_471 : vector<16xi32>
      %swap3A_474 = arith.constant 128 : index
      %swap3A_475 = tpu.vector_load %arg10[%swap3A_474] {strides = array<i32>} : memref<208xi32, #tpu.memory_space<vmem>>, vector<16xi32>,
      tpu.vector_store %arg10[%swap3A_474], %min3A_473 {strides = array<i32>} : memref<208xi32, #tpu.memory_space<vmem>>, vector<16xi32>,
      %get3A_476 = arith.constant 144 : index
      %get3A_477 = tpu.vector_load %arg9[%get3A_476] {strides = array<i32>} : memref<208xf32, #tpu.memory_space<vmem>>, vector<16xf32>,
      %div3A_478 = arith.divf %get3A_477, %add3A_343 : vector<16xf32>
      %mul3A_479 = arith.constant 2.000000e+02 : f32
      %mul3A_480 = vector.broadcast %mul3A_479 : f32 to vector<16xf32>
      %mul3A_481 = arith.mulf %div3A_478, %mul3A_480 : vector<16xf32>
      %convert_element_type3A_482 = arith.fptosi %mul3A_481 : vector<16xf32> to vector<16xi32>
      %jit3A_483 = arith.constant 0 : i32
      %jit3A_484 = arith.constant 511 : i32
      %max3A_485 = vector.broadcast %jit3A_483 : i32 to vector<16xi32>
      %max3A_486 = arith.maxsi %max3A_485, %convert_element_type3A_482 : vector<16xi32>
      %min3A_487 = vector.broadcast %jit3A_484 : i32 to vector<16xi32>
      %min3A_488 = arith.minsi %min3A_487, %max3A_486 : vector<16xi32>
      %swap3A_489 = arith.constant 144 : index
      %swap3A_490 = tpu.vector_load %arg10[%swap3A_489] {strides = array<i32>} : memref<208xi32, #tpu.memory_space<vmem>>, vector<16xi32>,
      tpu.vector_store %arg10[%swap3A_489], %min3A_488 {strides = array<i32>} : memref<208xi32, #tpu.memory_space<vmem>>, vector<16xi32>,
      %get3A_491 = arith.constant 160 : index
      %get3A_492 = tpu.vector_load %arg9[%get3A_491] {strides = array<i32>} : memref<208xf32, #tpu.memory_space<vmem>>, vector<16xf32>,
      %div3A_493 = arith.divf %get3A_492, %add3A_343 : vector<16xf32>
      %mul3A_494 = arith.constant 2.000000e+02 : f32
      %mul3A_495 = vector.broadcast %mul3A_494 : f32 to vector<16xf32>
      %mul3A_496 = arith.mulf %div3A_493, %mul3A_495 : vector<16xf32>
      %convert_element_type3A_497 = arith.fptosi %mul3A_496 : vector<16xf32> to vector<16xi32>
      %jit3A_498 = arith.constant 0 : i32
      %jit3A_499 = arith.constant 511 : i32
      %max3A_500 = vector.broadcast %jit3A_498 : i32 to vector<16xi32>
      %max3A_501 = arith.maxsi %max3A_500, %convert_element_type3A_497 : vector<16xi32>
      %min3A_502 = vector.broadcast %jit3A_499 : i32 to vector<16xi32>
      %min3A_503 = arith.minsi %min3A_502, %max3A_501 : vector<16xi32>
      %swap3A_504 = arith.constant 160 : index
      %swap3A_505 = tpu.vector_load %arg10[%swap3A_504] {strides = array<i32>} : memref<208xi32, #tpu.memory_space<vmem>>, vector<16xi32>,
      tpu.vector_store %arg10[%swap3A_504], %min3A_503 {strides = array<i32>} : memref<208xi32, #tpu.memory_space<vmem>>, vector<16xi32>,
      %get3A_506 = arith.constant 176 : index
      %get3A_507 = tpu.vector_load %arg9[%get3A_506] {strides = array<i32>} : memref<208xf32, #tpu.memory_space<vmem>>, vector<16xf32>,
      %div3A_508 = arith.divf %get3A_507, %add3A_343 : vector<16xf32>
      %mul3A_509 = arith.constant 2.000000e+02 : f32
      %mul3A_510 = vector.broadcast %mul3A_509 : f32 to vector<16xf32>
      %mul3A_511 = arith.mulf %div3A_508, %mul3A_510 : vector<16xf32>
      %convert_element_type3A_512 = arith.fptosi %mul3A_511 : vector<16xf32> to vector<16xi32>
      %jit3A_513 = arith.constant 0 : i32
      %jit3A_514 = arith.constant 511 : i32
      %max3A_515 = vector.broadcast %jit3A_513 : i32 to vector<16xi32>
      %max3A_516 = arith.maxsi %max3A_515, %convert_element_type3A_512 : vector<16xi32>
      %min3A_517 = vector.broadcast %jit3A_514 : i32 to vector<16xi32>
      %min3A_518 = arith.minsi %min3A_517, %max3A_516 : vector<16xi32>
      %swap3A_519 = arith.constant 176 : index
      %swap3A_520 = tpu.vector_load %arg10[%swap3A_519] {strides = array<i32>} : memref<208xi32, #tpu.memory_space<vmem>>, vector<16xi32>,
      tpu.vector_store %arg10[%swap3A_519], %min3A_518 {strides = array<i32>} : memref<208xi32, #tpu.memory_space<vmem>>, vector<16xi32>,
      %get3A_521 = arith.constant 192 : index
      %get3A_522 = tpu.vector_load %arg9[%get3A_521] {strides = array<i32>} : memref<208xf32, #tpu.memory_space<vmem>>, vector<16xf32>,
      %div3A_523 = arith.divf %get3A_522, %add3A_343 : vector<16xf32>
      %mul3A_524 = arith.constant 2.000000e+02 : f32
      %mul3A_525 = vector.broadcast %mul3A_524 : f32 to vector<16xf32>
      %mul3A_526 = arith.mulf %div3A_523, %mul3A_525 : vector<16xf32>
      %convert_element_type3A_527 = arith.fptosi %mul3A_526 : vector<16xf32> to vector<16xi32>
      %jit3A_528 = arith.constant 0 : i32
      %jit3A_529 = arith.constant 511 : i32
      %max3A_530 = vector.broadcast %jit3A_528 : i32 to vector<16xi32>
      %max3A_531 = arith.maxsi %max3A_530, %convert_element_type3A_527 : vector<16xi32>
      %min3A_532 = vector.broadcast %jit3A_529 : i32 to vector<16xi32>
      %min3A_533 = arith.minsi %min3A_532, %max3A_531 : vector<16xi32>
      %swap3A_534 = arith.constant 192 : index
      %swap3A_535 = tpu.vector_load %arg10[%swap3A_534] {strides = array<i32>} : memref<208xi32, #tpu.memory_space<vmem>>, vector<16xi32>,
      tpu.vector_store %arg10[%swap3A_534], %min3A_533 {strides = array<i32>} : memref<208xi32, #tpu.memory_space<vmem>>, vector<16xi32>,
      %add3A_536 = arith.addi %mul3A_2, %mul3A_63 : i32
      %mul3A_537 = arith.constant 12800 : i32
      %mul3A_538 = arith.muli %add3A_536, %mul3A_537 : i32
      %multiple_of3A_539 = tpu.assume_multiple %mul3A_538, 8 : i32
      %dma_wait3A_540 = arith.constant 0 : i32
      %dma_wait3A_541 = tpu.memref_slice %arg11[%dma_wait3A_540] : memref<13312xf32, #tpu.memory_space<vmem>> -> memref<12800xf32, #tpu.memory_space<vmem>>
      %dma_wait3A_542 = tpu.memref_slice %arg2[%multiple_of3A_539] : memref<52428800xf32, #tpu.memory_space<hbm>> -> memref<12800xf32, #tpu.memory_space<hbm>>
      %dma_wait3A_543 = arith.constant 0 : i32
      %dma_wait3A_544 = tpu.memref_slice %arg11[%dma_wait3A_543] : memref<13312xf32, #tpu.memory_space<vmem>> -> memref<12800xf32, #tpu.memory_space<vmem>>
      %dma_wait3A_545 = tpu.memref_slice %arg2[%multiple_of3A_539] : memref<52428800xf32, #tpu.memory_space<hbm>> -> memref<12800xf32, #tpu.memory_space<hbm>>
      tpu.wait_dma2 semaphore(%arg15 : memref<!tpu.dma_semaphore, #tpu.memory_space<semaphore_mem>>) src(%dma_wait3A_545 : memref<12800xf32, #tpu.memory_space<hbm>>) dst(%dma_wait3A_544 : memref<12800xf32, #tpu.memory_space<vmem>>)
      %scan3A_546 = arith.constant 0 : i32
      %scan3A_547 = arith.constant 0 : i32
      %scan3A_548 = arith.constant 13 : i32
      %scan3A_549 = arith.addi %scan3A_547, %scan3A_548 : i32
      %scan3A_550 = arith.constant 1 : i32
      %scan3A_551 = scf.for %scan3A_1079 = %scan3A_547 to %scan3A_549 step %scan3A_550 iter_args(%scan3A_1080 = %scan3A_546) -> (i32)  : i32 {
        %mul3A_1081 = arith.constant 16 : i32
        %mul3A_1082 = arith.muli %scan3A_1079, %mul3A_1081 : i32
        %get3A_1083 = arith.index_cast %mul3A_1082 : i32 to index
        %get3A_1084 = tpu.vector_load %arg10[%get3A_1083] {strides = array<i32>} : memref<208xi32, #tpu.memory_space<vmem>>, vector<16xi32>,
        %mul3A_1085 = arith.constant 64 : i32
        %mul3A_1086 = vector.broadcast %mul3A_1085 : i32 to vector<16xi32>
        %mul3A_1087 = arith.muli %get3A_1084, %mul3A_1086 : vector<16xi32>
        %mul3A_1088 = arith.constant 1024 : i32
        %mul3A_1089 = arith.muli %scan3A_1079, %mul3A_1088 : i32
        %multiple_of3A_1090 = tpu.assume_multiple %mul3A_1089, 1024 : i32
        %slice3A = vector.extract_strided_slice %mul3A_1087 {offsets = [0], sizes = [1], strides = [1]} : vector<16xi32> to vector<1xi32>
        %squeeze3A = vector.extract %slice3A[0] : i32 from vector<1xi32>
        %broadcast_in_dim3A_1091 = vector.broadcast %squeeze3A : i32 to vector<16xi32>
        %add3A_1092 = arith.addi %broadcast_in_dim3A_1091, %add3A_11 : vector<16xi32>
        %gather3A = tpu.vector_load_idx %arg6[%add3A_1092] : memref<32768xf32, #tpu.memory_space<vmem>>[vector<16xi32>], vector<16xf32>,
        %add3A_1093 = arith.constant 0 : i32
        %add3A_1094 = arith.addi %multiple_of3A_1090, %add3A_1093 : i32
        %add3A_1095 = arith.constant 0 : i32
        %add3A_1096 = arith.addi %add3A_1094, %add3A_1095 : i32
        %get3A_1097 = arith.index_cast %add3A_1096 : i32 to index
        %get3A_1098 = tpu.vector_load %arg11[%get3A_1097] {strides = array<i32>} : memref<13312xf32, #tpu.memory_space<vmem>>, vector<16xf32>,
        %add3A_1099 = arith.addf %get3A_1098, %gather3A : vector<16xf32>
        %swap3A_1100 = arith.index_cast %add3A_1096 : i32 to index
        %swap3A_1101 = tpu.vector_load %arg11[%swap3A_1100] {strides = array<i32>} : memref<13312xf32, #tpu.memory_space<vmem>>, vector<16xf32>,
        tpu.vector_store %arg11[%swap3A_1100], %add3A_1099 {strides = array<i32>} : memref<13312xf32, #tpu.memory_space<vmem>>, vector<16xf32>,
        %add3A_1102 = arith.addi %broadcast_in_dim3A_1091, %add3A_15 : vector<16xi32>
        %gather3A_1103 = tpu.vector_load_idx %arg6[%add3A_1102] : memref<32768xf32, #tpu.memory_space<vmem>>[vector<16xi32>], vector<16xf32>,
        %add3A_1104 = arith.constant 0 : i32
        %add3A_1105 = arith.addi %multiple_of3A_1090, %add3A_1104 : i32
        %add3A_1106 = arith.constant 16 : i32
        %add3A_1107 = arith.addi %add3A_1105, %add3A_1106 : i32
        %get3A_1108 = arith.index_cast %add3A_1107 : i32 to index
        %get3A_1109 = tpu.vector_load %arg11[%get3A_1108] {strides = array<i32>} : memref<13312xf32, #tpu.memory_space<vmem>>, vector<16xf32>,
        %add3A_1110 = arith.addf %get3A_1109, %gather3A_1103 : vector<16xf32>
        %swap3A_1111 = arith.index_cast %add3A_1107 : i32 to index
        %swap3A_1112 = tpu.vector_load %arg11[%swap3A_1111] {strides = array<i32>} : memref<13312xf32, #tpu.memory_space<vmem>>, vector<16xf32>,
        tpu.vector_store %arg11[%swap3A_1111], %add3A_1110 {strides = array<i32>} : memref<13312xf32, #tpu.memory_space<vmem>>, vector<16xf32>,
        %add3A_1113 = arith.addi %broadcast_in_dim3A_1091, %add3A_19 : vector<16xi32>
        %gather3A_1114 = tpu.vector_load_idx %arg6[%add3A_1113] : memref<32768xf32, #tpu.memory_space<vmem>>[vector<16xi32>], vector<16xf32>,
        %add3A_1115 = arith.constant 0 : i32
        %add3A_1116 = arith.addi %multiple_of3A_1090, %add3A_1115 : i32
        %add3A_1117 = arith.constant 32 : i32
        %add3A_1118 = arith.addi %add3A_1116, %add3A_1117 : i32
        %get3A_1119 = arith.index_cast %add3A_1118 : i32 to index
        %get3A_1120 = tpu.vector_load %arg11[%get3A_1119] {strides = array<i32>} : memref<13312xf32, #tpu.memory_space<vmem>>, vector<16xf32>,
        %add3A_1121 = arith.addf %get3A_1120, %gather3A_1114 : vector<16xf32>
        %swap3A_1122 = arith.index_cast %add3A_1118 : i32 to index
        %swap3A_1123 = tpu.vector_load %arg11[%swap3A_1122] {strides = array<i32>} : memref<13312xf32, #tpu.memory_space<vmem>>, vector<16xf32>,
        tpu.vector_store %arg11[%swap3A_1122], %add3A_1121 {strides = array<i32>} : memref<13312xf32, #tpu.memory_space<vmem>>, vector<16xf32>,
        %add3A_1124 = arith.addi %broadcast_in_dim3A_1091, %add3A_23 : vector<16xi32>
        %gather3A_1125 = tpu.vector_load_idx %arg6[%add3A_1124] : memref<32768xf32, #tpu.memory_space<vmem>>[vector<16xi32>], vector<16xf32>,
        %add3A_1126 = arith.constant 0 : i32
        %add3A_1127 = arith.addi %multiple_of3A_1090, %add3A_1126 : i32
        %add3A_1128 = arith.constant 48 : i32
        %add3A_1129 = arith.addi %add3A_1127, %add3A_1128 : i32
        %get3A_1130 = arith.index_cast %add3A_1129 : i32 to index
        %get3A_1131 = tpu.vector_load %arg11[%get3A_1130] {strides = array<i32>} : memref<13312xf32, #tpu.memory_space<vmem>>, vector<16xf32>,
        %add3A_1132 = arith.addf %get3A_1131, %gather3A_1125 : vector<16xf32>
        %swap3A_1133 = arith.index_cast %add3A_1129 : i32 to index
        %swap3A_1134 = tpu.vector_load %arg11[%swap3A_1133] {strides = array<i32>} : memref<13312xf32, #tpu.memory_space<vmem>>, vector<16xf32>,
        tpu.vector_store %arg11[%swap3A_1133], %add3A_1132 {strides = array<i32>} : memref<13312xf32, #tpu.memory_space<vmem>>, vector<16xf32>,
        %slice3A_1135 = vector.extract_strided_slice %mul3A_1087 {offsets = [1], sizes = [1], strides = [1]} : vector<16xi32> to vector<1xi32>
        %squeeze3A_1136 = vector.extract %slice3A_1135[0] : i32 from vector<1xi32>
        %broadcast_in_dim3A_1137 = vector.broadcast %squeeze3A_1136 : i32 to vector<16xi32>
        %add3A_1138 = arith.addi %broadcast_in_dim3A_1137, %add3A_11 : vector<16xi32>
        %gather3A_1139 = tpu.vector_load_idx %arg6[%add3A_1138] : memref<32768xf32, #tpu.memory_space<vmem>>[vector<16xi32>], vector<16xf32>,
        %add3A_1140 = arith.constant 64 : i32
        %add3A_1141 = arith.addi %multiple_of3A_1090, %add3A_1140 : i32
        %add3A_1142 = arith.constant 0 : i32
        %add3A_1143 = arith.addi %add3A_1141, %add3A_1142 : i32
        %get3A_1144 = arith.index_cast %add3A_1143 : i32 to index
        %get3A_1145 = tpu.vector_load %arg11[%get3A_1144] {strides = array<i32>} : memref<13312xf32, #tpu.memory_space<vmem>>, vector<16xf32>,
        %add3A_1146 = arith.addf %get3A_1145, %gather3A_1139 : vector<16xf32>
        %swap3A_1147 = arith.index_cast %add3A_1143 : i32 to index
        %swap3A_1148 = tpu.vector_load %arg11[%swap3A_1147] {strides = array<i32>} : memref<13312xf32, #tpu.memory_space<vmem>>, vector<16xf32>,
        tpu.vector_store %arg11[%swap3A_1147], %add3A_1146 {strides = array<i32>} : memref<13312xf32, #tpu.memory_space<vmem>>, vector<16xf32>,
        %add3A_1149 = arith.addi %broadcast_in_dim3A_1137, %add3A_15 : vector<16xi32>
        %gather3A_1150 = tpu.vector_load_idx %arg6[%add3A_1149] : memref<32768xf32, #tpu.memory_space<vmem>>[vector<16xi32>], vector<16xf32>,
        %add3A_1151 = arith.constant 64 : i32
        %add3A_1152 = arith.addi %multiple_of3A_1090, %add3A_1151 : i32
        %add3A_1153 = arith.constant 16 : i32
        %add3A_1154 = arith.addi %add3A_1152, %add3A_1153 : i32
        %get3A_1155 = arith.index_cast %add3A_1154 : i32 to index
        %get3A_1156 = tpu.vector_load %arg11[%get3A_1155] {strides = array<i32>} : memref<13312xf32, #tpu.memory_space<vmem>>, vector<16xf32>,
        %add3A_1157 = arith.addf %get3A_1156, %gather3A_1150 : vector<16xf32>
        %swap3A_1158 = arith.index_cast %add3A_1154 : i32 to index
        %swap3A_1159 = tpu.vector_load %arg11[%swap3A_1158] {strides = array<i32>} : memref<13312xf32, #tpu.memory_space<vmem>>, vector<16xf32>,
        tpu.vector_store %arg11[%swap3A_1158], %add3A_1157 {strides = array<i32>} : memref<13312xf32, #tpu.memory_space<vmem>>, vector<16xf32>,
        %add3A_1160 = arith.addi %broadcast_in_dim3A_1137, %add3A_19 : vector<16xi32>
        %gather3A_1161 = tpu.vector_load_idx %arg6[%add3A_1160] : memref<32768xf32, #tpu.memory_space<vmem>>[vector<16xi32>], vector<16xf32>,
        %add3A_1162 = arith.constant 64 : i32
        %add3A_1163 = arith.addi %multiple_of3A_1090, %add3A_1162 : i32
        %add3A_1164 = arith.constant 32 : i32
        %add3A_1165 = arith.addi %add3A_1163, %add3A_1164 : i32
        %get3A_1166 = arith.index_cast %add3A_1165 : i32 to index
        %get3A_1167 = tpu.vector_load %arg11[%get3A_1166] {strides = array<i32>} : memref<13312xf32, #tpu.memory_space<vmem>>, vector<16xf32>,
        %add3A_1168 = arith.addf %get3A_1167, %gather3A_1161 : vector<16xf32>
        %swap3A_1169 = arith.index_cast %add3A_1165 : i32 to index
        %swap3A_1170 = tpu.vector_load %arg11[%swap3A_1169] {strides = array<i32>} : memref<13312xf32, #tpu.memory_space<vmem>>, vector<16xf32>,
        tpu.vector_store %arg11[%swap3A_1169], %add3A_1168 {strides = array<i32>} : memref<13312xf32, #tpu.memory_space<vmem>>, vector<16xf32>,
        %add3A_1171 = arith.addi %broadcast_in_dim3A_1137, %add3A_23 : vector<16xi32>
        %gather3A_1172 = tpu.vector_load_idx %arg6[%add3A_1171] : memref<32768xf32, #tpu.memory_space<vmem>>[vector<16xi32>], vector<16xf32>,
        %add3A_1173 = arith.constant 64 : i32
        %add3A_1174 = arith.addi %multiple_of3A_1090, %add3A_1173 : i32
        %add3A_1175 = arith.constant 48 : i32
        %add3A_1176 = arith.addi %add3A_1174, %add3A_1175 : i32
        %get3A_1177 = arith.index_cast %add3A_1176 : i32 to index
        %get3A_1178 = tpu.vector_load %arg11[%get3A_1177] {strides = array<i32>} : memref<13312xf32, #tpu.memory_space<vmem>>, vector<16xf32>,
        %add3A_1179 = arith.addf %get3A_1178, %gather3A_1172 : vector<16xf32>
        %swap3A_1180 = arith.index_cast %add3A_1176 : i32 to index
        %swap3A_1181 = tpu.vector_load %arg11[%swap3A_1180] {strides = array<i32>} : memref<13312xf32, #tpu.memory_space<vmem>>, vector<16xf32>,
        tpu.vector_store %arg11[%swap3A_1180], %add3A_1179 {strides = array<i32>} : memref<13312xf32, #tpu.memory_space<vmem>>, vector<16xf32>,
        %slice3A_1182 = vector.extract_strided_slice %mul3A_1087 {offsets = [2], sizes = [1], strides = [1]} : vector<16xi32> to vector<1xi32>
        %squeeze3A_1183 = vector.extract %slice3A_1182[0] : i32 from vector<1xi32>
        %broadcast_in_dim3A_1184 = vector.broadcast %squeeze3A_1183 : i32 to vector<16xi32>
        %add3A_1185 = arith.addi %broadcast_in_dim3A_1184, %add3A_11 : vector<16xi32>
        %gather3A_1186 = tpu.vector_load_idx %arg6[%add3A_1185] : memref<32768xf32, #tpu.memory_space<vmem>>[vector<16xi32>], vector<16xf32>,
        %add3A_1187 = arith.constant 128 : i32
        %add3A_1188 = arith.addi %multiple_of3A_1090, %add3A_1187 : i32
        %add3A_1189 = arith.constant 0 : i32
        %add3A_1190 = arith.addi %add3A_1188, %add3A_1189 : i32
        %get3A_1191 = arith.index_cast %add3A_1190 : i32 to index
        %get3A_1192 = tpu.vector_load %arg11[%get3A_1191] {strides = array<i32>} : memref<13312xf32, #tpu.memory_space<vmem>>, vector<16xf32>,
        %add3A_1193 = arith.addf %get3A_1192, %gather3A_1186 : vector<16xf32>
        %swap3A_1194 = arith.index_cast %add3A_1190 : i32 to index
        %swap3A_1195 = tpu.vector_load %arg11[%swap3A_1194] {strides = array<i32>} : memref<13312xf32, #tpu.memory_space<vmem>>, vector<16xf32>,
        tpu.vector_store %arg11[%swap3A_1194], %add3A_1193 {strides = array<i32>} : memref<13312xf32, #tpu.memory_space<vmem>>, vector<16xf32>,
        %add3A_1196 = arith.addi %broadcast_in_dim3A_1184, %add3A_15 : vector<16xi32>
        %gather3A_1197 = tpu.vector_load_idx %arg6[%add3A_1196] : memref<32768xf32, #tpu.memory_space<vmem>>[vector<16xi32>], vector<16xf32>,
        %add3A_1198 = arith.constant 128 : i32
        %add3A_1199 = arith.addi %multiple_of3A_1090, %add3A_1198 : i32
        %add3A_1200 = arith.constant 16 : i32
        %add3A_1201 = arith.addi %add3A_1199, %add3A_1200 : i32
        %get3A_1202 = arith.index_cast %add3A_1201 : i32 to index
        %get3A_1203 = tpu.vector_load %arg11[%get3A_1202] {strides = array<i32>} : memref<13312xf32, #tpu.memory_space<vmem>>, vector<16xf32>,
        %add3A_1204 = arith.addf %get3A_1203, %gather3A_1197 : vector<16xf32>
        %swap3A_1205 = arith.index_cast %add3A_1201 : i32 to index
        %swap3A_1206 = tpu.vector_load %arg11[%swap3A_1205] {strides = array<i32>} : memref<13312xf32, #tpu.memory_space<vmem>>, vector<16xf32>,
        tpu.vector_store %arg11[%swap3A_1205], %add3A_1204 {strides = array<i32>} : memref<13312xf32, #tpu.memory_space<vmem>>, vector<16xf32>,
        %add3A_1207 = arith.addi %broadcast_in_dim3A_1184, %add3A_19 : vector<16xi32>
        %gather3A_1208 = tpu.vector_load_idx %arg6[%add3A_1207] : memref<32768xf32, #tpu.memory_space<vmem>>[vector<16xi32>], vector<16xf32>,
        %add3A_1209 = arith.constant 128 : i32
        %add3A_1210 = arith.addi %multiple_of3A_1090, %add3A_1209 : i32
        %add3A_1211 = arith.constant 32 : i32
        %add3A_1212 = arith.addi %add3A_1210, %add3A_1211 : i32
        %get3A_1213 = arith.index_cast %add3A_1212 : i32 to index
        %get3A_1214 = tpu.vector_load %arg11[%get3A_1213] {strides = array<i32>} : memref<13312xf32, #tpu.memory_space<vmem>>, vector<16xf32>,
        %add3A_1215 = arith.addf %get3A_1214, %gather3A_1208 : vector<16xf32>
        %swap3A_1216 = arith.index_cast %add3A_1212 : i32 to index
        %swap3A_1217 = tpu.vector_load %arg11[%swap3A_1216] {strides = array<i32>} : memref<13312xf32, #tpu.memory_space<vmem>>, vector<16xf32>,
        tpu.vector_store %arg11[%swap3A_1216], %add3A_1215 {strides = array<i32>} : memref<13312xf32, #tpu.memory_space<vmem>>, vector<16xf32>,
        %add3A_1218 = arith.addi %broadcast_in_dim3A_1184, %add3A_23 : vector<16xi32>
        %gather3A_1219 = tpu.vector_load_idx %arg6[%add3A_1218] : memref<32768xf32, #tpu.memory_space<vmem>>[vector<16xi32>], vector<16xf32>,
        %add3A_1220 = arith.constant 128 : i32
        %add3A_1221 = arith.addi %multiple_of3A_1090, %add3A_1220 : i32
        %add3A_1222 = arith.constant 48 : i32
        %add3A_1223 = arith.addi %add3A_1221, %add3A_1222 : i32
        %get3A_1224 = arith.index_cast %add3A_1223 : i32 to index
        %get3A_1225 = tpu.vector_load %arg11[%get3A_1224] {strides = array<i32>} : memref<13312xf32, #tpu.memory_space<vmem>>, vector<16xf32>,
        %add3A_1226 = arith.addf %get3A_1225, %gather3A_1219 : vector<16xf32>
        %swap3A_1227 = arith.index_cast %add3A_1223 : i32 to index
        %swap3A_1228 = tpu.vector_load %arg11[%swap3A_1227] {strides = array<i32>} : memref<13312xf32, #tpu.memory_space<vmem>>, vector<16xf32>,
        tpu.vector_store %arg11[%swap3A_1227], %add3A_1226 {strides = array<i32>} : memref<13312xf32, #tpu.memory_space<vmem>>, vector<16xf32>,
        %slice3A_1229 = vector.extract_strided_slice %mul3A_1087 {offsets = [3], sizes = [1], strides = [1]} : vector<16xi32> to vector<1xi32>
        %squeeze3A_1230 = vector.extract %slice3A_1229[0] : i32 from vector<1xi32>
        %broadcast_in_dim3A_1231 = vector.broadcast %squeeze3A_1230 : i32 to vector<16xi32>
        %add3A_1232 = arith.addi %broadcast_in_dim3A_1231, %add3A_11 : vector<16xi32>
        %gather3A_1233 = tpu.vector_load_idx %arg6[%add3A_1232] : memref<32768xf32, #tpu.memory_space<vmem>>[vector<16xi32>], vector<16xf32>,
        %add3A_1234 = arith.constant 192 : i32
        %add3A_1235 = arith.addi %multiple_of3A_1090, %add3A_1234 : i32
        %add3A_1236 = arith.constant 0 : i32
        %add3A_1237 = arith.addi %add3A_1235, %add3A_1236 : i32
        %get3A_1238 = arith.index_cast %add3A_1237 : i32 to index
        %get3A_1239 = tpu.vector_load %arg11[%get3A_1238] {strides = array<i32>} : memref<13312xf32, #tpu.memory_space<vmem>>, vector<16xf32>,
        %add3A_1240 = arith.addf %get3A_1239, %gather3A_1233 : vector<16xf32>
        %swap3A_1241 = arith.index_cast %add3A_1237 : i32 to index
        %swap3A_1242 = tpu.vector_load %arg11[%swap3A_1241] {strides = array<i32>} : memref<13312xf32, #tpu.memory_space<vmem>>, vector<16xf32>,
        tpu.vector_store %arg11[%swap3A_1241], %add3A_1240 {strides = array<i32>} : memref<13312xf32, #tpu.memory_space<vmem>>, vector<16xf32>,
        %add3A_1243 = arith.addi %broadcast_in_dim3A_1231, %add3A_15 : vector<16xi32>
        %gather3A_1244 = tpu.vector_load_idx %arg6[%add3A_1243] : memref<32768xf32, #tpu.memory_space<vmem>>[vector<16xi32>], vector<16xf32>,
        %add3A_1245 = arith.constant 192 : i32
        %add3A_1246 = arith.addi %multiple_of3A_1090, %add3A_1245 : i32
        %add3A_1247 = arith.constant 16 : i32
        %add3A_1248 = arith.addi %add3A_1246, %add3A_1247 : i32
        %get3A_1249 = arith.index_cast %add3A_1248 : i32 to index
        %get3A_1250 = tpu.vector_load %arg11[%get3A_1249] {strides = array<i32>} : memref<13312xf32, #tpu.memory_space<vmem>>, vector<16xf32>,
        %add3A_1251 = arith.addf %get3A_1250, %gather3A_1244 : vector<16xf32>
        %swap3A_1252 = arith.index_cast %add3A_1248 : i32 to index
        %swap3A_1253 = tpu.vector_load %arg11[%swap3A_1252] {strides = array<i32>} : memref<13312xf32, #tpu.memory_space<vmem>>, vector<16xf32>,
        tpu.vector_store %arg11[%swap3A_1252], %add3A_1251 {strides = array<i32>} : memref<13312xf32, #tpu.memory_space<vmem>>, vector<16xf32>,
        %add3A_1254 = arith.addi %broadcast_in_dim3A_1231, %add3A_19 : vector<16xi32>
        %gather3A_1255 = tpu.vector_load_idx %arg6[%add3A_1254] : memref<32768xf32, #tpu.memory_space<vmem>>[vector<16xi32>], vector<16xf32>,
        %add3A_1256 = arith.constant 192 : i32
        %add3A_1257 = arith.addi %multiple_of3A_1090, %add3A_1256 : i32
        %add3A_1258 = arith.constant 32 : i32
        %add3A_1259 = arith.addi %add3A_1257, %add3A_1258 : i32
        %get3A_1260 = arith.index_cast %add3A_1259 : i32 to index
        %get3A_1261 = tpu.vector_load %arg11[%get3A_1260] {strides = array<i32>} : memref<13312xf32, #tpu.memory_space<vmem>>, vector<16xf32>,
        %add3A_1262 = arith.addf %get3A_1261, %gather3A_1255 : vector<16xf32>
        %swap3A_1263 = arith.index_cast %add3A_1259 : i32 to index
        %swap3A_1264 = tpu.vector_load %arg11[%swap3A_1263] {strides = array<i32>} : memref<13312xf32, #tpu.memory_space<vmem>>, vector<16xf32>,
        tpu.vector_store %arg11[%swap3A_1263], %add3A_1262 {strides = array<i32>} : memref<13312xf32, #tpu.memory_space<vmem>>, vector<16xf32>,
        %add3A_1265 = arith.addi %broadcast_in_dim3A_1231, %add3A_23 : vector<16xi32>
        %gather3A_1266 = tpu.vector_load_idx %arg6[%add3A_1265] : memref<32768xf32, #tpu.memory_space<vmem>>[vector<16xi32>], vector<16xf32>,
        %add3A_1267 = arith.constant 192 : i32
        %add3A_1268 = arith.addi %multiple_of3A_1090, %add3A_1267 : i32
        %add3A_1269 = arith.constant 48 : i32
        %add3A_1270 = arith.addi %add3A_1268, %add3A_1269 : i32
        %get3A_1271 = arith.index_cast %add3A_1270 : i32 to index
        %get3A_1272 = tpu.vector_load %arg11[%get3A_1271] {strides = array<i32>} : memref<13312xf32, #tpu.memory_space<vmem>>, vector<16xf32>,
        %add3A_1273 = arith.addf %get3A_1272, %gather3A_1266 : vector<16xf32>
        %swap3A_1274 = arith.index_cast %add3A_1270 : i32 to index
        %swap3A_1275 = tpu.vector_load %arg11[%swap3A_1274] {strides = array<i32>} : memref<13312xf32, #tpu.memory_space<vmem>>, vector<16xf32>,
        tpu.vector_store %arg11[%swap3A_1274], %add3A_1273 {strides = array<i32>} : memref<13312xf32, #tpu.memory_space<vmem>>, vector<16xf32>,
        %slice3A_1276 = vector.extract_strided_slice %mul3A_1087 {offsets = [4], sizes = [1], strides = [1]} : vector<16xi32> to vector<1xi32>
        %squeeze3A_1277 = vector.extract %slice3A_1276[0] : i32 from vector<1xi32>
        %broadcast_in_dim3A_1278 = vector.broadcast %squeeze3A_1277 : i32 to vector<16xi32>
        %add3A_1279 = arith.addi %broadcast_in_dim3A_1278, %add3A_11 : vector<16xi32>
        %gather3A_1280 = tpu.vector_load_idx %arg6[%add3A_1279] : memref<32768xf32, #tpu.memory_space<vmem>>[vector<16xi32>], vector<16xf32>,
        %add3A_1281 = arith.constant 256 : i32
        %add3A_1282 = arith.addi %multiple_of3A_1090, %add3A_1281 : i32
        %add3A_1283 = arith.constant 0 : i32
        %add3A_1284 = arith.addi %add3A_1282, %add3A_1283 : i32
        %get3A_1285 = arith.index_cast %add3A_1284 : i32 to index
        %get3A_1286 = tpu.vector_load %arg11[%get3A_1285] {strides = array<i32>} : memref<13312xf32, #tpu.memory_space<vmem>>, vector<16xf32>,
        %add3A_1287 = arith.addf %get3A_1286, %gather3A_1280 : vector<16xf32>
        %swap3A_1288 = arith.index_cast %add3A_1284 : i32 to index
        %swap3A_1289 = tpu.vector_load %arg11[%swap3A_1288] {strides = array<i32>} : memref<13312xf32, #tpu.memory_space<vmem>>, vector<16xf32>,
        tpu.vector_store %arg11[%swap3A_1288], %add3A_1287 {strides = array<i32>} : memref<13312xf32, #tpu.memory_space<vmem>>, vector<16xf32>,
        %add3A_1290 = arith.addi %broadcast_in_dim3A_1278, %add3A_15 : vector<16xi32>
        %gather3A_1291 = tpu.vector_load_idx %arg6[%add3A_1290] : memref<32768xf32, #tpu.memory_space<vmem>>[vector<16xi32>], vector<16xf32>,
        %add3A_1292 = arith.constant 256 : i32
        %add3A_1293 = arith.addi %multiple_of3A_1090, %add3A_1292 : i32
        %add3A_1294 = arith.constant 16 : i32
        %add3A_1295 = arith.addi %add3A_1293, %add3A_1294 : i32
        %get3A_1296 = arith.index_cast %add3A_1295 : i32 to index
        %get3A_1297 = tpu.vector_load %arg11[%get3A_1296] {strides = array<i32>} : memref<13312xf32, #tpu.memory_space<vmem>>, vector<16xf32>,
        %add3A_1298 = arith.addf %get3A_1297, %gather3A_1291 : vector<16xf32>
        %swap3A_1299 = arith.index_cast %add3A_1295 : i32 to index
        %swap3A_1300 = tpu.vector_load %arg11[%swap3A_1299] {strides = array<i32>} : memref<13312xf32, #tpu.memory_space<vmem>>, vector<16xf32>,
        tpu.vector_store %arg11[%swap3A_1299], %add3A_1298 {strides = array<i32>} : memref<13312xf32, #tpu.memory_space<vmem>>, vector<16xf32>,
        %add3A_1301 = arith.addi %broadcast_in_dim3A_1278, %add3A_19 : vector<16xi32>
        %gather3A_1302 = tpu.vector_load_idx %arg6[%add3A_1301] : memref<32768xf32, #tpu.memory_space<vmem>>[vector<16xi32>], vector<16xf32>,
        %add3A_1303 = arith.constant 256 : i32
        %add3A_1304 = arith.addi %multiple_of3A_1090, %add3A_1303 : i32
        %add3A_1305 = arith.constant 32 : i32
        %add3A_1306 = arith.addi %add3A_1304, %add3A_1305 : i32
        %get3A_1307 = arith.index_cast %add3A_1306 : i32 to index
        %get3A_1308 = tpu.vector_load %arg11[%get3A_1307] {strides = array<i32>} : memref<13312xf32, #tpu.memory_space<vmem>>, vector<16xf32>,
        %add3A_1309 = arith.addf %get3A_1308, %gather3A_1302 : vector<16xf32>
        %swap3A_1310 = arith.index_cast %add3A_1306 : i32 to index
        %swap3A_1311 = tpu.vector_load %arg11[%swap3A_1310] {strides = array<i32>} : memref<13312xf32, #tpu.memory_space<vmem>>, vector<16xf32>,
        tpu.vector_store %arg11[%swap3A_1310], %add3A_1309 {strides = array<i32>} : memref<13312xf32, #tpu.memory_space<vmem>>, vector<16xf32>,
        %add3A_1312 = arith.addi %broadcast_in_dim3A_1278, %add3A_23 : vector<16xi32>
        %gather3A_1313 = tpu.vector_load_idx %arg6[%add3A_1312] : memref<32768xf32, #tpu.memory_space<vmem>>[vector<16xi32>], vector<16xf32>,
        %add3A_1314 = arith.constant 256 : i32
        %add3A_1315 = arith.addi %multiple_of3A_1090, %add3A_1314 : i32
        %add3A_1316 = arith.constant 48 : i32
        %add3A_1317 = arith.addi %add3A_1315, %add3A_1316 : i32
        %get3A_1318 = arith.index_cast %add3A_1317 : i32 to index
        %get3A_1319 = tpu.vector_load %arg11[%get3A_1318] {strides = array<i32>} : memref<13312xf32, #tpu.memory_space<vmem>>, vector<16xf32>,
        %add3A_1320 = arith.addf %get3A_1319, %gather3A_1313 : vector<16xf32>
        %swap3A_1321 = arith.index_cast %add3A_1317 : i32 to index
        %swap3A_1322 = tpu.vector_load %arg11[%swap3A_1321] {strides = array<i32>} : memref<13312xf32, #tpu.memory_space<vmem>>, vector<16xf32>,
        tpu.vector_store %arg11[%swap3A_1321], %add3A_1320 {strides = array<i32>} : memref<13312xf32, #tpu.memory_space<vmem>>, vector<16xf32>,
        %slice3A_1323 = vector.extract_strided_slice %mul3A_1087 {offsets = [5], sizes = [1], strides = [1]} : vector<16xi32> to vector<1xi32>
        %squeeze3A_1324 = vector.extract %slice3A_1323[0] : i32 from vector<1xi32>
        %broadcast_in_dim3A_1325 = vector.broadcast %squeeze3A_1324 : i32 to vector<16xi32>
        %add3A_1326 = arith.addi %broadcast_in_dim3A_1325, %add3A_11 : vector<16xi32>
        %gather3A_1327 = tpu.vector_load_idx %arg6[%add3A_1326] : memref<32768xf32, #tpu.memory_space<vmem>>[vector<16xi32>], vector<16xf32>,
        %add3A_1328 = arith.constant 320 : i32
        %add3A_1329 = arith.addi %multiple_of3A_1090, %add3A_1328 : i32
        %add3A_1330 = arith.constant 0 : i32
        %add3A_1331 = arith.addi %add3A_1329, %add3A_1330 : i32
        %get3A_1332 = arith.index_cast %add3A_1331 : i32 to index
        %get3A_1333 = tpu.vector_load %arg11[%get3A_1332] {strides = array<i32>} : memref<13312xf32, #tpu.memory_space<vmem>>, vector<16xf32>,
        %add3A_1334 = arith.addf %get3A_1333, %gather3A_1327 : vector<16xf32>
        %swap3A_1335 = arith.index_cast %add3A_1331 : i32 to index
        %swap3A_1336 = tpu.vector_load %arg11[%swap3A_1335] {strides = array<i32>} : memref<13312xf32, #tpu.memory_space<vmem>>, vector<16xf32>,
        tpu.vector_store %arg11[%swap3A_1335], %add3A_1334 {strides = array<i32>} : memref<13312xf32, #tpu.memory_space<vmem>>, vector<16xf32>,
        %add3A_1337 = arith.addi %broadcast_in_dim3A_1325, %add3A_15 : vector<16xi32>
        %gather3A_1338 = tpu.vector_load_idx %arg6[%add3A_1337] : memref<32768xf32, #tpu.memory_space<vmem>>[vector<16xi32>], vector<16xf32>,
        %add3A_1339 = arith.constant 320 : i32
        %add3A_1340 = arith.addi %multiple_of3A_1090, %add3A_1339 : i32
        %add3A_1341 = arith.constant 16 : i32
        %add3A_1342 = arith.addi %add3A_1340, %add3A_1341 : i32
        %get3A_1343 = arith.index_cast %add3A_1342 : i32 to index
        %get3A_1344 = tpu.vector_load %arg11[%get3A_1343] {strides = array<i32>} : memref<13312xf32, #tpu.memory_space<vmem>>, vector<16xf32>,
        %add3A_1345 = arith.addf %get3A_1344, %gather3A_1338 : vector<16xf32>
        %swap3A_1346 = arith.index_cast %add3A_1342 : i32 to index
        %swap3A_1347 = tpu.vector_load %arg11[%swap3A_1346] {strides = array<i32>} : memref<13312xf32, #tpu.memory_space<vmem>>, vector<16xf32>,
        tpu.vector_store %arg11[%swap3A_1346], %add3A_1345 {strides = array<i32>} : memref<13312xf32, #tpu.memory_space<vmem>>, vector<16xf32>,
        %add3A_1348 = arith.addi %broadcast_in_dim3A_1325, %add3A_19 : vector<16xi32>
        %gather3A_1349 = tpu.vector_load_idx %arg6[%add3A_1348] : memref<32768xf32, #tpu.memory_space<vmem>>[vector<16xi32>], vector<16xf32>,
        %add3A_1350 = arith.constant 320 : i32
        %add3A_1351 = arith.addi %multiple_of3A_1090, %add3A_1350 : i32
        %add3A_1352 = arith.constant 32 : i32
        %add3A_1353 = arith.addi %add3A_1351, %add3A_1352 : i32
        %get3A_1354 = arith.index_cast %add3A_1353 : i32 to index
        %get3A_1355 = tpu.vector_load %arg11[%get3A_1354] {strides = array<i32>} : memref<13312xf32, #tpu.memory_space<vmem>>, vector<16xf32>,
        %add3A_1356 = arith.addf %get3A_1355, %gather3A_1349 : vector<16xf32>
        %swap3A_1357 = arith.index_cast %add3A_1353 : i32 to index
        %swap3A_1358 = tpu.vector_load %arg11[%swap3A_1357] {strides = array<i32>} : memref<13312xf32, #tpu.memory_space<vmem>>, vector<16xf32>,
        tpu.vector_store %arg11[%swap3A_1357], %add3A_1356 {strides = array<i32>} : memref<13312xf32, #tpu.memory_space<vmem>>, vector<16xf32>,
        %add3A_1359 = arith.addi %broadcast_in_dim3A_1325, %add3A_23 : vector<16xi32>
        %gather3A_1360 = tpu.vector_load_idx %arg6[%add3A_1359] : memref<32768xf32, #tpu.memory_space<vmem>>[vector<16xi32>], vector<16xf32>,
        %add3A_1361 = arith.constant 320 : i32
        %add3A_1362 = arith.addi %multiple_of3A_1090, %add3A_1361 : i32
        %add3A_1363 = arith.constant 48 : i32
        %add3A_1364 = arith.addi %add3A_1362, %add3A_1363 : i32
        %get3A_1365 = arith.index_cast %add3A_1364 : i32 to index
        %get3A_1366 = tpu.vector_load %arg11[%get3A_1365] {strides = array<i32>} : memref<13312xf32, #tpu.memory_space<vmem>>, vector<16xf32>,
        %add3A_1367 = arith.addf %get3A_1366, %gather3A_1360 : vector<16xf32>
        %swap3A_1368 = arith.index_cast %add3A_1364 : i32 to index
        %swap3A_1369 = tpu.vector_load %arg11[%swap3A_1368] {strides = array<i32>} : memref<13312xf32, #tpu.memory_space<vmem>>, vector<16xf32>,
        tpu.vector_store %arg11[%swap3A_1368], %add3A_1367 {strides = array<i32>} : memref<13312xf32, #tpu.memory_space<vmem>>, vector<16xf32>,
        %slice3A_1370 = vector.extract_strided_slice %mul3A_1087 {offsets = [6], sizes = [1], strides = [1]} : vector<16xi32> to vector<1xi32>
        %squeeze3A_1371 = vector.extract %slice3A_1370[0] : i32 from vector<1xi32>
        %broadcast_in_dim3A_1372 = vector.broadcast %squeeze3A_1371 : i32 to vector<16xi32>
        %add3A_1373 = arith.addi %broadcast_in_dim3A_1372, %add3A_11 : vector<16xi32>
        %gather3A_1374 = tpu.vector_load_idx %arg6[%add3A_1373] : memref<32768xf32, #tpu.memory_space<vmem>>[vector<16xi32>], vector<16xf32>,
        %add3A_1375 = arith.constant 384 : i32
        %add3A_1376 = arith.addi %multiple_of3A_1090, %add3A_1375 : i32
        %add3A_1377 = arith.constant 0 : i32
        %add3A_1378 = arith.addi %add3A_1376, %add3A_1377 : i32
        %get3A_1379 = arith.index_cast %add3A_1378 : i32 to index
        %get3A_1380 = tpu.vector_load %arg11[%get3A_1379] {strides = array<i32>} : memref<13312xf32, #tpu.memory_space<vmem>>, vector<16xf32>,
        %add3A_1381 = arith.addf %get3A_1380, %gather3A_1374 : vector<16xf32>
        %swap3A_1382 = arith.index_cast %add3A_1378 : i32 to index
        %swap3A_1383 = tpu.vector_load %arg11[%swap3A_1382] {strides = array<i32>} : memref<13312xf32, #tpu.memory_space<vmem>>, vector<16xf32>,
        tpu.vector_store %arg11[%swap3A_1382], %add3A_1381 {strides = array<i32>} : memref<13312xf32, #tpu.memory_space<vmem>>, vector<16xf32>,
        %add3A_1384 = arith.addi %broadcast_in_dim3A_1372, %add3A_15 : vector<16xi32>
        %gather3A_1385 = tpu.vector_load_idx %arg6[%add3A_1384] : memref<32768xf32, #tpu.memory_space<vmem>>[vector<16xi32>], vector<16xf32>,
        %add3A_1386 = arith.constant 384 : i32
        %add3A_1387 = arith.addi %multiple_of3A_1090, %add3A_1386 : i32
        %add3A_1388 = arith.constant 16 : i32
        %add3A_1389 = arith.addi %add3A_1387, %add3A_1388 : i32
        %get3A_1390 = arith.index_cast %add3A_1389 : i32 to index
        %get3A_1391 = tpu.vector_load %arg11[%get3A_1390] {strides = array<i32>} : memref<13312xf32, #tpu.memory_space<vmem>>, vector<16xf32>,
        %add3A_1392 = arith.addf %get3A_1391, %gather3A_1385 : vector<16xf32>
        %swap3A_1393 = arith.index_cast %add3A_1389 : i32 to index
        %swap3A_1394 = tpu.vector_load %arg11[%swap3A_1393] {strides = array<i32>} : memref<13312xf32, #tpu.memory_space<vmem>>, vector<16xf32>,
        tpu.vector_store %arg11[%swap3A_1393], %add3A_1392 {strides = array<i32>} : memref<13312xf32, #tpu.memory_space<vmem>>, vector<16xf32>,
        %add3A_1395 = arith.addi %broadcast_in_dim3A_1372, %add3A_19 : vector<16xi32>
        %gather3A_1396 = tpu.vector_load_idx %arg6[%add3A_1395] : memref<32768xf32, #tpu.memory_space<vmem>>[vector<16xi32>], vector<16xf32>,
        %add3A_1397 = arith.constant 384 : i32
        %add3A_1398 = arith.addi %multiple_of3A_1090, %add3A_1397 : i32
        %add3A_1399 = arith.constant 32 : i32
        %add3A_1400 = arith.addi %add3A_1398, %add3A_1399 : i32
        %get3A_1401 = arith.index_cast %add3A_1400 : i32 to index
        %get3A_1402 = tpu.vector_load %arg11[%get3A_1401] {strides = array<i32>} : memref<13312xf32, #tpu.memory_space<vmem>>, vector<16xf32>,
        %add3A_1403 = arith.addf %get3A_1402, %gather3A_1396 : vector<16xf32>
        %swap3A_1404 = arith.index_cast %add3A_1400 : i32 to index
        %swap3A_1405 = tpu.vector_load %arg11[%swap3A_1404] {strides = array<i32>} : memref<13312xf32, #tpu.memory_space<vmem>>, vector<16xf32>,
        tpu.vector_store %arg11[%swap3A_1404], %add3A_1403 {strides = array<i32>} : memref<13312xf32, #tpu.memory_space<vmem>>, vector<16xf32>,
        %add3A_1406 = arith.addi %broadcast_in_dim3A_1372, %add3A_23 : vector<16xi32>
        %gather3A_1407 = tpu.vector_load_idx %arg6[%add3A_1406] : memref<32768xf32, #tpu.memory_space<vmem>>[vector<16xi32>], vector<16xf32>,
        %add3A_1408 = arith.constant 384 : i32
        %add3A_1409 = arith.addi %multiple_of3A_1090, %add3A_1408 : i32
        %add3A_1410 = arith.constant 48 : i32
        %add3A_1411 = arith.addi %add3A_1409, %add3A_1410 : i32
        %get3A_1412 = arith.index_cast %add3A_1411 : i32 to index
        %get3A_1413 = tpu.vector_load %arg11[%get3A_1412] {strides = array<i32>} : memref<13312xf32, #tpu.memory_space<vmem>>, vector<16xf32>,
        %add3A_1414 = arith.addf %get3A_1413, %gather3A_1407 : vector<16xf32>
        %swap3A_1415 = arith.index_cast %add3A_1411 : i32 to index
        %swap3A_1416 = tpu.vector_load %arg11[%swap3A_1415] {strides = array<i32>} : memref<13312xf32, #tpu.memory_space<vmem>>, vector<16xf32>,
        tpu.vector_store %arg11[%swap3A_1415], %add3A_1414 {strides = array<i32>} : memref<13312xf32, #tpu.memory_space<vmem>>, vector<16xf32>,
        %slice3A_1417 = vector.extract_strided_slice %mul3A_1087 {offsets = [7], sizes = [1], strides = [1]} : vector<16xi32> to vector<1xi32>
        %squeeze3A_1418 = vector.extract %slice3A_1417[0] : i32 from vector<1xi32>
        %broadcast_in_dim3A_1419 = vector.broadcast %squeeze3A_1418 : i32 to vector<16xi32>
        %add3A_1420 = arith.addi %broadcast_in_dim3A_1419, %add3A_11 : vector<16xi32>
        %gather3A_1421 = tpu.vector_load_idx %arg6[%add3A_1420] : memref<32768xf32, #tpu.memory_space<vmem>>[vector<16xi32>], vector<16xf32>,
        %add3A_1422 = arith.constant 448 : i32
        %add3A_1423 = arith.addi %multiple_of3A_1090, %add3A_1422 : i32
        %add3A_1424 = arith.constant 0 : i32
        %add3A_1425 = arith.addi %add3A_1423, %add3A_1424 : i32
        %get3A_1426 = arith.index_cast %add3A_1425 : i32 to index
        %get3A_1427 = tpu.vector_load %arg11[%get3A_1426] {strides = array<i32>} : memref<13312xf32, #tpu.memory_space<vmem>>, vector<16xf32>,
        %add3A_1428 = arith.addf %get3A_1427, %gather3A_1421 : vector<16xf32>
        %swap3A_1429 = arith.index_cast %add3A_1425 : i32 to index
        %swap3A_1430 = tpu.vector_load %arg11[%swap3A_1429] {strides = array<i32>} : memref<13312xf32, #tpu.memory_space<vmem>>, vector<16xf32>,
        tpu.vector_store %arg11[%swap3A_1429], %add3A_1428 {strides = array<i32>} : memref<13312xf32, #tpu.memory_space<vmem>>, vector<16xf32>,
        %add3A_1431 = arith.addi %broadcast_in_dim3A_1419, %add3A_15 : vector<16xi32>
        %gather3A_1432 = tpu.vector_load_idx %arg6[%add3A_1431] : memref<32768xf32, #tpu.memory_space<vmem>>[vector<16xi32>], vector<16xf32>,
        %add3A_1433 = arith.constant 448 : i32
        %add3A_1434 = arith.addi %multiple_of3A_1090, %add3A_1433 : i32
        %add3A_1435 = arith.constant 16 : i32
        %add3A_1436 = arith.addi %add3A_1434, %add3A_1435 : i32
        %get3A_1437 = arith.index_cast %add3A_1436 : i32 to index
        %get3A_1438 = tpu.vector_load %arg11[%get3A_1437] {strides = array<i32>} : memref<13312xf32, #tpu.memory_space<vmem>>, vector<16xf32>,
        %add3A_1439 = arith.addf %get3A_1438, %gather3A_1432 : vector<16xf32>
        %swap3A_1440 = arith.index_cast %add3A_1436 : i32 to index
        %swap3A_1441 = tpu.vector_load %arg11[%swap3A_1440] {strides = array<i32>} : memref<13312xf32, #tpu.memory_space<vmem>>, vector<16xf32>,
        tpu.vector_store %arg11[%swap3A_1440], %add3A_1439 {strides = array<i32>} : memref<13312xf32, #tpu.memory_space<vmem>>, vector<16xf32>,
        %add3A_1442 = arith.addi %broadcast_in_dim3A_1419, %add3A_19 : vector<16xi32>
        %gather3A_1443 = tpu.vector_load_idx %arg6[%add3A_1442] : memref<32768xf32, #tpu.memory_space<vmem>>[vector<16xi32>], vector<16xf32>,
        %add3A_1444 = arith.constant 448 : i32
        %add3A_1445 = arith.addi %multiple_of3A_1090, %add3A_1444 : i32
        %add3A_1446 = arith.constant 32 : i32
        %add3A_1447 = arith.addi %add3A_1445, %add3A_1446 : i32
        %get3A_1448 = arith.index_cast %add3A_1447 : i32 to index
        %get3A_1449 = tpu.vector_load %arg11[%get3A_1448] {strides = array<i32>} : memref<13312xf32, #tpu.memory_space<vmem>>, vector<16xf32>,
        %add3A_1450 = arith.addf %get3A_1449, %gather3A_1443 : vector<16xf32>
        %swap3A_1451 = arith.index_cast %add3A_1447 : i32 to index
        %swap3A_1452 = tpu.vector_load %arg11[%swap3A_1451] {strides = array<i32>} : memref<13312xf32, #tpu.memory_space<vmem>>, vector<16xf32>,
        tpu.vector_store %arg11[%swap3A_1451], %add3A_1450 {strides = array<i32>} : memref<13312xf32, #tpu.memory_space<vmem>>, vector<16xf32>,
        %add3A_1453 = arith.addi %broadcast_in_dim3A_1419, %add3A_23 : vector<16xi32>
        %gather3A_1454 = tpu.vector_load_idx %arg6[%add3A_1453] : memref<32768xf32, #tpu.memory_space<vmem>>[vector<16xi32>], vector<16xf32>,
        %add3A_1455 = arith.constant 448 : i32
        %add3A_1456 = arith.addi %multiple_of3A_1090, %add3A_1455 : i32
        %add3A_1457 = arith.constant 48 : i32
        %add3A_1458 = arith.addi %add3A_1456, %add3A_1457 : i32
        %get3A_1459 = arith.index_cast %add3A_1458 : i32 to index
        %get3A_1460 = tpu.vector_load %arg11[%get3A_1459] {strides = array<i32>} : memref<13312xf32, #tpu.memory_space<vmem>>, vector<16xf32>,
        %add3A_1461 = arith.addf %get3A_1460, %gather3A_1454 : vector<16xf32>
        %swap3A_1462 = arith.index_cast %add3A_1458 : i32 to index
        %swap3A_1463 = tpu.vector_load %arg11[%swap3A_1462] {strides = array<i32>} : memref<13312xf32, #tpu.memory_space<vmem>>, vector<16xf32>,
        tpu.vector_store %arg11[%swap3A_1462], %add3A_1461 {strides = array<i32>} : memref<13312xf32, #tpu.memory_space<vmem>>, vector<16xf32>,
        %slice3A_1464 = vector.extract_strided_slice %mul3A_1087 {offsets = [8], sizes = [1], strides = [1]} : vector<16xi32> to vector<1xi32>
        %squeeze3A_1465 = vector.extract %slice3A_1464[0] : i32 from vector<1xi32>
        %broadcast_in_dim3A_1466 = vector.broadcast %squeeze3A_1465 : i32 to vector<16xi32>
        %add3A_1467 = arith.addi %broadcast_in_dim3A_1466, %add3A_11 : vector<16xi32>
        %gather3A_1468 = tpu.vector_load_idx %arg6[%add3A_1467] : memref<32768xf32, #tpu.memory_space<vmem>>[vector<16xi32>], vector<16xf32>,
        %add3A_1469 = arith.constant 512 : i32
        %add3A_1470 = arith.addi %multiple_of3A_1090, %add3A_1469 : i32
        %add3A_1471 = arith.constant 0 : i32
        %add3A_1472 = arith.addi %add3A_1470, %add3A_1471 : i32
        %get3A_1473 = arith.index_cast %add3A_1472 : i32 to index
        %get3A_1474 = tpu.vector_load %arg11[%get3A_1473] {strides = array<i32>} : memref<13312xf32, #tpu.memory_space<vmem>>, vector<16xf32>,
        %add3A_1475 = arith.addf %get3A_1474, %gather3A_1468 : vector<16xf32>
        %swap3A_1476 = arith.index_cast %add3A_1472 : i32 to index
        %swap3A_1477 = tpu.vector_load %arg11[%swap3A_1476] {strides = array<i32>} : memref<13312xf32, #tpu.memory_space<vmem>>, vector<16xf32>,
        tpu.vector_store %arg11[%swap3A_1476], %add3A_1475 {strides = array<i32>} : memref<13312xf32, #tpu.memory_space<vmem>>, vector<16xf32>,
        %add3A_1478 = arith.addi %broadcast_in_dim3A_1466, %add3A_15 : vector<16xi32>
        %gather3A_1479 = tpu.vector_load_idx %arg6[%add3A_1478] : memref<32768xf32, #tpu.memory_space<vmem>>[vector<16xi32>], vector<16xf32>,
        %add3A_1480 = arith.constant 512 : i32
        %add3A_1481 = arith.addi %multiple_of3A_1090, %add3A_1480 : i32
        %add3A_1482 = arith.constant 16 : i32
        %add3A_1483 = arith.addi %add3A_1481, %add3A_1482 : i32
        %get3A_1484 = arith.index_cast %add3A_1483 : i32 to index
        %get3A_1485 = tpu.vector_load %arg11[%get3A_1484] {strides = array<i32>} : memref<13312xf32, #tpu.memory_space<vmem>>, vector<16xf32>,
        %add3A_1486 = arith.addf %get3A_1485, %gather3A_1479 : vector<16xf32>
        %swap3A_1487 = arith.index_cast %add3A_1483 : i32 to index
        %swap3A_1488 = tpu.vector_load %arg11[%swap3A_1487] {strides = array<i32>} : memref<13312xf32, #tpu.memory_space<vmem>>, vector<16xf32>,
        tpu.vector_store %arg11[%swap3A_1487], %add3A_1486 {strides = array<i32>} : memref<13312xf32, #tpu.memory_space<vmem>>, vector<16xf32>,
        %add3A_1489 = arith.addi %broadcast_in_dim3A_1466, %add3A_19 : vector<16xi32>
        %gather3A_1490 = tpu.vector_load_idx %arg6[%add3A_1489] : memref<32768xf32, #tpu.memory_space<vmem>>[vector<16xi32>], vector<16xf32>,
        %add3A_1491 = arith.constant 512 : i32
        %add3A_1492 = arith.addi %multiple_of3A_1090, %add3A_1491 : i32
        %add3A_1493 = arith.constant 32 : i32
        %add3A_1494 = arith.addi %add3A_1492, %add3A_1493 : i32
        %get3A_1495 = arith.index_cast %add3A_1494 : i32 to index
        %get3A_1496 = tpu.vector_load %arg11[%get3A_1495] {strides = array<i32>} : memref<13312xf32, #tpu.memory_space<vmem>>, vector<16xf32>,
        %add3A_1497 = arith.addf %get3A_1496, %gather3A_1490 : vector<16xf32>
        %swap3A_1498 = arith.index_cast %add3A_1494 : i32 to index
        %swap3A_1499 = tpu.vector_load %arg11[%swap3A_1498] {strides = array<i32>} : memref<13312xf32, #tpu.memory_space<vmem>>, vector<16xf32>,
        tpu.vector_store %arg11[%swap3A_1498], %add3A_1497 {strides = array<i32>} : memref<13312xf32, #tpu.memory_space<vmem>>, vector<16xf32>,
        %add3A_1500 = arith.addi %broadcast_in_dim3A_1466, %add3A_23 : vector<16xi32>
        %gather3A_1501 = tpu.vector_load_idx %arg6[%add3A_1500] : memref<32768xf32, #tpu.memory_space<vmem>>[vector<16xi32>], vector<16xf32>,
        %add3A_1502 = arith.constant 512 : i32
        %add3A_1503 = arith.addi %multiple_of3A_1090, %add3A_1502 : i32
        %add3A_1504 = arith.constant 48 : i32
        %add3A_1505 = arith.addi %add3A_1503, %add3A_1504 : i32
        %get3A_1506 = arith.index_cast %add3A_1505 : i32 to index
        %get3A_1507 = tpu.vector_load %arg11[%get3A_1506] {strides = array<i32>} : memref<13312xf32, #tpu.memory_space<vmem>>, vector<16xf32>,
        %add3A_1508 = arith.addf %get3A_1507, %gather3A_1501 : vector<16xf32>
        %swap3A_1509 = arith.index_cast %add3A_1505 : i32 to index
        %swap3A_1510 = tpu.vector_load %arg11[%swap3A_1509] {strides = array<i32>} : memref<13312xf32, #tpu.memory_space<vmem>>, vector<16xf32>,
        tpu.vector_store %arg11[%swap3A_1509], %add3A_1508 {strides = array<i32>} : memref<13312xf32, #tpu.memory_space<vmem>>, vector<16xf32>,
        %slice3A_1511 = vector.extract_strided_slice %mul3A_1087 {offsets = [9], sizes = [1], strides = [1]} : vector<16xi32> to vector<1xi32>
        %squeeze3A_1512 = vector.extract %slice3A_1511[0] : i32 from vector<1xi32>
        %broadcast_in_dim3A_1513 = vector.broadcast %squeeze3A_1512 : i32 to vector<16xi32>
        %add3A_1514 = arith.addi %broadcast_in_dim3A_1513, %add3A_11 : vector<16xi32>
        %gather3A_1515 = tpu.vector_load_idx %arg6[%add3A_1514] : memref<32768xf32, #tpu.memory_space<vmem>>[vector<16xi32>], vector<16xf32>,
        %add3A_1516 = arith.constant 576 : i32
        %add3A_1517 = arith.addi %multiple_of3A_1090, %add3A_1516 : i32
        %add3A_1518 = arith.constant 0 : i32
        %add3A_1519 = arith.addi %add3A_1517, %add3A_1518 : i32
        %get3A_1520 = arith.index_cast %add3A_1519 : i32 to index
        %get3A_1521 = tpu.vector_load %arg11[%get3A_1520] {strides = array<i32>} : memref<13312xf32, #tpu.memory_space<vmem>>, vector<16xf32>,
        %add3A_1522 = arith.addf %get3A_1521, %gather3A_1515 : vector<16xf32>
        %swap3A_1523 = arith.index_cast %add3A_1519 : i32 to index
        %swap3A_1524 = tpu.vector_load %arg11[%swap3A_1523] {strides = array<i32>} : memref<13312xf32, #tpu.memory_space<vmem>>, vector<16xf32>,
        tpu.vector_store %arg11[%swap3A_1523], %add3A_1522 {strides = array<i32>} : memref<13312xf32, #tpu.memory_space<vmem>>, vector<16xf32>,
        %add3A_1525 = arith.addi %broadcast_in_dim3A_1513, %add3A_15 : vector<16xi32>
        %gather3A_1526 = tpu.vector_load_idx %arg6[%add3A_1525] : memref<32768xf32, #tpu.memory_space<vmem>>[vector<16xi32>], vector<16xf32>,
        %add3A_1527 = arith.constant 576 : i32
        %add3A_1528 = arith.addi %multiple_of3A_1090, %add3A_1527 : i32
        %add3A_1529 = arith.constant 16 : i32
        %add3A_1530 = arith.addi %add3A_1528, %add3A_1529 : i32
        %get3A_1531 = arith.index_cast %add3A_1530 : i32 to index
        %get3A_1532 = tpu.vector_load %arg11[%get3A_1531] {strides = array<i32>} : memref<13312xf32, #tpu.memory_space<vmem>>, vector<16xf32>,
        %add3A_1533 = arith.addf %get3A_1532, %gather3A_1526 : vector<16xf32>
        %swap3A_1534 = arith.index_cast %add3A_1530 : i32 to index
        %swap3A_1535 = tpu.vector_load %arg11[%swap3A_1534] {strides = array<i32>} : memref<13312xf32, #tpu.memory_space<vmem>>, vector<16xf32>,
        tpu.vector_store %arg11[%swap3A_1534], %add3A_1533 {strides = array<i32>} : memref<13312xf32, #tpu.memory_space<vmem>>, vector<16xf32>,
        %add3A_1536 = arith.addi %broadcast_in_dim3A_1513, %add3A_19 : vector<16xi32>
        %gather3A_1537 = tpu.vector_load_idx %arg6[%add3A_1536] : memref<32768xf32, #tpu.memory_space<vmem>>[vector<16xi32>], vector<16xf32>,
        %add3A_1538 = arith.constant 576 : i32
        %add3A_1539 = arith.addi %multiple_of3A_1090, %add3A_1538 : i32
        %add3A_1540 = arith.constant 32 : i32
        %add3A_1541 = arith.addi %add3A_1539, %add3A_1540 : i32
        %get3A_1542 = arith.index_cast %add3A_1541 : i32 to index
        %get3A_1543 = tpu.vector_load %arg11[%get3A_1542] {strides = array<i32>} : memref<13312xf32, #tpu.memory_space<vmem>>, vector<16xf32>,
        %add3A_1544 = arith.addf %get3A_1543, %gather3A_1537 : vector<16xf32>
        %swap3A_1545 = arith.index_cast %add3A_1541 : i32 to index
        %swap3A_1546 = tpu.vector_load %arg11[%swap3A_1545] {strides = array<i32>} : memref<13312xf32, #tpu.memory_space<vmem>>, vector<16xf32>,
        tpu.vector_store %arg11[%swap3A_1545], %add3A_1544 {strides = array<i32>} : memref<13312xf32, #tpu.memory_space<vmem>>, vector<16xf32>,
        %add3A_1547 = arith.addi %broadcast_in_dim3A_1513, %add3A_23 : vector<16xi32>
        %gather3A_1548 = tpu.vector_load_idx %arg6[%add3A_1547] : memref<32768xf32, #tpu.memory_space<vmem>>[vector<16xi32>], vector<16xf32>,
        %add3A_1549 = arith.constant 576 : i32
        %add3A_1550 = arith.addi %multiple_of3A_1090, %add3A_1549 : i32
        %add3A_1551 = arith.constant 48 : i32
        %add3A_1552 = arith.addi %add3A_1550, %add3A_1551 : i32
        %get3A_1553 = arith.index_cast %add3A_1552 : i32 to index
        %get3A_1554 = tpu.vector_load %arg11[%get3A_1553] {strides = array<i32>} : memref<13312xf32, #tpu.memory_space<vmem>>, vector<16xf32>,
        %add3A_1555 = arith.addf %get3A_1554, %gather3A_1548 : vector<16xf32>
        %swap3A_1556 = arith.index_cast %add3A_1552 : i32 to index
        %swap3A_1557 = tpu.vector_load %arg11[%swap3A_1556] {strides = array<i32>} : memref<13312xf32, #tpu.memory_space<vmem>>, vector<16xf32>,
        tpu.vector_store %arg11[%swap3A_1556], %add3A_1555 {strides = array<i32>} : memref<13312xf32, #tpu.memory_space<vmem>>, vector<16xf32>,
        %slice3A_1558 = vector.extract_strided_slice %mul3A_1087 {offsets = [10], sizes = [1], strides = [1]} : vector<16xi32> to vector<1xi32>
        %squeeze3A_1559 = vector.extract %slice3A_1558[0] : i32 from vector<1xi32>
        %broadcast_in_dim3A_1560 = vector.broadcast %squeeze3A_1559 : i32 to vector<16xi32>
        %add3A_1561 = arith.addi %broadcast_in_dim3A_1560, %add3A_11 : vector<16xi32>
        %gather3A_1562 = tpu.vector_load_idx %arg6[%add3A_1561] : memref<32768xf32, #tpu.memory_space<vmem>>[vector<16xi32>], vector<16xf32>,
        %add3A_1563 = arith.constant 640 : i32
        %add3A_1564 = arith.addi %multiple_of3A_1090, %add3A_1563 : i32
        %add3A_1565 = arith.constant 0 : i32
        %add3A_1566 = arith.addi %add3A_1564, %add3A_1565 : i32
        %get3A_1567 = arith.index_cast %add3A_1566 : i32 to index
        %get3A_1568 = tpu.vector_load %arg11[%get3A_1567] {strides = array<i32>} : memref<13312xf32, #tpu.memory_space<vmem>>, vector<16xf32>,
        %add3A_1569 = arith.addf %get3A_1568, %gather3A_1562 : vector<16xf32>
        %swap3A_1570 = arith.index_cast %add3A_1566 : i32 to index
        %swap3A_1571 = tpu.vector_load %arg11[%swap3A_1570] {strides = array<i32>} : memref<13312xf32, #tpu.memory_space<vmem>>, vector<16xf32>,
        tpu.vector_store %arg11[%swap3A_1570], %add3A_1569 {strides = array<i32>} : memref<13312xf32, #tpu.memory_space<vmem>>, vector<16xf32>,
        %add3A_1572 = arith.addi %broadcast_in_dim3A_1560, %add3A_15 : vector<16xi32>
        %gather3A_1573 = tpu.vector_load_idx %arg6[%add3A_1572] : memref<32768xf32, #tpu.memory_space<vmem>>[vector<16xi32>], vector<16xf32>,
        %add3A_1574 = arith.constant 640 : i32
        %add3A_1575 = arith.addi %multiple_of3A_1090, %add3A_1574 : i32
        %add3A_1576 = arith.constant 16 : i32
        %add3A_1577 = arith.addi %add3A_1575, %add3A_1576 : i32
        %get3A_1578 = arith.index_cast %add3A_1577 : i32 to index
        %get3A_1579 = tpu.vector_load %arg11[%get3A_1578] {strides = array<i32>} : memref<13312xf32, #tpu.memory_space<vmem>>, vector<16xf32>,
        %add3A_1580 = arith.addf %get3A_1579, %gather3A_1573 : vector<16xf32>
        %swap3A_1581 = arith.index_cast %add3A_1577 : i32 to index
        %swap3A_1582 = tpu.vector_load %arg11[%swap3A_1581] {strides = array<i32>} : memref<13312xf32, #tpu.memory_space<vmem>>, vector<16xf32>,
        tpu.vector_store %arg11[%swap3A_1581], %add3A_1580 {strides = array<i32>} : memref<13312xf32, #tpu.memory_space<vmem>>, vector<16xf32>,
        %add3A_1583 = arith.addi %broadcast_in_dim3A_1560, %add3A_19 : vector<16xi32>
        %gather3A_1584 = tpu.vector_load_idx %arg6[%add3A_1583] : memref<32768xf32, #tpu.memory_space<vmem>>[vector<16xi32>], vector<16xf32>,
        %add3A_1585 = arith.constant 640 : i32
        %add3A_1586 = arith.addi %multiple_of3A_1090, %add3A_1585 : i32
        %add3A_1587 = arith.constant 32 : i32
        %add3A_1588 = arith.addi %add3A_1586, %add3A_1587 : i32
        %get3A_1589 = arith.index_cast %add3A_1588 : i32 to index
        %get3A_1590 = tpu.vector_load %arg11[%get3A_1589] {strides = array<i32>} : memref<13312xf32, #tpu.memory_space<vmem>>, vector<16xf32>,
        %add3A_1591 = arith.addf %get3A_1590, %gather3A_1584 : vector<16xf32>
        %swap3A_1592 = arith.index_cast %add3A_1588 : i32 to index
        %swap3A_1593 = tpu.vector_load %arg11[%swap3A_1592] {strides = array<i32>} : memref<13312xf32, #tpu.memory_space<vmem>>, vector<16xf32>,
        tpu.vector_store %arg11[%swap3A_1592], %add3A_1591 {strides = array<i32>} : memref<13312xf32, #tpu.memory_space<vmem>>, vector<16xf32>,
        %add3A_1594 = arith.addi %broadcast_in_dim3A_1560, %add3A_23 : vector<16xi32>
        %gather3A_1595 = tpu.vector_load_idx %arg6[%add3A_1594] : memref<32768xf32, #tpu.memory_space<vmem>>[vector<16xi32>], vector<16xf32>,
        %add3A_1596 = arith.constant 640 : i32
        %add3A_1597 = arith.addi %multiple_of3A_1090, %add3A_1596 : i32
        %add3A_1598 = arith.constant 48 : i32
        %add3A_1599 = arith.addi %add3A_1597, %add3A_1598 : i32
        %get3A_1600 = arith.index_cast %add3A_1599 : i32 to index
        %get3A_1601 = tpu.vector_load %arg11[%get3A_1600] {strides = array<i32>} : memref<13312xf32, #tpu.memory_space<vmem>>, vector<16xf32>,
        %add3A_1602 = arith.addf %get3A_1601, %gather3A_1595 : vector<16xf32>
        %swap3A_1603 = arith.index_cast %add3A_1599 : i32 to index
        %swap3A_1604 = tpu.vector_load %arg11[%swap3A_1603] {strides = array<i32>} : memref<13312xf32, #tpu.memory_space<vmem>>, vector<16xf32>,
        tpu.vector_store %arg11[%swap3A_1603], %add3A_1602 {strides = array<i32>} : memref<13312xf32, #tpu.memory_space<vmem>>, vector<16xf32>,
        %slice3A_1605 = vector.extract_strided_slice %mul3A_1087 {offsets = [11], sizes = [1], strides = [1]} : vector<16xi32> to vector<1xi32>
        %squeeze3A_1606 = vector.extract %slice3A_1605[0] : i32 from vector<1xi32>
        %broadcast_in_dim3A_1607 = vector.broadcast %squeeze3A_1606 : i32 to vector<16xi32>
        %add3A_1608 = arith.addi %broadcast_in_dim3A_1607, %add3A_11 : vector<16xi32>
        %gather3A_1609 = tpu.vector_load_idx %arg6[%add3A_1608] : memref<32768xf32, #tpu.memory_space<vmem>>[vector<16xi32>], vector<16xf32>,
        %add3A_1610 = arith.constant 704 : i32
        %add3A_1611 = arith.addi %multiple_of3A_1090, %add3A_1610 : i32
        %add3A_1612 = arith.constant 0 : i32
        %add3A_1613 = arith.addi %add3A_1611, %add3A_1612 : i32
        %get3A_1614 = arith.index_cast %add3A_1613 : i32 to index
        %get3A_1615 = tpu.vector_load %arg11[%get3A_1614] {strides = array<i32>} : memref<13312xf32, #tpu.memory_space<vmem>>, vector<16xf32>,
        %add3A_1616 = arith.addf %get3A_1615, %gather3A_1609 : vector<16xf32>
        %swap3A_1617 = arith.index_cast %add3A_1613 : i32 to index
        %swap3A_1618 = tpu.vector_load %arg11[%swap3A_1617] {strides = array<i32>} : memref<13312xf32, #tpu.memory_space<vmem>>, vector<16xf32>,
        tpu.vector_store %arg11[%swap3A_1617], %add3A_1616 {strides = array<i32>} : memref<13312xf32, #tpu.memory_space<vmem>>, vector<16xf32>,
        %add3A_1619 = arith.addi %broadcast_in_dim3A_1607, %add3A_15 : vector<16xi32>
        %gather3A_1620 = tpu.vector_load_idx %arg6[%add3A_1619] : memref<32768xf32, #tpu.memory_space<vmem>>[vector<16xi32>], vector<16xf32>,
        %add3A_1621 = arith.constant 704 : i32
        %add3A_1622 = arith.addi %multiple_of3A_1090, %add3A_1621 : i32
        %add3A_1623 = arith.constant 16 : i32
        %add3A_1624 = arith.addi %add3A_1622, %add3A_1623 : i32
        %get3A_1625 = arith.index_cast %add3A_1624 : i32 to index
        %get3A_1626 = tpu.vector_load %arg11[%get3A_1625] {strides = array<i32>} : memref<13312xf32, #tpu.memory_space<vmem>>, vector<16xf32>,
        %add3A_1627 = arith.addf %get3A_1626, %gather3A_1620 : vector<16xf32>
        %swap3A_1628 = arith.index_cast %add3A_1624 : i32 to index
        %swap3A_1629 = tpu.vector_load %arg11[%swap3A_1628] {strides = array<i32>} : memref<13312xf32, #tpu.memory_space<vmem>>, vector<16xf32>,
        tpu.vector_store %arg11[%swap3A_1628], %add3A_1627 {strides = array<i32>} : memref<13312xf32, #tpu.memory_space<vmem>>, vector<16xf32>,
        %add3A_1630 = arith.addi %broadcast_in_dim3A_1607, %add3A_19 : vector<16xi32>
        %gather3A_1631 = tpu.vector_load_idx %arg6[%add3A_1630] : memref<32768xf32, #tpu.memory_space<vmem>>[vector<16xi32>], vector<16xf32>,
        %add3A_1632 = arith.constant 704 : i32
        %add3A_1633 = arith.addi %multiple_of3A_1090, %add3A_1632 : i32
        %add3A_1634 = arith.constant 32 : i32
        %add3A_1635 = arith.addi %add3A_1633, %add3A_1634 : i32
        %get3A_1636 = arith.index_cast %add3A_1635 : i32 to index
        %get3A_1637 = tpu.vector_load %arg11[%get3A_1636] {strides = array<i32>} : memref<13312xf32, #tpu.memory_space<vmem>>, vector<16xf32>,
        %add3A_1638 = arith.addf %get3A_1637, %gather3A_1631 : vector<16xf32>
        %swap3A_1639 = arith.index_cast %add3A_1635 : i32 to index
        %swap3A_1640 = tpu.vector_load %arg11[%swap3A_1639] {strides = array<i32>} : memref<13312xf32, #tpu.memory_space<vmem>>, vector<16xf32>,
        tpu.vector_store %arg11[%swap3A_1639], %add3A_1638 {strides = array<i32>} : memref<13312xf32, #tpu.memory_space<vmem>>, vector<16xf32>,
        %add3A_1641 = arith.addi %broadcast_in_dim3A_1607, %add3A_23 : vector<16xi32>
        %gather3A_1642 = tpu.vector_load_idx %arg6[%add3A_1641] : memref<32768xf32, #tpu.memory_space<vmem>>[vector<16xi32>], vector<16xf32>,
        %add3A_1643 = arith.constant 704 : i32
        %add3A_1644 = arith.addi %multiple_of3A_1090, %add3A_1643 : i32
        %add3A_1645 = arith.constant 48 : i32
        %add3A_1646 = arith.addi %add3A_1644, %add3A_1645 : i32
        %get3A_1647 = arith.index_cast %add3A_1646 : i32 to index
        %get3A_1648 = tpu.vector_load %arg11[%get3A_1647] {strides = array<i32>} : memref<13312xf32, #tpu.memory_space<vmem>>, vector<16xf32>,
        %add3A_1649 = arith.addf %get3A_1648, %gather3A_1642 : vector<16xf32>
        %swap3A_1650 = arith.index_cast %add3A_1646 : i32 to index
        %swap3A_1651 = tpu.vector_load %arg11[%swap3A_1650] {strides = array<i32>} : memref<13312xf32, #tpu.memory_space<vmem>>, vector<16xf32>,
        tpu.vector_store %arg11[%swap3A_1650], %add3A_1649 {strides = array<i32>} : memref<13312xf32, #tpu.memory_space<vmem>>, vector<16xf32>,
        %slice3A_1652 = vector.extract_strided_slice %mul3A_1087 {offsets = [12], sizes = [1], strides = [1]} : vector<16xi32> to vector<1xi32>
        %squeeze3A_1653 = vector.extract %slice3A_1652[0] : i32 from vector<1xi32>
        %broadcast_in_dim3A_1654 = vector.broadcast %squeeze3A_1653 : i32 to vector<16xi32>
        %add3A_1655 = arith.addi %broadcast_in_dim3A_1654, %add3A_11 : vector<16xi32>
        %gather3A_1656 = tpu.vector_load_idx %arg6[%add3A_1655] : memref<32768xf32, #tpu.memory_space<vmem>>[vector<16xi32>], vector<16xf32>,
        %add3A_1657 = arith.constant 768 : i32
        %add3A_1658 = arith.addi %multiple_of3A_1090, %add3A_1657 : i32
        %add3A_1659 = arith.constant 0 : i32
        %add3A_1660 = arith.addi %add3A_1658, %add3A_1659 : i32
        %get3A_1661 = arith.index_cast %add3A_1660 : i32 to index
        %get3A_1662 = tpu.vector_load %arg11[%get3A_1661] {strides = array<i32>} : memref<13312xf32, #tpu.memory_space<vmem>>, vector<16xf32>,
        %add3A_1663 = arith.addf %get3A_1662, %gather3A_1656 : vector<16xf32>
        %swap3A_1664 = arith.index_cast %add3A_1660 : i32 to index
        %swap3A_1665 = tpu.vector_load %arg11[%swap3A_1664] {strides = array<i32>} : memref<13312xf32, #tpu.memory_space<vmem>>, vector<16xf32>,
        tpu.vector_store %arg11[%swap3A_1664], %add3A_1663 {strides = array<i32>} : memref<13312xf32, #tpu.memory_space<vmem>>, vector<16xf32>,
        %add3A_1666 = arith.addi %broadcast_in_dim3A_1654, %add3A_15 : vector<16xi32>
        %gather3A_1667 = tpu.vector_load_idx %arg6[%add3A_1666] : memref<32768xf32, #tpu.memory_space<vmem>>[vector<16xi32>], vector<16xf32>,
        %add3A_1668 = arith.constant 768 : i32
        %add3A_1669 = arith.addi %multiple_of3A_1090, %add3A_1668 : i32
        %add3A_1670 = arith.constant 16 : i32
        %add3A_1671 = arith.addi %add3A_1669, %add3A_1670 : i32
        %get3A_1672 = arith.index_cast %add3A_1671 : i32 to index
        %get3A_1673 = tpu.vector_load %arg11[%get3A_1672] {strides = array<i32>} : memref<13312xf32, #tpu.memory_space<vmem>>, vector<16xf32>,
        %add3A_1674 = arith.addf %get3A_1673, %gather3A_1667 : vector<16xf32>
        %swap3A_1675 = arith.index_cast %add3A_1671 : i32 to index
        %swap3A_1676 = tpu.vector_load %arg11[%swap3A_1675] {strides = array<i32>} : memref<13312xf32, #tpu.memory_space<vmem>>, vector<16xf32>,
        tpu.vector_store %arg11[%swap3A_1675], %add3A_1674 {strides = array<i32>} : memref<13312xf32, #tpu.memory_space<vmem>>, vector<16xf32>,
        %add3A_1677 = arith.addi %broadcast_in_dim3A_1654, %add3A_19 : vector<16xi32>
        %gather3A_1678 = tpu.vector_load_idx %arg6[%add3A_1677] : memref<32768xf32, #tpu.memory_space<vmem>>[vector<16xi32>], vector<16xf32>,
        %add3A_1679 = arith.constant 768 : i32
        %add3A_1680 = arith.addi %multiple_of3A_1090, %add3A_1679 : i32
        %add3A_1681 = arith.constant 32 : i32
        %add3A_1682 = arith.addi %add3A_1680, %add3A_1681 : i32
        %get3A_1683 = arith.index_cast %add3A_1682 : i32 to index
        %get3A_1684 = tpu.vector_load %arg11[%get3A_1683] {strides = array<i32>} : memref<13312xf32, #tpu.memory_space<vmem>>, vector<16xf32>,
        %add3A_1685 = arith.addf %get3A_1684, %gather3A_1678 : vector<16xf32>
        %swap3A_1686 = arith.index_cast %add3A_1682 : i32 to index
        %swap3A_1687 = tpu.vector_load %arg11[%swap3A_1686] {strides = array<i32>} : memref<13312xf32, #tpu.memory_space<vmem>>, vector<16xf32>,
        tpu.vector_store %arg11[%swap3A_1686], %add3A_1685 {strides = array<i32>} : memref<13312xf32, #tpu.memory_space<vmem>>, vector<16xf32>,
        %add3A_1688 = arith.addi %broadcast_in_dim3A_1654, %add3A_23 : vector<16xi32>
        %gather3A_1689 = tpu.vector_load_idx %arg6[%add3A_1688] : memref<32768xf32, #tpu.memory_space<vmem>>[vector<16xi32>], vector<16xf32>,
        %add3A_1690 = arith.constant 768 : i32
        %add3A_1691 = arith.addi %multiple_of3A_1090, %add3A_1690 : i32
        %add3A_1692 = arith.constant 48 : i32
        %add3A_1693 = arith.addi %add3A_1691, %add3A_1692 : i32
        %get3A_1694 = arith.index_cast %add3A_1693 : i32 to index
        %get3A_1695 = tpu.vector_load %arg11[%get3A_1694] {strides = array<i32>} : memref<13312xf32, #tpu.memory_space<vmem>>, vector<16xf32>,
        %add3A_1696 = arith.addf %get3A_1695, %gather3A_1689 : vector<16xf32>
        %swap3A_1697 = arith.index_cast %add3A_1693 : i32 to index
        %swap3A_1698 = tpu.vector_load %arg11[%swap3A_1697] {strides = array<i32>} : memref<13312xf32, #tpu.memory_space<vmem>>, vector<16xf32>,
        tpu.vector_store %arg11[%swap3A_1697], %add3A_1696 {strides = array<i32>} : memref<13312xf32, #tpu.memory_space<vmem>>, vector<16xf32>,
        %slice3A_1699 = vector.extract_strided_slice %mul3A_1087 {offsets = [13], sizes = [1], strides = [1]} : vector<16xi32> to vector<1xi32>
        %squeeze3A_1700 = vector.extract %slice3A_1699[0] : i32 from vector<1xi32>
        %broadcast_in_dim3A_1701 = vector.broadcast %squeeze3A_1700 : i32 to vector<16xi32>
        %add3A_1702 = arith.addi %broadcast_in_dim3A_1701, %add3A_11 : vector<16xi32>
        %gather3A_1703 = tpu.vector_load_idx %arg6[%add3A_1702] : memref<32768xf32, #tpu.memory_space<vmem>>[vector<16xi32>], vector<16xf32>,
        %add3A_1704 = arith.constant 832 : i32
        %add3A_1705 = arith.addi %multiple_of3A_1090, %add3A_1704 : i32
        %add3A_1706 = arith.constant 0 : i32
        %add3A_1707 = arith.addi %add3A_1705, %add3A_1706 : i32
        %get3A_1708 = arith.index_cast %add3A_1707 : i32 to index
        %get3A_1709 = tpu.vector_load %arg11[%get3A_1708] {strides = array<i32>} : memref<13312xf32, #tpu.memory_space<vmem>>, vector<16xf32>,
        %add3A_1710 = arith.addf %get3A_1709, %gather3A_1703 : vector<16xf32>
        %swap3A_1711 = arith.index_cast %add3A_1707 : i32 to index
        %swap3A_1712 = tpu.vector_load %arg11[%swap3A_1711] {strides = array<i32>} : memref<13312xf32, #tpu.memory_space<vmem>>, vector<16xf32>,
        tpu.vector_store %arg11[%swap3A_1711], %add3A_1710 {strides = array<i32>} : memref<13312xf32, #tpu.memory_space<vmem>>, vector<16xf32>,
        %add3A_1713 = arith.addi %broadcast_in_dim3A_1701, %add3A_15 : vector<16xi32>
        %gather3A_1714 = tpu.vector_load_idx %arg6[%add3A_1713] : memref<32768xf32, #tpu.memory_space<vmem>>[vector<16xi32>], vector<16xf32>,
        %add3A_1715 = arith.constant 832 : i32
        %add3A_1716 = arith.addi %multiple_of3A_1090, %add3A_1715 : i32
        %add3A_1717 = arith.constant 16 : i32
        %add3A_1718 = arith.addi %add3A_1716, %add3A_1717 : i32
        %get3A_1719 = arith.index_cast %add3A_1718 : i32 to index
        %get3A_1720 = tpu.vector_load %arg11[%get3A_1719] {strides = array<i32>} : memref<13312xf32, #tpu.memory_space<vmem>>, vector<16xf32>,
        %add3A_1721 = arith.addf %get3A_1720, %gather3A_1714 : vector<16xf32>
        %swap3A_1722 = arith.index_cast %add3A_1718 : i32 to index
        %swap3A_1723 = tpu.vector_load %arg11[%swap3A_1722] {strides = array<i32>} : memref<13312xf32, #tpu.memory_space<vmem>>, vector<16xf32>,
        tpu.vector_store %arg11[%swap3A_1722], %add3A_1721 {strides = array<i32>} : memref<13312xf32, #tpu.memory_space<vmem>>, vector<16xf32>,
        %add3A_1724 = arith.addi %broadcast_in_dim3A_1701, %add3A_19 : vector<16xi32>
        %gather3A_1725 = tpu.vector_load_idx %arg6[%add3A_1724] : memref<32768xf32, #tpu.memory_space<vmem>>[vector<16xi32>], vector<16xf32>,
        %add3A_1726 = arith.constant 832 : i32
        %add3A_1727 = arith.addi %multiple_of3A_1090, %add3A_1726 : i32
        %add3A_1728 = arith.constant 32 : i32
        %add3A_1729 = arith.addi %add3A_1727, %add3A_1728 : i32
        %get3A_1730 = arith.index_cast %add3A_1729 : i32 to index
        %get3A_1731 = tpu.vector_load %arg11[%get3A_1730] {strides = array<i32>} : memref<13312xf32, #tpu.memory_space<vmem>>, vector<16xf32>,
        %add3A_1732 = arith.addf %get3A_1731, %gather3A_1725 : vector<16xf32>
        %swap3A_1733 = arith.index_cast %add3A_1729 : i32 to index
        %swap3A_1734 = tpu.vector_load %arg11[%swap3A_1733] {strides = array<i32>} : memref<13312xf32, #tpu.memory_space<vmem>>, vector<16xf32>,
        tpu.vector_store %arg11[%swap3A_1733], %add3A_1732 {strides = array<i32>} : memref<13312xf32, #tpu.memory_space<vmem>>, vector<16xf32>,
        %add3A_1735 = arith.addi %broadcast_in_dim3A_1701, %add3A_23 : vector<16xi32>
        %gather3A_1736 = tpu.vector_load_idx %arg6[%add3A_1735] : memref<32768xf32, #tpu.memory_space<vmem>>[vector<16xi32>], vector<16xf32>,
        %add3A_1737 = arith.constant 832 : i32
        %add3A_1738 = arith.addi %multiple_of3A_1090, %add3A_1737 : i32
        %add3A_1739 = arith.constant 48 : i32
        %add3A_1740 = arith.addi %add3A_1738, %add3A_1739 : i32
        %get3A_1741 = arith.index_cast %add3A_1740 : i32 to index
        %get3A_1742 = tpu.vector_load %arg11[%get3A_1741] {strides = array<i32>} : memref<13312xf32, #tpu.memory_space<vmem>>, vector<16xf32>,
        %add3A_1743 = arith.addf %get3A_1742, %gather3A_1736 : vector<16xf32>
        %swap3A_1744 = arith.index_cast %add3A_1740 : i32 to index
        %swap3A_1745 = tpu.vector_load %arg11[%swap3A_1744] {strides = array<i32>} : memref<13312xf32, #tpu.memory_space<vmem>>, vector<16xf32>,
        tpu.vector_store %arg11[%swap3A_1744], %add3A_1743 {strides = array<i32>} : memref<13312xf32, #tpu.memory_space<vmem>>, vector<16xf32>,
        %slice3A_1746 = vector.extract_strided_slice %mul3A_1087 {offsets = [14], sizes = [1], strides = [1]} : vector<16xi32> to vector<1xi32>
        %squeeze3A_1747 = vector.extract %slice3A_1746[0] : i32 from vector<1xi32>
        %broadcast_in_dim3A_1748 = vector.broadcast %squeeze3A_1747 : i32 to vector<16xi32>
        %add3A_1749 = arith.addi %broadcast_in_dim3A_1748, %add3A_11 : vector<16xi32>
        %gather3A_1750 = tpu.vector_load_idx %arg6[%add3A_1749] : memref<32768xf32, #tpu.memory_space<vmem>>[vector<16xi32>], vector<16xf32>,
        %add3A_1751 = arith.constant 896 : i32
        %add3A_1752 = arith.addi %multiple_of3A_1090, %add3A_1751 : i32
        %add3A_1753 = arith.constant 0 : i32
        %add3A_1754 = arith.addi %add3A_1752, %add3A_1753 : i32
        %get3A_1755 = arith.index_cast %add3A_1754 : i32 to index
        %get3A_1756 = tpu.vector_load %arg11[%get3A_1755] {strides = array<i32>} : memref<13312xf32, #tpu.memory_space<vmem>>, vector<16xf32>,
        %add3A_1757 = arith.addf %get3A_1756, %gather3A_1750 : vector<16xf32>
        %swap3A_1758 = arith.index_cast %add3A_1754 : i32 to index
        %swap3A_1759 = tpu.vector_load %arg11[%swap3A_1758] {strides = array<i32>} : memref<13312xf32, #tpu.memory_space<vmem>>, vector<16xf32>,
        tpu.vector_store %arg11[%swap3A_1758], %add3A_1757 {strides = array<i32>} : memref<13312xf32, #tpu.memory_space<vmem>>, vector<16xf32>,
        %add3A_1760 = arith.addi %broadcast_in_dim3A_1748, %add3A_15 : vector<16xi32>
        %gather3A_1761 = tpu.vector_load_idx %arg6[%add3A_1760] : memref<32768xf32, #tpu.memory_space<vmem>>[vector<16xi32>], vector<16xf32>,
        %add3A_1762 = arith.constant 896 : i32
        %add3A_1763 = arith.addi %multiple_of3A_1090, %add3A_1762 : i32
        %add3A_1764 = arith.constant 16 : i32
        %add3A_1765 = arith.addi %add3A_1763, %add3A_1764 : i32
        %get3A_1766 = arith.index_cast %add3A_1765 : i32 to index
        %get3A_1767 = tpu.vector_load %arg11[%get3A_1766] {strides = array<i32>} : memref<13312xf32, #tpu.memory_space<vmem>>, vector<16xf32>,
        %add3A_1768 = arith.addf %get3A_1767, %gather3A_1761 : vector<16xf32>
        %swap3A_1769 = arith.index_cast %add3A_1765 : i32 to index
        %swap3A_1770 = tpu.vector_load %arg11[%swap3A_1769] {strides = array<i32>} : memref<13312xf32, #tpu.memory_space<vmem>>, vector<16xf32>,
        tpu.vector_store %arg11[%swap3A_1769], %add3A_1768 {strides = array<i32>} : memref<13312xf32, #tpu.memory_space<vmem>>, vector<16xf32>,
        %add3A_1771 = arith.addi %broadcast_in_dim3A_1748, %add3A_19 : vector<16xi32>
        %gather3A_1772 = tpu.vector_load_idx %arg6[%add3A_1771] : memref<32768xf32, #tpu.memory_space<vmem>>[vector<16xi32>], vector<16xf32>,
        %add3A_1773 = arith.constant 896 : i32
        %add3A_1774 = arith.addi %multiple_of3A_1090, %add3A_1773 : i32
        %add3A_1775 = arith.constant 32 : i32
        %add3A_1776 = arith.addi %add3A_1774, %add3A_1775 : i32
        %get3A_1777 = arith.index_cast %add3A_1776 : i32 to index
        %get3A_1778 = tpu.vector_load %arg11[%get3A_1777] {strides = array<i32>} : memref<13312xf32, #tpu.memory_space<vmem>>, vector<16xf32>,
        %add3A_1779 = arith.addf %get3A_1778, %gather3A_1772 : vector<16xf32>
        %swap3A_1780 = arith.index_cast %add3A_1776 : i32 to index
        %swap3A_1781 = tpu.vector_load %arg11[%swap3A_1780] {strides = array<i32>} : memref<13312xf32, #tpu.memory_space<vmem>>, vector<16xf32>,
        tpu.vector_store %arg11[%swap3A_1780], %add3A_1779 {strides = array<i32>} : memref<13312xf32, #tpu.memory_space<vmem>>, vector<16xf32>,
        %add3A_1782 = arith.addi %broadcast_in_dim3A_1748, %add3A_23 : vector<16xi32>
        %gather3A_1783 = tpu.vector_load_idx %arg6[%add3A_1782] : memref<32768xf32, #tpu.memory_space<vmem>>[vector<16xi32>], vector<16xf32>,
        %add3A_1784 = arith.constant 896 : i32
        %add3A_1785 = arith.addi %multiple_of3A_1090, %add3A_1784 : i32
        %add3A_1786 = arith.constant 48 : i32
        %add3A_1787 = arith.addi %add3A_1785, %add3A_1786 : i32
        %get3A_1788 = arith.index_cast %add3A_1787 : i32 to index
        %get3A_1789 = tpu.vector_load %arg11[%get3A_1788] {strides = array<i32>} : memref<13312xf32, #tpu.memory_space<vmem>>, vector<16xf32>,
        %add3A_1790 = arith.addf %get3A_1789, %gather3A_1783 : vector<16xf32>
        %swap3A_1791 = arith.index_cast %add3A_1787 : i32 to index
        %swap3A_1792 = tpu.vector_load %arg11[%swap3A_1791] {strides = array<i32>} : memref<13312xf32, #tpu.memory_space<vmem>>, vector<16xf32>,
        tpu.vector_store %arg11[%swap3A_1791], %add3A_1790 {strides = array<i32>} : memref<13312xf32, #tpu.memory_space<vmem>>, vector<16xf32>,
        %slice3A_1793 = vector.extract_strided_slice %mul3A_1087 {offsets = [15], sizes = [1], strides = [1]} : vector<16xi32> to vector<1xi32>
        %squeeze3A_1794 = vector.extract %slice3A_1793[0] : i32 from vector<1xi32>
        %broadcast_in_dim3A_1795 = vector.broadcast %squeeze3A_1794 : i32 to vector<16xi32>
        %add3A_1796 = arith.addi %broadcast_in_dim3A_1795, %add3A_11 : vector<16xi32>
        %gather3A_1797 = tpu.vector_load_idx %arg6[%add3A_1796] : memref<32768xf32, #tpu.memory_space<vmem>>[vector<16xi32>], vector<16xf32>,
        %add3A_1798 = arith.constant 960 : i32
        %add3A_1799 = arith.addi %multiple_of3A_1090, %add3A_1798 : i32
        %add3A_1800 = arith.constant 0 : i32
        %add3A_1801 = arith.addi %add3A_1799, %add3A_1800 : i32
        %get3A_1802 = arith.index_cast %add3A_1801 : i32 to index
        %get3A_1803 = tpu.vector_load %arg11[%get3A_1802] {strides = array<i32>} : memref<13312xf32, #tpu.memory_space<vmem>>, vector<16xf32>,
        %add3A_1804 = arith.addf %get3A_1803, %gather3A_1797 : vector<16xf32>
        %swap3A_1805 = arith.index_cast %add3A_1801 : i32 to index
        %swap3A_1806 = tpu.vector_load %arg11[%swap3A_1805] {strides = array<i32>} : memref<13312xf32, #tpu.memory_space<vmem>>, vector<16xf32>,
        tpu.vector_store %arg11[%swap3A_1805], %add3A_1804 {strides = array<i32>} : memref<13312xf32, #tpu.memory_space<vmem>>, vector<16xf32>,
        %add3A_1807 = arith.addi %broadcast_in_dim3A_1795, %add3A_15 : vector<16xi32>
        %gather3A_1808 = tpu.vector_load_idx %arg6[%add3A_1807] : memref<32768xf32, #tpu.memory_space<vmem>>[vector<16xi32>], vector<16xf32>,
        %add3A_1809 = arith.constant 960 : i32
        %add3A_1810 = arith.addi %multiple_of3A_1090, %add3A_1809 : i32
        %add3A_1811 = arith.constant 16 : i32
        %add3A_1812 = arith.addi %add3A_1810, %add3A_1811 : i32
        %get3A_1813 = arith.index_cast %add3A_1812 : i32 to index
        %get3A_1814 = tpu.vector_load %arg11[%get3A_1813] {strides = array<i32>} : memref<13312xf32, #tpu.memory_space<vmem>>, vector<16xf32>,
        %add3A_1815 = arith.addf %get3A_1814, %gather3A_1808 : vector<16xf32>
        %swap3A_1816 = arith.index_cast %add3A_1812 : i32 to index
        %swap3A_1817 = tpu.vector_load %arg11[%swap3A_1816] {strides = array<i32>} : memref<13312xf32, #tpu.memory_space<vmem>>, vector<16xf32>,
        tpu.vector_store %arg11[%swap3A_1816], %add3A_1815 {strides = array<i32>} : memref<13312xf32, #tpu.memory_space<vmem>>, vector<16xf32>,
        %add3A_1818 = arith.addi %broadcast_in_dim3A_1795, %add3A_19 : vector<16xi32>
        %gather3A_1819 = tpu.vector_load_idx %arg6[%add3A_1818] : memref<32768xf32, #tpu.memory_space<vmem>>[vector<16xi32>], vector<16xf32>,
        %add3A_1820 = arith.constant 960 : i32
        %add3A_1821 = arith.addi %multiple_of3A_1090, %add3A_1820 : i32
        %add3A_1822 = arith.constant 32 : i32
        %add3A_1823 = arith.addi %add3A_1821, %add3A_1822 : i32
        %get3A_1824 = arith.index_cast %add3A_1823 : i32 to index
        %get3A_1825 = tpu.vector_load %arg11[%get3A_1824] {strides = array<i32>} : memref<13312xf32, #tpu.memory_space<vmem>>, vector<16xf32>,
        %add3A_1826 = arith.addf %get3A_1825, %gather3A_1819 : vector<16xf32>
        %swap3A_1827 = arith.index_cast %add3A_1823 : i32 to index
        %swap3A_1828 = tpu.vector_load %arg11[%swap3A_1827] {strides = array<i32>} : memref<13312xf32, #tpu.memory_space<vmem>>, vector<16xf32>,
        tpu.vector_store %arg11[%swap3A_1827], %add3A_1826 {strides = array<i32>} : memref<13312xf32, #tpu.memory_space<vmem>>, vector<16xf32>,
        %add3A_1829 = arith.addi %broadcast_in_dim3A_1795, %add3A_23 : vector<16xi32>
        %gather3A_1830 = tpu.vector_load_idx %arg6[%add3A_1829] : memref<32768xf32, #tpu.memory_space<vmem>>[vector<16xi32>], vector<16xf32>,
        %add3A_1831 = arith.constant 960 : i32
        %add3A_1832 = arith.addi %multiple_of3A_1090, %add3A_1831 : i32
        %add3A_1833 = arith.constant 48 : i32
        %add3A_1834 = arith.addi %add3A_1832, %add3A_1833 : i32
        %get3A_1835 = arith.index_cast %add3A_1834 : i32 to index
        %get3A_1836 = tpu.vector_load %arg11[%get3A_1835] {strides = array<i32>} : memref<13312xf32, #tpu.memory_space<vmem>>, vector<16xf32>,
        %add3A_1837 = arith.addf %get3A_1836, %gather3A_1830 : vector<16xf32>
        %swap3A_1838 = arith.index_cast %add3A_1834 : i32 to index
        %swap3A_1839 = tpu.vector_load %arg11[%swap3A_1838] {strides = array<i32>} : memref<13312xf32, #tpu.memory_space<vmem>>, vector<16xf32>,
        tpu.vector_store %arg11[%swap3A_1838], %add3A_1837 {strides = array<i32>} : memref<13312xf32, #tpu.memory_space<vmem>>, vector<16xf32>,
        %scan3A_1840 = arith.constant 0 : i32
        scf.yield %scan3A_1840 : i32
      }
      %scan3A_552 = arith.constant 13 : i32
      %add3A_553 = arith.addi %mul3A_2, %mul3A_63 : i32
      %mul3A_554 = arith.constant 12800 : i32
      %mul3A_555 = arith.muli %add3A_553, %mul3A_554 : i32
      %multiple_of3A_556 = tpu.assume_multiple %mul3A_555, 8 : i32
      %dma_start3A_557 = arith.constant 0 : i32
      %dma_start3A_558 = tpu.memref_slice %arg11[%dma_start3A_557] : memref<13312xf32, #tpu.memory_space<vmem>> -> memref<12800xf32, #tpu.memory_space<vmem>>
      %dma_start3A_559 = tpu.memref_slice %arg5[%multiple_of3A_556] : memref<52428800xf32, #tpu.memory_space<hbm>> -> memref<12800xf32, #tpu.memory_space<hbm>>
      %dma_start3A_560 = tpu.memref_slice %arg5[%multiple_of3A_556] : memref<52428800xf32, #tpu.memory_space<hbm>> -> memref<12800xf32, #tpu.memory_space<hbm>>
      %dma_start3A_561 = arith.constant 0 : i32
      %dma_start3A_562 = tpu.memref_slice %arg11[%dma_start3A_561] : memref<13312xf32, #tpu.memory_space<vmem>> -> memref<12800xf32, #tpu.memory_space<vmem>>
      tpu.enqueue_dma source(%dma_start3A_562 : memref<12800xf32, #tpu.memory_space<vmem>>) target(%dma_start3A_560 : memref<12800xf32, #tpu.memory_space<hbm>>) target_semaphore(%arg17 : memref<!tpu.dma_semaphore, #tpu.memory_space<semaphore_mem>>)
      %mul3A_563 = arith.constant 2 : i32
      %mul3A_564 = arith.muli %scan3A_60, %mul3A_563 : i32
      %add3A_565 = arith.constant 1 : i32
      %add3A_566 = arith.addi %mul3A_564, %add3A_565 : i32
      %add3A_567 = arith.addi %mul3A_2, %add3A_566 : i32
      %mul3A_568 = arith.constant 200 : i32
      %mul3A_569 = arith.muli %add3A_567, %mul3A_568 : i32
      %multiple_of3A_570 = tpu.assume_multiple %mul3A_569, 8 : i32
      %dma_wait3A_571 = arith.constant 0 : i32
      %dma_wait3A_572 = tpu.memref_slice %arg8[%dma_wait3A_571] : memref<208xf32, #tpu.memory_space<vmem>> -> memref<200xf32, #tpu.memory_space<vmem>>
      %dma_wait3A_573 = tpu.memref_slice %arg3[%multiple_of3A_570] : memref<819200xf32, #tpu.memory_space<hbm>> -> memref<200xf32, #tpu.memory_space<hbm>>
      %dma_wait3A_574 = arith.constant 0 : i32
      %dma_wait3A_575 = tpu.memref_slice %arg8[%dma_wait3A_574] : memref<208xf32, #tpu.memory_space<vmem>> -> memref<200xf32, #tpu.memory_space<vmem>>
      %dma_wait3A_576 = tpu.memref_slice %arg3[%multiple_of3A_570] : memref<819200xf32, #tpu.memory_space<hbm>> -> memref<200xf32, #tpu.memory_space<hbm>>
      tpu.wait_dma2 semaphore(%arg14 : memref<!tpu.dma_semaphore, #tpu.memory_space<semaphore_mem>>) src(%dma_wait3A_576 : memref<200xf32, #tpu.memory_space<hbm>>) dst(%dma_wait3A_575 : memref<200xf32, #tpu.memory_space<vmem>>)
      %ge3A_577 = arith.constant 1 : i32
      %ge3A_578 = arith.cmpi sge, %add3A_566, %ge3A_577 : i32
      %convert_element_type3A_579 = arith.extui %ge3A_578 : i1 to i32
      %cond3A_580 = arith.constant 0 : i32
      %cond3A_581 = arith.cmpi ne, %convert_element_type3A_579, %cond3A_580 : i32
      scf.if %cond3A_581 {
        %sub3A = arith.constant 1 : i32
        %sub3A_1079 = arith.subi %add3A_566, %sub3A : i32
        %add3A_1080 = arith.addi %mul3A_2, %sub3A_1079 : i32
        %mul3A_1081 = arith.constant 12800 : i32
        %mul3A_1082 = arith.muli %add3A_1080, %mul3A_1081 : i32
        %multiple_of3A_1083 = tpu.assume_multiple %mul3A_1082, 8 : i32
        %dma_wait3A_1084 = arith.constant 0 : i32
        %dma_wait3A_1085 = tpu.memref_slice %arg11[%dma_wait3A_1084] : memref<13312xf32, #tpu.memory_space<vmem>> -> memref<12800xf32, #tpu.memory_space<vmem>>
        %dma_wait3A_1086 = tpu.memref_slice %arg5[%multiple_of3A_1083] : memref<52428800xf32, #tpu.memory_space<hbm>> -> memref<12800xf32, #tpu.memory_space<hbm>>
        %dma_wait3A_1087 = tpu.memref_slice %arg5[%multiple_of3A_1083] : memref<52428800xf32, #tpu.memory_space<hbm>> -> memref<12800xf32, #tpu.memory_space<hbm>>
        %dma_wait3A_1088 = arith.constant 0 : i32
        %dma_wait3A_1089 = tpu.memref_slice %arg11[%dma_wait3A_1088] : memref<13312xf32, #tpu.memory_space<vmem>> -> memref<12800xf32, #tpu.memory_space<vmem>>
        tpu.wait_dma2 semaphore(%arg17 : memref<!tpu.dma_semaphore, #tpu.memory_space<semaphore_mem>>) src(%dma_wait3A_1089 : memref<12800xf32, #tpu.memory_space<vmem>>) dst(%dma_wait3A_1087 : memref<12800xf32, #tpu.memory_space<hbm>>)
      } else {
      }
      %add3A_582 = arith.constant 1 : i32
      %add3A_583 = arith.addi %add3A_566, %add3A_582 : i32
      %lt3A_584 = arith.constant 128 : i32
      %lt3A_585 = arith.cmpi slt, %add3A_583, %lt3A_584 : i32
      %convert_element_type3A_586 = arith.extui %lt3A_585 : i1 to i32
      %cond3A_587 = arith.constant 0 : i32
      %cond3A_588 = arith.cmpi ne, %convert_element_type3A_586, %cond3A_587 : i32
      scf.if %cond3A_588 {
        %add3A_1079 = arith.constant 1 : i32
        %add3A_1080 = arith.addi %add3A_566, %add3A_1079 : i32
        %add3A_1081 = arith.addi %mul3A_2, %add3A_1080 : i32
        %mul3A_1082 = arith.constant 200 : i32
        %mul3A_1083 = arith.muli %add3A_1081, %mul3A_1082 : i32
        %multiple_of3A_1084 = tpu.assume_multiple %mul3A_1083, 8 : i32
        %dma_start3A_1085 = arith.constant 0 : i32
        %dma_start3A_1086 = tpu.memref_slice %arg7[%dma_start3A_1085] : memref<208xf32, #tpu.memory_space<vmem>> -> memref<200xf32, #tpu.memory_space<vmem>>
        %dma_start3A_1087 = tpu.memref_slice %arg3[%multiple_of3A_1084] : memref<819200xf32, #tpu.memory_space<hbm>> -> memref<200xf32, #tpu.memory_space<hbm>>
        %dma_start3A_1088 = arith.constant 0 : i32
        %dma_start3A_1089 = tpu.memref_slice %arg7[%dma_start3A_1088] : memref<208xf32, #tpu.memory_space<vmem>> -> memref<200xf32, #tpu.memory_space<vmem>>
        %dma_start3A_1090 = tpu.memref_slice %arg3[%multiple_of3A_1084] : memref<819200xf32, #tpu.memory_space<hbm>> -> memref<200xf32, #tpu.memory_space<hbm>>
        tpu.enqueue_dma source(%dma_start3A_1090 : memref<200xf32, #tpu.memory_space<hbm>>) target(%dma_start3A_1089 : memref<200xf32, #tpu.memory_space<vmem>>) target_semaphore(%arg13 : memref<!tpu.dma_semaphore, #tpu.memory_space<semaphore_mem>>)
        %add3A_1091 = arith.constant 1 : i32
        %add3A_1092 = arith.addi %add3A_566, %add3A_1091 : i32
        %add3A_1093 = arith.addi %mul3A_2, %add3A_1092 : i32
        %mul3A_1094 = arith.constant 12800 : i32
        %mul3A_1095 = arith.muli %add3A_1093, %mul3A_1094 : i32
        %multiple_of3A_1096 = tpu.assume_multiple %mul3A_1095, 8 : i32
        %dma_start3A_1097 = arith.constant 0 : i32
        %dma_start3A_1098 = tpu.memref_slice %arg11[%dma_start3A_1097] : memref<13312xf32, #tpu.memory_space<vmem>> -> memref<12800xf32, #tpu.memory_space<vmem>>
        %dma_start3A_1099 = tpu.memref_slice %arg2[%multiple_of3A_1096] : memref<52428800xf32, #tpu.memory_space<hbm>> -> memref<12800xf32, #tpu.memory_space<hbm>>
        %dma_start3A_1100 = arith.constant 0 : i32
        %dma_start3A_1101 = tpu.memref_slice %arg11[%dma_start3A_1100] : memref<13312xf32, #tpu.memory_space<vmem>> -> memref<12800xf32, #tpu.memory_space<vmem>>
        %dma_start3A_1102 = tpu.memref_slice %arg2[%multiple_of3A_1096] : memref<52428800xf32, #tpu.memory_space<hbm>> -> memref<12800xf32, #tpu.memory_space<hbm>>
        tpu.enqueue_dma source(%dma_start3A_1102 : memref<12800xf32, #tpu.memory_space<hbm>>) target(%dma_start3A_1101 : memref<12800xf32, #tpu.memory_space<vmem>>) target_semaphore(%arg15 : memref<!tpu.dma_semaphore, #tpu.memory_space<semaphore_mem>>)
      } else {
      }
      %broadcast_in_dim3A_589 = arith.constant 0.000000e+00 : f32
      %broadcast_in_dim3A_590 = vector.broadcast %broadcast_in_dim3A_589 : f32 to vector<16xf32>
      %broadcast_in_dim3A_591 = arith.constant 0xFF800000 : f32
      %broadcast_in_dim3A_592 = vector.broadcast %broadcast_in_dim3A_591 : f32 to vector<16xf32>
      %get3A_593 = arith.constant 0 : index
      %get3A_594 = tpu.vector_load %arg8[%get3A_593] {strides = array<i32>} : memref<208xf32, #tpu.memory_space<vmem>>, vector<16xf32>,
      %broadcast_in_dim3A_595 = arith.constant true
      %broadcast_in_dim3A_596 = vector.broadcast %broadcast_in_dim3A_595 : i1 to vector<16xi1>
      %masked_cumsum3A_597 = tpu.scan <sum>, %get3A_594 masked %broadcast_in_dim3A_596 : vector<16xf32>, vector<16xi1> -> vector<16xf32>
      %add3A_598 = arith.addf %masked_cumsum3A_597, %broadcast_in_dim3A_590 : vector<16xf32>
      %swap3A_599 = arith.constant 0 : index
      %swap3A_600 = tpu.vector_load %arg9[%swap3A_599] {strides = array<i32>} : memref<208xf32, #tpu.memory_space<vmem>>, vector<16xf32>,
      tpu.vector_store %arg9[%swap3A_599], %add3A_598 {strides = array<i32>} : memref<208xf32, #tpu.memory_space<vmem>>, vector<16xf32>,
      %reduce_sum3A_601 = arith.constant true
      %reduce_sum3A_602 = vector.broadcast %reduce_sum3A_601 : i1 to vector<16xi1>
      %reduce_sum3A_603 = tpu.scan <sum>, %get3A_594 masked %reduce_sum3A_602 : vector<16xf32>, vector<16xi1> -> vector<16xf32>
      %reduce_sum3A_604 = vector.extract %reduce_sum3A_603[15] : f32 from vector<16xf32>
      %add3A_605 = vector.broadcast %reduce_sum3A_604 : f32 to vector<16xf32>
      %add3A_606 = arith.addf %broadcast_in_dim3A_590, %add3A_605 : vector<16xf32>
      %reduce_max3A_607 = arith.constant true
      %reduce_max3A_608 = vector.broadcast %reduce_max3A_607 : i1 to vector<16xi1>
      %reduce_max3A_609 = tpu.scan <max>, %add3A_598 masked %reduce_max3A_608 : vector<16xf32>, vector<16xi1> -> vector<16xf32>
      %reduce_max3A_610 = vector.extract %reduce_max3A_609[15] : f32 from vector<16xf32>
      %max3A_611 = vector.broadcast %reduce_max3A_610 : f32 to vector<16xf32>
      %max3A_612 = arith.maximumf %broadcast_in_dim3A_592, %max3A_611 : vector<16xf32>
      %get3A_613 = arith.constant 16 : index
      %get3A_614 = tpu.vector_load %arg8[%get3A_613] {strides = array<i32>} : memref<208xf32, #tpu.memory_space<vmem>>, vector<16xf32>,
      %broadcast_in_dim3A_615 = arith.constant true
      %broadcast_in_dim3A_616 = vector.broadcast %broadcast_in_dim3A_615 : i1 to vector<16xi1>
      %masked_cumsum3A_617 = tpu.scan <sum>, %get3A_614 masked %broadcast_in_dim3A_616 : vector<16xf32>, vector<16xi1> -> vector<16xf32>
      %add3A_618 = arith.addf %masked_cumsum3A_617, %add3A_606 : vector<16xf32>
      %swap3A_619 = arith.constant 16 : index
      %swap3A_620 = tpu.vector_load %arg9[%swap3A_619] {strides = array<i32>} : memref<208xf32, #tpu.memory_space<vmem>>, vector<16xf32>,
      tpu.vector_store %arg9[%swap3A_619], %add3A_618 {strides = array<i32>} : memref<208xf32, #tpu.memory_space<vmem>>, vector<16xf32>,
      %reduce_sum3A_621 = arith.constant true
      %reduce_sum3A_622 = vector.broadcast %reduce_sum3A_621 : i1 to vector<16xi1>
      %reduce_sum3A_623 = tpu.scan <sum>, %get3A_614 masked %reduce_sum3A_622 : vector<16xf32>, vector<16xi1> -> vector<16xf32>
      %reduce_sum3A_624 = vector.extract %reduce_sum3A_623[15] : f32 from vector<16xf32>
      %add3A_625 = vector.broadcast %reduce_sum3A_624 : f32 to vector<16xf32>
      %add3A_626 = arith.addf %add3A_606, %add3A_625 : vector<16xf32>
      %reduce_max3A_627 = arith.constant true
      %reduce_max3A_628 = vector.broadcast %reduce_max3A_627 : i1 to vector<16xi1>
      %reduce_max3A_629 = tpu.scan <max>, %add3A_618 masked %reduce_max3A_628 : vector<16xf32>, vector<16xi1> -> vector<16xf32>
      %reduce_max3A_630 = vector.extract %reduce_max3A_629[15] : f32 from vector<16xf32>
      %max3A_631 = vector.broadcast %reduce_max3A_630 : f32 to vector<16xf32>
      %max3A_632 = arith.maximumf %max3A_612, %max3A_631 : vector<16xf32>
      %get3A_633 = arith.constant 32 : index
      %get3A_634 = tpu.vector_load %arg8[%get3A_633] {strides = array<i32>} : memref<208xf32, #tpu.memory_space<vmem>>, vector<16xf32>,
      %broadcast_in_dim3A_635 = arith.constant true
      %broadcast_in_dim3A_636 = vector.broadcast %broadcast_in_dim3A_635 : i1 to vector<16xi1>
      %masked_cumsum3A_637 = tpu.scan <sum>, %get3A_634 masked %broadcast_in_dim3A_636 : vector<16xf32>, vector<16xi1> -> vector<16xf32>
      %add3A_638 = arith.addf %masked_cumsum3A_637, %add3A_626 : vector<16xf32>
      %swap3A_639 = arith.constant 32 : index
      %swap3A_640 = tpu.vector_load %arg9[%swap3A_639] {strides = array<i32>} : memref<208xf32, #tpu.memory_space<vmem>>, vector<16xf32>,
      tpu.vector_store %arg9[%swap3A_639], %add3A_638 {strides = array<i32>} : memref<208xf32, #tpu.memory_space<vmem>>, vector<16xf32>,
      %reduce_sum3A_641 = arith.constant true
      %reduce_sum3A_642 = vector.broadcast %reduce_sum3A_641 : i1 to vector<16xi1>
      %reduce_sum3A_643 = tpu.scan <sum>, %get3A_634 masked %reduce_sum3A_642 : vector<16xf32>, vector<16xi1> -> vector<16xf32>
      %reduce_sum3A_644 = vector.extract %reduce_sum3A_643[15] : f32 from vector<16xf32>
      %add3A_645 = vector.broadcast %reduce_sum3A_644 : f32 to vector<16xf32>
      %add3A_646 = arith.addf %add3A_626, %add3A_645 : vector<16xf32>
      %reduce_max3A_647 = arith.constant true
      %reduce_max3A_648 = vector.broadcast %reduce_max3A_647 : i1 to vector<16xi1>
      %reduce_max3A_649 = tpu.scan <max>, %add3A_638 masked %reduce_max3A_648 : vector<16xf32>, vector<16xi1> -> vector<16xf32>
      %reduce_max3A_650 = vector.extract %reduce_max3A_649[15] : f32 from vector<16xf32>
      %max3A_651 = vector.broadcast %reduce_max3A_650 : f32 to vector<16xf32>
      %max3A_652 = arith.maximumf %max3A_632, %max3A_651 : vector<16xf32>
      %get3A_653 = arith.constant 48 : index
      %get3A_654 = tpu.vector_load %arg8[%get3A_653] {strides = array<i32>} : memref<208xf32, #tpu.memory_space<vmem>>, vector<16xf32>,
      %broadcast_in_dim3A_655 = arith.constant true
      %broadcast_in_dim3A_656 = vector.broadcast %broadcast_in_dim3A_655 : i1 to vector<16xi1>
      %masked_cumsum3A_657 = tpu.scan <sum>, %get3A_654 masked %broadcast_in_dim3A_656 : vector<16xf32>, vector<16xi1> -> vector<16xf32>
      %add3A_658 = arith.addf %masked_cumsum3A_657, %add3A_646 : vector<16xf32>
      %swap3A_659 = arith.constant 48 : index
      %swap3A_660 = tpu.vector_load %arg9[%swap3A_659] {strides = array<i32>} : memref<208xf32, #tpu.memory_space<vmem>>, vector<16xf32>,
      tpu.vector_store %arg9[%swap3A_659], %add3A_658 {strides = array<i32>} : memref<208xf32, #tpu.memory_space<vmem>>, vector<16xf32>,
      %reduce_sum3A_661 = arith.constant true
      %reduce_sum3A_662 = vector.broadcast %reduce_sum3A_661 : i1 to vector<16xi1>
      %reduce_sum3A_663 = tpu.scan <sum>, %get3A_654 masked %reduce_sum3A_662 : vector<16xf32>, vector<16xi1> -> vector<16xf32>
      %reduce_sum3A_664 = vector.extract %reduce_sum3A_663[15] : f32 from vector<16xf32>
      %add3A_665 = vector.broadcast %reduce_sum3A_664 : f32 to vector<16xf32>
      %add3A_666 = arith.addf %add3A_646, %add3A_665 : vector<16xf32>
      %reduce_max3A_667 = arith.constant true
      %reduce_max3A_668 = vector.broadcast %reduce_max3A_667 : i1 to vector<16xi1>
      %reduce_max3A_669 = tpu.scan <max>, %add3A_658 masked %reduce_max3A_668 : vector<16xf32>, vector<16xi1> -> vector<16xf32>
      %reduce_max3A_670 = vector.extract %reduce_max3A_669[15] : f32 from vector<16xf32>
      %max3A_671 = vector.broadcast %reduce_max3A_670 : f32 to vector<16xf32>
      %max3A_672 = arith.maximumf %max3A_652, %max3A_671 : vector<16xf32>
      %get3A_673 = arith.constant 64 : index
      %get3A_674 = tpu.vector_load %arg8[%get3A_673] {strides = array<i32>} : memref<208xf32, #tpu.memory_space<vmem>>, vector<16xf32>,
      %broadcast_in_dim3A_675 = arith.constant true
      %broadcast_in_dim3A_676 = vector.broadcast %broadcast_in_dim3A_675 : i1 to vector<16xi1>
      %masked_cumsum3A_677 = tpu.scan <sum>, %get3A_674 masked %broadcast_in_dim3A_676 : vector<16xf32>, vector<16xi1> -> vector<16xf32>
      %add3A_678 = arith.addf %masked_cumsum3A_677, %add3A_666 : vector<16xf32>
      %swap3A_679 = arith.constant 64 : index
      %swap3A_680 = tpu.vector_load %arg9[%swap3A_679] {strides = array<i32>} : memref<208xf32, #tpu.memory_space<vmem>>, vector<16xf32>,
      tpu.vector_store %arg9[%swap3A_679], %add3A_678 {strides = array<i32>} : memref<208xf32, #tpu.memory_space<vmem>>, vector<16xf32>,
      %reduce_sum3A_681 = arith.constant true
      %reduce_sum3A_682 = vector.broadcast %reduce_sum3A_681 : i1 to vector<16xi1>
      %reduce_sum3A_683 = tpu.scan <sum>, %get3A_674 masked %reduce_sum3A_682 : vector<16xf32>, vector<16xi1> -> vector<16xf32>
      %reduce_sum3A_684 = vector.extract %reduce_sum3A_683[15] : f32 from vector<16xf32>
      %add3A_685 = vector.broadcast %reduce_sum3A_684 : f32 to vector<16xf32>
      %add3A_686 = arith.addf %add3A_666, %add3A_685 : vector<16xf32>
      %reduce_max3A_687 = arith.constant true
      %reduce_max3A_688 = vector.broadcast %reduce_max3A_687 : i1 to vector<16xi1>
      %reduce_max3A_689 = tpu.scan <max>, %add3A_678 masked %reduce_max3A_688 : vector<16xf32>, vector<16xi1> -> vector<16xf32>
      %reduce_max3A_690 = vector.extract %reduce_max3A_689[15] : f32 from vector<16xf32>
      %max3A_691 = vector.broadcast %reduce_max3A_690 : f32 to vector<16xf32>
      %max3A_692 = arith.maximumf %max3A_672, %max3A_691 : vector<16xf32>
      %get3A_693 = arith.constant 80 : index
      %get3A_694 = tpu.vector_load %arg8[%get3A_693] {strides = array<i32>} : memref<208xf32, #tpu.memory_space<vmem>>, vector<16xf32>,
      %broadcast_in_dim3A_695 = arith.constant true
      %broadcast_in_dim3A_696 = vector.broadcast %broadcast_in_dim3A_695 : i1 to vector<16xi1>
      %masked_cumsum3A_697 = tpu.scan <sum>, %get3A_694 masked %broadcast_in_dim3A_696 : vector<16xf32>, vector<16xi1> -> vector<16xf32>
      %add3A_698 = arith.addf %masked_cumsum3A_697, %add3A_686 : vector<16xf32>
      %swap3A_699 = arith.constant 80 : index
      %swap3A_700 = tpu.vector_load %arg9[%swap3A_699] {strides = array<i32>} : memref<208xf32, #tpu.memory_space<vmem>>, vector<16xf32>,
      tpu.vector_store %arg9[%swap3A_699], %add3A_698 {strides = array<i32>} : memref<208xf32, #tpu.memory_space<vmem>>, vector<16xf32>,
      %reduce_sum3A_701 = arith.constant true
      %reduce_sum3A_702 = vector.broadcast %reduce_sum3A_701 : i1 to vector<16xi1>
      %reduce_sum3A_703 = tpu.scan <sum>, %get3A_694 masked %reduce_sum3A_702 : vector<16xf32>, vector<16xi1> -> vector<16xf32>
      %reduce_sum3A_704 = vector.extract %reduce_sum3A_703[15] : f32 from vector<16xf32>
      %add3A_705 = vector.broadcast %reduce_sum3A_704 : f32 to vector<16xf32>
      %add3A_706 = arith.addf %add3A_686, %add3A_705 : vector<16xf32>
      %reduce_max3A_707 = arith.constant true
      %reduce_max3A_708 = vector.broadcast %reduce_max3A_707 : i1 to vector<16xi1>
      %reduce_max3A_709 = tpu.scan <max>, %add3A_698 masked %reduce_max3A_708 : vector<16xf32>, vector<16xi1> -> vector<16xf32>
      %reduce_max3A_710 = vector.extract %reduce_max3A_709[15] : f32 from vector<16xf32>
      %max3A_711 = vector.broadcast %reduce_max3A_710 : f32 to vector<16xf32>
      %max3A_712 = arith.maximumf %max3A_692, %max3A_711 : vector<16xf32>
      %get3A_713 = arith.constant 96 : index
      %get3A_714 = tpu.vector_load %arg8[%get3A_713] {strides = array<i32>} : memref<208xf32, #tpu.memory_space<vmem>>, vector<16xf32>,
      %broadcast_in_dim3A_715 = arith.constant true
      %broadcast_in_dim3A_716 = vector.broadcast %broadcast_in_dim3A_715 : i1 to vector<16xi1>
      %masked_cumsum3A_717 = tpu.scan <sum>, %get3A_714 masked %broadcast_in_dim3A_716 : vector<16xf32>, vector<16xi1> -> vector<16xf32>
      %add3A_718 = arith.addf %masked_cumsum3A_717, %add3A_706 : vector<16xf32>
      %swap3A_719 = arith.constant 96 : index
      %swap3A_720 = tpu.vector_load %arg9[%swap3A_719] {strides = array<i32>} : memref<208xf32, #tpu.memory_space<vmem>>, vector<16xf32>,
      tpu.vector_store %arg9[%swap3A_719], %add3A_718 {strides = array<i32>} : memref<208xf32, #tpu.memory_space<vmem>>, vector<16xf32>,
      %reduce_sum3A_721 = arith.constant true
      %reduce_sum3A_722 = vector.broadcast %reduce_sum3A_721 : i1 to vector<16xi1>
      %reduce_sum3A_723 = tpu.scan <sum>, %get3A_714 masked %reduce_sum3A_722 : vector<16xf32>, vector<16xi1> -> vector<16xf32>
      %reduce_sum3A_724 = vector.extract %reduce_sum3A_723[15] : f32 from vector<16xf32>
      %add3A_725 = vector.broadcast %reduce_sum3A_724 : f32 to vector<16xf32>
      %add3A_726 = arith.addf %add3A_706, %add3A_725 : vector<16xf32>
      %reduce_max3A_727 = arith.constant true
      %reduce_max3A_728 = vector.broadcast %reduce_max3A_727 : i1 to vector<16xi1>
      %reduce_max3A_729 = tpu.scan <max>, %add3A_718 masked %reduce_max3A_728 : vector<16xf32>, vector<16xi1> -> vector<16xf32>
      %reduce_max3A_730 = vector.extract %reduce_max3A_729[15] : f32 from vector<16xf32>
      %max3A_731 = vector.broadcast %reduce_max3A_730 : f32 to vector<16xf32>
      %max3A_732 = arith.maximumf %max3A_712, %max3A_731 : vector<16xf32>
      %get3A_733 = arith.constant 112 : index
      %get3A_734 = tpu.vector_load %arg8[%get3A_733] {strides = array<i32>} : memref<208xf32, #tpu.memory_space<vmem>>, vector<16xf32>,
      %broadcast_in_dim3A_735 = arith.constant true
      %broadcast_in_dim3A_736 = vector.broadcast %broadcast_in_dim3A_735 : i1 to vector<16xi1>
      %masked_cumsum3A_737 = tpu.scan <sum>, %get3A_734 masked %broadcast_in_dim3A_736 : vector<16xf32>, vector<16xi1> -> vector<16xf32>
      %add3A_738 = arith.addf %masked_cumsum3A_737, %add3A_726 : vector<16xf32>
      %swap3A_739 = arith.constant 112 : index
      %swap3A_740 = tpu.vector_load %arg9[%swap3A_739] {strides = array<i32>} : memref<208xf32, #tpu.memory_space<vmem>>, vector<16xf32>,
      tpu.vector_store %arg9[%swap3A_739], %add3A_738 {strides = array<i32>} : memref<208xf32, #tpu.memory_space<vmem>>, vector<16xf32>,
      %reduce_sum3A_741 = arith.constant true
      %reduce_sum3A_742 = vector.broadcast %reduce_sum3A_741 : i1 to vector<16xi1>
      %reduce_sum3A_743 = tpu.scan <sum>, %get3A_734 masked %reduce_sum3A_742 : vector<16xf32>, vector<16xi1> -> vector<16xf32>
      %reduce_sum3A_744 = vector.extract %reduce_sum3A_743[15] : f32 from vector<16xf32>
      %add3A_745 = vector.broadcast %reduce_sum3A_744 : f32 to vector<16xf32>
      %add3A_746 = arith.addf %add3A_726, %add3A_745 : vector<16xf32>
      %reduce_max3A_747 = arith.constant true
      %reduce_max3A_748 = vector.broadcast %reduce_max3A_747 : i1 to vector<16xi1>
      %reduce_max3A_749 = tpu.scan <max>, %add3A_738 masked %reduce_max3A_748 : vector<16xf32>, vector<16xi1> -> vector<16xf32>
      %reduce_max3A_750 = vector.extract %reduce_max3A_749[15] : f32 from vector<16xf32>
      %max3A_751 = vector.broadcast %reduce_max3A_750 : f32 to vector<16xf32>
      %max3A_752 = arith.maximumf %max3A_732, %max3A_751 : vector<16xf32>
      %get3A_753 = arith.constant 128 : index
      %get3A_754 = tpu.vector_load %arg8[%get3A_753] {strides = array<i32>} : memref<208xf32, #tpu.memory_space<vmem>>, vector<16xf32>,
      %broadcast_in_dim3A_755 = arith.constant true
      %broadcast_in_dim3A_756 = vector.broadcast %broadcast_in_dim3A_755 : i1 to vector<16xi1>
      %masked_cumsum3A_757 = tpu.scan <sum>, %get3A_754 masked %broadcast_in_dim3A_756 : vector<16xf32>, vector<16xi1> -> vector<16xf32>
      %add3A_758 = arith.addf %masked_cumsum3A_757, %add3A_746 : vector<16xf32>
      %swap3A_759 = arith.constant 128 : index
      %swap3A_760 = tpu.vector_load %arg9[%swap3A_759] {strides = array<i32>} : memref<208xf32, #tpu.memory_space<vmem>>, vector<16xf32>,
      tpu.vector_store %arg9[%swap3A_759], %add3A_758 {strides = array<i32>} : memref<208xf32, #tpu.memory_space<vmem>>, vector<16xf32>,
      %reduce_sum3A_761 = arith.constant true
      %reduce_sum3A_762 = vector.broadcast %reduce_sum3A_761 : i1 to vector<16xi1>
      %reduce_sum3A_763 = tpu.scan <sum>, %get3A_754 masked %reduce_sum3A_762 : vector<16xf32>, vector<16xi1> -> vector<16xf32>
      %reduce_sum3A_764 = vector.extract %reduce_sum3A_763[15] : f32 from vector<16xf32>
      %add3A_765 = vector.broadcast %reduce_sum3A_764 : f32 to vector<16xf32>
      %add3A_766 = arith.addf %add3A_746, %add3A_765 : vector<16xf32>
      %reduce_max3A_767 = arith.constant true
      %reduce_max3A_768 = vector.broadcast %reduce_max3A_767 : i1 to vector<16xi1>
      %reduce_max3A_769 = tpu.scan <max>, %add3A_758 masked %reduce_max3A_768 : vector<16xf32>, vector<16xi1> -> vector<16xf32>
      %reduce_max3A_770 = vector.extract %reduce_max3A_769[15] : f32 from vector<16xf32>
      %max3A_771 = vector.broadcast %reduce_max3A_770 : f32 to vector<16xf32>
      %max3A_772 = arith.maximumf %max3A_752, %max3A_771 : vector<16xf32>
      %get3A_773 = arith.constant 144 : index
      %get3A_774 = tpu.vector_load %arg8[%get3A_773] {strides = array<i32>} : memref<208xf32, #tpu.memory_space<vmem>>, vector<16xf32>,
      %broadcast_in_dim3A_775 = arith.constant true
      %broadcast_in_dim3A_776 = vector.broadcast %broadcast_in_dim3A_775 : i1 to vector<16xi1>
      %masked_cumsum3A_777 = tpu.scan <sum>, %get3A_774 masked %broadcast_in_dim3A_776 : vector<16xf32>, vector<16xi1> -> vector<16xf32>
      %add3A_778 = arith.addf %masked_cumsum3A_777, %add3A_766 : vector<16xf32>
      %swap3A_779 = arith.constant 144 : index
      %swap3A_780 = tpu.vector_load %arg9[%swap3A_779] {strides = array<i32>} : memref<208xf32, #tpu.memory_space<vmem>>, vector<16xf32>,
      tpu.vector_store %arg9[%swap3A_779], %add3A_778 {strides = array<i32>} : memref<208xf32, #tpu.memory_space<vmem>>, vector<16xf32>,
      %reduce_sum3A_781 = arith.constant true
      %reduce_sum3A_782 = vector.broadcast %reduce_sum3A_781 : i1 to vector<16xi1>
      %reduce_sum3A_783 = tpu.scan <sum>, %get3A_774 masked %reduce_sum3A_782 : vector<16xf32>, vector<16xi1> -> vector<16xf32>
      %reduce_sum3A_784 = vector.extract %reduce_sum3A_783[15] : f32 from vector<16xf32>
      %add3A_785 = vector.broadcast %reduce_sum3A_784 : f32 to vector<16xf32>
      %add3A_786 = arith.addf %add3A_766, %add3A_785 : vector<16xf32>
      %reduce_max3A_787 = arith.constant true
      %reduce_max3A_788 = vector.broadcast %reduce_max3A_787 : i1 to vector<16xi1>
      %reduce_max3A_789 = tpu.scan <max>, %add3A_778 masked %reduce_max3A_788 : vector<16xf32>, vector<16xi1> -> vector<16xf32>
      %reduce_max3A_790 = vector.extract %reduce_max3A_789[15] : f32 from vector<16xf32>
      %max3A_791 = vector.broadcast %reduce_max3A_790 : f32 to vector<16xf32>
      %max3A_792 = arith.maximumf %max3A_772, %max3A_791 : vector<16xf32>
      %get3A_793 = arith.constant 160 : index
      %get3A_794 = tpu.vector_load %arg8[%get3A_793] {strides = array<i32>} : memref<208xf32, #tpu.memory_space<vmem>>, vector<16xf32>,
      %broadcast_in_dim3A_795 = arith.constant true
      %broadcast_in_dim3A_796 = vector.broadcast %broadcast_in_dim3A_795 : i1 to vector<16xi1>
      %masked_cumsum3A_797 = tpu.scan <sum>, %get3A_794 masked %broadcast_in_dim3A_796 : vector<16xf32>, vector<16xi1> -> vector<16xf32>
      %add3A_798 = arith.addf %masked_cumsum3A_797, %add3A_786 : vector<16xf32>
      %swap3A_799 = arith.constant 160 : index
      %swap3A_800 = tpu.vector_load %arg9[%swap3A_799] {strides = array<i32>} : memref<208xf32, #tpu.memory_space<vmem>>, vector<16xf32>,
      tpu.vector_store %arg9[%swap3A_799], %add3A_798 {strides = array<i32>} : memref<208xf32, #tpu.memory_space<vmem>>, vector<16xf32>,
      %reduce_sum3A_801 = arith.constant true
      %reduce_sum3A_802 = vector.broadcast %reduce_sum3A_801 : i1 to vector<16xi1>
      %reduce_sum3A_803 = tpu.scan <sum>, %get3A_794 masked %reduce_sum3A_802 : vector<16xf32>, vector<16xi1> -> vector<16xf32>
      %reduce_sum3A_804 = vector.extract %reduce_sum3A_803[15] : f32 from vector<16xf32>
      %add3A_805 = vector.broadcast %reduce_sum3A_804 : f32 to vector<16xf32>
      %add3A_806 = arith.addf %add3A_786, %add3A_805 : vector<16xf32>
      %reduce_max3A_807 = arith.constant true
      %reduce_max3A_808 = vector.broadcast %reduce_max3A_807 : i1 to vector<16xi1>
      %reduce_max3A_809 = tpu.scan <max>, %add3A_798 masked %reduce_max3A_808 : vector<16xf32>, vector<16xi1> -> vector<16xf32>
      %reduce_max3A_810 = vector.extract %reduce_max3A_809[15] : f32 from vector<16xf32>
      %max3A_811 = vector.broadcast %reduce_max3A_810 : f32 to vector<16xf32>
      %max3A_812 = arith.maximumf %max3A_792, %max3A_811 : vector<16xf32>
      %get3A_813 = arith.constant 176 : index
      %get3A_814 = tpu.vector_load %arg8[%get3A_813] {strides = array<i32>} : memref<208xf32, #tpu.memory_space<vmem>>, vector<16xf32>,
      %broadcast_in_dim3A_815 = arith.constant true
      %broadcast_in_dim3A_816 = vector.broadcast %broadcast_in_dim3A_815 : i1 to vector<16xi1>
      %masked_cumsum3A_817 = tpu.scan <sum>, %get3A_814 masked %broadcast_in_dim3A_816 : vector<16xf32>, vector<16xi1> -> vector<16xf32>
      %add3A_818 = arith.addf %masked_cumsum3A_817, %add3A_806 : vector<16xf32>
      %swap3A_819 = arith.constant 176 : index
      %swap3A_820 = tpu.vector_load %arg9[%swap3A_819] {strides = array<i32>} : memref<208xf32, #tpu.memory_space<vmem>>, vector<16xf32>,
      tpu.vector_store %arg9[%swap3A_819], %add3A_818 {strides = array<i32>} : memref<208xf32, #tpu.memory_space<vmem>>, vector<16xf32>,
      %reduce_sum3A_821 = arith.constant true
      %reduce_sum3A_822 = vector.broadcast %reduce_sum3A_821 : i1 to vector<16xi1>
      %reduce_sum3A_823 = tpu.scan <sum>, %get3A_814 masked %reduce_sum3A_822 : vector<16xf32>, vector<16xi1> -> vector<16xf32>
      %reduce_sum3A_824 = vector.extract %reduce_sum3A_823[15] : f32 from vector<16xf32>
      %add3A_825 = vector.broadcast %reduce_sum3A_824 : f32 to vector<16xf32>
      %add3A_826 = arith.addf %add3A_806, %add3A_825 : vector<16xf32>
      %reduce_max3A_827 = arith.constant true
      %reduce_max3A_828 = vector.broadcast %reduce_max3A_827 : i1 to vector<16xi1>
      %reduce_max3A_829 = tpu.scan <max>, %add3A_818 masked %reduce_max3A_828 : vector<16xf32>, vector<16xi1> -> vector<16xf32>
      %reduce_max3A_830 = vector.extract %reduce_max3A_829[15] : f32 from vector<16xf32>
      %max3A_831 = vector.broadcast %reduce_max3A_830 : f32 to vector<16xf32>
      %max3A_832 = arith.maximumf %max3A_812, %max3A_831 : vector<16xf32>
      %get3A_833 = arith.constant 192 : index
      %get3A_834 = tpu.vector_load %arg8[%get3A_833] {strides = array<i32>} : memref<208xf32, #tpu.memory_space<vmem>>, vector<16xf32>,
      %broadcast_in_dim3A_835 = arith.constant true
      %broadcast_in_dim3A_836 = vector.broadcast %broadcast_in_dim3A_835 : i1 to vector<16xi1>
      %masked_cumsum3A_837 = tpu.scan <sum>, %get3A_834 masked %broadcast_in_dim3A_836 : vector<16xf32>, vector<16xi1> -> vector<16xf32>
      %add3A_838 = arith.addf %masked_cumsum3A_837, %add3A_826 : vector<16xf32>
      %swap3A_839 = arith.constant 192 : index
      %swap3A_840 = tpu.vector_load %arg9[%swap3A_839] {strides = array<i32>} : memref<208xf32, #tpu.memory_space<vmem>>, vector<16xf32>,
      tpu.vector_store %arg9[%swap3A_839], %add3A_838 {strides = array<i32>} : memref<208xf32, #tpu.memory_space<vmem>>, vector<16xf32>,
      %reduce_sum3A_841 = arith.constant true
      %reduce_sum3A_842 = vector.broadcast %reduce_sum3A_841 : i1 to vector<16xi1>
      %reduce_sum3A_843 = tpu.scan <sum>, %get3A_834 masked %reduce_sum3A_842 : vector<16xf32>, vector<16xi1> -> vector<16xf32>
      %reduce_sum3A_844 = vector.extract %reduce_sum3A_843[15] : f32 from vector<16xf32>
      %add3A_845 = vector.broadcast %reduce_sum3A_844 : f32 to vector<16xf32>
      %add3A_846 = arith.addf %add3A_826, %add3A_845 : vector<16xf32>
      %reduce_max3A_847 = arith.constant true
      %reduce_max3A_848 = vector.broadcast %reduce_max3A_847 : i1 to vector<16xi1>
      %reduce_max3A_849 = tpu.scan <max>, %add3A_838 masked %reduce_max3A_848 : vector<16xf32>, vector<16xi1> -> vector<16xf32>
      %reduce_max3A_850 = vector.extract %reduce_max3A_849[15] : f32 from vector<16xf32>
      %max3A_851 = vector.broadcast %reduce_max3A_850 : f32 to vector<16xf32>
      %max3A_852 = arith.maximumf %max3A_832, %max3A_851 : vector<16xf32>
      %add3A_853 = arith.constant 9.99999993E-9 : f32
      %add3A_854 = vector.broadcast %add3A_853 : f32 to vector<16xf32>
      %add3A_855 = arith.addf %max3A_852, %add3A_854 : vector<16xf32>
      %get3A_856 = arith.constant 0 : index
      %get3A_857 = tpu.vector_load %arg9[%get3A_856] {strides = array<i32>} : memref<208xf32, #tpu.memory_space<vmem>>, vector<16xf32>,
      %div3A_858 = arith.divf %get3A_857, %add3A_855 : vector<16xf32>
      %mul3A_859 = arith.constant 2.000000e+02 : f32
      %mul3A_860 = vector.broadcast %mul3A_859 : f32 to vector<16xf32>
      %mul3A_861 = arith.mulf %div3A_858, %mul3A_860 : vector<16xf32>
      %convert_element_type3A_862 = arith.fptosi %mul3A_861 : vector<16xf32> to vector<16xi32>
      %jit3A_863 = arith.constant 0 : i32
      %jit3A_864 = arith.constant 511 : i32
      %max3A_865 = vector.broadcast %jit3A_863 : i32 to vector<16xi32>
      %max3A_866 = arith.maxsi %max3A_865, %convert_element_type3A_862 : vector<16xi32>
      %min3A_867 = vector.broadcast %jit3A_864 : i32 to vector<16xi32>
      %min3A_868 = arith.minsi %min3A_867, %max3A_866 : vector<16xi32>
      %swap3A_869 = arith.constant 0 : index
      %swap3A_870 = tpu.vector_load %arg10[%swap3A_869] {strides = array<i32>} : memref<208xi32, #tpu.memory_space<vmem>>, vector<16xi32>,
      tpu.vector_store %arg10[%swap3A_869], %min3A_868 {strides = array<i32>} : memref<208xi32, #tpu.memory_space<vmem>>, vector<16xi32>,
      %get3A_871 = arith.constant 16 : index
      %get3A_872 = tpu.vector_load %arg9[%get3A_871] {strides = array<i32>} : memref<208xf32, #tpu.memory_space<vmem>>, vector<16xf32>,
      %div3A_873 = arith.divf %get3A_872, %add3A_855 : vector<16xf32>
      %mul3A_874 = arith.constant 2.000000e+02 : f32
      %mul3A_875 = vector.broadcast %mul3A_874 : f32 to vector<16xf32>
      %mul3A_876 = arith.mulf %div3A_873, %mul3A_875 : vector<16xf32>
      %convert_element_type3A_877 = arith.fptosi %mul3A_876 : vector<16xf32> to vector<16xi32>
      %jit3A_878 = arith.constant 0 : i32
      %jit3A_879 = arith.constant 511 : i32
      %max3A_880 = vector.broadcast %jit3A_878 : i32 to vector<16xi32>
      %max3A_881 = arith.maxsi %max3A_880, %convert_element_type3A_877 : vector<16xi32>
      %min3A_882 = vector.broadcast %jit3A_879 : i32 to vector<16xi32>
      %min3A_883 = arith.minsi %min3A_882, %max3A_881 : vector<16xi32>
      %swap3A_884 = arith.constant 16 : index
      %swap3A_885 = tpu.vector_load %arg10[%swap3A_884] {strides = array<i32>} : memref<208xi32, #tpu.memory_space<vmem>>, vector<16xi32>,
      tpu.vector_store %arg10[%swap3A_884], %min3A_883 {strides = array<i32>} : memref<208xi32, #tpu.memory_space<vmem>>, vector<16xi32>,
      %get3A_886 = arith.constant 32 : index
      %get3A_887 = tpu.vector_load %arg9[%get3A_886] {strides = array<i32>} : memref<208xf32, #tpu.memory_space<vmem>>, vector<16xf32>,
      %div3A_888 = arith.divf %get3A_887, %add3A_855 : vector<16xf32>
      %mul3A_889 = arith.constant 2.000000e+02 : f32
      %mul3A_890 = vector.broadcast %mul3A_889 : f32 to vector<16xf32>
      %mul3A_891 = arith.mulf %div3A_888, %mul3A_890 : vector<16xf32>
      %convert_element_type3A_892 = arith.fptosi %mul3A_891 : vector<16xf32> to vector<16xi32>
      %jit3A_893 = arith.constant 0 : i32
      %jit3A_894 = arith.constant 511 : i32
      %max3A_895 = vector.broadcast %jit3A_893 : i32 to vector<16xi32>
      %max3A_896 = arith.maxsi %max3A_895, %convert_element_type3A_892 : vector<16xi32>
      %min3A_897 = vector.broadcast %jit3A_894 : i32 to vector<16xi32>
      %min3A_898 = arith.minsi %min3A_897, %max3A_896 : vector<16xi32>
      %swap3A_899 = arith.constant 32 : index
      %swap3A_900 = tpu.vector_load %arg10[%swap3A_899] {strides = array<i32>} : memref<208xi32, #tpu.memory_space<vmem>>, vector<16xi32>,
      tpu.vector_store %arg10[%swap3A_899], %min3A_898 {strides = array<i32>} : memref<208xi32, #tpu.memory_space<vmem>>, vector<16xi32>,
      %get3A_901 = arith.constant 48 : index
      %get3A_902 = tpu.vector_load %arg9[%get3A_901] {strides = array<i32>} : memref<208xf32, #tpu.memory_space<vmem>>, vector<16xf32>,
      %div3A_903 = arith.divf %get3A_902, %add3A_855 : vector<16xf32>
      %mul3A_904 = arith.constant 2.000000e+02 : f32
      %mul3A_905 = vector.broadcast %mul3A_904 : f32 to vector<16xf32>
      %mul3A_906 = arith.mulf %div3A_903, %mul3A_905 : vector<16xf32>
      %convert_element_type3A_907 = arith.fptosi %mul3A_906 : vector<16xf32> to vector<16xi32>
      %jit3A_908 = arith.constant 0 : i32
      %jit3A_909 = arith.constant 511 : i32
      %max3A_910 = vector.broadcast %jit3A_908 : i32 to vector<16xi32>
      %max3A_911 = arith.maxsi %max3A_910, %convert_element_type3A_907 : vector<16xi32>
      %min3A_912 = vector.broadcast %jit3A_909 : i32 to vector<16xi32>
      %min3A_913 = arith.minsi %min3A_912, %max3A_911 : vector<16xi32>
      %swap3A_914 = arith.constant 48 : index
      %swap3A_915 = tpu.vector_load %arg10[%swap3A_914] {strides = array<i32>} : memref<208xi32, #tpu.memory_space<vmem>>, vector<16xi32>,
      tpu.vector_store %arg10[%swap3A_914], %min3A_913 {strides = array<i32>} : memref<208xi32, #tpu.memory_space<vmem>>, vector<16xi32>,
      %get3A_916 = arith.constant 64 : index
      %get3A_917 = tpu.vector_load %arg9[%get3A_916] {strides = array<i32>} : memref<208xf32, #tpu.memory_space<vmem>>, vector<16xf32>,
      %div3A_918 = arith.divf %get3A_917, %add3A_855 : vector<16xf32>
      %mul3A_919 = arith.constant 2.000000e+02 : f32
      %mul3A_920 = vector.broadcast %mul3A_919 : f32 to vector<16xf32>
      %mul3A_921 = arith.mulf %div3A_918, %mul3A_920 : vector<16xf32>
      %convert_element_type3A_922 = arith.fptosi %mul3A_921 : vector<16xf32> to vector<16xi32>
      %jit3A_923 = arith.constant 0 : i32
      %jit3A_924 = arith.constant 511 : i32
      %max3A_925 = vector.broadcast %jit3A_923 : i32 to vector<16xi32>
      %max3A_926 = arith.maxsi %max3A_925, %convert_element_type3A_922 : vector<16xi32>
      %min3A_927 = vector.broadcast %jit3A_924 : i32 to vector<16xi32>
      %min3A_928 = arith.minsi %min3A_927, %max3A_926 : vector<16xi32>
      %swap3A_929 = arith.constant 64 : index
      %swap3A_930 = tpu.vector_load %arg10[%swap3A_929] {strides = array<i32>} : memref<208xi32, #tpu.memory_space<vmem>>, vector<16xi32>,
      tpu.vector_store %arg10[%swap3A_929], %min3A_928 {strides = array<i32>} : memref<208xi32, #tpu.memory_space<vmem>>, vector<16xi32>,
      %get3A_931 = arith.constant 80 : index
      %get3A_932 = tpu.vector_load %arg9[%get3A_931] {strides = array<i32>} : memref<208xf32, #tpu.memory_space<vmem>>, vector<16xf32>,
      %div3A_933 = arith.divf %get3A_932, %add3A_855 : vector<16xf32>
      %mul3A_934 = arith.constant 2.000000e+02 : f32
      %mul3A_935 = vector.broadcast %mul3A_934 : f32 to vector<16xf32>
      %mul3A_936 = arith.mulf %div3A_933, %mul3A_935 : vector<16xf32>
      %convert_element_type3A_937 = arith.fptosi %mul3A_936 : vector<16xf32> to vector<16xi32>
      %jit3A_938 = arith.constant 0 : i32
      %jit3A_939 = arith.constant 511 : i32
      %max3A_940 = vector.broadcast %jit3A_938 : i32 to vector<16xi32>
      %max3A_941 = arith.maxsi %max3A_940, %convert_element_type3A_937 : vector<16xi32>
      %min3A_942 = vector.broadcast %jit3A_939 : i32 to vector<16xi32>
      %min3A_943 = arith.minsi %min3A_942, %max3A_941 : vector<16xi32>
      %swap3A_944 = arith.constant 80 : index
      %swap3A_945 = tpu.vector_load %arg10[%swap3A_944] {strides = array<i32>} : memref<208xi32, #tpu.memory_space<vmem>>, vector<16xi32>,
      tpu.vector_store %arg10[%swap3A_944], %min3A_943 {strides = array<i32>} : memref<208xi32, #tpu.memory_space<vmem>>, vector<16xi32>,
      %get3A_946 = arith.constant 96 : index
      %get3A_947 = tpu.vector_load %arg9[%get3A_946] {strides = array<i32>} : memref<208xf32, #tpu.memory_space<vmem>>, vector<16xf32>,
      %div3A_948 = arith.divf %get3A_947, %add3A_855 : vector<16xf32>
      %mul3A_949 = arith.constant 2.000000e+02 : f32
      %mul3A_950 = vector.broadcast %mul3A_949 : f32 to vector<16xf32>
      %mul3A_951 = arith.mulf %div3A_948, %mul3A_950 : vector<16xf32>
      %convert_element_type3A_952 = arith.fptosi %mul3A_951 : vector<16xf32> to vector<16xi32>
      %jit3A_953 = arith.constant 0 : i32
      %jit3A_954 = arith.constant 511 : i32
      %max3A_955 = vector.broadcast %jit3A_953 : i32 to vector<16xi32>
      %max3A_956 = arith.maxsi %max3A_955, %convert_element_type3A_952 : vector<16xi32>
      %min3A_957 = vector.broadcast %jit3A_954 : i32 to vector<16xi32>
      %min3A_958 = arith.minsi %min3A_957, %max3A_956 : vector<16xi32>
      %swap3A_959 = arith.constant 96 : index
      %swap3A_960 = tpu.vector_load %arg10[%swap3A_959] {strides = array<i32>} : memref<208xi32, #tpu.memory_space<vmem>>, vector<16xi32>,
      tpu.vector_store %arg10[%swap3A_959], %min3A_958 {strides = array<i32>} : memref<208xi32, #tpu.memory_space<vmem>>, vector<16xi32>,
      %get3A_961 = arith.constant 112 : index
      %get3A_962 = tpu.vector_load %arg9[%get3A_961] {strides = array<i32>} : memref<208xf32, #tpu.memory_space<vmem>>, vector<16xf32>,
      %div3A_963 = arith.divf %get3A_962, %add3A_855 : vector<16xf32>
      %mul3A_964 = arith.constant 2.000000e+02 : f32
      %mul3A_965 = vector.broadcast %mul3A_964 : f32 to vector<16xf32>
      %mul3A_966 = arith.mulf %div3A_963, %mul3A_965 : vector<16xf32>
      %convert_element_type3A_967 = arith.fptosi %mul3A_966 : vector<16xf32> to vector<16xi32>
      %jit3A_968 = arith.constant 0 : i32
      %jit3A_969 = arith.constant 511 : i32
      %max3A_970 = vector.broadcast %jit3A_968 : i32 to vector<16xi32>
      %max3A_971 = arith.maxsi %max3A_970, %convert_element_type3A_967 : vector<16xi32>
      %min3A_972 = vector.broadcast %jit3A_969 : i32 to vector<16xi32>
      %min3A_973 = arith.minsi %min3A_972, %max3A_971 : vector<16xi32>
      %swap3A_974 = arith.constant 112 : index
      %swap3A_975 = tpu.vector_load %arg10[%swap3A_974] {strides = array<i32>} : memref<208xi32, #tpu.memory_space<vmem>>, vector<16xi32>,
      tpu.vector_store %arg10[%swap3A_974], %min3A_973 {strides = array<i32>} : memref<208xi32, #tpu.memory_space<vmem>>, vector<16xi32>,
      %get3A_976 = arith.constant 128 : index
      %get3A_977 = tpu.vector_load %arg9[%get3A_976] {strides = array<i32>} : memref<208xf32, #tpu.memory_space<vmem>>, vector<16xf32>,
      %div3A_978 = arith.divf %get3A_977, %add3A_855 : vector<16xf32>
      %mul3A_979 = arith.constant 2.000000e+02 : f32
      %mul3A_980 = vector.broadcast %mul3A_979 : f32 to vector<16xf32>
      %mul3A_981 = arith.mulf %div3A_978, %mul3A_980 : vector<16xf32>
      %convert_element_type3A_982 = arith.fptosi %mul3A_981 : vector<16xf32> to vector<16xi32>
      %jit3A_983 = arith.constant 0 : i32
      %jit3A_984 = arith.constant 511 : i32
      %max3A_985 = vector.broadcast %jit3A_983 : i32 to vector<16xi32>
      %max3A_986 = arith.maxsi %max3A_985, %convert_element_type3A_982 : vector<16xi32>
      %min3A_987 = vector.broadcast %jit3A_984 : i32 to vector<16xi32>
      %min3A_988 = arith.minsi %min3A_987, %max3A_986 : vector<16xi32>
      %swap3A_989 = arith.constant 128 : index
      %swap3A_990 = tpu.vector_load %arg10[%swap3A_989] {strides = array<i32>} : memref<208xi32, #tpu.memory_space<vmem>>, vector<16xi32>,
      tpu.vector_store %arg10[%swap3A_989], %min3A_988 {strides = array<i32>} : memref<208xi32, #tpu.memory_space<vmem>>, vector<16xi32>,
      %get3A_991 = arith.constant 144 : index
      %get3A_992 = tpu.vector_load %arg9[%get3A_991] {strides = array<i32>} : memref<208xf32, #tpu.memory_space<vmem>>, vector<16xf32>,
      %div3A_993 = arith.divf %get3A_992, %add3A_855 : vector<16xf32>
      %mul3A_994 = arith.constant 2.000000e+02 : f32
      %mul3A_995 = vector.broadcast %mul3A_994 : f32 to vector<16xf32>
      %mul3A_996 = arith.mulf %div3A_993, %mul3A_995 : vector<16xf32>
      %convert_element_type3A_997 = arith.fptosi %mul3A_996 : vector<16xf32> to vector<16xi32>
      %jit3A_998 = arith.constant 0 : i32
      %jit3A_999 = arith.constant 511 : i32
      %max3A_1000 = vector.broadcast %jit3A_998 : i32 to vector<16xi32>
      %max3A_1001 = arith.maxsi %max3A_1000, %convert_element_type3A_997 : vector<16xi32>
      %min3A_1002 = vector.broadcast %jit3A_999 : i32 to vector<16xi32>
      %min3A_1003 = arith.minsi %min3A_1002, %max3A_1001 : vector<16xi32>
      %swap3A_1004 = arith.constant 144 : index
      %swap3A_1005 = tpu.vector_load %arg10[%swap3A_1004] {strides = array<i32>} : memref<208xi32, #tpu.memory_space<vmem>>, vector<16xi32>,
      tpu.vector_store %arg10[%swap3A_1004], %min3A_1003 {strides = array<i32>} : memref<208xi32, #tpu.memory_space<vmem>>, vector<16xi32>,
      %get3A_1006 = arith.constant 160 : index
      %get3A_1007 = tpu.vector_load %arg9[%get3A_1006] {strides = array<i32>} : memref<208xf32, #tpu.memory_space<vmem>>, vector<16xf32>,
      %div3A_1008 = arith.divf %get3A_1007, %add3A_855 : vector<16xf32>
      %mul3A_1009 = arith.constant 2.000000e+02 : f32
      %mul3A_1010 = vector.broadcast %mul3A_1009 : f32 to vector<16xf32>
      %mul3A_1011 = arith.mulf %div3A_1008, %mul3A_1010 : vector<16xf32>
      %convert_element_type3A_1012 = arith.fptosi %mul3A_1011 : vector<16xf32> to vector<16xi32>
      %jit3A_1013 = arith.constant 0 : i32
      %jit3A_1014 = arith.constant 511 : i32
      %max3A_1015 = vector.broadcast %jit3A_1013 : i32 to vector<16xi32>
      %max3A_1016 = arith.maxsi %max3A_1015, %convert_element_type3A_1012 : vector<16xi32>
      %min3A_1017 = vector.broadcast %jit3A_1014 : i32 to vector<16xi32>
      %min3A_1018 = arith.minsi %min3A_1017, %max3A_1016 : vector<16xi32>
      %swap3A_1019 = arith.constant 160 : index
      %swap3A_1020 = tpu.vector_load %arg10[%swap3A_1019] {strides = array<i32>} : memref<208xi32, #tpu.memory_space<vmem>>, vector<16xi32>,
      tpu.vector_store %arg10[%swap3A_1019], %min3A_1018 {strides = array<i32>} : memref<208xi32, #tpu.memory_space<vmem>>, vector<16xi32>,
      %get3A_1021 = arith.constant 176 : index
      %get3A_1022 = tpu.vector_load %arg9[%get3A_1021] {strides = array<i32>} : memref<208xf32, #tpu.memory_space<vmem>>, vector<16xf32>,
      %div3A_1023 = arith.divf %get3A_1022, %add3A_855 : vector<16xf32>
      %mul3A_1024 = arith.constant 2.000000e+02 : f32
      %mul3A_1025 = vector.broadcast %mul3A_1024 : f32 to vector<16xf32>
      %mul3A_1026 = arith.mulf %div3A_1023, %mul3A_1025 : vector<16xf32>
      %convert_element_type3A_1027 = arith.fptosi %mul3A_1026 : vector<16xf32> to vector<16xi32>
      %jit3A_1028 = arith.constant 0 : i32
      %jit3A_1029 = arith.constant 511 : i32
      %max3A_1030 = vector.broadcast %jit3A_1028 : i32 to vector<16xi32>
      %max3A_1031 = arith.maxsi %max3A_1030, %convert_element_type3A_1027 : vector<16xi32>
      %min3A_1032 = vector.broadcast %jit3A_1029 : i32 to vector<16xi32>
      %min3A_1033 = arith.minsi %min3A_1032, %max3A_1031 : vector<16xi32>
      %swap3A_1034 = arith.constant 176 : index
      %swap3A_1035 = tpu.vector_load %arg10[%swap3A_1034] {strides = array<i32>} : memref<208xi32, #tpu.memory_space<vmem>>, vector<16xi32>,
      tpu.vector_store %arg10[%swap3A_1034], %min3A_1033 {strides = array<i32>} : memref<208xi32, #tpu.memory_space<vmem>>, vector<16xi32>,
      %get3A_1036 = arith.constant 192 : index
      %get3A_1037 = tpu.vector_load %arg9[%get3A_1036] {strides = array<i32>} : memref<208xf32, #tpu.memory_space<vmem>>, vector<16xf32>,
      %div3A_1038 = arith.divf %get3A_1037, %add3A_855 : vector<16xf32>
      %mul3A_1039 = arith.constant 2.000000e+02 : f32
      %mul3A_1040 = vector.broadcast %mul3A_1039 : f32 to vector<16xf32>
      %mul3A_1041 = arith.mulf %div3A_1038, %mul3A_1040 : vector<16xf32>
      %convert_element_type3A_1042 = arith.fptosi %mul3A_1041 : vector<16xf32> to vector<16xi32>
      %jit3A_1043 = arith.constant 0 : i32
      %jit3A_1044 = arith.constant 511 : i32
      %max3A_1045 = vector.broadcast %jit3A_1043 : i32 to vector<16xi32>
      %max3A_1046 = arith.maxsi %max3A_1045, %convert_element_type3A_1042 : vector<16xi32>
      %min3A_1047 = vector.broadcast %jit3A_1044 : i32 to vector<16xi32>
      %min3A_1048 = arith.minsi %min3A_1047, %max3A_1046 : vector<16xi32>
      %swap3A_1049 = arith.constant 192 : index
      %swap3A_1050 = tpu.vector_load %arg10[%swap3A_1049] {strides = array<i32>} : memref<208xi32, #tpu.memory_space<vmem>>, vector<16xi32>,
      tpu.vector_store %arg10[%swap3A_1049], %min3A_1048 {strides = array<i32>} : memref<208xi32, #tpu.memory_space<vmem>>, vector<16xi32>,
      %add3A_1051 = arith.addi %mul3A_2, %add3A_566 : i32
      %mul3A_1052 = arith.constant 12800 : i32
      %mul3A_1053 = arith.muli %add3A_1051, %mul3A_1052 : i32
      %multiple_of3A_1054 = tpu.assume_multiple %mul3A_1053, 8 : i32
      %dma_wait3A_1055 = arith.constant 0 : i32
      %dma_wait3A_1056 = tpu.memref_slice %arg12[%dma_wait3A_1055] : memref<13312xf32, #tpu.memory_space<vmem>> -> memref<12800xf32, #tpu.memory_space<vmem>>
      %dma_wait3A_1057 = tpu.memref_slice %arg2[%multiple_of3A_1054] : memref<52428800xf32, #tpu.memory_space<hbm>> -> memref<12800xf32, #tpu.memory_space<hbm>>
      %dma_wait3A_1058 = arith.constant 0 : i32
      %dma_wait3A_1059 = tpu.memref_slice %arg12[%dma_wait3A_1058] : memref<13312xf32, #tpu.memory_space<vmem>> -> memref<12800xf32, #tpu.memory_space<vmem>>
      %dma_wait3A_1060 = tpu.memref_slice %arg2[%multiple_of3A_1054] : memref<52428800xf32, #tpu.memory_space<hbm>> -> memref<12800xf32, #tpu.memory_space<hbm>>
      tpu.wait_dma2 semaphore(%arg16 : memref<!tpu.dma_semaphore, #tpu.memory_space<semaphore_mem>>) src(%dma_wait3A_1060 : memref<12800xf32, #tpu.memory_space<hbm>>) dst(%dma_wait3A_1059 : memref<12800xf32, #tpu.memory_space<vmem>>)
      %scan3A_1061 = arith.constant 0 : i32
      %scan3A_1062 = arith.constant 0 : i32
      %scan3A_1063 = arith.constant 13 : i32
      %scan3A_1064 = arith.addi %scan3A_1062, %scan3A_1063 : i32
      %scan3A_1065 = arith.constant 1 : i32
      %scan3A_1066 = scf.for %scan3A_1079 = %scan3A_1062 to %scan3A_1064 step %scan3A_1065 iter_args(%scan3A_1080 = %scan3A_1061) -> (i32)  : i32 {
        %mul3A_1081 = arith.constant 16 : i32
        %mul3A_1082 = arith.muli %scan3A_1079, %mul3A_1081 : i32
        %get3A_1083 = arith.index_cast %mul3A_1082 : i32 to index
        %get3A_1084 = tpu.vector_load %arg10[%get3A_1083] {strides = array<i32>} : memref<208xi32, #tpu.memory_space<vmem>>, vector<16xi32>,
        %mul3A_1085 = arith.constant 64 : i32
        %mul3A_1086 = vector.broadcast %mul3A_1085 : i32 to vector<16xi32>
        %mul3A_1087 = arith.muli %get3A_1084, %mul3A_1086 : vector<16xi32>
        %mul3A_1088 = arith.constant 1024 : i32
        %mul3A_1089 = arith.muli %scan3A_1079, %mul3A_1088 : i32
        %multiple_of3A_1090 = tpu.assume_multiple %mul3A_1089, 1024 : i32
        %slice3A = vector.extract_strided_slice %mul3A_1087 {offsets = [0], sizes = [1], strides = [1]} : vector<16xi32> to vector<1xi32>
        %squeeze3A = vector.extract %slice3A[0] : i32 from vector<1xi32>
        %broadcast_in_dim3A_1091 = vector.broadcast %squeeze3A : i32 to vector<16xi32>
        %add3A_1092 = arith.addi %broadcast_in_dim3A_1091, %add3A_11 : vector<16xi32>
        %gather3A = tpu.vector_load_idx %arg6[%add3A_1092] : memref<32768xf32, #tpu.memory_space<vmem>>[vector<16xi32>], vector<16xf32>,
        %add3A_1093 = arith.constant 0 : i32
        %add3A_1094 = arith.addi %multiple_of3A_1090, %add3A_1093 : i32
        %add3A_1095 = arith.constant 0 : i32
        %add3A_1096 = arith.addi %add3A_1094, %add3A_1095 : i32
        %get3A_1097 = arith.index_cast %add3A_1096 : i32 to index
        %get3A_1098 = tpu.vector_load %arg12[%get3A_1097] {strides = array<i32>} : memref<13312xf32, #tpu.memory_space<vmem>>, vector<16xf32>,
        %add3A_1099 = arith.addf %get3A_1098, %gather3A : vector<16xf32>
        %swap3A_1100 = arith.index_cast %add3A_1096 : i32 to index
        %swap3A_1101 = tpu.vector_load %arg12[%swap3A_1100] {strides = array<i32>} : memref<13312xf32, #tpu.memory_space<vmem>>, vector<16xf32>,
        tpu.vector_store %arg12[%swap3A_1100], %add3A_1099 {strides = array<i32>} : memref<13312xf32, #tpu.memory_space<vmem>>, vector<16xf32>,
        %add3A_1102 = arith.addi %broadcast_in_dim3A_1091, %add3A_15 : vector<16xi32>
        %gather3A_1103 = tpu.vector_load_idx %arg6[%add3A_1102] : memref<32768xf32, #tpu.memory_space<vmem>>[vector<16xi32>], vector<16xf32>,
        %add3A_1104 = arith.constant 0 : i32
        %add3A_1105 = arith.addi %multiple_of3A_1090, %add3A_1104 : i32
        %add3A_1106 = arith.constant 16 : i32
        %add3A_1107 = arith.addi %add3A_1105, %add3A_1106 : i32
        %get3A_1108 = arith.index_cast %add3A_1107 : i32 to index
        %get3A_1109 = tpu.vector_load %arg12[%get3A_1108] {strides = array<i32>} : memref<13312xf32, #tpu.memory_space<vmem>>, vector<16xf32>,
        %add3A_1110 = arith.addf %get3A_1109, %gather3A_1103 : vector<16xf32>
        %swap3A_1111 = arith.index_cast %add3A_1107 : i32 to index
        %swap3A_1112 = tpu.vector_load %arg12[%swap3A_1111] {strides = array<i32>} : memref<13312xf32, #tpu.memory_space<vmem>>, vector<16xf32>,
        tpu.vector_store %arg12[%swap3A_1111], %add3A_1110 {strides = array<i32>} : memref<13312xf32, #tpu.memory_space<vmem>>, vector<16xf32>,
        %add3A_1113 = arith.addi %broadcast_in_dim3A_1091, %add3A_19 : vector<16xi32>
        %gather3A_1114 = tpu.vector_load_idx %arg6[%add3A_1113] : memref<32768xf32, #tpu.memory_space<vmem>>[vector<16xi32>], vector<16xf32>,
        %add3A_1115 = arith.constant 0 : i32
        %add3A_1116 = arith.addi %multiple_of3A_1090, %add3A_1115 : i32
        %add3A_1117 = arith.constant 32 : i32
        %add3A_1118 = arith.addi %add3A_1116, %add3A_1117 : i32
        %get3A_1119 = arith.index_cast %add3A_1118 : i32 to index
        %get3A_1120 = tpu.vector_load %arg12[%get3A_1119] {strides = array<i32>} : memref<13312xf32, #tpu.memory_space<vmem>>, vector<16xf32>,
        %add3A_1121 = arith.addf %get3A_1120, %gather3A_1114 : vector<16xf32>
        %swap3A_1122 = arith.index_cast %add3A_1118 : i32 to index
        %swap3A_1123 = tpu.vector_load %arg12[%swap3A_1122] {strides = array<i32>} : memref<13312xf32, #tpu.memory_space<vmem>>, vector<16xf32>,
        tpu.vector_store %arg12[%swap3A_1122], %add3A_1121 {strides = array<i32>} : memref<13312xf32, #tpu.memory_space<vmem>>, vector<16xf32>,
        %add3A_1124 = arith.addi %broadcast_in_dim3A_1091, %add3A_23 : vector<16xi32>
        %gather3A_1125 = tpu.vector_load_idx %arg6[%add3A_1124] : memref<32768xf32, #tpu.memory_space<vmem>>[vector<16xi32>], vector<16xf32>,
        %add3A_1126 = arith.constant 0 : i32
        %add3A_1127 = arith.addi %multiple_of3A_1090, %add3A_1126 : i32
        %add3A_1128 = arith.constant 48 : i32
        %add3A_1129 = arith.addi %add3A_1127, %add3A_1128 : i32
        %get3A_1130 = arith.index_cast %add3A_1129 : i32 to index
        %get3A_1131 = tpu.vector_load %arg12[%get3A_1130] {strides = array<i32>} : memref<13312xf32, #tpu.memory_space<vmem>>, vector<16xf32>,
        %add3A_1132 = arith.addf %get3A_1131, %gather3A_1125 : vector<16xf32>
        %swap3A_1133 = arith.index_cast %add3A_1129 : i32 to index
        %swap3A_1134 = tpu.vector_load %arg12[%swap3A_1133] {strides = array<i32>} : memref<13312xf32, #tpu.memory_space<vmem>>, vector<16xf32>,
        tpu.vector_store %arg12[%swap3A_1133], %add3A_1132 {strides = array<i32>} : memref<13312xf32, #tpu.memory_space<vmem>>, vector<16xf32>,
        %slice3A_1135 = vector.extract_strided_slice %mul3A_1087 {offsets = [1], sizes = [1], strides = [1]} : vector<16xi32> to vector<1xi32>
        %squeeze3A_1136 = vector.extract %slice3A_1135[0] : i32 from vector<1xi32>
        %broadcast_in_dim3A_1137 = vector.broadcast %squeeze3A_1136 : i32 to vector<16xi32>
        %add3A_1138 = arith.addi %broadcast_in_dim3A_1137, %add3A_11 : vector<16xi32>
        %gather3A_1139 = tpu.vector_load_idx %arg6[%add3A_1138] : memref<32768xf32, #tpu.memory_space<vmem>>[vector<16xi32>], vector<16xf32>,
        %add3A_1140 = arith.constant 64 : i32
        %add3A_1141 = arith.addi %multiple_of3A_1090, %add3A_1140 : i32
        %add3A_1142 = arith.constant 0 : i32
        %add3A_1143 = arith.addi %add3A_1141, %add3A_1142 : i32
        %get3A_1144 = arith.index_cast %add3A_1143 : i32 to index
        %get3A_1145 = tpu.vector_load %arg12[%get3A_1144] {strides = array<i32>} : memref<13312xf32, #tpu.memory_space<vmem>>, vector<16xf32>,
        %add3A_1146 = arith.addf %get3A_1145, %gather3A_1139 : vector<16xf32>
        %swap3A_1147 = arith.index_cast %add3A_1143 : i32 to index
        %swap3A_1148 = tpu.vector_load %arg12[%swap3A_1147] {strides = array<i32>} : memref<13312xf32, #tpu.memory_space<vmem>>, vector<16xf32>,
        tpu.vector_store %arg12[%swap3A_1147], %add3A_1146 {strides = array<i32>} : memref<13312xf32, #tpu.memory_space<vmem>>, vector<16xf32>,
        %add3A_1149 = arith.addi %broadcast_in_dim3A_1137, %add3A_15 : vector<16xi32>
        %gather3A_1150 = tpu.vector_load_idx %arg6[%add3A_1149] : memref<32768xf32, #tpu.memory_space<vmem>>[vector<16xi32>], vector<16xf32>,
        %add3A_1151 = arith.constant 64 : i32
        %add3A_1152 = arith.addi %multiple_of3A_1090, %add3A_1151 : i32
        %add3A_1153 = arith.constant 16 : i32
        %add3A_1154 = arith.addi %add3A_1152, %add3A_1153 : i32
        %get3A_1155 = arith.index_cast %add3A_1154 : i32 to index
        %get3A_1156 = tpu.vector_load %arg12[%get3A_1155] {strides = array<i32>} : memref<13312xf32, #tpu.memory_space<vmem>>, vector<16xf32>,
        %add3A_1157 = arith.addf %get3A_1156, %gather3A_1150 : vector<16xf32>
        %swap3A_1158 = arith.index_cast %add3A_1154 : i32 to index
        %swap3A_1159 = tpu.vector_load %arg12[%swap3A_1158] {strides = array<i32>} : memref<13312xf32, #tpu.memory_space<vmem>>, vector<16xf32>,
        tpu.vector_store %arg12[%swap3A_1158], %add3A_1157 {strides = array<i32>} : memref<13312xf32, #tpu.memory_space<vmem>>, vector<16xf32>,
        %add3A_1160 = arith.addi %broadcast_in_dim3A_1137, %add3A_19 : vector<16xi32>
        %gather3A_1161 = tpu.vector_load_idx %arg6[%add3A_1160] : memref<32768xf32, #tpu.memory_space<vmem>>[vector<16xi32>], vector<16xf32>,
        %add3A_1162 = arith.constant 64 : i32
        %add3A_1163 = arith.addi %multiple_of3A_1090, %add3A_1162 : i32
        %add3A_1164 = arith.constant 32 : i32
        %add3A_1165 = arith.addi %add3A_1163, %add3A_1164 : i32
        %get3A_1166 = arith.index_cast %add3A_1165 : i32 to index
        %get3A_1167 = tpu.vector_load %arg12[%get3A_1166] {strides = array<i32>} : memref<13312xf32, #tpu.memory_space<vmem>>, vector<16xf32>,
        %add3A_1168 = arith.addf %get3A_1167, %gather3A_1161 : vector<16xf32>
        %swap3A_1169 = arith.index_cast %add3A_1165 : i32 to index
        %swap3A_1170 = tpu.vector_load %arg12[%swap3A_1169] {strides = array<i32>} : memref<13312xf32, #tpu.memory_space<vmem>>, vector<16xf32>,
        tpu.vector_store %arg12[%swap3A_1169], %add3A_1168 {strides = array<i32>} : memref<13312xf32, #tpu.memory_space<vmem>>, vector<16xf32>,
        %add3A_1171 = arith.addi %broadcast_in_dim3A_1137, %add3A_23 : vector<16xi32>
        %gather3A_1172 = tpu.vector_load_idx %arg6[%add3A_1171] : memref<32768xf32, #tpu.memory_space<vmem>>[vector<16xi32>], vector<16xf32>,
        %add3A_1173 = arith.constant 64 : i32
        %add3A_1174 = arith.addi %multiple_of3A_1090, %add3A_1173 : i32
        %add3A_1175 = arith.constant 48 : i32
        %add3A_1176 = arith.addi %add3A_1174, %add3A_1175 : i32
        %get3A_1177 = arith.index_cast %add3A_1176 : i32 to index
        %get3A_1178 = tpu.vector_load %arg12[%get3A_1177] {strides = array<i32>} : memref<13312xf32, #tpu.memory_space<vmem>>, vector<16xf32>,
        %add3A_1179 = arith.addf %get3A_1178, %gather3A_1172 : vector<16xf32>
        %swap3A_1180 = arith.index_cast %add3A_1176 : i32 to index
        %swap3A_1181 = tpu.vector_load %arg12[%swap3A_1180] {strides = array<i32>} : memref<13312xf32, #tpu.memory_space<vmem>>, vector<16xf32>,
        tpu.vector_store %arg12[%swap3A_1180], %add3A_1179 {strides = array<i32>} : memref<13312xf32, #tpu.memory_space<vmem>>, vector<16xf32>,
        %slice3A_1182 = vector.extract_strided_slice %mul3A_1087 {offsets = [2], sizes = [1], strides = [1]} : vector<16xi32> to vector<1xi32>
        %squeeze3A_1183 = vector.extract %slice3A_1182[0] : i32 from vector<1xi32>
        %broadcast_in_dim3A_1184 = vector.broadcast %squeeze3A_1183 : i32 to vector<16xi32>
        %add3A_1185 = arith.addi %broadcast_in_dim3A_1184, %add3A_11 : vector<16xi32>
        %gather3A_1186 = tpu.vector_load_idx %arg6[%add3A_1185] : memref<32768xf32, #tpu.memory_space<vmem>>[vector<16xi32>], vector<16xf32>,
        %add3A_1187 = arith.constant 128 : i32
        %add3A_1188 = arith.addi %multiple_of3A_1090, %add3A_1187 : i32
        %add3A_1189 = arith.constant 0 : i32
        %add3A_1190 = arith.addi %add3A_1188, %add3A_1189 : i32
        %get3A_1191 = arith.index_cast %add3A_1190 : i32 to index
        %get3A_1192 = tpu.vector_load %arg12[%get3A_1191] {strides = array<i32>} : memref<13312xf32, #tpu.memory_space<vmem>>, vector<16xf32>,
        %add3A_1193 = arith.addf %get3A_1192, %gather3A_1186 : vector<16xf32>
        %swap3A_1194 = arith.index_cast %add3A_1190 : i32 to index
        %swap3A_1195 = tpu.vector_load %arg12[%swap3A_1194] {strides = array<i32>} : memref<13312xf32, #tpu.memory_space<vmem>>, vector<16xf32>,
        tpu.vector_store %arg12[%swap3A_1194], %add3A_1193 {strides = array<i32>} : memref<13312xf32, #tpu.memory_space<vmem>>, vector<16xf32>,
        %add3A_1196 = arith.addi %broadcast_in_dim3A_1184, %add3A_15 : vector<16xi32>
        %gather3A_1197 = tpu.vector_load_idx %arg6[%add3A_1196] : memref<32768xf32, #tpu.memory_space<vmem>>[vector<16xi32>], vector<16xf32>,
        %add3A_1198 = arith.constant 128 : i32
        %add3A_1199 = arith.addi %multiple_of3A_1090, %add3A_1198 : i32
        %add3A_1200 = arith.constant 16 : i32
        %add3A_1201 = arith.addi %add3A_1199, %add3A_1200 : i32
        %get3A_1202 = arith.index_cast %add3A_1201 : i32 to index
        %get3A_1203 = tpu.vector_load %arg12[%get3A_1202] {strides = array<i32>} : memref<13312xf32, #tpu.memory_space<vmem>>, vector<16xf32>,
        %add3A_1204 = arith.addf %get3A_1203, %gather3A_1197 : vector<16xf32>
        %swap3A_1205 = arith.index_cast %add3A_1201 : i32 to index
        %swap3A_1206 = tpu.vector_load %arg12[%swap3A_1205] {strides = array<i32>} : memref<13312xf32, #tpu.memory_space<vmem>>, vector<16xf32>,
        tpu.vector_store %arg12[%swap3A_1205], %add3A_1204 {strides = array<i32>} : memref<13312xf32, #tpu.memory_space<vmem>>, vector<16xf32>,
        %add3A_1207 = arith.addi %broadcast_in_dim3A_1184, %add3A_19 : vector<16xi32>
        %gather3A_1208 = tpu.vector_load_idx %arg6[%add3A_1207] : memref<32768xf32, #tpu.memory_space<vmem>>[vector<16xi32>], vector<16xf32>,
        %add3A_1209 = arith.constant 128 : i32
        %add3A_1210 = arith.addi %multiple_of3A_1090, %add3A_1209 : i32
        %add3A_1211 = arith.constant 32 : i32
        %add3A_1212 = arith.addi %add3A_1210, %add3A_1211 : i32
        %get3A_1213 = arith.index_cast %add3A_1212 : i32 to index
        %get3A_1214 = tpu.vector_load %arg12[%get3A_1213] {strides = array<i32>} : memref<13312xf32, #tpu.memory_space<vmem>>, vector<16xf32>,
        %add3A_1215 = arith.addf %get3A_1214, %gather3A_1208 : vector<16xf32>
        %swap3A_1216 = arith.index_cast %add3A_1212 : i32 to index
        %swap3A_1217 = tpu.vector_load %arg12[%swap3A_1216] {strides = array<i32>} : memref<13312xf32, #tpu.memory_space<vmem>>, vector<16xf32>,
        tpu.vector_store %arg12[%swap3A_1216], %add3A_1215 {strides = array<i32>} : memref<13312xf32, #tpu.memory_space<vmem>>, vector<16xf32>,
        %add3A_1218 = arith.addi %broadcast_in_dim3A_1184, %add3A_23 : vector<16xi32>
        %gather3A_1219 = tpu.vector_load_idx %arg6[%add3A_1218] : memref<32768xf32, #tpu.memory_space<vmem>>[vector<16xi32>], vector<16xf32>,
        %add3A_1220 = arith.constant 128 : i32
        %add3A_1221 = arith.addi %multiple_of3A_1090, %add3A_1220 : i32
        %add3A_1222 = arith.constant 48 : i32
        %add3A_1223 = arith.addi %add3A_1221, %add3A_1222 : i32
        %get3A_1224 = arith.index_cast %add3A_1223 : i32 to index
        %get3A_1225 = tpu.vector_load %arg12[%get3A_1224] {strides = array<i32>} : memref<13312xf32, #tpu.memory_space<vmem>>, vector<16xf32>,
        %add3A_1226 = arith.addf %get3A_1225, %gather3A_1219 : vector<16xf32>
        %swap3A_1227 = arith.index_cast %add3A_1223 : i32 to index
        %swap3A_1228 = tpu.vector_load %arg12[%swap3A_1227] {strides = array<i32>} : memref<13312xf32, #tpu.memory_space<vmem>>, vector<16xf32>,
        tpu.vector_store %arg12[%swap3A_1227], %add3A_1226 {strides = array<i32>} : memref<13312xf32, #tpu.memory_space<vmem>>, vector<16xf32>,
        %slice3A_1229 = vector.extract_strided_slice %mul3A_1087 {offsets = [3], sizes = [1], strides = [1]} : vector<16xi32> to vector<1xi32>
        %squeeze3A_1230 = vector.extract %slice3A_1229[0] : i32 from vector<1xi32>
        %broadcast_in_dim3A_1231 = vector.broadcast %squeeze3A_1230 : i32 to vector<16xi32>
        %add3A_1232 = arith.addi %broadcast_in_dim3A_1231, %add3A_11 : vector<16xi32>
        %gather3A_1233 = tpu.vector_load_idx %arg6[%add3A_1232] : memref<32768xf32, #tpu.memory_space<vmem>>[vector<16xi32>], vector<16xf32>,
        %add3A_1234 = arith.constant 192 : i32
        %add3A_1235 = arith.addi %multiple_of3A_1090, %add3A_1234 : i32
        %add3A_1236 = arith.constant 0 : i32
        %add3A_1237 = arith.addi %add3A_1235, %add3A_1236 : i32
        %get3A_1238 = arith.index_cast %add3A_1237 : i32 to index
        %get3A_1239 = tpu.vector_load %arg12[%get3A_1238] {strides = array<i32>} : memref<13312xf32, #tpu.memory_space<vmem>>, vector<16xf32>,
        %add3A_1240 = arith.addf %get3A_1239, %gather3A_1233 : vector<16xf32>
        %swap3A_1241 = arith.index_cast %add3A_1237 : i32 to index
        %swap3A_1242 = tpu.vector_load %arg12[%swap3A_1241] {strides = array<i32>} : memref<13312xf32, #tpu.memory_space<vmem>>, vector<16xf32>,
        tpu.vector_store %arg12[%swap3A_1241], %add3A_1240 {strides = array<i32>} : memref<13312xf32, #tpu.memory_space<vmem>>, vector<16xf32>,
        %add3A_1243 = arith.addi %broadcast_in_dim3A_1231, %add3A_15 : vector<16xi32>
        %gather3A_1244 = tpu.vector_load_idx %arg6[%add3A_1243] : memref<32768xf32, #tpu.memory_space<vmem>>[vector<16xi32>], vector<16xf32>,
        %add3A_1245 = arith.constant 192 : i32
        %add3A_1246 = arith.addi %multiple_of3A_1090, %add3A_1245 : i32
        %add3A_1247 = arith.constant 16 : i32
        %add3A_1248 = arith.addi %add3A_1246, %add3A_1247 : i32
        %get3A_1249 = arith.index_cast %add3A_1248 : i32 to index
        %get3A_1250 = tpu.vector_load %arg12[%get3A_1249] {strides = array<i32>} : memref<13312xf32, #tpu.memory_space<vmem>>, vector<16xf32>,
        %add3A_1251 = arith.addf %get3A_1250, %gather3A_1244 : vector<16xf32>
        %swap3A_1252 = arith.index_cast %add3A_1248 : i32 to index
        %swap3A_1253 = tpu.vector_load %arg12[%swap3A_1252] {strides = array<i32>} : memref<13312xf32, #tpu.memory_space<vmem>>, vector<16xf32>,
        tpu.vector_store %arg12[%swap3A_1252], %add3A_1251 {strides = array<i32>} : memref<13312xf32, #tpu.memory_space<vmem>>, vector<16xf32>,
        %add3A_1254 = arith.addi %broadcast_in_dim3A_1231, %add3A_19 : vector<16xi32>
        %gather3A_1255 = tpu.vector_load_idx %arg6[%add3A_1254] : memref<32768xf32, #tpu.memory_space<vmem>>[vector<16xi32>], vector<16xf32>,
        %add3A_1256 = arith.constant 192 : i32
        %add3A_1257 = arith.addi %multiple_of3A_1090, %add3A_1256 : i32
        %add3A_1258 = arith.constant 32 : i32
        %add3A_1259 = arith.addi %add3A_1257, %add3A_1258 : i32
        %get3A_1260 = arith.index_cast %add3A_1259 : i32 to index
        %get3A_1261 = tpu.vector_load %arg12[%get3A_1260] {strides = array<i32>} : memref<13312xf32, #tpu.memory_space<vmem>>, vector<16xf32>,
        %add3A_1262 = arith.addf %get3A_1261, %gather3A_1255 : vector<16xf32>
        %swap3A_1263 = arith.index_cast %add3A_1259 : i32 to index
        %swap3A_1264 = tpu.vector_load %arg12[%swap3A_1263] {strides = array<i32>} : memref<13312xf32, #tpu.memory_space<vmem>>, vector<16xf32>,
        tpu.vector_store %arg12[%swap3A_1263], %add3A_1262 {strides = array<i32>} : memref<13312xf32, #tpu.memory_space<vmem>>, vector<16xf32>,
        %add3A_1265 = arith.addi %broadcast_in_dim3A_1231, %add3A_23 : vector<16xi32>
        %gather3A_1266 = tpu.vector_load_idx %arg6[%add3A_1265] : memref<32768xf32, #tpu.memory_space<vmem>>[vector<16xi32>], vector<16xf32>,
        %add3A_1267 = arith.constant 192 : i32
        %add3A_1268 = arith.addi %multiple_of3A_1090, %add3A_1267 : i32
        %add3A_1269 = arith.constant 48 : i32
        %add3A_1270 = arith.addi %add3A_1268, %add3A_1269 : i32
        %get3A_1271 = arith.index_cast %add3A_1270 : i32 to index
        %get3A_1272 = tpu.vector_load %arg12[%get3A_1271] {strides = array<i32>} : memref<13312xf32, #tpu.memory_space<vmem>>, vector<16xf32>,
        %add3A_1273 = arith.addf %get3A_1272, %gather3A_1266 : vector<16xf32>
        %swap3A_1274 = arith.index_cast %add3A_1270 : i32 to index
        %swap3A_1275 = tpu.vector_load %arg12[%swap3A_1274] {strides = array<i32>} : memref<13312xf32, #tpu.memory_space<vmem>>, vector<16xf32>,
        tpu.vector_store %arg12[%swap3A_1274], %add3A_1273 {strides = array<i32>} : memref<13312xf32, #tpu.memory_space<vmem>>, vector<16xf32>,
        %slice3A_1276 = vector.extract_strided_slice %mul3A_1087 {offsets = [4], sizes = [1], strides = [1]} : vector<16xi32> to vector<1xi32>
        %squeeze3A_1277 = vector.extract %slice3A_1276[0] : i32 from vector<1xi32>
        %broadcast_in_dim3A_1278 = vector.broadcast %squeeze3A_1277 : i32 to vector<16xi32>
        %add3A_1279 = arith.addi %broadcast_in_dim3A_1278, %add3A_11 : vector<16xi32>
        %gather3A_1280 = tpu.vector_load_idx %arg6[%add3A_1279] : memref<32768xf32, #tpu.memory_space<vmem>>[vector<16xi32>], vector<16xf32>,
        %add3A_1281 = arith.constant 256 : i32
        %add3A_1282 = arith.addi %multiple_of3A_1090, %add3A_1281 : i32
        %add3A_1283 = arith.constant 0 : i32
        %add3A_1284 = arith.addi %add3A_1282, %add3A_1283 : i32
        %get3A_1285 = arith.index_cast %add3A_1284 : i32 to index
        %get3A_1286 = tpu.vector_load %arg12[%get3A_1285] {strides = array<i32>} : memref<13312xf32, #tpu.memory_space<vmem>>, vector<16xf32>,
        %add3A_1287 = arith.addf %get3A_1286, %gather3A_1280 : vector<16xf32>
        %swap3A_1288 = arith.index_cast %add3A_1284 : i32 to index
        %swap3A_1289 = tpu.vector_load %arg12[%swap3A_1288] {strides = array<i32>} : memref<13312xf32, #tpu.memory_space<vmem>>, vector<16xf32>,
        tpu.vector_store %arg12[%swap3A_1288], %add3A_1287 {strides = array<i32>} : memref<13312xf32, #tpu.memory_space<vmem>>, vector<16xf32>,
        %add3A_1290 = arith.addi %broadcast_in_dim3A_1278, %add3A_15 : vector<16xi32>
        %gather3A_1291 = tpu.vector_load_idx %arg6[%add3A_1290] : memref<32768xf32, #tpu.memory_space<vmem>>[vector<16xi32>], vector<16xf32>,
        %add3A_1292 = arith.constant 256 : i32
        %add3A_1293 = arith.addi %multiple_of3A_1090, %add3A_1292 : i32
        %add3A_1294 = arith.constant 16 : i32
        %add3A_1295 = arith.addi %add3A_1293, %add3A_1294 : i32
        %get3A_1296 = arith.index_cast %add3A_1295 : i32 to index
        %get3A_1297 = tpu.vector_load %arg12[%get3A_1296] {strides = array<i32>} : memref<13312xf32, #tpu.memory_space<vmem>>, vector<16xf32>,
        %add3A_1298 = arith.addf %get3A_1297, %gather3A_1291 : vector<16xf32>
        %swap3A_1299 = arith.index_cast %add3A_1295 : i32 to index
        %swap3A_1300 = tpu.vector_load %arg12[%swap3A_1299] {strides = array<i32>} : memref<13312xf32, #tpu.memory_space<vmem>>, vector<16xf32>,
        tpu.vector_store %arg12[%swap3A_1299], %add3A_1298 {strides = array<i32>} : memref<13312xf32, #tpu.memory_space<vmem>>, vector<16xf32>,
        %add3A_1301 = arith.addi %broadcast_in_dim3A_1278, %add3A_19 : vector<16xi32>
        %gather3A_1302 = tpu.vector_load_idx %arg6[%add3A_1301] : memref<32768xf32, #tpu.memory_space<vmem>>[vector<16xi32>], vector<16xf32>,
        %add3A_1303 = arith.constant 256 : i32
        %add3A_1304 = arith.addi %multiple_of3A_1090, %add3A_1303 : i32
        %add3A_1305 = arith.constant 32 : i32
        %add3A_1306 = arith.addi %add3A_1304, %add3A_1305 : i32
        %get3A_1307 = arith.index_cast %add3A_1306 : i32 to index
        %get3A_1308 = tpu.vector_load %arg12[%get3A_1307] {strides = array<i32>} : memref<13312xf32, #tpu.memory_space<vmem>>, vector<16xf32>,
        %add3A_1309 = arith.addf %get3A_1308, %gather3A_1302 : vector<16xf32>
        %swap3A_1310 = arith.index_cast %add3A_1306 : i32 to index
        %swap3A_1311 = tpu.vector_load %arg12[%swap3A_1310] {strides = array<i32>} : memref<13312xf32, #tpu.memory_space<vmem>>, vector<16xf32>,
        tpu.vector_store %arg12[%swap3A_1310], %add3A_1309 {strides = array<i32>} : memref<13312xf32, #tpu.memory_space<vmem>>, vector<16xf32>,
        %add3A_1312 = arith.addi %broadcast_in_dim3A_1278, %add3A_23 : vector<16xi32>
        %gather3A_1313 = tpu.vector_load_idx %arg6[%add3A_1312] : memref<32768xf32, #tpu.memory_space<vmem>>[vector<16xi32>], vector<16xf32>,
        %add3A_1314 = arith.constant 256 : i32
        %add3A_1315 = arith.addi %multiple_of3A_1090, %add3A_1314 : i32
        %add3A_1316 = arith.constant 48 : i32
        %add3A_1317 = arith.addi %add3A_1315, %add3A_1316 : i32
        %get3A_1318 = arith.index_cast %add3A_1317 : i32 to index
        %get3A_1319 = tpu.vector_load %arg12[%get3A_1318] {strides = array<i32>} : memref<13312xf32, #tpu.memory_space<vmem>>, vector<16xf32>,
        %add3A_1320 = arith.addf %get3A_1319, %gather3A_1313 : vector<16xf32>
        %swap3A_1321 = arith.index_cast %add3A_1317 : i32 to index
        %swap3A_1322 = tpu.vector_load %arg12[%swap3A_1321] {strides = array<i32>} : memref<13312xf32, #tpu.memory_space<vmem>>, vector<16xf32>,
        tpu.vector_store %arg12[%swap3A_1321], %add3A_1320 {strides = array<i32>} : memref<13312xf32, #tpu.memory_space<vmem>>, vector<16xf32>,
        %slice3A_1323 = vector.extract_strided_slice %mul3A_1087 {offsets = [5], sizes = [1], strides = [1]} : vector<16xi32> to vector<1xi32>
        %squeeze3A_1324 = vector.extract %slice3A_1323[0] : i32 from vector<1xi32>
        %broadcast_in_dim3A_1325 = vector.broadcast %squeeze3A_1324 : i32 to vector<16xi32>
        %add3A_1326 = arith.addi %broadcast_in_dim3A_1325, %add3A_11 : vector<16xi32>
        %gather3A_1327 = tpu.vector_load_idx %arg6[%add3A_1326] : memref<32768xf32, #tpu.memory_space<vmem>>[vector<16xi32>], vector<16xf32>,
        %add3A_1328 = arith.constant 320 : i32
        %add3A_1329 = arith.addi %multiple_of3A_1090, %add3A_1328 : i32
        %add3A_1330 = arith.constant 0 : i32
        %add3A_1331 = arith.addi %add3A_1329, %add3A_1330 : i32
        %get3A_1332 = arith.index_cast %add3A_1331 : i32 to index
        %get3A_1333 = tpu.vector_load %arg12[%get3A_1332] {strides = array<i32>} : memref<13312xf32, #tpu.memory_space<vmem>>, vector<16xf32>,
        %add3A_1334 = arith.addf %get3A_1333, %gather3A_1327 : vector<16xf32>
        %swap3A_1335 = arith.index_cast %add3A_1331 : i32 to index
        %swap3A_1336 = tpu.vector_load %arg12[%swap3A_1335] {strides = array<i32>} : memref<13312xf32, #tpu.memory_space<vmem>>, vector<16xf32>,
        tpu.vector_store %arg12[%swap3A_1335], %add3A_1334 {strides = array<i32>} : memref<13312xf32, #tpu.memory_space<vmem>>, vector<16xf32>,
        %add3A_1337 = arith.addi %broadcast_in_dim3A_1325, %add3A_15 : vector<16xi32>
        %gather3A_1338 = tpu.vector_load_idx %arg6[%add3A_1337] : memref<32768xf32, #tpu.memory_space<vmem>>[vector<16xi32>], vector<16xf32>,
        %add3A_1339 = arith.constant 320 : i32
        %add3A_1340 = arith.addi %multiple_of3A_1090, %add3A_1339 : i32
        %add3A_1341 = arith.constant 16 : i32
        %add3A_1342 = arith.addi %add3A_1340, %add3A_1341 : i32
        %get3A_1343 = arith.index_cast %add3A_1342 : i32 to index
        %get3A_1344 = tpu.vector_load %arg12[%get3A_1343] {strides = array<i32>} : memref<13312xf32, #tpu.memory_space<vmem>>, vector<16xf32>,
        %add3A_1345 = arith.addf %get3A_1344, %gather3A_1338 : vector<16xf32>
        %swap3A_1346 = arith.index_cast %add3A_1342 : i32 to index
        %swap3A_1347 = tpu.vector_load %arg12[%swap3A_1346] {strides = array<i32>} : memref<13312xf32, #tpu.memory_space<vmem>>, vector<16xf32>,
        tpu.vector_store %arg12[%swap3A_1346], %add3A_1345 {strides = array<i32>} : memref<13312xf32, #tpu.memory_space<vmem>>, vector<16xf32>,
        %add3A_1348 = arith.addi %broadcast_in_dim3A_1325, %add3A_19 : vector<16xi32>
        %gather3A_1349 = tpu.vector_load_idx %arg6[%add3A_1348] : memref<32768xf32, #tpu.memory_space<vmem>>[vector<16xi32>], vector<16xf32>,
        %add3A_1350 = arith.constant 320 : i32
        %add3A_1351 = arith.addi %multiple_of3A_1090, %add3A_1350 : i32
        %add3A_1352 = arith.constant 32 : i32
        %add3A_1353 = arith.addi %add3A_1351, %add3A_1352 : i32
        %get3A_1354 = arith.index_cast %add3A_1353 : i32 to index
        %get3A_1355 = tpu.vector_load %arg12[%get3A_1354] {strides = array<i32>} : memref<13312xf32, #tpu.memory_space<vmem>>, vector<16xf32>,
        %add3A_1356 = arith.addf %get3A_1355, %gather3A_1349 : vector<16xf32>
        %swap3A_1357 = arith.index_cast %add3A_1353 : i32 to index
        %swap3A_1358 = tpu.vector_load %arg12[%swap3A_1357] {strides = array<i32>} : memref<13312xf32, #tpu.memory_space<vmem>>, vector<16xf32>,
        tpu.vector_store %arg12[%swap3A_1357], %add3A_1356 {strides = array<i32>} : memref<13312xf32, #tpu.memory_space<vmem>>, vector<16xf32>,
        %add3A_1359 = arith.addi %broadcast_in_dim3A_1325, %add3A_23 : vector<16xi32>
        %gather3A_1360 = tpu.vector_load_idx %arg6[%add3A_1359] : memref<32768xf32, #tpu.memory_space<vmem>>[vector<16xi32>], vector<16xf32>,
        %add3A_1361 = arith.constant 320 : i32
        %add3A_1362 = arith.addi %multiple_of3A_1090, %add3A_1361 : i32
        %add3A_1363 = arith.constant 48 : i32
        %add3A_1364 = arith.addi %add3A_1362, %add3A_1363 : i32
        %get3A_1365 = arith.index_cast %add3A_1364 : i32 to index
        %get3A_1366 = tpu.vector_load %arg12[%get3A_1365] {strides = array<i32>} : memref<13312xf32, #tpu.memory_space<vmem>>, vector<16xf32>,
        %add3A_1367 = arith.addf %get3A_1366, %gather3A_1360 : vector<16xf32>
        %swap3A_1368 = arith.index_cast %add3A_1364 : i32 to index
        %swap3A_1369 = tpu.vector_load %arg12[%swap3A_1368] {strides = array<i32>} : memref<13312xf32, #tpu.memory_space<vmem>>, vector<16xf32>,
        tpu.vector_store %arg12[%swap3A_1368], %add3A_1367 {strides = array<i32>} : memref<13312xf32, #tpu.memory_space<vmem>>, vector<16xf32>,
        %slice3A_1370 = vector.extract_strided_slice %mul3A_1087 {offsets = [6], sizes = [1], strides = [1]} : vector<16xi32> to vector<1xi32>
        %squeeze3A_1371 = vector.extract %slice3A_1370[0] : i32 from vector<1xi32>
        %broadcast_in_dim3A_1372 = vector.broadcast %squeeze3A_1371 : i32 to vector<16xi32>
        %add3A_1373 = arith.addi %broadcast_in_dim3A_1372, %add3A_11 : vector<16xi32>
        %gather3A_1374 = tpu.vector_load_idx %arg6[%add3A_1373] : memref<32768xf32, #tpu.memory_space<vmem>>[vector<16xi32>], vector<16xf32>,
        %add3A_1375 = arith.constant 384 : i32
        %add3A_1376 = arith.addi %multiple_of3A_1090, %add3A_1375 : i32
        %add3A_1377 = arith.constant 0 : i32
        %add3A_1378 = arith.addi %add3A_1376, %add3A_1377 : i32
        %get3A_1379 = arith.index_cast %add3A_1378 : i32 to index
        %get3A_1380 = tpu.vector_load %arg12[%get3A_1379] {strides = array<i32>} : memref<13312xf32, #tpu.memory_space<vmem>>, vector<16xf32>,
        %add3A_1381 = arith.addf %get3A_1380, %gather3A_1374 : vector<16xf32>
        %swap3A_1382 = arith.index_cast %add3A_1378 : i32 to index
        %swap3A_1383 = tpu.vector_load %arg12[%swap3A_1382] {strides = array<i32>} : memref<13312xf32, #tpu.memory_space<vmem>>, vector<16xf32>,
        tpu.vector_store %arg12[%swap3A_1382], %add3A_1381 {strides = array<i32>} : memref<13312xf32, #tpu.memory_space<vmem>>, vector<16xf32>,
        %add3A_1384 = arith.addi %broadcast_in_dim3A_1372, %add3A_15 : vector<16xi32>
        %gather3A_1385 = tpu.vector_load_idx %arg6[%add3A_1384] : memref<32768xf32, #tpu.memory_space<vmem>>[vector<16xi32>], vector<16xf32>,
        %add3A_1386 = arith.constant 384 : i32
        %add3A_1387 = arith.addi %multiple_of3A_1090, %add3A_1386 : i32
        %add3A_1388 = arith.constant 16 : i32
        %add3A_1389 = arith.addi %add3A_1387, %add3A_1388 : i32
        %get3A_1390 = arith.index_cast %add3A_1389 : i32 to index
        %get3A_1391 = tpu.vector_load %arg12[%get3A_1390] {strides = array<i32>} : memref<13312xf32, #tpu.memory_space<vmem>>, vector<16xf32>,
        %add3A_1392 = arith.addf %get3A_1391, %gather3A_1385 : vector<16xf32>
        %swap3A_1393 = arith.index_cast %add3A_1389 : i32 to index
        %swap3A_1394 = tpu.vector_load %arg12[%swap3A_1393] {strides = array<i32>} : memref<13312xf32, #tpu.memory_space<vmem>>, vector<16xf32>,
        tpu.vector_store %arg12[%swap3A_1393], %add3A_1392 {strides = array<i32>} : memref<13312xf32, #tpu.memory_space<vmem>>, vector<16xf32>,
        %add3A_1395 = arith.addi %broadcast_in_dim3A_1372, %add3A_19 : vector<16xi32>
        %gather3A_1396 = tpu.vector_load_idx %arg6[%add3A_1395] : memref<32768xf32, #tpu.memory_space<vmem>>[vector<16xi32>], vector<16xf32>,
        %add3A_1397 = arith.constant 384 : i32
        %add3A_1398 = arith.addi %multiple_of3A_1090, %add3A_1397 : i32
        %add3A_1399 = arith.constant 32 : i32
        %add3A_1400 = arith.addi %add3A_1398, %add3A_1399 : i32
        %get3A_1401 = arith.index_cast %add3A_1400 : i32 to index
        %get3A_1402 = tpu.vector_load %arg12[%get3A_1401] {strides = array<i32>} : memref<13312xf32, #tpu.memory_space<vmem>>, vector<16xf32>,
        %add3A_1403 = arith.addf %get3A_1402, %gather3A_1396 : vector<16xf32>
        %swap3A_1404 = arith.index_cast %add3A_1400 : i32 to index
        %swap3A_1405 = tpu.vector_load %arg12[%swap3A_1404] {strides = array<i32>} : memref<13312xf32, #tpu.memory_space<vmem>>, vector<16xf32>,
        tpu.vector_store %arg12[%swap3A_1404], %add3A_1403 {strides = array<i32>} : memref<13312xf32, #tpu.memory_space<vmem>>, vector<16xf32>,
        %add3A_1406 = arith.addi %broadcast_in_dim3A_1372, %add3A_23 : vector<16xi32>
        %gather3A_1407 = tpu.vector_load_idx %arg6[%add3A_1406] : memref<32768xf32, #tpu.memory_space<vmem>>[vector<16xi32>], vector<16xf32>,
        %add3A_1408 = arith.constant 384 : i32
        %add3A_1409 = arith.addi %multiple_of3A_1090, %add3A_1408 : i32
        %add3A_1410 = arith.constant 48 : i32
        %add3A_1411 = arith.addi %add3A_1409, %add3A_1410 : i32
        %get3A_1412 = arith.index_cast %add3A_1411 : i32 to index
        %get3A_1413 = tpu.vector_load %arg12[%get3A_1412] {strides = array<i32>} : memref<13312xf32, #tpu.memory_space<vmem>>, vector<16xf32>,
        %add3A_1414 = arith.addf %get3A_1413, %gather3A_1407 : vector<16xf32>
        %swap3A_1415 = arith.index_cast %add3A_1411 : i32 to index
        %swap3A_1416 = tpu.vector_load %arg12[%swap3A_1415] {strides = array<i32>} : memref<13312xf32, #tpu.memory_space<vmem>>, vector<16xf32>,
        tpu.vector_store %arg12[%swap3A_1415], %add3A_1414 {strides = array<i32>} : memref<13312xf32, #tpu.memory_space<vmem>>, vector<16xf32>,
        %slice3A_1417 = vector.extract_strided_slice %mul3A_1087 {offsets = [7], sizes = [1], strides = [1]} : vector<16xi32> to vector<1xi32>
        %squeeze3A_1418 = vector.extract %slice3A_1417[0] : i32 from vector<1xi32>
        %broadcast_in_dim3A_1419 = vector.broadcast %squeeze3A_1418 : i32 to vector<16xi32>
        %add3A_1420 = arith.addi %broadcast_in_dim3A_1419, %add3A_11 : vector<16xi32>
        %gather3A_1421 = tpu.vector_load_idx %arg6[%add3A_1420] : memref<32768xf32, #tpu.memory_space<vmem>>[vector<16xi32>], vector<16xf32>,
        %add3A_1422 = arith.constant 448 : i32
        %add3A_1423 = arith.addi %multiple_of3A_1090, %add3A_1422 : i32
        %add3A_1424 = arith.constant 0 : i32
        %add3A_1425 = arith.addi %add3A_1423, %add3A_1424 : i32
        %get3A_1426 = arith.index_cast %add3A_1425 : i32 to index
        %get3A_1427 = tpu.vector_load %arg12[%get3A_1426] {strides = array<i32>} : memref<13312xf32, #tpu.memory_space<vmem>>, vector<16xf32>,
        %add3A_1428 = arith.addf %get3A_1427, %gather3A_1421 : vector<16xf32>
        %swap3A_1429 = arith.index_cast %add3A_1425 : i32 to index
        %swap3A_1430 = tpu.vector_load %arg12[%swap3A_1429] {strides = array<i32>} : memref<13312xf32, #tpu.memory_space<vmem>>, vector<16xf32>,
        tpu.vector_store %arg12[%swap3A_1429], %add3A_1428 {strides = array<i32>} : memref<13312xf32, #tpu.memory_space<vmem>>, vector<16xf32>,
        %add3A_1431 = arith.addi %broadcast_in_dim3A_1419, %add3A_15 : vector<16xi32>
        %gather3A_1432 = tpu.vector_load_idx %arg6[%add3A_1431] : memref<32768xf32, #tpu.memory_space<vmem>>[vector<16xi32>], vector<16xf32>,
        %add3A_1433 = arith.constant 448 : i32
        %add3A_1434 = arith.addi %multiple_of3A_1090, %add3A_1433 : i32
        %add3A_1435 = arith.constant 16 : i32
        %add3A_1436 = arith.addi %add3A_1434, %add3A_1435 : i32
        %get3A_1437 = arith.index_cast %add3A_1436 : i32 to index
        %get3A_1438 = tpu.vector_load %arg12[%get3A_1437] {strides = array<i32>} : memref<13312xf32, #tpu.memory_space<vmem>>, vector<16xf32>,
        %add3A_1439 = arith.addf %get3A_1438, %gather3A_1432 : vector<16xf32>
        %swap3A_1440 = arith.index_cast %add3A_1436 : i32 to index
        %swap3A_1441 = tpu.vector_load %arg12[%swap3A_1440] {strides = array<i32>} : memref<13312xf32, #tpu.memory_space<vmem>>, vector<16xf32>,
        tpu.vector_store %arg12[%swap3A_1440], %add3A_1439 {strides = array<i32>} : memref<13312xf32, #tpu.memory_space<vmem>>, vector<16xf32>,
        %add3A_1442 = arith.addi %broadcast_in_dim3A_1419, %add3A_19 : vector<16xi32>
        %gather3A_1443 = tpu.vector_load_idx %arg6[%add3A_1442] : memref<32768xf32, #tpu.memory_space<vmem>>[vector<16xi32>], vector<16xf32>,
        %add3A_1444 = arith.constant 448 : i32
        %add3A_1445 = arith.addi %multiple_of3A_1090, %add3A_1444 : i32
        %add3A_1446 = arith.constant 32 : i32
        %add3A_1447 = arith.addi %add3A_1445, %add3A_1446 : i32
        %get3A_1448 = arith.index_cast %add3A_1447 : i32 to index
        %get3A_1449 = tpu.vector_load %arg12[%get3A_1448] {strides = array<i32>} : memref<13312xf32, #tpu.memory_space<vmem>>, vector<16xf32>,
        %add3A_1450 = arith.addf %get3A_1449, %gather3A_1443 : vector<16xf32>
        %swap3A_1451 = arith.index_cast %add3A_1447 : i32 to index
        %swap3A_1452 = tpu.vector_load %arg12[%swap3A_1451] {strides = array<i32>} : memref<13312xf32, #tpu.memory_space<vmem>>, vector<16xf32>,
        tpu.vector_store %arg12[%swap3A_1451], %add3A_1450 {strides = array<i32>} : memref<13312xf32, #tpu.memory_space<vmem>>, vector<16xf32>,
        %add3A_1453 = arith.addi %broadcast_in_dim3A_1419, %add3A_23 : vector<16xi32>
        %gather3A_1454 = tpu.vector_load_idx %arg6[%add3A_1453] : memref<32768xf32, #tpu.memory_space<vmem>>[vector<16xi32>], vector<16xf32>,
        %add3A_1455 = arith.constant 448 : i32
        %add3A_1456 = arith.addi %multiple_of3A_1090, %add3A_1455 : i32
        %add3A_1457 = arith.constant 48 : i32
        %add3A_1458 = arith.addi %add3A_1456, %add3A_1457 : i32
        %get3A_1459 = arith.index_cast %add3A_1458 : i32 to index
        %get3A_1460 = tpu.vector_load %arg12[%get3A_1459] {strides = array<i32>} : memref<13312xf32, #tpu.memory_space<vmem>>, vector<16xf32>,
        %add3A_1461 = arith.addf %get3A_1460, %gather3A_1454 : vector<16xf32>
        %swap3A_1462 = arith.index_cast %add3A_1458 : i32 to index
        %swap3A_1463 = tpu.vector_load %arg12[%swap3A_1462] {strides = array<i32>} : memref<13312xf32, #tpu.memory_space<vmem>>, vector<16xf32>,
        tpu.vector_store %arg12[%swap3A_1462], %add3A_1461 {strides = array<i32>} : memref<13312xf32, #tpu.memory_space<vmem>>, vector<16xf32>,
        %slice3A_1464 = vector.extract_strided_slice %mul3A_1087 {offsets = [8], sizes = [1], strides = [1]} : vector<16xi32> to vector<1xi32>
        %squeeze3A_1465 = vector.extract %slice3A_1464[0] : i32 from vector<1xi32>
        %broadcast_in_dim3A_1466 = vector.broadcast %squeeze3A_1465 : i32 to vector<16xi32>
        %add3A_1467 = arith.addi %broadcast_in_dim3A_1466, %add3A_11 : vector<16xi32>
        %gather3A_1468 = tpu.vector_load_idx %arg6[%add3A_1467] : memref<32768xf32, #tpu.memory_space<vmem>>[vector<16xi32>], vector<16xf32>,
        %add3A_1469 = arith.constant 512 : i32
        %add3A_1470 = arith.addi %multiple_of3A_1090, %add3A_1469 : i32
        %add3A_1471 = arith.constant 0 : i32
        %add3A_1472 = arith.addi %add3A_1470, %add3A_1471 : i32
        %get3A_1473 = arith.index_cast %add3A_1472 : i32 to index
        %get3A_1474 = tpu.vector_load %arg12[%get3A_1473] {strides = array<i32>} : memref<13312xf32, #tpu.memory_space<vmem>>, vector<16xf32>,
        %add3A_1475 = arith.addf %get3A_1474, %gather3A_1468 : vector<16xf32>
        %swap3A_1476 = arith.index_cast %add3A_1472 : i32 to index
        %swap3A_1477 = tpu.vector_load %arg12[%swap3A_1476] {strides = array<i32>} : memref<13312xf32, #tpu.memory_space<vmem>>, vector<16xf32>,
        tpu.vector_store %arg12[%swap3A_1476], %add3A_1475 {strides = array<i32>} : memref<13312xf32, #tpu.memory_space<vmem>>, vector<16xf32>,
        %add3A_1478 = arith.addi %broadcast_in_dim3A_1466, %add3A_15 : vector<16xi32>
        %gather3A_1479 = tpu.vector_load_idx %arg6[%add3A_1478] : memref<32768xf32, #tpu.memory_space<vmem>>[vector<16xi32>], vector<16xf32>,
        %add3A_1480 = arith.constant 512 : i32
        %add3A_1481 = arith.addi %multiple_of3A_1090, %add3A_1480 : i32
        %add3A_1482 = arith.constant 16 : i32
        %add3A_1483 = arith.addi %add3A_1481, %add3A_1482 : i32
        %get3A_1484 = arith.index_cast %add3A_1483 : i32 to index
        %get3A_1485 = tpu.vector_load %arg12[%get3A_1484] {strides = array<i32>} : memref<13312xf32, #tpu.memory_space<vmem>>, vector<16xf32>,
        %add3A_1486 = arith.addf %get3A_1485, %gather3A_1479 : vector<16xf32>
        %swap3A_1487 = arith.index_cast %add3A_1483 : i32 to index
        %swap3A_1488 = tpu.vector_load %arg12[%swap3A_1487] {strides = array<i32>} : memref<13312xf32, #tpu.memory_space<vmem>>, vector<16xf32>,
        tpu.vector_store %arg12[%swap3A_1487], %add3A_1486 {strides = array<i32>} : memref<13312xf32, #tpu.memory_space<vmem>>, vector<16xf32>,
        %add3A_1489 = arith.addi %broadcast_in_dim3A_1466, %add3A_19 : vector<16xi32>
        %gather3A_1490 = tpu.vector_load_idx %arg6[%add3A_1489] : memref<32768xf32, #tpu.memory_space<vmem>>[vector<16xi32>], vector<16xf32>,
        %add3A_1491 = arith.constant 512 : i32
        %add3A_1492 = arith.addi %multiple_of3A_1090, %add3A_1491 : i32
        %add3A_1493 = arith.constant 32 : i32
        %add3A_1494 = arith.addi %add3A_1492, %add3A_1493 : i32
        %get3A_1495 = arith.index_cast %add3A_1494 : i32 to index
        %get3A_1496 = tpu.vector_load %arg12[%get3A_1495] {strides = array<i32>} : memref<13312xf32, #tpu.memory_space<vmem>>, vector<16xf32>,
        %add3A_1497 = arith.addf %get3A_1496, %gather3A_1490 : vector<16xf32>
        %swap3A_1498 = arith.index_cast %add3A_1494 : i32 to index
        %swap3A_1499 = tpu.vector_load %arg12[%swap3A_1498] {strides = array<i32>} : memref<13312xf32, #tpu.memory_space<vmem>>, vector<16xf32>,
        tpu.vector_store %arg12[%swap3A_1498], %add3A_1497 {strides = array<i32>} : memref<13312xf32, #tpu.memory_space<vmem>>, vector<16xf32>,
        %add3A_1500 = arith.addi %broadcast_in_dim3A_1466, %add3A_23 : vector<16xi32>
        %gather3A_1501 = tpu.vector_load_idx %arg6[%add3A_1500] : memref<32768xf32, #tpu.memory_space<vmem>>[vector<16xi32>], vector<16xf32>,
        %add3A_1502 = arith.constant 512 : i32
        %add3A_1503 = arith.addi %multiple_of3A_1090, %add3A_1502 : i32
        %add3A_1504 = arith.constant 48 : i32
        %add3A_1505 = arith.addi %add3A_1503, %add3A_1504 : i32
        %get3A_1506 = arith.index_cast %add3A_1505 : i32 to index
        %get3A_1507 = tpu.vector_load %arg12[%get3A_1506] {strides = array<i32>} : memref<13312xf32, #tpu.memory_space<vmem>>, vector<16xf32>,
        %add3A_1508 = arith.addf %get3A_1507, %gather3A_1501 : vector<16xf32>
        %swap3A_1509 = arith.index_cast %add3A_1505 : i32 to index
        %swap3A_1510 = tpu.vector_load %arg12[%swap3A_1509] {strides = array<i32>} : memref<13312xf32, #tpu.memory_space<vmem>>, vector<16xf32>,
        tpu.vector_store %arg12[%swap3A_1509], %add3A_1508 {strides = array<i32>} : memref<13312xf32, #tpu.memory_space<vmem>>, vector<16xf32>,
        %slice3A_1511 = vector.extract_strided_slice %mul3A_1087 {offsets = [9], sizes = [1], strides = [1]} : vector<16xi32> to vector<1xi32>
        %squeeze3A_1512 = vector.extract %slice3A_1511[0] : i32 from vector<1xi32>
        %broadcast_in_dim3A_1513 = vector.broadcast %squeeze3A_1512 : i32 to vector<16xi32>
        %add3A_1514 = arith.addi %broadcast_in_dim3A_1513, %add3A_11 : vector<16xi32>
        %gather3A_1515 = tpu.vector_load_idx %arg6[%add3A_1514] : memref<32768xf32, #tpu.memory_space<vmem>>[vector<16xi32>], vector<16xf32>,
        %add3A_1516 = arith.constant 576 : i32
        %add3A_1517 = arith.addi %multiple_of3A_1090, %add3A_1516 : i32
        %add3A_1518 = arith.constant 0 : i32
        %add3A_1519 = arith.addi %add3A_1517, %add3A_1518 : i32
        %get3A_1520 = arith.index_cast %add3A_1519 : i32 to index
        %get3A_1521 = tpu.vector_load %arg12[%get3A_1520] {strides = array<i32>} : memref<13312xf32, #tpu.memory_space<vmem>>, vector<16xf32>,
        %add3A_1522 = arith.addf %get3A_1521, %gather3A_1515 : vector<16xf32>
        %swap3A_1523 = arith.index_cast %add3A_1519 : i32 to index
        %swap3A_1524 = tpu.vector_load %arg12[%swap3A_1523] {strides = array<i32>} : memref<13312xf32, #tpu.memory_space<vmem>>, vector<16xf32>,
        tpu.vector_store %arg12[%swap3A_1523], %add3A_1522 {strides = array<i32>} : memref<13312xf32, #tpu.memory_space<vmem>>, vector<16xf32>,
        %add3A_1525 = arith.addi %broadcast_in_dim3A_1513, %add3A_15 : vector<16xi32>
        %gather3A_1526 = tpu.vector_load_idx %arg6[%add3A_1525] : memref<32768xf32, #tpu.memory_space<vmem>>[vector<16xi32>], vector<16xf32>,
        %add3A_1527 = arith.constant 576 : i32
        %add3A_1528 = arith.addi %multiple_of3A_1090, %add3A_1527 : i32
        %add3A_1529 = arith.constant 16 : i32
        %add3A_1530 = arith.addi %add3A_1528, %add3A_1529 : i32
        %get3A_1531 = arith.index_cast %add3A_1530 : i32 to index
        %get3A_1532 = tpu.vector_load %arg12[%get3A_1531] {strides = array<i32>} : memref<13312xf32, #tpu.memory_space<vmem>>, vector<16xf32>,
        %add3A_1533 = arith.addf %get3A_1532, %gather3A_1526 : vector<16xf32>
        %swap3A_1534 = arith.index_cast %add3A_1530 : i32 to index
        %swap3A_1535 = tpu.vector_load %arg12[%swap3A_1534] {strides = array<i32>} : memref<13312xf32, #tpu.memory_space<vmem>>, vector<16xf32>,
        tpu.vector_store %arg12[%swap3A_1534], %add3A_1533 {strides = array<i32>} : memref<13312xf32, #tpu.memory_space<vmem>>, vector<16xf32>,
        %add3A_1536 = arith.addi %broadcast_in_dim3A_1513, %add3A_19 : vector<16xi32>
        %gather3A_1537 = tpu.vector_load_idx %arg6[%add3A_1536] : memref<32768xf32, #tpu.memory_space<vmem>>[vector<16xi32>], vector<16xf32>,
        %add3A_1538 = arith.constant 576 : i32
        %add3A_1539 = arith.addi %multiple_of3A_1090, %add3A_1538 : i32
        %add3A_1540 = arith.constant 32 : i32
        %add3A_1541 = arith.addi %add3A_1539, %add3A_1540 : i32
        %get3A_1542 = arith.index_cast %add3A_1541 : i32 to index
        %get3A_1543 = tpu.vector_load %arg12[%get3A_1542] {strides = array<i32>} : memref<13312xf32, #tpu.memory_space<vmem>>, vector<16xf32>,
        %add3A_1544 = arith.addf %get3A_1543, %gather3A_1537 : vector<16xf32>
        %swap3A_1545 = arith.index_cast %add3A_1541 : i32 to index
        %swap3A_1546 = tpu.vector_load %arg12[%swap3A_1545] {strides = array<i32>} : memref<13312xf32, #tpu.memory_space<vmem>>, vector<16xf32>,
        tpu.vector_store %arg12[%swap3A_1545], %add3A_1544 {strides = array<i32>} : memref<13312xf32, #tpu.memory_space<vmem>>, vector<16xf32>,
        %add3A_1547 = arith.addi %broadcast_in_dim3A_1513, %add3A_23 : vector<16xi32>
        %gather3A_1548 = tpu.vector_load_idx %arg6[%add3A_1547] : memref<32768xf32, #tpu.memory_space<vmem>>[vector<16xi32>], vector<16xf32>,
        %add3A_1549 = arith.constant 576 : i32
        %add3A_1550 = arith.addi %multiple_of3A_1090, %add3A_1549 : i32
        %add3A_1551 = arith.constant 48 : i32
        %add3A_1552 = arith.addi %add3A_1550, %add3A_1551 : i32
        %get3A_1553 = arith.index_cast %add3A_1552 : i32 to index
        %get3A_1554 = tpu.vector_load %arg12[%get3A_1553] {strides = array<i32>} : memref<13312xf32, #tpu.memory_space<vmem>>, vector<16xf32>,
        %add3A_1555 = arith.addf %get3A_1554, %gather3A_1548 : vector<16xf32>
        %swap3A_1556 = arith.index_cast %add3A_1552 : i32 to index
        %swap3A_1557 = tpu.vector_load %arg12[%swap3A_1556] {strides = array<i32>} : memref<13312xf32, #tpu.memory_space<vmem>>, vector<16xf32>,
        tpu.vector_store %arg12[%swap3A_1556], %add3A_1555 {strides = array<i32>} : memref<13312xf32, #tpu.memory_space<vmem>>, vector<16xf32>,
        %slice3A_1558 = vector.extract_strided_slice %mul3A_1087 {offsets = [10], sizes = [1], strides = [1]} : vector<16xi32> to vector<1xi32>
        %squeeze3A_1559 = vector.extract %slice3A_1558[0] : i32 from vector<1xi32>
        %broadcast_in_dim3A_1560 = vector.broadcast %squeeze3A_1559 : i32 to vector<16xi32>
        %add3A_1561 = arith.addi %broadcast_in_dim3A_1560, %add3A_11 : vector<16xi32>
        %gather3A_1562 = tpu.vector_load_idx %arg6[%add3A_1561] : memref<32768xf32, #tpu.memory_space<vmem>>[vector<16xi32>], vector<16xf32>,
        %add3A_1563 = arith.constant 640 : i32
        %add3A_1564 = arith.addi %multiple_of3A_1090, %add3A_1563 : i32
        %add3A_1565 = arith.constant 0 : i32
        %add3A_1566 = arith.addi %add3A_1564, %add3A_1565 : i32
        %get3A_1567 = arith.index_cast %add3A_1566 : i32 to index
        %get3A_1568 = tpu.vector_load %arg12[%get3A_1567] {strides = array<i32>} : memref<13312xf32, #tpu.memory_space<vmem>>, vector<16xf32>,
        %add3A_1569 = arith.addf %get3A_1568, %gather3A_1562 : vector<16xf32>
        %swap3A_1570 = arith.index_cast %add3A_1566 : i32 to index
        %swap3A_1571 = tpu.vector_load %arg12[%swap3A_1570] {strides = array<i32>} : memref<13312xf32, #tpu.memory_space<vmem>>, vector<16xf32>,
        tpu.vector_store %arg12[%swap3A_1570], %add3A_1569 {strides = array<i32>} : memref<13312xf32, #tpu.memory_space<vmem>>, vector<16xf32>,
        %add3A_1572 = arith.addi %broadcast_in_dim3A_1560, %add3A_15 : vector<16xi32>
        %gather3A_1573 = tpu.vector_load_idx %arg6[%add3A_1572] : memref<32768xf32, #tpu.memory_space<vmem>>[vector<16xi32>], vector<16xf32>,
        %add3A_1574 = arith.constant 640 : i32
        %add3A_1575 = arith.addi %multiple_of3A_1090, %add3A_1574 : i32
        %add3A_1576 = arith.constant 16 : i32
        %add3A_1577 = arith.addi %add3A_1575, %add3A_1576 : i32
        %get3A_1578 = arith.index_cast %add3A_1577 : i32 to index
        %get3A_1579 = tpu.vector_load %arg12[%get3A_1578] {strides = array<i32>} : memref<13312xf32, #tpu.memory_space<vmem>>, vector<16xf32>,
        %add3A_1580 = arith.addf %get3A_1579, %gather3A_1573 : vector<16xf32>
        %swap3A_1581 = arith.index_cast %add3A_1577 : i32 to index
        %swap3A_1582 = tpu.vector_load %arg12[%swap3A_1581] {strides = array<i32>} : memref<13312xf32, #tpu.memory_space<vmem>>, vector<16xf32>,
        tpu.vector_store %arg12[%swap3A_1581], %add3A_1580 {strides = array<i32>} : memref<13312xf32, #tpu.memory_space<vmem>>, vector<16xf32>,
        %add3A_1583 = arith.addi %broadcast_in_dim3A_1560, %add3A_19 : vector<16xi32>
        %gather3A_1584 = tpu.vector_load_idx %arg6[%add3A_1583] : memref<32768xf32, #tpu.memory_space<vmem>>[vector<16xi32>], vector<16xf32>,
        %add3A_1585 = arith.constant 640 : i32
        %add3A_1586 = arith.addi %multiple_of3A_1090, %add3A_1585 : i32
        %add3A_1587 = arith.constant 32 : i32
        %add3A_1588 = arith.addi %add3A_1586, %add3A_1587 : i32
        %get3A_1589 = arith.index_cast %add3A_1588 : i32 to index
        %get3A_1590 = tpu.vector_load %arg12[%get3A_1589] {strides = array<i32>} : memref<13312xf32, #tpu.memory_space<vmem>>, vector<16xf32>,
        %add3A_1591 = arith.addf %get3A_1590, %gather3A_1584 : vector<16xf32>
        %swap3A_1592 = arith.index_cast %add3A_1588 : i32 to index
        %swap3A_1593 = tpu.vector_load %arg12[%swap3A_1592] {strides = array<i32>} : memref<13312xf32, #tpu.memory_space<vmem>>, vector<16xf32>,
        tpu.vector_store %arg12[%swap3A_1592], %add3A_1591 {strides = array<i32>} : memref<13312xf32, #tpu.memory_space<vmem>>, vector<16xf32>,
        %add3A_1594 = arith.addi %broadcast_in_dim3A_1560, %add3A_23 : vector<16xi32>
        %gather3A_1595 = tpu.vector_load_idx %arg6[%add3A_1594] : memref<32768xf32, #tpu.memory_space<vmem>>[vector<16xi32>], vector<16xf32>,
        %add3A_1596 = arith.constant 640 : i32
        %add3A_1597 = arith.addi %multiple_of3A_1090, %add3A_1596 : i32
        %add3A_1598 = arith.constant 48 : i32
        %add3A_1599 = arith.addi %add3A_1597, %add3A_1598 : i32
        %get3A_1600 = arith.index_cast %add3A_1599 : i32 to index
        %get3A_1601 = tpu.vector_load %arg12[%get3A_1600] {strides = array<i32>} : memref<13312xf32, #tpu.memory_space<vmem>>, vector<16xf32>,
        %add3A_1602 = arith.addf %get3A_1601, %gather3A_1595 : vector<16xf32>
        %swap3A_1603 = arith.index_cast %add3A_1599 : i32 to index
        %swap3A_1604 = tpu.vector_load %arg12[%swap3A_1603] {strides = array<i32>} : memref<13312xf32, #tpu.memory_space<vmem>>, vector<16xf32>,
        tpu.vector_store %arg12[%swap3A_1603], %add3A_1602 {strides = array<i32>} : memref<13312xf32, #tpu.memory_space<vmem>>, vector<16xf32>,
        %slice3A_1605 = vector.extract_strided_slice %mul3A_1087 {offsets = [11], sizes = [1], strides = [1]} : vector<16xi32> to vector<1xi32>
        %squeeze3A_1606 = vector.extract %slice3A_1605[0] : i32 from vector<1xi32>
        %broadcast_in_dim3A_1607 = vector.broadcast %squeeze3A_1606 : i32 to vector<16xi32>
        %add3A_1608 = arith.addi %broadcast_in_dim3A_1607, %add3A_11 : vector<16xi32>
        %gather3A_1609 = tpu.vector_load_idx %arg6[%add3A_1608] : memref<32768xf32, #tpu.memory_space<vmem>>[vector<16xi32>], vector<16xf32>,
        %add3A_1610 = arith.constant 704 : i32
        %add3A_1611 = arith.addi %multiple_of3A_1090, %add3A_1610 : i32
        %add3A_1612 = arith.constant 0 : i32
        %add3A_1613 = arith.addi %add3A_1611, %add3A_1612 : i32
        %get3A_1614 = arith.index_cast %add3A_1613 : i32 to index
        %get3A_1615 = tpu.vector_load %arg12[%get3A_1614] {strides = array<i32>} : memref<13312xf32, #tpu.memory_space<vmem>>, vector<16xf32>,
        %add3A_1616 = arith.addf %get3A_1615, %gather3A_1609 : vector<16xf32>
        %swap3A_1617 = arith.index_cast %add3A_1613 : i32 to index
        %swap3A_1618 = tpu.vector_load %arg12[%swap3A_1617] {strides = array<i32>} : memref<13312xf32, #tpu.memory_space<vmem>>, vector<16xf32>,
        tpu.vector_store %arg12[%swap3A_1617], %add3A_1616 {strides = array<i32>} : memref<13312xf32, #tpu.memory_space<vmem>>, vector<16xf32>,
        %add3A_1619 = arith.addi %broadcast_in_dim3A_1607, %add3A_15 : vector<16xi32>
        %gather3A_1620 = tpu.vector_load_idx %arg6[%add3A_1619] : memref<32768xf32, #tpu.memory_space<vmem>>[vector<16xi32>], vector<16xf32>,
        %add3A_1621 = arith.constant 704 : i32
        %add3A_1622 = arith.addi %multiple_of3A_1090, %add3A_1621 : i32
        %add3A_1623 = arith.constant 16 : i32
        %add3A_1624 = arith.addi %add3A_1622, %add3A_1623 : i32
        %get3A_1625 = arith.index_cast %add3A_1624 : i32 to index
        %get3A_1626 = tpu.vector_load %arg12[%get3A_1625] {strides = array<i32>} : memref<13312xf32, #tpu.memory_space<vmem>>, vector<16xf32>,
        %add3A_1627 = arith.addf %get3A_1626, %gather3A_1620 : vector<16xf32>
        %swap3A_1628 = arith.index_cast %add3A_1624 : i32 to index
        %swap3A_1629 = tpu.vector_load %arg12[%swap3A_1628] {strides = array<i32>} : memref<13312xf32, #tpu.memory_space<vmem>>, vector<16xf32>,
        tpu.vector_store %arg12[%swap3A_1628], %add3A_1627 {strides = array<i32>} : memref<13312xf32, #tpu.memory_space<vmem>>, vector<16xf32>,
        %add3A_1630 = arith.addi %broadcast_in_dim3A_1607, %add3A_19 : vector<16xi32>
        %gather3A_1631 = tpu.vector_load_idx %arg6[%add3A_1630] : memref<32768xf32, #tpu.memory_space<vmem>>[vector<16xi32>], vector<16xf32>,
        %add3A_1632 = arith.constant 704 : i32
        %add3A_1633 = arith.addi %multiple_of3A_1090, %add3A_1632 : i32
        %add3A_1634 = arith.constant 32 : i32
        %add3A_1635 = arith.addi %add3A_1633, %add3A_1634 : i32
        %get3A_1636 = arith.index_cast %add3A_1635 : i32 to index
        %get3A_1637 = tpu.vector_load %arg12[%get3A_1636] {strides = array<i32>} : memref<13312xf32, #tpu.memory_space<vmem>>, vector<16xf32>,
        %add3A_1638 = arith.addf %get3A_1637, %gather3A_1631 : vector<16xf32>
        %swap3A_1639 = arith.index_cast %add3A_1635 : i32 to index
        %swap3A_1640 = tpu.vector_load %arg12[%swap3A_1639] {strides = array<i32>} : memref<13312xf32, #tpu.memory_space<vmem>>, vector<16xf32>,
        tpu.vector_store %arg12[%swap3A_1639], %add3A_1638 {strides = array<i32>} : memref<13312xf32, #tpu.memory_space<vmem>>, vector<16xf32>,
        %add3A_1641 = arith.addi %broadcast_in_dim3A_1607, %add3A_23 : vector<16xi32>
        %gather3A_1642 = tpu.vector_load_idx %arg6[%add3A_1641] : memref<32768xf32, #tpu.memory_space<vmem>>[vector<16xi32>], vector<16xf32>,
        %add3A_1643 = arith.constant 704 : i32
        %add3A_1644 = arith.addi %multiple_of3A_1090, %add3A_1643 : i32
        %add3A_1645 = arith.constant 48 : i32
        %add3A_1646 = arith.addi %add3A_1644, %add3A_1645 : i32
        %get3A_1647 = arith.index_cast %add3A_1646 : i32 to index
        %get3A_1648 = tpu.vector_load %arg12[%get3A_1647] {strides = array<i32>} : memref<13312xf32, #tpu.memory_space<vmem>>, vector<16xf32>,
        %add3A_1649 = arith.addf %get3A_1648, %gather3A_1642 : vector<16xf32>
        %swap3A_1650 = arith.index_cast %add3A_1646 : i32 to index
        %swap3A_1651 = tpu.vector_load %arg12[%swap3A_1650] {strides = array<i32>} : memref<13312xf32, #tpu.memory_space<vmem>>, vector<16xf32>,
        tpu.vector_store %arg12[%swap3A_1650], %add3A_1649 {strides = array<i32>} : memref<13312xf32, #tpu.memory_space<vmem>>, vector<16xf32>,
        %slice3A_1652 = vector.extract_strided_slice %mul3A_1087 {offsets = [12], sizes = [1], strides = [1]} : vector<16xi32> to vector<1xi32>
        %squeeze3A_1653 = vector.extract %slice3A_1652[0] : i32 from vector<1xi32>
        %broadcast_in_dim3A_1654 = vector.broadcast %squeeze3A_1653 : i32 to vector<16xi32>
        %add3A_1655 = arith.addi %broadcast_in_dim3A_1654, %add3A_11 : vector<16xi32>
        %gather3A_1656 = tpu.vector_load_idx %arg6[%add3A_1655] : memref<32768xf32, #tpu.memory_space<vmem>>[vector<16xi32>], vector<16xf32>,
        %add3A_1657 = arith.constant 768 : i32
        %add3A_1658 = arith.addi %multiple_of3A_1090, %add3A_1657 : i32
        %add3A_1659 = arith.constant 0 : i32
        %add3A_1660 = arith.addi %add3A_1658, %add3A_1659 : i32
        %get3A_1661 = arith.index_cast %add3A_1660 : i32 to index
        %get3A_1662 = tpu.vector_load %arg12[%get3A_1661] {strides = array<i32>} : memref<13312xf32, #tpu.memory_space<vmem>>, vector<16xf32>,
        %add3A_1663 = arith.addf %get3A_1662, %gather3A_1656 : vector<16xf32>
        %swap3A_1664 = arith.index_cast %add3A_1660 : i32 to index
        %swap3A_1665 = tpu.vector_load %arg12[%swap3A_1664] {strides = array<i32>} : memref<13312xf32, #tpu.memory_space<vmem>>, vector<16xf32>,
        tpu.vector_store %arg12[%swap3A_1664], %add3A_1663 {strides = array<i32>} : memref<13312xf32, #tpu.memory_space<vmem>>, vector<16xf32>,
        %add3A_1666 = arith.addi %broadcast_in_dim3A_1654, %add3A_15 : vector<16xi32>
        %gather3A_1667 = tpu.vector_load_idx %arg6[%add3A_1666] : memref<32768xf32, #tpu.memory_space<vmem>>[vector<16xi32>], vector<16xf32>,
        %add3A_1668 = arith.constant 768 : i32
        %add3A_1669 = arith.addi %multiple_of3A_1090, %add3A_1668 : i32
        %add3A_1670 = arith.constant 16 : i32
        %add3A_1671 = arith.addi %add3A_1669, %add3A_1670 : i32
        %get3A_1672 = arith.index_cast %add3A_1671 : i32 to index
        %get3A_1673 = tpu.vector_load %arg12[%get3A_1672] {strides = array<i32>} : memref<13312xf32, #tpu.memory_space<vmem>>, vector<16xf32>,
        %add3A_1674 = arith.addf %get3A_1673, %gather3A_1667 : vector<16xf32>
        %swap3A_1675 = arith.index_cast %add3A_1671 : i32 to index
        %swap3A_1676 = tpu.vector_load %arg12[%swap3A_1675] {strides = array<i32>} : memref<13312xf32, #tpu.memory_space<vmem>>, vector<16xf32>,
        tpu.vector_store %arg12[%swap3A_1675], %add3A_1674 {strides = array<i32>} : memref<13312xf32, #tpu.memory_space<vmem>>, vector<16xf32>,
        %add3A_1677 = arith.addi %broadcast_in_dim3A_1654, %add3A_19 : vector<16xi32>
        %gather3A_1678 = tpu.vector_load_idx %arg6[%add3A_1677] : memref<32768xf32, #tpu.memory_space<vmem>>[vector<16xi32>], vector<16xf32>,
        %add3A_1679 = arith.constant 768 : i32
        %add3A_1680 = arith.addi %multiple_of3A_1090, %add3A_1679 : i32
        %add3A_1681 = arith.constant 32 : i32
        %add3A_1682 = arith.addi %add3A_1680, %add3A_1681 : i32
        %get3A_1683 = arith.index_cast %add3A_1682 : i32 to index
        %get3A_1684 = tpu.vector_load %arg12[%get3A_1683] {strides = array<i32>} : memref<13312xf32, #tpu.memory_space<vmem>>, vector<16xf32>,
        %add3A_1685 = arith.addf %get3A_1684, %gather3A_1678 : vector<16xf32>
        %swap3A_1686 = arith.index_cast %add3A_1682 : i32 to index
        %swap3A_1687 = tpu.vector_load %arg12[%swap3A_1686] {strides = array<i32>} : memref<13312xf32, #tpu.memory_space<vmem>>, vector<16xf32>,
        tpu.vector_store %arg12[%swap3A_1686], %add3A_1685 {strides = array<i32>} : memref<13312xf32, #tpu.memory_space<vmem>>, vector<16xf32>,
        %add3A_1688 = arith.addi %broadcast_in_dim3A_1654, %add3A_23 : vector<16xi32>
        %gather3A_1689 = tpu.vector_load_idx %arg6[%add3A_1688] : memref<32768xf32, #tpu.memory_space<vmem>>[vector<16xi32>], vector<16xf32>,
        %add3A_1690 = arith.constant 768 : i32
        %add3A_1691 = arith.addi %multiple_of3A_1090, %add3A_1690 : i32
        %add3A_1692 = arith.constant 48 : i32
        %add3A_1693 = arith.addi %add3A_1691, %add3A_1692 : i32
        %get3A_1694 = arith.index_cast %add3A_1693 : i32 to index
        %get3A_1695 = tpu.vector_load %arg12[%get3A_1694] {strides = array<i32>} : memref<13312xf32, #tpu.memory_space<vmem>>, vector<16xf32>,
        %add3A_1696 = arith.addf %get3A_1695, %gather3A_1689 : vector<16xf32>
        %swap3A_1697 = arith.index_cast %add3A_1693 : i32 to index
        %swap3A_1698 = tpu.vector_load %arg12[%swap3A_1697] {strides = array<i32>} : memref<13312xf32, #tpu.memory_space<vmem>>, vector<16xf32>,
        tpu.vector_store %arg12[%swap3A_1697], %add3A_1696 {strides = array<i32>} : memref<13312xf32, #tpu.memory_space<vmem>>, vector<16xf32>,
        %slice3A_1699 = vector.extract_strided_slice %mul3A_1087 {offsets = [13], sizes = [1], strides = [1]} : vector<16xi32> to vector<1xi32>
        %squeeze3A_1700 = vector.extract %slice3A_1699[0] : i32 from vector<1xi32>
        %broadcast_in_dim3A_1701 = vector.broadcast %squeeze3A_1700 : i32 to vector<16xi32>
        %add3A_1702 = arith.addi %broadcast_in_dim3A_1701, %add3A_11 : vector<16xi32>
        %gather3A_1703 = tpu.vector_load_idx %arg6[%add3A_1702] : memref<32768xf32, #tpu.memory_space<vmem>>[vector<16xi32>], vector<16xf32>,
        %add3A_1704 = arith.constant 832 : i32
        %add3A_1705 = arith.addi %multiple_of3A_1090, %add3A_1704 : i32
        %add3A_1706 = arith.constant 0 : i32
        %add3A_1707 = arith.addi %add3A_1705, %add3A_1706 : i32
        %get3A_1708 = arith.index_cast %add3A_1707 : i32 to index
        %get3A_1709 = tpu.vector_load %arg12[%get3A_1708] {strides = array<i32>} : memref<13312xf32, #tpu.memory_space<vmem>>, vector<16xf32>,
        %add3A_1710 = arith.addf %get3A_1709, %gather3A_1703 : vector<16xf32>
        %swap3A_1711 = arith.index_cast %add3A_1707 : i32 to index
        %swap3A_1712 = tpu.vector_load %arg12[%swap3A_1711] {strides = array<i32>} : memref<13312xf32, #tpu.memory_space<vmem>>, vector<16xf32>,
        tpu.vector_store %arg12[%swap3A_1711], %add3A_1710 {strides = array<i32>} : memref<13312xf32, #tpu.memory_space<vmem>>, vector<16xf32>,
        %add3A_1713 = arith.addi %broadcast_in_dim3A_1701, %add3A_15 : vector<16xi32>
        %gather3A_1714 = tpu.vector_load_idx %arg6[%add3A_1713] : memref<32768xf32, #tpu.memory_space<vmem>>[vector<16xi32>], vector<16xf32>,
        %add3A_1715 = arith.constant 832 : i32
        %add3A_1716 = arith.addi %multiple_of3A_1090, %add3A_1715 : i32
        %add3A_1717 = arith.constant 16 : i32
        %add3A_1718 = arith.addi %add3A_1716, %add3A_1717 : i32
        %get3A_1719 = arith.index_cast %add3A_1718 : i32 to index
        %get3A_1720 = tpu.vector_load %arg12[%get3A_1719] {strides = array<i32>} : memref<13312xf32, #tpu.memory_space<vmem>>, vector<16xf32>,
        %add3A_1721 = arith.addf %get3A_1720, %gather3A_1714 : vector<16xf32>
        %swap3A_1722 = arith.index_cast %add3A_1718 : i32 to index
        %swap3A_1723 = tpu.vector_load %arg12[%swap3A_1722] {strides = array<i32>} : memref<13312xf32, #tpu.memory_space<vmem>>, vector<16xf32>,
        tpu.vector_store %arg12[%swap3A_1722], %add3A_1721 {strides = array<i32>} : memref<13312xf32, #tpu.memory_space<vmem>>, vector<16xf32>,
        %add3A_1724 = arith.addi %broadcast_in_dim3A_1701, %add3A_19 : vector<16xi32>
        %gather3A_1725 = tpu.vector_load_idx %arg6[%add3A_1724] : memref<32768xf32, #tpu.memory_space<vmem>>[vector<16xi32>], vector<16xf32>,
        %add3A_1726 = arith.constant 832 : i32
        %add3A_1727 = arith.addi %multiple_of3A_1090, %add3A_1726 : i32
        %add3A_1728 = arith.constant 32 : i32
        %add3A_1729 = arith.addi %add3A_1727, %add3A_1728 : i32
        %get3A_1730 = arith.index_cast %add3A_1729 : i32 to index
        %get3A_1731 = tpu.vector_load %arg12[%get3A_1730] {strides = array<i32>} : memref<13312xf32, #tpu.memory_space<vmem>>, vector<16xf32>,
        %add3A_1732 = arith.addf %get3A_1731, %gather3A_1725 : vector<16xf32>
        %swap3A_1733 = arith.index_cast %add3A_1729 : i32 to index
        %swap3A_1734 = tpu.vector_load %arg12[%swap3A_1733] {strides = array<i32>} : memref<13312xf32, #tpu.memory_space<vmem>>, vector<16xf32>,
        tpu.vector_store %arg12[%swap3A_1733], %add3A_1732 {strides = array<i32>} : memref<13312xf32, #tpu.memory_space<vmem>>, vector<16xf32>,
        %add3A_1735 = arith.addi %broadcast_in_dim3A_1701, %add3A_23 : vector<16xi32>
        %gather3A_1736 = tpu.vector_load_idx %arg6[%add3A_1735] : memref<32768xf32, #tpu.memory_space<vmem>>[vector<16xi32>], vector<16xf32>,
        %add3A_1737 = arith.constant 832 : i32
        %add3A_1738 = arith.addi %multiple_of3A_1090, %add3A_1737 : i32
        %add3A_1739 = arith.constant 48 : i32
        %add3A_1740 = arith.addi %add3A_1738, %add3A_1739 : i32
        %get3A_1741 = arith.index_cast %add3A_1740 : i32 to index
        %get3A_1742 = tpu.vector_load %arg12[%get3A_1741] {strides = array<i32>} : memref<13312xf32, #tpu.memory_space<vmem>>, vector<16xf32>,
        %add3A_1743 = arith.addf %get3A_1742, %gather3A_1736 : vector<16xf32>
        %swap3A_1744 = arith.index_cast %add3A_1740 : i32 to index
        %swap3A_1745 = tpu.vector_load %arg12[%swap3A_1744] {strides = array<i32>} : memref<13312xf32, #tpu.memory_space<vmem>>, vector<16xf32>,
        tpu.vector_store %arg12[%swap3A_1744], %add3A_1743 {strides = array<i32>} : memref<13312xf32, #tpu.memory_space<vmem>>, vector<16xf32>,
        %slice3A_1746 = vector.extract_strided_slice %mul3A_1087 {offsets = [14], sizes = [1], strides = [1]} : vector<16xi32> to vector<1xi32>
        %squeeze3A_1747 = vector.extract %slice3A_1746[0] : i32 from vector<1xi32>
        %broadcast_in_dim3A_1748 = vector.broadcast %squeeze3A_1747 : i32 to vector<16xi32>
        %add3A_1749 = arith.addi %broadcast_in_dim3A_1748, %add3A_11 : vector<16xi32>
        %gather3A_1750 = tpu.vector_load_idx %arg6[%add3A_1749] : memref<32768xf32, #tpu.memory_space<vmem>>[vector<16xi32>], vector<16xf32>,
        %add3A_1751 = arith.constant 896 : i32
        %add3A_1752 = arith.addi %multiple_of3A_1090, %add3A_1751 : i32
        %add3A_1753 = arith.constant 0 : i32
        %add3A_1754 = arith.addi %add3A_1752, %add3A_1753 : i32
        %get3A_1755 = arith.index_cast %add3A_1754 : i32 to index
        %get3A_1756 = tpu.vector_load %arg12[%get3A_1755] {strides = array<i32>} : memref<13312xf32, #tpu.memory_space<vmem>>, vector<16xf32>,
        %add3A_1757 = arith.addf %get3A_1756, %gather3A_1750 : vector<16xf32>
        %swap3A_1758 = arith.index_cast %add3A_1754 : i32 to index
        %swap3A_1759 = tpu.vector_load %arg12[%swap3A_1758] {strides = array<i32>} : memref<13312xf32, #tpu.memory_space<vmem>>, vector<16xf32>,
        tpu.vector_store %arg12[%swap3A_1758], %add3A_1757 {strides = array<i32>} : memref<13312xf32, #tpu.memory_space<vmem>>, vector<16xf32>,
        %add3A_1760 = arith.addi %broadcast_in_dim3A_1748, %add3A_15 : vector<16xi32>
        %gather3A_1761 = tpu.vector_load_idx %arg6[%add3A_1760] : memref<32768xf32, #tpu.memory_space<vmem>>[vector<16xi32>], vector<16xf32>,
        %add3A_1762 = arith.constant 896 : i32
        %add3A_1763 = arith.addi %multiple_of3A_1090, %add3A_1762 : i32
        %add3A_1764 = arith.constant 16 : i32
        %add3A_1765 = arith.addi %add3A_1763, %add3A_1764 : i32
        %get3A_1766 = arith.index_cast %add3A_1765 : i32 to index
        %get3A_1767 = tpu.vector_load %arg12[%get3A_1766] {strides = array<i32>} : memref<13312xf32, #tpu.memory_space<vmem>>, vector<16xf32>,
        %add3A_1768 = arith.addf %get3A_1767, %gather3A_1761 : vector<16xf32>
        %swap3A_1769 = arith.index_cast %add3A_1765 : i32 to index
        %swap3A_1770 = tpu.vector_load %arg12[%swap3A_1769] {strides = array<i32>} : memref<13312xf32, #tpu.memory_space<vmem>>, vector<16xf32>,
        tpu.vector_store %arg12[%swap3A_1769], %add3A_1768 {strides = array<i32>} : memref<13312xf32, #tpu.memory_space<vmem>>, vector<16xf32>,
        %add3A_1771 = arith.addi %broadcast_in_dim3A_1748, %add3A_19 : vector<16xi32>
        %gather3A_1772 = tpu.vector_load_idx %arg6[%add3A_1771] : memref<32768xf32, #tpu.memory_space<vmem>>[vector<16xi32>], vector<16xf32>,
        %add3A_1773 = arith.constant 896 : i32
        %add3A_1774 = arith.addi %multiple_of3A_1090, %add3A_1773 : i32
        %add3A_1775 = arith.constant 32 : i32
        %add3A_1776 = arith.addi %add3A_1774, %add3A_1775 : i32
        %get3A_1777 = arith.index_cast %add3A_1776 : i32 to index
        %get3A_1778 = tpu.vector_load %arg12[%get3A_1777] {strides = array<i32>} : memref<13312xf32, #tpu.memory_space<vmem>>, vector<16xf32>,
        %add3A_1779 = arith.addf %get3A_1778, %gather3A_1772 : vector<16xf32>
        %swap3A_1780 = arith.index_cast %add3A_1776 : i32 to index
        %swap3A_1781 = tpu.vector_load %arg12[%swap3A_1780] {strides = array<i32>} : memref<13312xf32, #tpu.memory_space<vmem>>, vector<16xf32>,
        tpu.vector_store %arg12[%swap3A_1780], %add3A_1779 {strides = array<i32>} : memref<13312xf32, #tpu.memory_space<vmem>>, vector<16xf32>,
        %add3A_1782 = arith.addi %broadcast_in_dim3A_1748, %add3A_23 : vector<16xi32>
        %gather3A_1783 = tpu.vector_load_idx %arg6[%add3A_1782] : memref<32768xf32, #tpu.memory_space<vmem>>[vector<16xi32>], vector<16xf32>,
        %add3A_1784 = arith.constant 896 : i32
        %add3A_1785 = arith.addi %multiple_of3A_1090, %add3A_1784 : i32
        %add3A_1786 = arith.constant 48 : i32
        %add3A_1787 = arith.addi %add3A_1785, %add3A_1786 : i32
        %get3A_1788 = arith.index_cast %add3A_1787 : i32 to index
        %get3A_1789 = tpu.vector_load %arg12[%get3A_1788] {strides = array<i32>} : memref<13312xf32, #tpu.memory_space<vmem>>, vector<16xf32>,
        %add3A_1790 = arith.addf %get3A_1789, %gather3A_1783 : vector<16xf32>
        %swap3A_1791 = arith.index_cast %add3A_1787 : i32 to index
        %swap3A_1792 = tpu.vector_load %arg12[%swap3A_1791] {strides = array<i32>} : memref<13312xf32, #tpu.memory_space<vmem>>, vector<16xf32>,
        tpu.vector_store %arg12[%swap3A_1791], %add3A_1790 {strides = array<i32>} : memref<13312xf32, #tpu.memory_space<vmem>>, vector<16xf32>,
        %slice3A_1793 = vector.extract_strided_slice %mul3A_1087 {offsets = [15], sizes = [1], strides = [1]} : vector<16xi32> to vector<1xi32>
        %squeeze3A_1794 = vector.extract %slice3A_1793[0] : i32 from vector<1xi32>
        %broadcast_in_dim3A_1795 = vector.broadcast %squeeze3A_1794 : i32 to vector<16xi32>
        %add3A_1796 = arith.addi %broadcast_in_dim3A_1795, %add3A_11 : vector<16xi32>
        %gather3A_1797 = tpu.vector_load_idx %arg6[%add3A_1796] : memref<32768xf32, #tpu.memory_space<vmem>>[vector<16xi32>], vector<16xf32>,
        %add3A_1798 = arith.constant 960 : i32
        %add3A_1799 = arith.addi %multiple_of3A_1090, %add3A_1798 : i32
        %add3A_1800 = arith.constant 0 : i32
        %add3A_1801 = arith.addi %add3A_1799, %add3A_1800 : i32
        %get3A_1802 = arith.index_cast %add3A_1801 : i32 to index
        %get3A_1803 = tpu.vector_load %arg12[%get3A_1802] {strides = array<i32>} : memref<13312xf32, #tpu.memory_space<vmem>>, vector<16xf32>,
        %add3A_1804 = arith.addf %get3A_1803, %gather3A_1797 : vector<16xf32>
        %swap3A_1805 = arith.index_cast %add3A_1801 : i32 to index
        %swap3A_1806 = tpu.vector_load %arg12[%swap3A_1805] {strides = array<i32>} : memref<13312xf32, #tpu.memory_space<vmem>>, vector<16xf32>,
        tpu.vector_store %arg12[%swap3A_1805], %add3A_1804 {strides = array<i32>} : memref<13312xf32, #tpu.memory_space<vmem>>, vector<16xf32>,
        %add3A_1807 = arith.addi %broadcast_in_dim3A_1795, %add3A_15 : vector<16xi32>
        %gather3A_1808 = tpu.vector_load_idx %arg6[%add3A_1807] : memref<32768xf32, #tpu.memory_space<vmem>>[vector<16xi32>], vector<16xf32>,
        %add3A_1809 = arith.constant 960 : i32
        %add3A_1810 = arith.addi %multiple_of3A_1090, %add3A_1809 : i32
        %add3A_1811 = arith.constant 16 : i32
        %add3A_1812 = arith.addi %add3A_1810, %add3A_1811 : i32
        %get3A_1813 = arith.index_cast %add3A_1812 : i32 to index
        %get3A_1814 = tpu.vector_load %arg12[%get3A_1813] {strides = array<i32>} : memref<13312xf32, #tpu.memory_space<vmem>>, vector<16xf32>,
        %add3A_1815 = arith.addf %get3A_1814, %gather3A_1808 : vector<16xf32>
        %swap3A_1816 = arith.index_cast %add3A_1812 : i32 to index
        %swap3A_1817 = tpu.vector_load %arg12[%swap3A_1816] {strides = array<i32>} : memref<13312xf32, #tpu.memory_space<vmem>>, vector<16xf32>,
        tpu.vector_store %arg12[%swap3A_1816], %add3A_1815 {strides = array<i32>} : memref<13312xf32, #tpu.memory_space<vmem>>, vector<16xf32>,
        %add3A_1818 = arith.addi %broadcast_in_dim3A_1795, %add3A_19 : vector<16xi32>
        %gather3A_1819 = tpu.vector_load_idx %arg6[%add3A_1818] : memref<32768xf32, #tpu.memory_space<vmem>>[vector<16xi32>], vector<16xf32>,
        %add3A_1820 = arith.constant 960 : i32
        %add3A_1821 = arith.addi %multiple_of3A_1090, %add3A_1820 : i32
        %add3A_1822 = arith.constant 32 : i32
        %add3A_1823 = arith.addi %add3A_1821, %add3A_1822 : i32
        %get3A_1824 = arith.index_cast %add3A_1823 : i32 to index
        %get3A_1825 = tpu.vector_load %arg12[%get3A_1824] {strides = array<i32>} : memref<13312xf32, #tpu.memory_space<vmem>>, vector<16xf32>,
        %add3A_1826 = arith.addf %get3A_1825, %gather3A_1819 : vector<16xf32>
        %swap3A_1827 = arith.index_cast %add3A_1823 : i32 to index
        %swap3A_1828 = tpu.vector_load %arg12[%swap3A_1827] {strides = array<i32>} : memref<13312xf32, #tpu.memory_space<vmem>>, vector<16xf32>,
        tpu.vector_store %arg12[%swap3A_1827], %add3A_1826 {strides = array<i32>} : memref<13312xf32, #tpu.memory_space<vmem>>, vector<16xf32>,
        %add3A_1829 = arith.addi %broadcast_in_dim3A_1795, %add3A_23 : vector<16xi32>
        %gather3A_1830 = tpu.vector_load_idx %arg6[%add3A_1829] : memref<32768xf32, #tpu.memory_space<vmem>>[vector<16xi32>], vector<16xf32>,
        %add3A_1831 = arith.constant 960 : i32
        %add3A_1832 = arith.addi %multiple_of3A_1090, %add3A_1831 : i32
        %add3A_1833 = arith.constant 48 : i32
        %add3A_1834 = arith.addi %add3A_1832, %add3A_1833 : i32
        %get3A_1835 = arith.index_cast %add3A_1834 : i32 to index
        %get3A_1836 = tpu.vector_load %arg12[%get3A_1835] {strides = array<i32>} : memref<13312xf32, #tpu.memory_space<vmem>>, vector<16xf32>,
        %add3A_1837 = arith.addf %get3A_1836, %gather3A_1830 : vector<16xf32>
        %swap3A_1838 = arith.index_cast %add3A_1834 : i32 to index
        %swap3A_1839 = tpu.vector_load %arg12[%swap3A_1838] {strides = array<i32>} : memref<13312xf32, #tpu.memory_space<vmem>>, vector<16xf32>,
        tpu.vector_store %arg12[%swap3A_1838], %add3A_1837 {strides = array<i32>} : memref<13312xf32, #tpu.memory_space<vmem>>, vector<16xf32>,
        %scan3A_1840 = arith.constant 0 : i32
        scf.yield %scan3A_1840 : i32
      }
      %scan3A_1067 = arith.constant 13 : i32
      %add3A_1068 = arith.addi %mul3A_2, %add3A_566 : i32
      %mul3A_1069 = arith.constant 12800 : i32
      %mul3A_1070 = arith.muli %add3A_1068, %mul3A_1069 : i32
      %multiple_of3A_1071 = tpu.assume_multiple %mul3A_1070, 8 : i32
      %dma_start3A_1072 = arith.constant 0 : i32
      %dma_start3A_1073 = tpu.memref_slice %arg12[%dma_start3A_1072] : memref<13312xf32, #tpu.memory_space<vmem>> -> memref<12800xf32, #tpu.memory_space<vmem>>
      %dma_start3A_1074 = tpu.memref_slice %arg5[%multiple_of3A_1071] : memref<52428800xf32, #tpu.memory_space<hbm>> -> memref<12800xf32, #tpu.memory_space<hbm>>
      %dma_start3A_1075 = tpu.memref_slice %arg5[%multiple_of3A_1071] : memref<52428800xf32, #tpu.memory_space<hbm>> -> memref<12800xf32, #tpu.memory_space<hbm>>
      %dma_start3A_1076 = arith.constant 0 : i32
      %dma_start3A_1077 = tpu.memref_slice %arg12[%dma_start3A_1076] : memref<13312xf32, #tpu.memory_space<vmem>> -> memref<12800xf32, #tpu.memory_space<vmem>>
      tpu.enqueue_dma source(%dma_start3A_1077 : memref<12800xf32, #tpu.memory_space<vmem>>) target(%dma_start3A_1075 : memref<12800xf32, #tpu.memory_space<hbm>>) target_semaphore(%arg18 : memref<!tpu.dma_semaphore, #tpu.memory_space<semaphore_mem>>)
      %scan3A_1078 = arith.constant 0 : i32
      scf.yield %scan3A_1078 : i32
    }
    %scan3A_49 = arith.constant 64 : i32
    %add3A_50 = arith.constant 127 : i32
    %add3A_51 = arith.addi %mul3A_2, %add3A_50 : i32
    %mul3A_52 = arith.constant 12800 : i32
    %mul3A_53 = arith.muli %add3A_51, %mul3A_52 : i32
    %multiple_of3A_54 = tpu.assume_multiple %mul3A_53, 8 : i32
    %dma_wait3A = arith.constant 0 : i32
    %dma_wait3A_55 = tpu.memref_slice %arg12[%dma_wait3A] : memref<13312xf32, #tpu.memory_space<vmem>> -> memref<12800xf32, #tpu.memory_space<vmem>>
    %dma_wait3A_56 = tpu.memref_slice %arg5[%multiple_of3A_54] : memref<52428800xf32, #tpu.memory_space<hbm>> -> memref<12800xf32, #tpu.memory_space<hbm>>
    %dma_wait3A_57 = tpu.memref_slice %arg5[%multiple_of3A_54] : memref<52428800xf32, #tpu.memory_space<hbm>> -> memref<12800xf32, #tpu.memory_space<hbm>>
    %dma_wait3A_58 = arith.constant 0 : i32
    %dma_wait3A_59 = tpu.memref_slice %arg12[%dma_wait3A_58] : memref<13312xf32, #tpu.memory_space<vmem>> -> memref<12800xf32, #tpu.memory_space<vmem>>
    tpu.wait_dma2 semaphore(%arg18 : memref<!tpu.dma_semaphore, #tpu.memory_space<semaphore_mem>>) src(%dma_wait3A_59 : memref<12800xf32, #tpu.memory_space<vmem>>) dst(%dma_wait3A_57 : memref<12800xf32, #tpu.memory_space<hbm>>)
    return
  }
}

</mosaic_0001>

<sc_bundles>
// kernel: kernel.3.cloned.1.call-start
scs
__scs_entry_jumppad:
0x0: {  	(pc) =	sbr.rel $0x88, $3  }
0x1: {  	(tag) =	ssettag $0x0;
	lr =	simm.s32 $0x1  }
0x2: {  	[smem:$0x3F9E] =	sst lr;
	_ =	strace $0xD0000000  }
0x3: {  	_ = 	snop  }
0x4: {  	_ = 	snop  }
0x5: {  	_ = 	snop  }
0x6: {  	_ = 	snop  }
0x7: {  	_ = 	snop  }
__scs_overlays_trampoline_lowered:
0x8: {  	[smem:$0x3FAD] =	sst s0  }
0x9: {  	[smem:$0x3FAE] =	sst s1  }
0xa: {  	[smem:$0x3FAF] =	sst s2  }
0xb: {  	[smem:$0x3FB0] =	sst s3  }
0xc: {  	[smem:$0x3FB1] =	sst s4  }
0xd: {  	[smem:$0x3FB2] =	sst s5  }
0xe: {  	[smem:$0x3FB3] =	sst s6  }
0xf: {  	[smem:$0x3FB4] =	sst s7  }
0x10: {  	[smem:$0x3FB5] =	sst s8  }
0x11: {  	[smem:$0x3FB6] =	sst s9;
	s0 =	simm.s32 @!p0 $0x0  }
0x12: {  	s1 =	sld [smem:$0x3F9C];
	s0 =	simm.s32 @p0 $0x1  }
0x13: {  	[smem:$0x3FB7] =	sst s0;
	s0 =	simm.s32 @!p1 $0x0  }
0x14: {  	s2 =	sld [smem:$0x3F9B];
	s0 =	simm.s32 @p1 $0x1  }
0x15: {  	[smem:$0x3FB8] =	sst s0;
	s0 =	simm.s32 @!p2 $0x0  }
0x16: {  	s3 =	sld [smem:$0x3FDB];
	s0 =	simm.s32 @p2 $0x1  }
0x17: {  	s4 =	simm.s32 $0x1BF5;
	[smem:$0x3FBA] =	sst s0  }
0x18: {  	s0 =	sld [smem:$0x3F9D];
	_ =	swait.ge [sflag:s4], $0x0  }
0x19: {  	s7 =	sld [smem:$0x3F9E]  }
0x1a: {  	s8 =	sadd.s32 $0xFFFFE003, lr  }
0x1b: {  	s9 =	sadd.s32 $0xFFFFFEF7, lr;
	s5 =	simm.s32 $0xFFFFFFFF;
	p2 =	slt.u32 s8, $0xFFFFF086  }
0x1c: {  	p1 =	slt.u32 s9, $0xF7A;
	s5 =	simm.s32 @!p2 $0x0  }
0x1d: {  	s5 =	simm.s32 @p1 $0x1;
	p0 =	seq.s32 s7, s2  }
0x1e: {  	s7 =	smul.u32 @!p0 $0xF7A, s2;
	p2 =	seq.s32 @!p0 s5, $0x0  }
0x1f: {  	s9 =	smul.u32 $0xF7A, s1;
	s8 =	simm.s32 @!p0 $0x1BF5;
	p2 =	por !p2, p0  }
0x20: {  	[sflag:s8] =	ssyncset.s32 @!p0 $0xFFFFF086;
	s6 =	sadd.s32 @!p0 s3, s7;
	s7 =	simm.s32 @!p0 $0x108  }
0x21: {  	s3 =	sadd.s32 s3, s9;
	s6 =	sadd.s32 @!p0 $0x88, s6;
	s7 =	simm.s32 @p2 $0x1082  }
0x22: {  	[simem:s7], [sflag:s8] =	dma.local @!p0 [hbm:s6], $0xF7A  }
0x23: {  	s9 =	sor.u32 $0xD0000000, s2;
	s6 =	simm.s32 $0x108;
	_ =	swait.ge @!p0 [sflag:s8], $0x0  }
0x24: {  	s3 =	sadd.s32 $0x88, s3;
	s6 =	simm.s32 @!p1 $0x1082;
	[sflag:s4] =	ssyncset.s32 $0xFFFFF086  }
0x25: {  	[simem:s6], [sflag:s4] =	dma.local [hbm:s3], $0xF7A  }
0x26: {  	[smem:$0x3F9E] =	sst s1;
	(tag) =	ssettag s2;
	_ =	strace s9  }
0x27: {  	s1 =	sld [smem:$0x3FAE]  }
0x28: {  	s2 =	sld [smem:$0x3FAF]  }
0x29: {  	s4 =	sld [smem:$0x3FB1]  }
0x2a: {  	p0 =	seq.s32 s5, $0x0;
	s5 =	sld [smem:$0x3FB2]  }
0x2b: {  	s6 =	sld [smem:$0x3FB3]  }
0x2c: {  	s7 =	sld [smem:$0x3FB4]  }
0x2d: {  	s3 =	simm.s32 $0x108;
	s8 =	sld [smem:$0x3FB5]  }
0x2e: {  	s3 =	simm.s32 @!p0 $0x1082;
	s9 =	sld [smem:$0x3FB6]  }
0x2f: {  	lr =	sadd.s32 s0, s3;
	s0 =	sld [smem:$0x3FAD]  }
0x30: {  	s3 =	sld [smem:$0x3FB0]  }
0x31: {  	[smem:$0x3FB9] =	sst s10  }
0x32: {  	s10 =	sld [smem:$0x3FB7];
	_ =	sdelay $0x3  }
0x33: {  	p0 =	seq.s32 s10, $0x1;
	s10 =	sld [smem:$0x3FB9];
	_ =	sdelay $0x3  }
0x34: {  	[smem:$0x3FB9] =	sst s10  }
0x35: {  	s10 =	sld [smem:$0x3FB8];
	_ =	sdelay $0x3  }
0x36: {  	p1 =	seq.s32 s10, $0x1;
	s10 =	sld [smem:$0x3FB9];
	_ =	sdelay $0x3  }
0x37: {  	[smem:$0x3FB9] =	sst s10  }
0x38: {  	s10 =	sld [smem:$0x3FBA]  }
0x39: {  	_ = 	snop;
	(pc) =	sbr.ind lr, $3  }
0x3a: {  	_ = 	snop  }
0x3b: {  	_ = 	snop  }
0x3c: {  	p2 =	seq.s32 s10, $0x1;
	s10 =	sld [smem:$0x3FB9]  }
0x3d: {  	_ =	shalt  }
0x3e: {  	_ =	shalt  }
0x3f: {  	_ =	shalt  }
0x40: {  	_ =	shalt  }
0x41: {  	_ =	shalt  }
0x42: {  	_ =	shalt  }
0x43: {  	_ =	shalt  }
0x44: {  	_ =	shalt  }
0x45: {  	_ =	shalt  }
0x46: {  	_ =	shalt  }
0x47: {  	_ =	shalt  }
0x48: {  	_ =	shalt  }
0x49: {  	_ =	shalt  }
0x4a: {  	_ =	shalt  }
0x4b: {  	_ =	shalt  }
0x4c: {  	_ =	shalt  }
0x4d: {  	_ =	shalt  }
0x4e: {  	_ =	shalt  }
0x4f: {  	_ =	shalt  }
0x50: {  	_ =	shalt  }
0x51: {  	_ =	shalt  }
0x52: {  	_ =	shalt  }
0x53: {  	_ =	shalt  }
0x54: {  	_ =	shalt  }
0x55: {  	_ =	shalt  }
0x56: {  	_ =	shalt  }
0x57: {  	_ =	shalt  }
0x58: {  	_ =	shalt  }
0x59: {  	_ =	shalt  }
0x5a: {  	_ =	shalt  }
0x5b: {  	_ =	shalt  }
0x5c: {  	_ =	shalt  }
0x5d: {  	_ =	shalt  }
0x5e: {  	_ =	shalt  }
0x5f: {  	_ =	shalt  }
0x60: {  	_ =	shalt  }
0x61: {  	_ =	shalt  }
0x62: {  	_ =	shalt  }
0x63: {  	_ =	shalt  }
0x64: {  	_ =	shalt  }
0x65: {  	_ =	shalt  }
0x66: {  	_ =	shalt  }
0x67: {  	_ =	shalt  }
0x68: {  	_ =	shalt  }
0x69: {  	_ =	shalt  }
0x6a: {  	_ =	shalt  }
0x6b: {  	_ =	shalt  }
0x6c: {  	_ =	shalt  }
0x6d: {  	_ =	shalt  }
0x6e: {  	_ =	shalt  }
0x6f: {  	_ =	shalt  }
0x70: {  	_ =	shalt  }
0x71: {  	_ =	shalt  }
0x72: {  	_ =	shalt  }
0x73: {  	_ =	shalt  }
0x74: {  	_ =	shalt  }
0x75: {  	_ =	shalt  }
0x76: {  	_ =	shalt  }
0x77: {  	_ =	shalt  }
0x78: {  	_ =	shalt  }
0x79: {  	_ =	shalt  }
0x7a: {  	_ =	shalt  }
0x7b: {  	_ =	shalt  }
0x7c: {  	_ =	shalt  }
0x7d: {  	_ =	shalt  }
0x7e: {  	_ =	shalt  }
0x7f: {  	_ =	shalt  }
0x80: {  	_ =	shalt  }
0x81: {  	_ =	shalt  }
0x82: {  	_ =	shalt  }
0x83: {  	_ =	shalt  }
0x84: {  	_ =	shalt  }
0x85: {  	_ =	shalt  }
0x86: {  	_ =	shalt  }
0x87: {  	_ =	shalt  }
.Lfunc_end0:
.L_simem_size_0:
called_computation.1_lowered:
.L_overlay_start_0:
0x88: {  	s2 =	sld [smem:$0x3FD9]  }
0x89: {  	s3 =	sld [smem:$0x3FFE];
	_ =	sdelay $0x1  }
0x8a: {  	s1 =	srdreg.scid  }
0x8b: {  	s0 =	sand.u32 $0x1, s1  }
0x8c: {  	s17 =	sshll.u32 s0, $0xA;
	s2 =	sadd.s32 s3, s2  }
0x8d: {  	s2 =	sadd.s32 s2, s17  }
0x8e: {  	[smem:$0x3FC5] =	sst s2  }
0x8f: {  	_ = 	snop  }
0x90: {  	s2 =	sld [smem:$0x3FD0];
	(tm) =	ssettm $0x1  }
0x91: {  	s18 =	sld [smem:$0x3FFB];
	_ =	sdelay $0x3  }
0x92: {  	_ =	strace s18  }
0x93: {  	s3 =	sld [smem:$0x3FFC];
	_ =	sdelay $0x3  }
0x94: {  	_ =	strace s3  }
0x95: {  	s3 =	sld [smem:$0x3FFD];
	_ =	sdelay $0x3  }
0x96: {  	_ =	strace s3  }
0x97: {  	_ =	strace $0x8FFFFFFF  }
0x98: {  	s19 =	sld [smem:$0x3FDB];
	_ =	sdelay $0x1  }
0x99: {  	s4 =	simm.s32 $_scs_section_size  }
0x9a: {  	s5 =	simm.s32 $_size__tile_overlayer_lowered;
	s6 =	simm.s32 $_tile_overlayer_lowered  }
0x9b: {  	s22 =	simm.s32 $0x1BFF;
	s21 =	sshll.u32 s6, $0x1;
	s3 =	sadd.s32 s4, s19  }
0x9c: {  	s7 =	simm.s32 $0x0;
	s20 =	sshll.u32 s5, $0x1;
	s5 =	sadd.s32 s21, s3  }
0x9d: {  	[timem:s7], [sflag:s22] =	dma.local [hbm:s5], s20  }
0x9e: {  	_ =	swait.ge [sflag:s22], s20  }
0x9f: {  	s4 =	ssub.s32 $0x0, s20;
	[sflag:s22] =	ssyncset.done $0x0  }
0xa0: {  	[sflag:s22] =	ssyncadd.s32 s4;
	_ =	sdelay $0x1  }
0xa1: {  	s23 =	simm.s32 $0x1B8B  }
0xa2: {  	_ =	swait.ge [sflag:s23], $0x1  }
0xa3: {  	[sflag:s23] =	ssyncset.done $0x0  }
0xa4: {  	s25 =	simm.s32 $0x1B8E;
	s24 =	sld [smem:$0x3FFE];
	[sflag:s23] =	ssyncadd.s32 $0xFFFFFFFF  }
0xa5: {  	s26 =	simm.s32 $execute0_lowered;
	[smem:$0x3FD2] =	sst s25  }
0xa6: {  	s5 =	sshll.u32 s26, $0x1;
	_ =	strace $0x80000046;
	[dreg:$0x1] =	wrdreg $0xFFFFFFFF  }
0xa7: {  	s28 =	simm.s32 $_size_execute0_lowered;
	s3 =	sadd.s32 s3, s5;
	[dreg:$0x0] =	wrdreg $0x0  }
0xa8: {  	s5 =	sshll.u32 s28, $0x1;
	[dreg:$0x2] =	wrdreg s3  }
0xa9: {  	[dreg:$0x3] =	wrdreg s5  }
0xaa: {  	[dreg:$0x4] =	wrdreg $0xC0  }
0xab: {  	_ =	task [dreg:s7], $0x5FFFF  }
0xac: {  	[dreg:$0x1] =	wrdreg $0xFFFFFFFF  }
0xad: {  	[dreg:$0x0] =	wrdreg $0x60  }
0xae: {  	[dreg:$0x2] =	wrdreg s2  }
0xaf: {  	[dreg:$0x3] =	wrdreg s24  }
0xb0: {  	[dreg:$0x4] =	wrdreg $0x9  }
0xb1: {  	_ =	task.clear_ibuf [dreg:s7], $0x5FFFF;
	_ =	strace $0x90000046  }
0xb2: {  	s29 =	simm.s32 $0x9;
	_ =	strace $0x80000048  }
0xb3: {  	_ =	swait.ge [sflag:s29], $0x1  }
0xb4: {  	[sflag:s29] =	ssyncadd.s32 $0xFFFFFFFF  }
0xb5: {  	_ =	strace $0x90000048  }
0xb6: {  	_ =	sfence  }
0xb7: {  	s30 =	sld [smem:$0x0];
	_ =	sdelay $0x2  }
0xb8: {  	s31 =	sshll.u32 s1, $0xD;
	s1 =	sshrl.u32 s1, $0x2  }
0xb9: {  	s3 =	sand.u32 $0x4000, s31;
	s1 =	sadd.s32 s1, s30  }
0xba: {  	s0 =	sor.u32 s3, s0;
	s1 =	sshll.u32 s1, $0x11  }
0xbb: {  	s0 =	sor.u32 s1, s0  }
0xbc: {  	s0 =	sadd.s32 $0x8F2B, s0  }
0xbd: {  	[sflag:s0] =	ssyncadd.remote.s32 $0x1  }
0xbe: {  	_ =	sfence.sel $0xFFFF  }
0xbf: {  	[dreg:$0x0] =	wrdreg $0xFFFFFFFF;
	(pc) =	sbr.abs _section_cstart, $3  }
0xc0: {  	[dreg:$0x1] =	wrdreg $0xFFFFFFFF  }
0xc1: {  	_ =	task.clear_ibuf [dreg:s7], $0x2FFFF;
	_ =	strace $0x9FFFFFFF  }
0xc2: {  	(tm) =	ssettm $0x7FFFFFFF  }
0xc3: {  	_ =	shalt  }
tec
execute0_lowered:
.L_overlay_start_1:
0x0: {  	(tag) =	ssettag $0x1  }
0x1: {  	s2 =	rddreg [dreg:$0x0]  }
0x2: {  	s6 =	rddreg [dreg:$0x1];
	s4 =	srdreg.scid  }
0x3: {  	s1 =	stileid.u32;
	s3 =	simm.s32 $0x0;
	s13 =	simm.s32 $0x7  }
0x4: {  	s14 =	simm.s32 $0x8000;
	s15 =	simm.s32 $0x8400;
	s16 =	simm.s32 $0x1  }
0x5: {  	s17 =	simm.s32 $0x8100;
	s18 =	simm.s32 $0xB800;
	s19 =	simm.s32 $0x3  }
0x6: {  	s20 =	simm.s32 $0x2;
	s21 =	simm.s32 $0x5;
	s22 =	simm.s32 $0x4  }
0x7: {  	s23 =	simm.s32 $0x6;
	s4 =	sand.u32 $0x1, s4;
	s5 =	sshll.u32 s1, $0x1  }
0x8: {  	s24 =	simm.s32 $0x0;
	[smem:$0x7FF] =	sst s3;
	s7 =	sor.u32 s4, s5  }
0x9: {  	_ =	strace $0x80000047;
	s8 =	ssub.s32 $0x2, s4;
	s4 =	sadd.s32 $0xC00, s6  }
0xa: {  	s5 =	sadd.s32 $0x19C00, s6;
	s6 =	sadd.s32 $0x1AC00, s6;
	s9 =	smul.u32 $0xC80, s7  }
0xb: {  	s10 =	sshrl.u32 s8, $0x1;
	s11 =	smul.u32 $0x32000, s7;
	s7 =	sshll.u32 s7, $0x7  }
0xc: {  	s12 =	ssub.s32 s8, s10;
	s10 =	sor.u32 $0x2, s7;
	s8 =	sadd.s32 s4, s9  }
0xd: {  	v0 =	vimm.f32 $0.0e+00;
	v1 =	vlaneseq.u32;
	s9 =	sadd.s32 s2, s11;
	s11 =	smax.u32 s12, $0x1;
	s12 =	sor.u32 $0x1, s7  }
.LBB2_1:
0xe: {  	[tilespmem:s3], [sflag:$0x7] =	stream.linear.gather [hbm4b:s5+s3], $0x8000, $0x38;
	[tilespmem:$0xEC00] =	vst v63  }
0xf: {  	_ =	swait.ge [sflag:s13], $0x8000  }
0x10: {  	[sflag:s13] =	ssyncset.done $0x0  }
0x11: {  	[sflag:s13] =	ssyncadd.s32 $0xFFFF8000  }
0x12: {  	[tilespmem:$0x80C0] =	vst v0  }
0x13: {  	[tilespmem:$0x81C0] =	vst v0  }
0x14: {  	[tilespmem:s14], [sflag:$0x1] =	stream.linear.gather [hbm4b:s8+s3], $0xC8, $0x38;
	[tilespmem:$0xEC00] =	vst v63  }
0x15: {  	s25 =	simm.s32 $0x0  }
0x16: {  	[tilespmem:s15], [sflag:$0x3] =	stream.linear.gather [hbm4b:s9+s3], $0x3200, $0x38;
	[tilespmem:$0xEC00] =	vst v63  }
.LBB2_2:
0x17: {  	_ =	swait.ge [sflag:s16], $0xC8;
	s28 =	sshll.u32 s25, $0x1  }
0x18: {  	p0 =	seq.s32 s25, $0x0;
	[sflag:s16] =	ssyncset.done $0x0;
	s30 =	sor.u32 s12, s28  }
0x19: {  	s26 =	simm.s32 @!p0 $0x6;
	[sflag:s16] =	ssyncadd.s32 $0xFFFFFF38;
	s29 =	smul.u32 $0x19, s30  }
0x1a: {  	_ =	swait.ge @!p0 [sflag:s26], $0x3200  }
0x1b: {  	[sflag:s26] =	ssyncset.done @!p0 $0x0;
	s31 =	sadd.s32 s4, s29  }
0x1c: {  	s29 =	simm.s32 $0x0;
	[sflag:s26] =	ssyncadd.s32 @!p0 $0xFFFFCE00;
	s26 =	smul.u32 $0x640, s30  }
0x1d: {  	[tilespmem:s17], [sflag:$0x2] =	stream.linear.gather [hbm4b:s31+s29], $0xC8, $0x38;
	[tilespmem:$0xEC00] =	vst v63  }
0x1e: {  	s30 =	sadd.s32 s2, s26  }
0x1f: {  	[tilespmem:s18], [sflag:$0x4] =	stream.linear.gather [hbm4b:s30+s29], $0x3200, $0x38;
	[tilespmem:$0xEC00] =	vst v63  }
0x20: {  	v2 =	vld [tilespmem:$0x8000];
	_ =	sdelay $0x1  }
0x21: {  	v3 =	vld [tilespmem:$0x8010];
	_ =	sdelay $0x1  }
0x22: {  	v4 =	vld [tilespmem:$0x8020]  }
0x23: {  	(xrf2) =	vadd.scan.msk.f32 $0xffff, v2  }
0x24: {  	v2 =	vld [tilespmem:$0x8030]  }
0x25: {  	(xrf2) =	vadd.scan.msk.f32 $0xffff, v3  }
0x26: {  	v3 =	vld [tilespmem:$0x8040]  }
0x27: {  	(xrf2) =	vadd.scan.msk.f32 $0xffff, v4  }
0x28: {  	v43 =	vld [tilespmem:$0x8050]  }
0x29: {  	(xrf2) =	vadd.scan.msk.f32 $0xffff, v2  }
0x2a: {  	v5 =	vld [tilespmem:$0x8060]  }
0x2b: {  	(xrf2) =	vadd.scan.msk.f32 $0xffff, v3  }
0x2c: {  	v3 =	vld [tilespmem:$0x8070]  }
0x2d: {  	(xrf2) =	vadd.scan.msk.f32 $0xffff, v43;
	v2, _, _ =	vpop (xrf2)  }
0x2e: {  	v44 =	vld [tilespmem:$0x8080];
	v2 =	vadd.f32 $0.0e+00, v2  }
0x2f: {  	v6, _, _ =	vpop (xrf2);
	(xrf2) =	vadd.scan.msk.f32 $0xffff, v5  }
0x30: {  	v7 =	vld [tilespmem:$0x8090];
	v45 =	vadd.f32 v6, v2  }
0x31: {  	v8, _, _ =	vpop (xrf2);
	(xrf2) =	vadd.scan.msk.f32 $0xffff, v3  }
0x32: {  	v9 =	vld [tilespmem:$0x80A0];
	v3 =	vadd.f32 v8, v45  }
0x33: {  	v10, _, _ =	vpop (xrf2);
	(xrf2) =	vadd.scan.msk.f32 $0xffff, v44  }
0x34: {  	v46 =	vld [tilespmem:$0x80B0];
	v11 =	vadd.f32 v10, v3  }
0x35: {  	v12, _, _ =	vpop (xrf2);
	(xrf2) =	vadd.scan.msk.f32 $0xffff, v7  }
0x36: {  	v47 =	vadd.f32 v12, v11  }
0x37: {  	v13, _, _ =	vpop (xrf2);
	(xrf2) =	vadd.scan.msk.f32 $0xffff, v9  }
0x38: {  	v49 =	vld [tilespmem:$0x80C0];
	v48 =	vadd.f32 v13, v47  }
0x39: {  	(xrf2) =	vadd.scan.msk.f32 $0xffff, v46;
	v14, _, _ =	vpop (xrf2)  }
0x3a: {  	v15 =	vbroadcast v2, $0xF;
	v16 =	vadd.f32 v14, v48  }
0x3b: {  	v5 =	vbroadcast v45, $0xF;
	v17, _, _ =	vpop (xrf2)  }
0x3c: {  	(xrf0) =	vmax.scan.msk.f32 $0xffff, v2;
	v6 =	vadd.f32 v15, v6;
	v3 =	vbroadcast v3, $0xF;
	v50 =	vadd.f32 v17, v16  }
0x3d: {  	v5 =	vadd.f32 v5, v8;
	(xrf2) =	vadd.scan.msk.f32 $0xffff, v49;
	v51, _, _ =	vpop (xrf2)  }
0x3e: {  	(xrf0) =	vmax.scan.msk.f32 $0xffff, v6;
	v3 =	vadd.f32 v3, v10;
	v52 =	vbroadcast v11, $0xF;
	v53 =	vadd.f32 v51, v50  }
0x3f: {  	(xrf0) =	vmax.scan.msk.f32 $0xffff, v5;
	v7 =	vbroadcast v47, $0xF;
	v54, _, _ =	vpop (xrf2)  }
0x40: {  	(xrf0) =	vmax.scan.msk.f32 $0xffff, v3;
	v4 =	vadd.f32 v52, v12;
	v9 =	vbroadcast v48, $0xF;
	v55 =	vadd.f32 v54, v53  }
0x41: {  	v7 =	vadd.f32 v7, v13;
	v56 =	vbroadcast v16, $0xF;
	v18, _, _ =	vpop (xrf2)  }
0x42: {  	v19, _, _ =	vpop (xrf0);
	(xrf0) =	vmax.scan.msk.f32 $0xffff, v4;
	v9 =	vadd.f32 v9, v14;
	v58 =	vbroadcast v50, $0xF;
	v59 =	vadd.f32 v18, v55  }
0x43: {  	(xrf0) =	vmax.scan.msk.f32 $0xffff, v7;
	v13 =	vadd.f32 v56, v17;
	v57, _, _ =	vpop (xrf2);
	v10 =	vbroadcast v53, $0xF  }
0x44: {  	v60, _, _ =	vpop (xrf0);
	(xrf0) =	vmax.scan.msk.f32 $0xffff, v9;
	v8 =	vadd.f32 v58, v51;
	v12 =	vbroadcast v55, $0xF;
	v61 =	vadd.f32 v57, v59  }
0x45: {  	v62, _, _ =	vpop (xrf0);
	(xrf0) =	vmax.scan.msk.f32 $0xffff, v13;
	v10 =	vadd.f32 v10, v54;
	v15 =	vbroadcast v59, $0xF  }
0x46: {  	v17 =	vmax.f32 v19, v60;
	v63, _, _ =	vpop (xrf0);
	(xrf0) =	vmax.scan.msk.f32 $0xffff, v8;
	v12 =	vadd.f32 v12, v18;
	v14 =	vbroadcast v61, $0xF  }
0x47: {  	v11 =	vmax.f32 v17, v62;
	v21, _, _ =	vpop (xrf2);
	(xrf0) =	vmax.scan.msk.f32 $0xffff, v10;
	v15 =	vadd.f32 v15, v57  }
0x48: {  	v11 =	vmax.f32 v11, v63;
	v22, _, _ =	vpop (xrf0);
	(xrf0) =	vmax.scan.msk.f32 $0xffff, v12;
	v14 =	vadd.f32 v14, v21  }
0x49: {  	v11 =	vmax.f32 v11, v22;
	v23, _, _ =	vpop (xrf0);
	(xrf0) =	vmax.scan.msk.f32 $0xffff, v15  }
0x4a: {  	v11 =	vmax.f32 v11, v23;
	v24, _, _ =	vpop (xrf0);
	(xrf0) =	vmax.scan.msk.f32 $0xffff, v14  }
0x4b: {  	v11 =	vmax.f32 v11, v24;
	v25, _, _ =	vpop (xrf0)  }
0x4c: {  	v11 =	vmax.f32 v11, v25;
	v26, _, _ =	vpop (xrf0)  }
0x4d: {  	v11 =	vmax.f32 v11, v26;
	v27, _, _ =	vpop (xrf0)  }
0x4e: {  	v11 =	vmax.f32 v11, v27;
	v28, _, _ =	vpop (xrf0)  }
0x4f: {  	v11 =	vmax.f32 v11, v28;
	v29, _, _ =	vpop (xrf0)  }
0x50: {  	v11 =	vmax.f32 v11, v29;
	v30, _, _ =	vpop (xrf0)  }
0x51: {  	v11 =	vmax.f32 v11, v30  }
0x52: {  	v11 =	vadd.f32 $9.999999930e-09, v11;
	_ =	sdelay $0x1  }
0x53: {  	v11 =	vbroadcast v11, $0xF  }
0x54: {  	[tilespmem:$0x8210] =	vst v6  }
0x55: {  	v6 =	vld [tilespmem:$0x8210];
	[tilespmem:$0x8220] =	vst v5;
	(erf) = vrcp.f32 v11  }
0x56: {  	v5 =	vld [tilespmem:$0x8220];
	[tilespmem:$0x8230] =	vst v3  }
0x57: {  	v32 =	vld [tilespmem:$0x8230];
	[tilespmem:$0x8240] =	vst v4  }
0x58: {  	v34 =	vld [tilespmem:$0x8240];
	[tilespmem:$0x8250] =	vst v7  }
0x59: {  	v36 =	vld [tilespmem:$0x8250];
	[tilespmem:$0x8260] =	vst v9  }
0x5a: {  	v38 =	vld [tilespmem:$0x8260];
	[tilespmem:$0x8270] =	vst v13  }
0x5b: {  	v39 =	vld [tilespmem:$0x8270];
	[tilespmem:$0x8280] =	vst v8  }
0x5c: {  	v41 =	vld [tilespmem:$0x8280];
	[tilespmem:$0x8290] =	vst v10  }
0x5d: {  	v44 =	vld [tilespmem:$0x8290];
	[tilespmem:$0x82A0] =	vst v12  }
0x5e: {  	v46 =	vld [tilespmem:$0x82A0];
	[tilespmem:$0x82B0] =	vst v15;
	v3 =	vpop (erf)  }
0x5f: {  	v47 =	vld [tilespmem:$0x82B0];
	[tilespmem:$0x82C0] =	vst v14;
	v31 =	vmul.f32 v3, v2;
	v6 =	vmul.f32 v3, v6  }
0x60: {  	v48 =	vld [tilespmem:$0x82C0];
	v5 =	vmul.f32 v3, v5;
	v35 =	vmul.f32 v3, v32  }
0x61: {  	v37 =	vmul.f32 v3, v34;
	v40 =	vmul.f32 v36, v3  }
0x62: {  	v42 =	vmul.f32 v38, v3;
	v8 =	vmul.f32 v39, v3  }
0x63: {  	v45 =	vmul.f32 v41, v3;
	v12 =	vmul.f32 v44, v3  }
0x64: {  	v15 =	vmul.f32 v46, v3;
	v14 =	vmul.f32 v47, v3  }
0x65: {  	v3 =	vmul.f32 v48, v3;
	v33 =	vmul.f32 $2.000000000e+02, v31  }
0x66: {  	v6 =	vmul.f32 $2.000000000e+02, v6;
	v5 =	vmul.f32 $2.000000000e+02, v5  }
0x67: {  	v7 =	vmul.f32 $2.000000000e+02, v35;
	v9 =	vmul.f32 $2.000000000e+02, v37  }
0x68: {  	v13 =	vmul.f32 $2.000000000e+02, v40;
	v10 =	vmul.f32 $2.000000000e+02, v42  }
0x69: {  	v8 =	vmul.f32 $2.000000000e+02, v8;
	v50 =	vmul.f32 $2.000000000e+02, v12  }
0x6a: {  	v54 =	vmul.f32 $2.000000000e+02, v15;
	v56 =	vmul.f32 $2.000000000e+02, v14  }
0x6b: {  	v3 =	vmul.f32 $2.000000000e+02, v3;
	v4 =	vtrunc.f32 v33  }
0x6c: {  	v6 =	vtrunc.f32 v6;
	v5 =	vtrunc.f32 v5  }
0x6d: {  	v7 =	vtrunc.f32 v7;
	v9 =	vtrunc.f32 v9  }
0x6e: {  	v43 =	vtrunc.f32 v13;
	v10 =	vtrunc.f32 v10  }
0x6f: {  	v13 =	vmul.f32 $2.000000000e+02, v45;
	v8 =	vtrunc.f32 v8  }
0x70: {  	v57 =	vtrunc.f32 v54;
	v59 =	vtrunc.f32 v56  }
0x71: {  	v3 =	vtrunc.f32 v3;
	v4 =	vcvt.f32.s32 v4  }
0x72: {  	v6 =	vcvt.f32.s32 v6;
	v5 =	vcvt.f32.s32 v5  }
0x73: {  	v7 =	vcvt.f32.s32 v7;
	v9 =	vcvt.f32.s32 v9  }
0x74: {  	v11 =	vcvt.f32.s32 v43;
	v10 =	vcvt.f32.s32 v10  }
0x75: {  	v8 =	vcvt.f32.s32 v8;
	v58 =	vcvt.f32.s32 v57  }
0x76: {  	v60 =	vcvt.f32.s32 v59;
	v13 =	vtrunc.f32 v13;
	vm0 =	vgt.s32 v4, $0x0  }
0x77: {  	vm4 =	vgt.s32 v6, $0x0;
	vm5 =	vgt.s32 v5, $0x0;
	vm6 =	vgt.s32 v7, $0x0  }
0x78: {  	vm7 =	vgt.s32 v9, $0x0;
	vm8 =	vgt.s32 v11, $0x0;
	v4 =	vnsel vm0, $0x0, v4  }
0x79: {  	[tilespmem:$0x8200] =	vst v2;
	v13 =	vcvt.f32.s32 v13;
	v6 =	vnsel vm4, $0x0, v6;
	v2 =	vmin.u32 v4, $0x1FF  }
0x7a: {  	vm9 =	vgt.s32 v10, $0x0;
	v5 =	vnsel vm5, $0x0, v5;
	v6 =	vmin.u32 v6, $0x1FF;
	[tilespmem:$0x8300] =	vst v2  }
0x7b: {  	vm10 =	vgt.s32 v8, $0x0;
	v7 =	vnsel vm6, $0x0, v7;
	v5 =	vmin.u32 v5, $0x1FF;
	[tilespmem:$0x8310] =	vst v6  }
0x7c: {  	v9 =	vnsel vm7, $0x0, v9;
	v11 =	vnsel vm8, $0x0, v11;
	v51 =	vmin.u32 v7, $0x1FF;
	[tilespmem:$0x8320] =	vst v5  }
0x7d: {  	v49 =	vnsel vm10, $0x0, v8;
	v8 =	vtrunc.f32 v50;
	v52 =	vmin.u32 v9, $0x1FF;
	[tilespmem:$0x8330] =	vst v51  }
0x7e: {  	v10 =	vnsel vm9, $0x0, v10;
	v53 =	vmin.u32 v11, $0x1FF;
	v8 =	vcvt.f32.s32 v8;
	[tilespmem:$0x8340] =	vst v52  }
0x7f: {  	v3 =	vcvt.f32.s32 v3;
	vm11 =	vgt.s32 v13, $0x0;
	v55 =	vmin.u32 v10, $0x1FF;
	[tilespmem:$0x8350] =	vst v53  }
0x80: {  	v4 =	vmin.u32 v49, $0x1FF;
	v2 =	vnsel vm11, $0x0, v13;
	[tilespmem:$0x8360] =	vst v55;
	vm12 =	vgt.s32 v8, $0x0  }
0x81: {  	vm13 =	vgt.s32 v58, $0x0;
	[tilespmem:$0x8370] =	vst v4;
	v2 =	vmin.u32 v2, $0x1FF;
	v61 =	vnsel vm12, $0x0, v8  }
0x82: {  	vm14 =	vgt.s32 v60, $0x0;
	v62 =	vnsel vm13, $0x0, v58;
	[tilespmem:$0x8380] =	vst v2;
	v2 =	vmin.u32 v61, $0x1FF  }
0x83: {  	vm15 =	vgt.s32 v3, $0x0;
	v63 =	vnsel vm14, $0x0, v60;
	[tilespmem:$0x8390] =	vst v2;
	v2 =	vmin.u32 v62, $0x1FF  }
0x84: {  	v3 =	vnsel vm15, $0x0, v3;
	[tilespmem:$0x83A0] =	vst v2;
	v2 =	vmin.u32 v63, $0x1FF  }
0x85: {  	[tilespmem:$0x83B0] =	vst v2;
	v2 =	vmin.u32 v3, $0x1FF  }
0x86: {  	[tilespmem:$0x83C0] =	vst v2  }
0x87: {  	_ =	swait.ge [sflag:s19], $0x3200  }
0x88: {  	[sflag:s19] =	ssyncset.done $0x0  }
0x89: {  	s31 =	simm.s32 $0x8600;
	s30 =	sadd.s32 s7, s28;
	[sflag:s19] =	ssyncadd.s32 $0xFFFFCE00  }
.LBB2_3:
0x8a: {  	s0 =	sshra.s32 s29, $0x2  }
0x8b: {  	v2 =	vld [tilespmem:s0+$0x8300];
	_ =	sdelay $0x4  }
0x8c: {  	v5 =	vshll.u32 v2, $0x6  }
0x8d: {  	v6 =	vbroadcast v5, $0x0;
	_ =	sdelay $0x1  }
0x8e: {  	v2 =	vor.u32 v1, v6;
	_ =	sdelay $0x3  }
0x8f: {  	v4 =	vld [tilespmem:s31+$0xFFFFFE00]  }
0x90: {  	v3 =	vld.idx.msk [tilespmem:v2+s3+$0x0], $0xffff;
	_ =	sdelay $0x1  }
0x91: {  	v2 =	vor.u32 $0x10, v1  }
0x92: {  	v7 =	vor.u32 v2, v6;
	_ =	sdelay $0x1  }
0x93: {  	v3 =	vadd.f32 v4, v3;
	_ =	sdelay $0x1  }
0x94: {  	[tilespmem:s31+$0xFFFFFE00] =	vst v3  }
0x95: {  	v4 =	vld.idx.msk [tilespmem:v7+s3+$0x0], $0xffff  }
0x96: {  	v7 =	vld [tilespmem:s31+$0xFFFFFE10];
	_ =	sdelay $0x1  }
0x97: {  	v3 =	vor.u32 $0x20, v1  }
0x98: {  	v8 =	vor.u32 v3, v6;
	_ =	sdelay $0x1  }
0x99: {  	v4 =	vadd.f32 v7, v4;
	_ =	sdelay $0x1  }
0x9a: {  	v57 =	vld [tilespmem:s31+$0xFFFFFE20];
	[tilespmem:s31+$0xFFFFFE10] =	vst v4  }
0x9b: {  	v7 =	vld.idx.msk [tilespmem:v8+s3+$0x0], $0xffff;
	_ =	sdelay $0x1  }
0x9c: {  	v4 =	vor.u32 $0x30, v1  }
0x9d: {  	v6 =	vor.u32 v4, v6;
	_ =	sdelay $0x1  }
0x9e: {  	v7 =	vadd.f32 v57, v7;
	_ =	sdelay $0x1  }
0x9f: {  	[tilespmem:s31+$0xFFFFFE20] =	vst v7;
	v7 =	vld [tilespmem:s31+$0xFFFFFE30]  }
0xa0: {  	v6 =	vld.idx.msk [tilespmem:v6+s3+$0x0], $0xffff  }
0xa1: {  	v58 =	vbroadcast v5, $0x1;
	_ =	sdelay $0x1  }
0xa2: {  	v9 =	vor.u32 v1, v58;
	_ =	sdelay $0x1  }
0xa3: {  	v6 =	vadd.f32 v7, v6;
	_ =	sdelay $0x1  }
0xa4: {  	v7 =	vld [tilespmem:s31+$0xFFFFFE40];
	[tilespmem:s31+$0xFFFFFE30] =	vst v6  }
0xa5: {  	v6 =	vld.idx.msk [tilespmem:v9+s3+$0x0], $0xffff;
	_ =	sdelay $0x2  }
0xa6: {  	v59 =	vor.u32 v2, v58;
	_ =	sdelay $0x1  }
0xa7: {  	v6 =	vadd.f32 v7, v6;
	_ =	sdelay $0x1  }
0xa8: {  	v7 =	vld [tilespmem:s31+$0xFFFFFE50];
	[tilespmem:s31+$0xFFFFFE40] =	vst v6  }
0xa9: {  	v6 =	vld.idx.msk [tilespmem:v59+s3+$0x0], $0xffff;
	_ =	sdelay $0x2  }
0xaa: {  	v60 =	vor.u32 v3, v58;
	_ =	sdelay $0x1  }
0xab: {  	v6 =	vadd.f32 v7, v6;
	_ =	sdelay $0x1  }
0xac: {  	v7 =	vld [tilespmem:s31+$0xFFFFFE60];
	[tilespmem:s31+$0xFFFFFE50] =	vst v6  }
0xad: {  	v6 =	vld.idx.msk [tilespmem:v60+s3+$0x0], $0xffff;
	_ =	sdelay $0x2  }
0xae: {  	v8 =	vor.u32 v4, v58;
	_ =	sdelay $0x1  }
0xaf: {  	v6 =	vadd.f32 v7, v6;
	_ =	sdelay $0x1  }
0xb0: {  	v7 =	vld [tilespmem:s31+$0xFFFFFE70];
	[tilespmem:s31+$0xFFFFFE60] =	vst v6  }
0xb1: {  	v6 =	vld.idx.msk [tilespmem:v8+s3+$0x0], $0xffff  }
0xb2: {  	v61 =	vbroadcast v5, $0x2;
	_ =	sdelay $0x1  }
0xb3: {  	v62 =	vor.u32 v1, v61;
	_ =	sdelay $0x1  }
0xb4: {  	v6 =	vadd.f32 v7, v6;
	_ =	sdelay $0x1  }
0xb5: {  	v7 =	vld [tilespmem:s31+$0xFFFFFE80];
	[tilespmem:s31+$0xFFFFFE70] =	vst v6  }
0xb6: {  	v6 =	vld.idx.msk [tilespmem:v62+s3+$0x0], $0xffff;
	_ =	sdelay $0x2  }
0xb7: {  	v63 =	vor.u32 v2, v61;
	_ =	sdelay $0x1  }
0xb8: {  	v6 =	vadd.f32 v7, v6;
	_ =	sdelay $0x1  }
0xb9: {  	v7 =	vld [tilespmem:s31+$0xFFFFFE90];
	[tilespmem:s31+$0xFFFFFE80] =	vst v6  }
0xba: {  	v6 =	vld.idx.msk [tilespmem:v63+s3+$0x0], $0xffff;
	_ =	sdelay $0x2  }
0xbb: {  	v12 =	vor.u32 v3, v61;
	_ =	sdelay $0x1  }
0xbc: {  	v6 =	vadd.f32 v7, v6;
	_ =	sdelay $0x1  }
0xbd: {  	v7 =	vld [tilespmem:s31+$0xFFFFFEA0];
	[tilespmem:s31+$0xFFFFFE90] =	vst v6  }
0xbe: {  	v6 =	vld.idx.msk [tilespmem:v12+s3+$0x0], $0xffff;
	_ =	sdelay $0x2  }
0xbf: {  	v8 =	vor.u32 v4, v61;
	_ =	sdelay $0x1  }
0xc0: {  	v6 =	vadd.f32 v7, v6;
	_ =	sdelay $0x1  }
0xc1: {  	v7 =	vld [tilespmem:s31+$0xFFFFFEB0];
	[tilespmem:s31+$0xFFFFFEA0] =	vst v6  }
0xc2: {  	v6 =	vld.idx.msk [tilespmem:v8+s3+$0x0], $0xffff  }
0xc3: {  	v13 =	vbroadcast v5, $0x3;
	_ =	sdelay $0x1  }
0xc4: {  	v14 =	vor.u32 v1, v13;
	_ =	sdelay $0x1  }
0xc5: {  	v6 =	vadd.f32 v7, v6;
	_ =	sdelay $0x1  }
0xc6: {  	v7 =	vld [tilespmem:s31+$0xFFFFFEC0];
	[tilespmem:s31+$0xFFFFFEB0] =	vst v6  }
0xc7: {  	v6 =	vld.idx.msk [tilespmem:v14+s3+$0x0], $0xffff;
	_ =	sdelay $0x2  }
0xc8: {  	v15 =	vor.u32 v2, v13;
	_ =	sdelay $0x1  }
0xc9: {  	v6 =	vadd.f32 v7, v6;
	_ =	sdelay $0x1  }
0xca: {  	v7 =	vld [tilespmem:s31+$0xFFFFFED0];
	[tilespmem:s31+$0xFFFFFEC0] =	vst v6  }
0xcb: {  	v6 =	vld.idx.msk [tilespmem:v15+s3+$0x0], $0xffff;
	_ =	sdelay $0x2  }
0xcc: {  	v16 =	vor.u32 v3, v13;
	_ =	sdelay $0x1  }
0xcd: {  	v6 =	vadd.f32 v7, v6;
	_ =	sdelay $0x1  }
0xce: {  	v7 =	vld [tilespmem:s31+$0xFFFFFEE0];
	[tilespmem:s31+$0xFFFFFED0] =	vst v6  }
0xcf: {  	v6 =	vld.idx.msk [tilespmem:v16+s3+$0x0], $0xffff;
	_ =	sdelay $0x2  }
0xd0: {  	v8 =	vor.u32 v4, v13;
	_ =	sdelay $0x1  }
0xd1: {  	v6 =	vadd.f32 v7, v6;
	_ =	sdelay $0x1  }
0xd2: {  	v7 =	vld [tilespmem:s31+$0xFFFFFEF0];
	[tilespmem:s31+$0xFFFFFEE0] =	vst v6  }
0xd3: {  	v6 =	vld.idx.msk [tilespmem:v8+s3+$0x0], $0xffff  }
0xd4: {  	v17 =	vbroadcast v5, $0x4;
	_ =	sdelay $0x1  }
0xd5: {  	v18 =	vor.u32 v1, v17;
	_ =	sdelay $0x1  }
0xd6: {  	v6 =	vadd.f32 v7, v6;
	_ =	sdelay $0x1  }
0xd7: {  	v7 =	vld [tilespmem:s31+$0xFFFFFF00];
	[tilespmem:s31+$0xFFFFFEF0] =	vst v6  }
0xd8: {  	v6 =	vld.idx.msk [tilespmem:v18+s3+$0x0], $0xffff;
	_ =	sdelay $0x2  }
0xd9: {  	v19 =	vor.u32 v2, v17;
	_ =	sdelay $0x1  }
0xda: {  	v6 =	vadd.f32 v7, v6;
	_ =	sdelay $0x1  }
0xdb: {  	v7 =	vld [tilespmem:s31+$0xFFFFFF10];
	[tilespmem:s31+$0xFFFFFF00] =	vst v6  }
0xdc: {  	v6 =	vld.idx.msk [tilespmem:v19+s3+$0x0], $0xffff;
	_ =	sdelay $0x2  }
0xdd: {  	v20 =	vor.u32 v3, v17;
	_ =	sdelay $0x1  }
0xde: {  	v6 =	vadd.f32 v7, v6;
	_ =	sdelay $0x1  }
0xdf: {  	v7 =	vld [tilespmem:s31+$0xFFFFFF20];
	[tilespmem:s31+$0xFFFFFF10] =	vst v6  }
0xe0: {  	v6 =	vld.idx.msk [tilespmem:v20+s3+$0x0], $0xffff;
	_ =	sdelay $0x2  }
0xe1: {  	v8 =	vor.u32 v4, v17;
	_ =	sdelay $0x1  }
0xe2: {  	v6 =	vadd.f32 v7, v6;
	_ =	sdelay $0x1  }
0xe3: {  	v7 =	vld [tilespmem:s31+$0xFFFFFF30];
	[tilespmem:s31+$0xFFFFFF20] =	vst v6  }
0xe4: {  	v6 =	vld.idx.msk [tilespmem:v8+s3+$0x0], $0xffff  }
0xe5: {  	v21 =	vbroadcast v5, $0x5;
	_ =	sdelay $0x1  }
0xe6: {  	v22 =	vor.u32 v1, v21;
	_ =	sdelay $0x1  }
0xe7: {  	v6 =	vadd.f32 v7, v6;
	_ =	sdelay $0x1  }
0xe8: {  	v7 =	vld [tilespmem:s31+$0xFFFFFF40];
	[tilespmem:s31+$0xFFFFFF30] =	vst v6  }
0xe9: {  	v6 =	vld.idx.msk [tilespmem:v22+s3+$0x0], $0xffff;
	_ =	sdelay $0x2  }
0xea: {  	v23 =	vor.u32 v2, v21;
	_ =	sdelay $0x1  }
0xeb: {  	v6 =	vadd.f32 v7, v6;
	_ =	sdelay $0x1  }
0xec: {  	v7 =	vld [tilespmem:s31+$0xFFFFFF50];
	[tilespmem:s31+$0xFFFFFF40] =	vst v6  }
0xed: {  	v6 =	vld.idx.msk [tilespmem:v23+s3+$0x0], $0xffff;
	_ =	sdelay $0x2  }
0xee: {  	v24 =	vor.u32 v3, v21;
	_ =	sdelay $0x1  }
0xef: {  	v6 =	vadd.f32 v7, v6;
	_ =	sdelay $0x1  }
0xf0: {  	v7 =	vld [tilespmem:s31+$0xFFFFFF60];
	[tilespmem:s31+$0xFFFFFF50] =	vst v6  }
0xf1: {  	v6 =	vld.idx.msk [tilespmem:v24+s3+$0x0], $0xffff;
	_ =	sdelay $0x2  }
0xf2: {  	v8 =	vor.u32 v4, v21;
	_ =	sdelay $0x1  }
0xf3: {  	v6 =	vadd.f32 v7, v6;
	_ =	sdelay $0x1  }
0xf4: {  	v7 =	vld [tilespmem:s31+$0xFFFFFF70];
	[tilespmem:s31+$0xFFFFFF60] =	vst v6  }
0xf5: {  	v6 =	vld.idx.msk [tilespmem:v8+s3+$0x0], $0xffff  }
0xf6: {  	v25 =	vbroadcast v5, $0x6;
	_ =	sdelay $0x1  }
0xf7: {  	v26 =	vor.u32 v1, v25;
	_ =	sdelay $0x1  }
0xf8: {  	v6 =	vadd.f32 v7, v6;
	_ =	sdelay $0x1  }
0xf9: {  	v7 =	vld [tilespmem:s31+$0xFFFFFF80];
	[tilespmem:s31+$0xFFFFFF70] =	vst v6  }
0xfa: {  	v6 =	vld.idx.msk [tilespmem:v26+s3+$0x0], $0xffff;
	_ =	sdelay $0x2  }
0xfb: {  	v27 =	vor.u32 v2, v25;
	_ =	sdelay $0x1  }
0xfc: {  	v6 =	vadd.f32 v7, v6;
	_ =	sdelay $0x1  }
0xfd: {  	v7 =	vld [tilespmem:s31+$0xFFFFFF90];
	[tilespmem:s31+$0xFFFFFF80] =	vst v6  }
0xfe: {  	v6 =	vld.idx.msk [tilespmem:v27+s3+$0x0], $0xffff;
	_ =	sdelay $0x2  }
0xff: {  	v28 =	vor.u32 v3, v25;
	_ =	sdelay $0x1  }
0x100: {  	v6 =	vadd.f32 v7, v6;
	_ =	sdelay $0x1  }
0x101: {  	v7 =	vld [tilespmem:s31+$0xFFFFFFA0];
	[tilespmem:s31+$0xFFFFFF90] =	vst v6  }
0x102: {  	v6 =	vld.idx.msk [tilespmem:v28+s3+$0x0], $0xffff;
	_ =	sdelay $0x2  }
0x103: {  	v8 =	vor.u32 v4, v25;
	_ =	sdelay $0x1  }
0x104: {  	v6 =	vadd.f32 v7, v6;
	_ =	sdelay $0x1  }
0x105: {  	v7 =	vld [tilespmem:s31+$0xFFFFFFB0];
	[tilespmem:s31+$0xFFFFFFA0] =	vst v6  }
0x106: {  	v6 =	vld.idx.msk [tilespmem:v8+s3+$0x0], $0xffff  }
0x107: {  	v29 =	vbroadcast v5, $0x7;
	_ =	sdelay $0x1  }
0x108: {  	v30 =	vor.u32 v1, v29;
	_ =	sdelay $0x1  }
0x109: {  	v6 =	vadd.f32 v7, v6;
	_ =	sdelay $0x1  }
0x10a: {  	v7 =	vld [tilespmem:s31+$0xFFFFFFC0];
	[tilespmem:s31+$0xFFFFFFB0] =	vst v6  }
0x10b: {  	v6 =	vld.idx.msk [tilespmem:v30+s3+$0x0], $0xffff;
	_ =	sdelay $0x2  }
0x10c: {  	v31 =	vor.u32 v2, v29;
	_ =	sdelay $0x1  }
0x10d: {  	v6 =	vadd.f32 v7, v6;
	_ =	sdelay $0x1  }
0x10e: {  	v7 =	vld [tilespmem:s31+$0xFFFFFFD0];
	[tilespmem:s31+$0xFFFFFFC0] =	vst v6  }
0x10f: {  	v6 =	vld.idx.msk [tilespmem:v31+s3+$0x0], $0xffff;
	_ =	sdelay $0x2  }
0x110: {  	v32 =	vor.u32 v3, v29;
	_ =	sdelay $0x1  }
0x111: {  	v6 =	vadd.f32 v7, v6;
	_ =	sdelay $0x1  }
0x112: {  	v7 =	vld [tilespmem:s31+$0xFFFFFFE0];
	[tilespmem:s31+$0xFFFFFFD0] =	vst v6  }
0x113: {  	v6 =	vld.idx.msk [tilespmem:v32+s3+$0x0], $0xffff;
	_ =	sdelay $0x2  }
0x114: {  	v8 =	vor.u32 v4, v29;
	_ =	sdelay $0x1  }
0x115: {  	v6 =	vadd.f32 v7, v6;
	_ =	sdelay $0x1  }
0x116: {  	v7 =	vld [tilespmem:s31+$0xFFFFFFF0];
	[tilespmem:s31+$0xFFFFFFE0] =	vst v6  }
0x117: {  	v6 =	vld.idx.msk [tilespmem:v8+s3+$0x0], $0xffff  }
0x118: {  	v33 =	vbroadcast v5, $0x8;
	_ =	sdelay $0x1  }
0x119: {  	v34 =	vor.u32 v1, v33;
	_ =	sdelay $0x1  }
0x11a: {  	v6 =	vadd.f32 v7, v6;
	_ =	sdelay $0x1  }
0x11b: {  	v7 =	vld [tilespmem:s31+$0x0];
	[tilespmem:s31+$0xFFFFFFF0] =	vst v6  }
0x11c: {  	v6 =	vld.idx.msk [tilespmem:v34+s3+$0x0], $0xffff;
	_ =	sdelay $0x2  }
0x11d: {  	v35 =	vor.u32 v2, v33;
	_ =	sdelay $0x1  }
0x11e: {  	v6 =	vadd.f32 v7, v6;
	_ =	sdelay $0x1  }
0x11f: {  	v7 =	vld [tilespmem:s31+$0x10];
	[tilespmem:s31+$0x0] =	vst v6  }
0x120: {  	v6 =	vld.idx.msk [tilespmem:v35+s3+$0x0], $0xffff;
	_ =	sdelay $0x2  }
0x121: {  	v36 =	vor.u32 v3, v33;
	_ =	sdelay $0x1  }
0x122: {  	v6 =	vadd.f32 v7, v6;
	_ =	sdelay $0x1  }
0x123: {  	v7 =	vld [tilespmem:s31+$0x20];
	[tilespmem:s31+$0x10] =	vst v6  }
0x124: {  	v6 =	vld.idx.msk [tilespmem:v36+s3+$0x0], $0xffff;
	_ =	sdelay $0x2  }
0x125: {  	v8 =	vor.u32 v4, v33;
	_ =	sdelay $0x1  }
0x126: {  	v6 =	vadd.f32 v7, v6;
	_ =	sdelay $0x1  }
0x127: {  	v7 =	vld [tilespmem:s31+$0x30];
	[tilespmem:s31+$0x20] =	vst v6  }
0x128: {  	v6 =	vld.idx.msk [tilespmem:v8+s3+$0x0], $0xffff  }
0x129: {  	v37 =	vbroadcast v5, $0x9;
	_ =	sdelay $0x1  }
0x12a: {  	v38 =	vor.u32 v1, v37;
	_ =	sdelay $0x1  }
0x12b: {  	v6 =	vadd.f32 v7, v6;
	_ =	sdelay $0x1  }
0x12c: {  	v7 =	vld [tilespmem:s31+$0x40];
	[tilespmem:s31+$0x30] =	vst v6  }
0x12d: {  	v6 =	vld.idx.msk [tilespmem:v38+s3+$0x0], $0xffff;
	_ =	sdelay $0x2  }
0x12e: {  	v39 =	vor.u32 v2, v37;
	_ =	sdelay $0x1  }
0x12f: {  	v6 =	vadd.f32 v7, v6;
	_ =	sdelay $0x1  }
0x130: {  	v7 =	vld [tilespmem:s31+$0x50];
	[tilespmem:s31+$0x40] =	vst v6  }
0x131: {  	v6 =	vld.idx.msk [tilespmem:v39+s3+$0x0], $0xffff;
	_ =	sdelay $0x2  }
0x132: {  	v40 =	vor.u32 v3, v37;
	_ =	sdelay $0x1  }
0x133: {  	v6 =	vadd.f32 v7, v6;
	_ =	sdelay $0x1  }
0x134: {  	v7 =	vld [tilespmem:s31+$0x60];
	[tilespmem:s31+$0x50] =	vst v6  }
0x135: {  	v6 =	vld.idx.msk [tilespmem:v40+s3+$0x0], $0xffff;
	_ =	sdelay $0x2  }
0x136: {  	v8 =	vor.u32 v4, v37;
	_ =	sdelay $0x1  }
0x137: {  	v6 =	vadd.f32 v7, v6;
	_ =	sdelay $0x1  }
0x138: {  	v7 =	vld [tilespmem:s31+$0x70];
	[tilespmem:s31+$0x60] =	vst v6  }
0x139: {  	v6 =	vld.idx.msk [tilespmem:v8+s3+$0x0], $0xffff  }
0x13a: {  	v41 =	vbroadcast v5, $0xA;
	_ =	sdelay $0x1  }
0x13b: {  	v42 =	vor.u32 v1, v41;
	_ =	sdelay $0x1  }
0x13c: {  	v6 =	vadd.f32 v7, v6;
	_ =	sdelay $0x1  }
0x13d: {  	v7 =	vld [tilespmem:s31+$0x80];
	[tilespmem:s31+$0x70] =	vst v6  }
0x13e: {  	v6 =	vld.idx.msk [tilespmem:v42+s3+$0x0], $0xffff;
	_ =	sdelay $0x2  }
0x13f: {  	v43 =	vor.u32 v2, v41;
	_ =	sdelay $0x1  }
0x140: {  	v6 =	vadd.f32 v7, v6;
	_ =	sdelay $0x1  }
0x141: {  	v7 =	vld [tilespmem:s31+$0x90];
	[tilespmem:s31+$0x80] =	vst v6  }
0x142: {  	v6 =	vld.idx.msk [tilespmem:v43+s3+$0x0], $0xffff;
	_ =	sdelay $0x2  }
0x143: {  	v44 =	vor.u32 v3, v41;
	_ =	sdelay $0x1  }
0x144: {  	v6 =	vadd.f32 v7, v6;
	_ =	sdelay $0x1  }
0x145: {  	v7 =	vld [tilespmem:s31+$0xA0];
	[tilespmem:s31+$0x90] =	vst v6  }
0x146: {  	v6 =	vld.idx.msk [tilespmem:v44+s3+$0x0], $0xffff;
	_ =	sdelay $0x2  }
0x147: {  	v8 =	vor.u32 v4, v41;
	_ =	sdelay $0x1  }
0x148: {  	v6 =	vadd.f32 v7, v6;
	_ =	sdelay $0x1  }
0x149: {  	v7 =	vld [tilespmem:s31+$0xB0];
	[tilespmem:s31+$0xA0] =	vst v6  }
0x14a: {  	v6 =	vld.idx.msk [tilespmem:v8+s3+$0x0], $0xffff  }
0x14b: {  	v45 =	vbroadcast v5, $0xB;
	_ =	sdelay $0x1  }
0x14c: {  	v46 =	vor.u32 v1, v45;
	_ =	sdelay $0x1  }
0x14d: {  	v6 =	vadd.f32 v7, v6;
	_ =	sdelay $0x1  }
0x14e: {  	v7 =	vld [tilespmem:s31+$0xC0];
	[tilespmem:s31+$0xB0] =	vst v6  }
0x14f: {  	v6 =	vld.idx.msk [tilespmem:v46+s3+$0x0], $0xffff;
	_ =	sdelay $0x2  }
0x150: {  	v47 =	vor.u32 v2, v45;
	_ =	sdelay $0x1  }
0x151: {  	v6 =	vadd.f32 v7, v6;
	_ =	sdelay $0x1  }
0x152: {  	v7 =	vld [tilespmem:s31+$0xD0];
	[tilespmem:s31+$0xC0] =	vst v6  }
0x153: {  	v6 =	vld.idx.msk [tilespmem:v47+s3+$0x0], $0xffff;
	_ =	sdelay $0x2  }
0x154: {  	v48 =	vor.u32 v3, v45;
	_ =	sdelay $0x1  }
0x155: {  	v6 =	vadd.f32 v7, v6;
	_ =	sdelay $0x1  }
0x156: {  	v7 =	vld [tilespmem:s31+$0xE0];
	[tilespmem:s31+$0xD0] =	vst v6  }
0x157: {  	v6 =	vld.idx.msk [tilespmem:v48+s3+$0x0], $0xffff;
	_ =	sdelay $0x2  }
0x158: {  	v8 =	vor.u32 v4, v45;
	_ =	sdelay $0x1  }
0x159: {  	v6 =	vadd.f32 v7, v6;
	_ =	sdelay $0x1  }
0x15a: {  	v7 =	vld [tilespmem:s31+$0xF0];
	[tilespmem:s31+$0xE0] =	vst v6  }
0x15b: {  	v6 =	vld.idx.msk [tilespmem:v8+s3+$0x0], $0xffff  }
0x15c: {  	v49 =	vbroadcast v5, $0xC;
	_ =	sdelay $0x1  }
0x15d: {  	v50 =	vor.u32 v1, v49;
	_ =	sdelay $0x1  }
0x15e: {  	v6 =	vadd.f32 v7, v6;
	_ =	sdelay $0x1  }
0x15f: {  	v7 =	vld [tilespmem:s31+$0x100];
	[tilespmem:s31+$0xF0] =	vst v6  }
0x160: {  	v6 =	vld.idx.msk [tilespmem:v50+s3+$0x0], $0xffff;
	_ =	sdelay $0x2  }
0x161: {  	v51 =	vor.u32 v2, v49;
	_ =	sdelay $0x1  }
0x162: {  	v6 =	vadd.f32 v7, v6;
	_ =	sdelay $0x1  }
0x163: {  	v7 =	vld [tilespmem:s31+$0x110];
	[tilespmem:s31+$0x100] =	vst v6  }
0x164: {  	v6 =	vld.idx.msk [tilespmem:v51+s3+$0x0], $0xffff;
	_ =	sdelay $0x2  }
0x165: {  	v52 =	vor.u32 v3, v49;
	_ =	sdelay $0x1  }
0x166: {  	v6 =	vadd.f32 v7, v6;
	_ =	sdelay $0x1  }
0x167: {  	v7 =	vld [tilespmem:s31+$0x120];
	[tilespmem:s31+$0x110] =	vst v6  }
0x168: {  	v6 =	vld.idx.msk [tilespmem:v52+s3+$0x0], $0xffff;
	_ =	sdelay $0x2  }
0x169: {  	v8 =	vor.u32 v4, v49;
	_ =	sdelay $0x1  }
0x16a: {  	v6 =	vadd.f32 v7, v6;
	_ =	sdelay $0x1  }
0x16b: {  	v7 =	vld [tilespmem:s31+$0x130];
	[tilespmem:s31+$0x120] =	vst v6  }
0x16c: {  	v6 =	vld.idx.msk [tilespmem:v8+s3+$0x0], $0xffff  }
0x16d: {  	v53 =	vbroadcast v5, $0xD;
	_ =	sdelay $0x1  }
0x16e: {  	v54 =	vor.u32 v1, v53;
	_ =	sdelay $0x1  }
0x16f: {  	v6 =	vadd.f32 v7, v6;
	_ =	sdelay $0x1  }
0x170: {  	v7 =	vld [tilespmem:s31+$0x140];
	[tilespmem:s31+$0x130] =	vst v6  }
0x171: {  	v6 =	vld.idx.msk [tilespmem:v54+s3+$0x0], $0xffff;
	_ =	sdelay $0x2  }
0x172: {  	v55 =	vor.u32 v2, v53;
	_ =	sdelay $0x1  }
0x173: {  	v6 =	vadd.f32 v7, v6;
	_ =	sdelay $0x1  }
0x174: {  	v7 =	vld [tilespmem:s31+$0x150];
	[tilespmem:s31+$0x140] =	vst v6  }
0x175: {  	v6 =	vld.idx.msk [tilespmem:v55+s3+$0x0], $0xffff;
	_ =	sdelay $0x2  }
0x176: {  	v56 =	vor.u32 v3, v53;
	_ =	sdelay $0x1  }
0x177: {  	v6 =	vadd.f32 v7, v6;
	_ =	sdelay $0x1  }
0x178: {  	v7 =	vld [tilespmem:s31+$0x160];
	[tilespmem:s31+$0x150] =	vst v6  }
0x179: {  	v6 =	vld.idx.msk [tilespmem:v56+s3+$0x0], $0xffff;
	_ =	sdelay $0x2  }
0x17a: {  	v8 =	vor.u32 v4, v53;
	_ =	sdelay $0x1  }
0x17b: {  	v6 =	vadd.f32 v7, v6;
	_ =	sdelay $0x1  }
0x17c: {  	v7 =	vld [tilespmem:s31+$0x170];
	[tilespmem:s31+$0x160] =	vst v6  }
0x17d: {  	v6 =	vld.idx.msk [tilespmem:v8+s3+$0x0], $0xffff  }
0x17e: {  	v57 =	vbroadcast v5, $0xE;
	_ =	sdelay $0x1  }
0x17f: {  	v58 =	vor.u32 v1, v57;
	_ =	sdelay $0x1  }
0x180: {  	v6 =	vadd.f32 v7, v6;
	_ =	sdelay $0x1  }
0x181: {  	v7 =	vld [tilespmem:s31+$0x180];
	[tilespmem:s31+$0x170] =	vst v6  }
0x182: {  	v6 =	vld.idx.msk [tilespmem:v58+s3+$0x0], $0xffff;
	_ =	sdelay $0x2  }
0x183: {  	v59 =	vor.u32 v2, v57;
	_ =	sdelay $0x1  }
0x184: {  	v6 =	vadd.f32 v7, v6;
	_ =	sdelay $0x1  }
0x185: {  	v7 =	vld [tilespmem:s31+$0x190];
	[tilespmem:s31+$0x180] =	vst v6  }
0x186: {  	v6 =	vld.idx.msk [tilespmem:v59+s3+$0x0], $0xffff;
	_ =	sdelay $0x2  }
0x187: {  	v60 =	vor.u32 v3, v57;
	_ =	sdelay $0x1  }
0x188: {  	v6 =	vadd.f32 v7, v6;
	_ =	sdelay $0x1  }
0x189: {  	v7 =	vld [tilespmem:s31+$0x1A0];
	[tilespmem:s31+$0x190] =	vst v6  }
0x18a: {  	v6 =	vld.idx.msk [tilespmem:v60+s3+$0x0], $0xffff;
	_ =	sdelay $0x2  }
0x18b: {  	v8 =	vor.u32 v4, v57;
	_ =	sdelay $0x1  }
0x18c: {  	v6 =	vadd.f32 v7, v6;
	_ =	sdelay $0x1  }
0x18d: {  	v7 =	vld [tilespmem:s31+$0x1B0];
	[tilespmem:s31+$0x1A0] =	vst v6  }
0x18e: {  	v6 =	vld.idx.msk [tilespmem:v8+s3+$0x0], $0xffff  }
0x18f: {  	v5 =	vbroadcast v5, $0xF;
	_ =	sdelay $0x1  }
0x190: {  	v61 =	vor.u32 v1, v5;
	_ =	sdelay $0x1  }
0x191: {  	v6 =	vadd.f32 v7, v6;
	_ =	sdelay $0x1  }
0x192: {  	v7 =	vld [tilespmem:s31+$0x1C0];
	[tilespmem:s31+$0x1B0] =	vst v6  }
0x193: {  	v6 =	vld.idx.msk [tilespmem:v61+s3+$0x0], $0xffff;
	_ =	sdelay $0x2  }
0x194: {  	v62 =	vor.u32 v2, v5;
	_ =	sdelay $0x1  }
0x195: {  	v6 =	vadd.f32 v7, v6;
	_ =	sdelay $0x1  }
0x196: {  	v7 =	vld [tilespmem:s31+$0x1D0];
	[tilespmem:s31+$0x1C0] =	vst v6  }
0x197: {  	v6 =	vld.idx.msk [tilespmem:v62+s3+$0x0], $0xffff;
	_ =	sdelay $0x2  }
0x198: {  	v63 =	vor.u32 v3, v5;
	_ =	sdelay $0x1  }
0x199: {  	v6 =	vadd.f32 v7, v6;
	_ =	sdelay $0x1  }
0x19a: {  	v7 =	vld [tilespmem:s31+$0x1E0];
	[tilespmem:s31+$0x1D0] =	vst v6  }
0x19b: {  	v6 =	vld.idx.msk [tilespmem:v63+s3+$0x0], $0xffff;
	_ =	sdelay $0x2  }
0x19c: {  	v5 =	vor.u32 v4, v5;
	_ =	sdelay $0x1  }
0x19d: {  	v6 =	vadd.f32 v7, v6;
	_ =	sdelay $0x1  }
0x19e: {  	[tilespmem:s31+$0x1E0] =	vst v6;
	v6 =	vld [tilespmem:s31+$0x1F0]  }
0x19f: {  	v5 =	vld.idx.msk [tilespmem:v5+s3+$0x0], $0xffff;
	_ =	sdelay $0x1  }
0x1a0: {  	p0 =	sne.s32 s29, $0x300  }
.Ltmp0:
0x1a1: {  	_ = 	snop;
	(pc) =	sbr.rel @p0 .LBB2_3-.Ltmp0, $3  }
0x1a2: {  	_ = 	snop  }
0x1a3: {  	v5 =	vadd.f32 v6, v5;
	_ =	sdelay $0x1  }
0x1a4: {  	s29 =	sadd.s32 $0x40, s29;
	[tilespmem:s31+$0x1F0] =	vst v5;
	s31 =	sadd.s32 $0x400, s31  }
0x1a5: {  	s0 =	smul.u32 $0x640, s30;
	_ =	sdelay $0x1  }
0x1a6: {  	s0 =	sadd.s32 s6, s0  }
0x1a7: {  	[hbm4b:s0+s3] =	stream.linear.scatter [tilespmem:s15], [sflag:$0x5], $0x3200, $0x38;
	[tilespmem:$0xEC00] =	vst v63  }
0x1a8: {  	_ =	swait.ge [sflag:s20], $0xC8  }
0x1a9: {  	p0 =	seq.s32 s25, $0x3F;
	[sflag:s20] =	ssyncset.done $0x0  }
0x1aa: {  	s0 =	sadd.s32 @!p0 s28, s10;
	[sflag:s20] =	ssyncadd.s32 $0xFFFFFF38  }
0x1ab: {  	s28 =	smul.u32 @!p0 $0x19, s0;
	_ =	swait.ge [sflag:s21], $0x3200  }
0x1ac: {  	s29 =	simm.s32 @!p0 $0x0;
	s30 =	simm.s32 @!p0 $0x8000;
	[sflag:s21] =	ssyncset.done $0x0  }
0x1ad: {  	s0 =	smul.u32 @!p0 $0x640, s0;
	s28 =	sadd.s32 @!p0 s4, s28;
	[sflag:s21] =	ssyncadd.s32 $0xFFFFCE00  }
0x1ae: {  	[tilespmem:s30], [sflag:$0x1] =	stream.linear.gather @!p0 [hbm4b:s28+s29], $0xC8, $0x38;
	[tilespmem:$0xEC00] =	vst v63  }
0x1af: {  	s0 =	sadd.s32 @!p0 s2, s0;
	s28 =	simm.s32 @!p0 $0x8400  }
0x1b0: {  	[tilespmem:s28], [sflag:$0x3] =	stream.linear.gather @!p0 [hbm4b:s0+s29], $0x3200, $0x38;
	[tilespmem:$0xEC00] =	vst v63  }
0x1b1: {  	v5 =	vld [tilespmem:$0x8100];
	_ =	sdelay $0x1  }
0x1b2: {  	v6 =	vld [tilespmem:$0x8110];
	_ =	sdelay $0x1  }
0x1b3: {  	v7 =	vld [tilespmem:$0x8120]  }
0x1b4: {  	(xrf2) =	vadd.scan.msk.f32 $0xffff, v5  }
0x1b5: {  	v5 =	vld [tilespmem:$0x8130]  }
0x1b6: {  	(xrf2) =	vadd.scan.msk.f32 $0xffff, v6  }
0x1b7: {  	v6 =	vld [tilespmem:$0x8140]  }
0x1b8: {  	(xrf2) =	vadd.scan.msk.f32 $0xffff, v7  }
0x1b9: {  	v7 =	vld [tilespmem:$0x8150]  }
0x1ba: {  	(xrf2) =	vadd.scan.msk.f32 $0xffff, v5  }
0x1bb: {  	v8 =	vld [tilespmem:$0x8160]  }
0x1bc: {  	(xrf2) =	vadd.scan.msk.f32 $0xffff, v6  }
0x1bd: {  	v6 =	vld [tilespmem:$0x8170]  }
0x1be: {  	(xrf2) =	vadd.scan.msk.f32 $0xffff, v7;
	v5, _, _ =	vpop (xrf2)  }
0x1bf: {  	v7 =	vld [tilespmem:$0x8180];
	v5 =	vadd.f32 $0.0e+00, v5  }
0x1c0: {  	v9, _, _ =	vpop (xrf2);
	(xrf2) =	vadd.scan.msk.f32 $0xffff, v8  }
0x1c1: {  	v10 =	vld [tilespmem:$0x8190];
	v50 =	vadd.f32 v9, v5  }
0x1c2: {  	v11, _, _ =	vpop (xrf2);
	(xrf2) =	vadd.scan.msk.f32 $0xffff, v6  }
0x1c3: {  	v12 =	vld [tilespmem:$0x81A0];
	v6 =	vadd.f32 v11, v50  }
0x1c4: {  	v13, _, _ =	vpop (xrf2);
	(xrf2) =	vadd.scan.msk.f32 $0xffff, v7;
	v7 =	vld [tilespmem:$0x81B0]  }
0x1c5: {  	v14 =	vadd.f32 v13, v6  }
0x1c6: {  	v15, _, _ =	vpop (xrf2);
	(xrf2) =	vadd.scan.msk.f32 $0xffff, v10  }
0x1c7: {  	v51 =	vadd.f32 v15, v14  }
0x1c8: {  	v16, _, _ =	vpop (xrf2);
	(xrf2) =	vadd.scan.msk.f32 $0xffff, v12  }
0x1c9: {  	(xrf2) =	vadd.scan.msk.f32 $0xffff, v7;
	v7 =	vld [tilespmem:$0x81C0];
	v52 =	vadd.f32 v16, v51  }
0x1ca: {  	v17, _, _ =	vpop (xrf2)  }
0x1cb: {  	v18 =	vbroadcast v5, $0xF;
	v19 =	vadd.f32 v17, v52  }
0x1cc: {  	v8 =	vbroadcast v50, $0xF;
	v20, _, _ =	vpop (xrf2)  }
0x1cd: {  	(xrf0) =	vmax.scan.msk.f32 $0xffff, v5;
	v9 =	vadd.f32 v18, v9;
	v6 =	vbroadcast v6, $0xF;
	v53 =	vadd.f32 v20, v19  }
0x1ce: {  	v8 =	vadd.f32 v8, v11;
	v54, _, _ =	vpop (xrf2);
	(xrf2) =	vadd.scan.msk.f32 $0xffff, v7  }
0x1cf: {  	(xrf0) =	vmax.scan.msk.f32 $0xffff, v9;
	v6 =	vadd.f32 v6, v13;
	v7 =	vbroadcast v14, $0xF;
	v55 =	vadd.f32 v54, v53  }
0x1d0: {  	(xrf0) =	vmax.scan.msk.f32 $0xffff, v8;
	v10 =	vbroadcast v51, $0xF;
	v56, _, _ =	vpop (xrf2)  }
0x1d1: {  	(xrf0) =	vmax.scan.msk.f32 $0xffff, v6;
	v12 =	vbroadcast v52, $0xF;
	v7 =	vadd.f32 v7, v15;
	v57 =	vadd.f32 v56, v55  }
0x1d2: {  	v10 =	vadd.f32 v10, v16;
	v58 =	vbroadcast v19, $0xF;
	v21, _, _ =	vpop (xrf2)  }
0x1d3: {  	v22, _, _ =	vpop (xrf0);
	v12 =	vadd.f32 v12, v17;
	v60 =	vbroadcast v53, $0xF;
	(xrf0) =	vmax.scan.msk.f32 $0xffff, v7;
	v61 =	vadd.f32 v21, v57  }
0x1d4: {  	v16 =	vadd.f32 v58, v20;
	v13 =	vbroadcast v55, $0xF;
	v59, _, _ =	vpop (xrf2);
	(xrf0) =	vmax.scan.msk.f32 $0xffff, v10  }
0x1d5: {  	v62, _, _ =	vpop (xrf0);
	v11 =	vadd.f32 v60, v54;
	(xrf0) =	vmax.scan.msk.f32 $0xffff, v12;
	v15 =	vbroadcast v57, $0xF;
	v63 =	vadd.f32 v59, v61  }
0x1d6: {  	v24, _, _ =	vpop (xrf0);
	v13 =	vadd.f32 v13, v56;
	(xrf0) =	vmax.scan.msk.f32 $0xffff, v16;
	v18 =	vbroadcast v61, $0xF  }
0x1d7: {  	v20 =	vmax.f32 v22, v62;
	v25, _, _ =	vpop (xrf0);
	v15 =	vadd.f32 v15, v21;
	(xrf0) =	vmax.scan.msk.f32 $0xffff, v11;
	v17 =	vbroadcast v63, $0xF  }
0x1d8: {  	v14 =	vmax.f32 v20, v24;
	(xrf0) =	vmax.scan.msk.f32 $0xffff, v13;
	v18 =	vadd.f32 v18, v59;
	v26, _, _ =	vpop (xrf2)  }
0x1d9: {  	v14 =	vmax.f32 v14, v25;
	v27, _, _ =	vpop (xrf0);
	(xrf0) =	vmax.scan.msk.f32 $0xffff, v15;
	v17 =	vadd.f32 v17, v26  }
0x1da: {  	v14 =	vmax.f32 v14, v27;
	v28, _, _ =	vpop (xrf0);
	(xrf0) =	vmax.scan.msk.f32 $0xffff, v18  }
0x1db: {  	v14 =	vmax.f32 v14, v28;
	v29, _, _ =	vpop (xrf0);
	(xrf0) =	vmax.scan.msk.f32 $0xffff, v17  }
0x1dc: {  	v30, _, _ =	vpop (xrf0);
	v14 =	vmax.f32 v14, v29  }
0x1dd: {  	v31, _, _ =	vpop (xrf0);
	v14 =	vmax.f32 v14, v30  }
0x1de: {  	v32, _, _ =	vpop (xrf0);
	v14 =	vmax.f32 v14, v31  }
0x1df: {  	v33, _, _ =	vpop (xrf0);
	v14 =	vmax.f32 v14, v32  }
0x1e0: {  	v14 =	vmax.f32 v14, v33;
	v34, _, _ =	vpop (xrf0)  }
0x1e1: {  	v14 =	vmax.f32 v14, v34;
	v35, _, _ =	vpop (xrf0)  }
0x1e2: {  	v14 =	vmax.f32 v14, v35  }
0x1e3: {  	v14 =	vadd.f32 $9.999999930e-09, v14;
	_ =	sdelay $0x1  }
0x1e4: {  	v14 =	vbroadcast v14, $0xF  }
0x1e5: {  	[tilespmem:$0x8210] =	vst v9  }
0x1e6: {  	v9 =	vld [tilespmem:$0x8210];
	[tilespmem:$0x8220] =	vst v8;
	(erf) = vrcp.f32 v14  }
0x1e7: {  	v8 =	vld [tilespmem:$0x8220];
	[tilespmem:$0x8230] =	vst v6  }
0x1e8: {  	v37 =	vld [tilespmem:$0x8230];
	[tilespmem:$0x8250] =	vst v10  }
0x1e9: {  	v40 =	vld [tilespmem:$0x8250];
	[tilespmem:$0x8260] =	vst v12  }
0x1ea: {  	v42 =	vld [tilespmem:$0x8260];
	[tilespmem:$0x8240] =	vst v7  }
0x1eb: {  	[tilespmem:$0x8270] =	vst v16;
	v38 =	vld [tilespmem:$0x8240]  }
0x1ec: {  	v43 =	vld [tilespmem:$0x8270];
	[tilespmem:$0x8280] =	vst v11  }
0x1ed: {  	v45 =	vld [tilespmem:$0x8280];
	[tilespmem:$0x8290] =	vst v13  }
0x1ee: {  	v48 =	vld [tilespmem:$0x8290];
	[tilespmem:$0x82A0] =	vst v15  }
0x1ef: {  	v50 =	vld [tilespmem:$0x82A0];
	[tilespmem:$0x82B0] =	vst v18;
	v6 =	vpop (erf)  }
0x1f0: {  	v51 =	vld [tilespmem:$0x82B0];
	[tilespmem:$0x82C0] =	vst v17;
	v36 =	vmul.f32 v6, v5;
	v9 =	vmul.f32 v6, v9  }
0x1f1: {  	v52 =	vld [tilespmem:$0x82C0];
	v8 =	vmul.f32 v6, v8;
	v39 =	vmul.f32 v6, v37  }
0x1f2: {  	v41 =	vmul.f32 v6, v38;
	v44 =	vmul.f32 v40, v6  }
0x1f3: {  	v46 =	vmul.f32 v42, v6;
	v11 =	vmul.f32 v43, v6  }
0x1f4: {  	v49 =	vmul.f32 v45, v6;
	v15 =	vmul.f32 v48, v6  }
0x1f5: {  	v18 =	vmul.f32 v50, v6;
	v17 =	vmul.f32 v51, v6  }
0x1f6: {  	v6 =	vmul.f32 v52, v6;
	v7 =	vmul.f32 $2.000000000e+02, v36  }
0x1f7: {  	v9 =	vmul.f32 $2.000000000e+02, v9;
	v8 =	vmul.f32 $2.000000000e+02, v8  }
0x1f8: {  	v10 =	vmul.f32 $2.000000000e+02, v39;
	v12 =	vmul.f32 $2.000000000e+02, v41  }
0x1f9: {  	v16 =	vmul.f32 $2.000000000e+02, v44;
	v13 =	vmul.f32 $2.000000000e+02, v46  }
0x1fa: {  	v11 =	vmul.f32 $2.000000000e+02, v11;
	v53 =	vmul.f32 $2.000000000e+02, v15  }
0x1fb: {  	v57 =	vmul.f32 $2.000000000e+02, v18;
	v59 =	vmul.f32 $2.000000000e+02, v17  }
0x1fc: {  	v6 =	vmul.f32 $2.000000000e+02, v6;
	v7 =	vtrunc.f32 v7  }
0x1fd: {  	v9 =	vtrunc.f32 v9;
	v8 =	vtrunc.f32 v8  }
0x1fe: {  	v10 =	vtrunc.f32 v10;
	v12 =	vtrunc.f32 v12  }
0x1ff: {  	v47 =	vtrunc.f32 v16;
	v13 =	vtrunc.f32 v13  }
0x200: {  	v16 =	vmul.f32 $2.000000000e+02, v49;
	v11 =	vtrunc.f32 v11  }
0x201: {  	v60 =	vtrunc.f32 v57;
	v62 =	vtrunc.f32 v59  }
0x202: {  	v6 =	vtrunc.f32 v6;
	v7 =	vcvt.f32.s32 v7  }
0x203: {  	v9 =	vcvt.f32.s32 v9;
	v8 =	vcvt.f32.s32 v8  }
0x204: {  	v10 =	vcvt.f32.s32 v10;
	v12 =	vcvt.f32.s32 v12  }
0x205: {  	v14 =	vcvt.f32.s32 v47;
	v13 =	vcvt.f32.s32 v13  }
0x206: {  	v11 =	vcvt.f32.s32 v11;
	v61 =	vcvt.f32.s32 v60  }
0x207: {  	v63 =	vcvt.f32.s32 v62;
	v16 =	vtrunc.f32 v16;
	vm0 =	vgt.s32 v7, $0x0  }
0x208: {  	vm4 =	vgt.s32 v9, $0x0;
	vm5 =	vgt.s32 v8, $0x0;
	vm6 =	vgt.s32 v10, $0x0  }
0x209: {  	vm7 =	vgt.s32 v12, $0x0;
	vm8 =	vgt.s32 v14, $0x0;
	v7 =	vnsel vm0, $0x0, v7  }
0x20a: {  	[tilespmem:$0x8200] =	vst v5;
	v16 =	vcvt.f32.s32 v16;
	v9 =	vnsel vm4, $0x0, v9;
	v5 =	vmin.u32 v7, $0x1FF  }
0x20b: {  	vm9 =	vgt.s32 v13, $0x0;
	v8 =	vnsel vm5, $0x0, v8;
	v9 =	vmin.u32 v9, $0x1FF;
	[tilespmem:$0x8300] =	vst v5  }
0x20c: {  	vm10 =	vgt.s32 v11, $0x0;
	v10 =	vnsel vm6, $0x0, v10;
	v8 =	vmin.u32 v8, $0x1FF;
	[tilespmem:$0x8310] =	vst v9  }
0x20d: {  	v12 =	vnsel vm7, $0x0, v12;
	v14 =	vnsel vm8, $0x0, v14;
	v54 =	vmin.u32 v10, $0x1FF;
	[tilespmem:$0x8320] =	vst v8  }
0x20e: {  	v7 =	vnsel vm10, $0x0, v11;
	v55 =	vmin.u32 v12, $0x1FF;
	v11 =	vtrunc.f32 v53;
	[tilespmem:$0x8330] =	vst v54  }
0x20f: {  	v13 =	vnsel vm9, $0x0, v13;
	v56 =	vmin.u32 v14, $0x1FF;
	v11 =	vcvt.f32.s32 v11;
	[tilespmem:$0x8340] =	vst v55  }
0x210: {  	v6 =	vcvt.f32.s32 v6;
	vm11 =	vgt.s32 v16, $0x0;
	v58 =	vmin.u32 v13, $0x1FF;
	[tilespmem:$0x8350] =	vst v56  }
0x211: {  	v5 =	vnsel vm11, $0x0, v16;
	v7 =	vmin.u32 v7, $0x1FF;
	[tilespmem:$0x8360] =	vst v58;
	vm12 =	vgt.s32 v11, $0x0  }
0x212: {  	vm13 =	vgt.s32 v61, $0x0;
	v5 =	vmin.u32 v5, $0x1FF;
	[tilespmem:$0x8370] =	vst v7;
	v7 =	vnsel vm12, $0x0, v11  }
0x213: {  	vm14 =	vgt.s32 v63, $0x0;
	[tilespmem:$0x8380] =	vst v5;
	v5 =	vmin.u32 v7, $0x1FF;
	v7 =	vnsel vm13, $0x0, v61  }
0x214: {  	vm15 =	vgt.s32 v6, $0x0;
	[tilespmem:$0x8390] =	vst v5;
	v5 =	vmin.u32 v7, $0x1FF;
	v7 =	vnsel vm14, $0x0, v63  }
0x215: {  	v6 =	vnsel vm15, $0x0, v6;
	[tilespmem:$0x83A0] =	vst v5;
	v5 =	vmin.u32 v7, $0x1FF  }
0x216: {  	[tilespmem:$0x83B0] =	vst v5;
	v5 =	vmin.u32 v6, $0x1FF  }
0x217: {  	[tilespmem:$0x83C0] =	vst v5  }
0x218: {  	_ =	swait.ge [sflag:s22], $0x3200  }
0x219: {  	[sflag:s22] =	ssyncset.done $0x0  }
0x21a: {  	s28 =	simm.s32 $0x0;
	s29 =	simm.s32 $0xBA00;
	[sflag:s22] =	ssyncadd.s32 $0xFFFFCE00  }
.LBB2_5:
0x21b: {  	s0 =	sshra.s32 s28, $0x2  }
0x21c: {  	v5 =	vld [tilespmem:s0+$0x8300];
	_ =	sdelay $0x4  }
0x21d: {  	v5 =	vshll.u32 v5, $0x6  }
0x21e: {  	v6 =	vbroadcast v5, $0x0;
	_ =	sdelay $0x1  }
0x21f: {  	v7 =	vor.u32 v1, v6;
	_ =	sdelay $0x3  }
0x220: {  	v8 =	vld [tilespmem:s29+$0xFFFFFE00]  }
0x221: {  	v7 =	vld.idx.msk [tilespmem:v7+s3+$0x0], $0xffff;
	_ =	sdelay $0x2  }
0x222: {  	v9 =	vor.u32 v2, v6;
	_ =	sdelay $0x1  }
0x223: {  	v7 =	vadd.f32 v8, v7;
	_ =	sdelay $0x1  }
0x224: {  	v54 =	vld [tilespmem:s29+$0xFFFFFE10];
	[tilespmem:s29+$0xFFFFFE00] =	vst v7  }
0x225: {  	v7 =	vld.idx.msk [tilespmem:v9+s3+$0x0], $0xffff;
	_ =	sdelay $0x2  }
0x226: {  	v55 =	vor.u32 v3, v6;
	_ =	sdelay $0x1  }
0x227: {  	v7 =	vadd.f32 v54, v7;
	_ =	sdelay $0x1  }
0x228: {  	v56 =	vld [tilespmem:s29+$0xFFFFFE20];
	[tilespmem:s29+$0xFFFFFE10] =	vst v7  }
0x229: {  	v7 =	vld.idx.msk [tilespmem:v55+s3+$0x0], $0xffff;
	_ =	sdelay $0x2  }
0x22a: {  	v6 =	vor.u32 v4, v6;
	_ =	sdelay $0x1  }
0x22b: {  	v7 =	vadd.f32 v56, v7;
	_ =	sdelay $0x1  }
0x22c: {  	[tilespmem:s29+$0xFFFFFE20] =	vst v7;
	v7 =	vld [tilespmem:s29+$0xFFFFFE30]  }
0x22d: {  	v6 =	vld.idx.msk [tilespmem:v6+s3+$0x0], $0xffff  }
0x22e: {  	v57 =	vbroadcast v5, $0x1;
	_ =	sdelay $0x1  }
0x22f: {  	v58 =	vor.u32 v1, v57;
	_ =	sdelay $0x1  }
0x230: {  	v6 =	vadd.f32 v7, v6;
	_ =	sdelay $0x1  }
0x231: {  	v7 =	vld [tilespmem:s29+$0xFFFFFE40];
	[tilespmem:s29+$0xFFFFFE30] =	vst v6  }
0x232: {  	v6 =	vld.idx.msk [tilespmem:v58+s3+$0x0], $0xffff;
	_ =	sdelay $0x2  }
0x233: {  	v59 =	vor.u32 v2, v57;
	_ =	sdelay $0x1  }
0x234: {  	v6 =	vadd.f32 v7, v6;
	_ =	sdelay $0x1  }
0x235: {  	v7 =	vld [tilespmem:s29+$0xFFFFFE50];
	[tilespmem:s29+$0xFFFFFE40] =	vst v6  }
0x236: {  	v6 =	vld.idx.msk [tilespmem:v59+s3+$0x0], $0xffff;
	_ =	sdelay $0x2  }
0x237: {  	v60 =	vor.u32 v3, v57;
	_ =	sdelay $0x1  }
0x238: {  	v6 =	vadd.f32 v7, v6;
	_ =	sdelay $0x1  }
0x239: {  	v7 =	vld [tilespmem:s29+$0xFFFFFE60];
	[tilespmem:s29+$0xFFFFFE50] =	vst v6  }
0x23a: {  	v6 =	vld.idx.msk [tilespmem:v60+s3+$0x0], $0xffff;
	_ =	sdelay $0x2  }
0x23b: {  	v8 =	vor.u32 v4, v57;
	_ =	sdelay $0x1  }
0x23c: {  	v6 =	vadd.f32 v7, v6;
	_ =	sdelay $0x1  }
0x23d: {  	v7 =	vld [tilespmem:s29+$0xFFFFFE70];
	[tilespmem:s29+$0xFFFFFE60] =	vst v6  }
0x23e: {  	v6 =	vld.idx.msk [tilespmem:v8+s3+$0x0], $0xffff  }
0x23f: {  	v61 =	vbroadcast v5, $0x2;
	_ =	sdelay $0x1  }
0x240: {  	v62 =	vor.u32 v1, v61;
	_ =	sdelay $0x1  }
0x241: {  	v6 =	vadd.f32 v7, v6;
	_ =	sdelay $0x1  }
0x242: {  	v7 =	vld [tilespmem:s29+$0xFFFFFE80];
	[tilespmem:s29+$0xFFFFFE70] =	vst v6  }
0x243: {  	v6 =	vld.idx.msk [tilespmem:v62+s3+$0x0], $0xffff;
	_ =	sdelay $0x2  }
0x244: {  	v63 =	vor.u32 v2, v61;
	_ =	sdelay $0x1  }
0x245: {  	v6 =	vadd.f32 v7, v6;
	_ =	sdelay $0x1  }
0x246: {  	v7 =	vld [tilespmem:s29+$0xFFFFFE90];
	[tilespmem:s29+$0xFFFFFE80] =	vst v6  }
0x247: {  	v6 =	vld.idx.msk [tilespmem:v63+s3+$0x0], $0xffff;
	_ =	sdelay $0x2  }
0x248: {  	v12 =	vor.u32 v3, v61;
	_ =	sdelay $0x1  }
0x249: {  	v6 =	vadd.f32 v7, v6;
	_ =	sdelay $0x1  }
0x24a: {  	v7 =	vld [tilespmem:s29+$0xFFFFFEA0];
	[tilespmem:s29+$0xFFFFFE90] =	vst v6  }
0x24b: {  	v6 =	vld.idx.msk [tilespmem:v12+s3+$0x0], $0xffff;
	_ =	sdelay $0x2  }
0x24c: {  	v8 =	vor.u32 v4, v61;
	_ =	sdelay $0x1  }
0x24d: {  	v6 =	vadd.f32 v7, v6;
	_ =	sdelay $0x1  }
0x24e: {  	v7 =	vld [tilespmem:s29+$0xFFFFFEB0];
	[tilespmem:s29+$0xFFFFFEA0] =	vst v6  }
0x24f: {  	v6 =	vld.idx.msk [tilespmem:v8+s3+$0x0], $0xffff  }
0x250: {  	v13 =	vbroadcast v5, $0x3;
	_ =	sdelay $0x1  }
0x251: {  	v14 =	vor.u32 v1, v13;
	_ =	sdelay $0x1  }
0x252: {  	v6 =	vadd.f32 v7, v6;
	_ =	sdelay $0x1  }
0x253: {  	v7 =	vld [tilespmem:s29+$0xFFFFFEC0];
	[tilespmem:s29+$0xFFFFFEB0] =	vst v6  }
0x254: {  	v6 =	vld.idx.msk [tilespmem:v14+s3+$0x0], $0xffff;
	_ =	sdelay $0x2  }
0x255: {  	v15 =	vor.u32 v2, v13;
	_ =	sdelay $0x1  }
0x256: {  	v6 =	vadd.f32 v7, v6;
	_ =	sdelay $0x1  }
0x257: {  	v7 =	vld [tilespmem:s29+$0xFFFFFED0];
	[tilespmem:s29+$0xFFFFFEC0] =	vst v6  }
0x258: {  	v6 =	vld.idx.msk [tilespmem:v15+s3+$0x0], $0xffff;
	_ =	sdelay $0x2  }
0x259: {  	v16 =	vor.u32 v3, v13;
	_ =	sdelay $0x1  }
0x25a: {  	v6 =	vadd.f32 v7, v6;
	_ =	sdelay $0x1  }
0x25b: {  	v7 =	vld [tilespmem:s29+$0xFFFFFEE0];
	[tilespmem:s29+$0xFFFFFED0] =	vst v6  }
0x25c: {  	v6 =	vld.idx.msk [tilespmem:v16+s3+$0x0], $0xffff;
	_ =	sdelay $0x2  }
0x25d: {  	v8 =	vor.u32 v4, v13;
	_ =	sdelay $0x1  }
0x25e: {  	v6 =	vadd.f32 v7, v6;
	_ =	sdelay $0x1  }
0x25f: {  	v7 =	vld [tilespmem:s29+$0xFFFFFEF0];
	[tilespmem:s29+$0xFFFFFEE0] =	vst v6  }
0x260: {  	v6 =	vld.idx.msk [tilespmem:v8+s3+$0x0], $0xffff  }
0x261: {  	v17 =	vbroadcast v5, $0x4;
	_ =	sdelay $0x1  }
0x262: {  	v18 =	vor.u32 v1, v17;
	_ =	sdelay $0x1  }
0x263: {  	v6 =	vadd.f32 v7, v6;
	_ =	sdelay $0x1  }
0x264: {  	v7 =	vld [tilespmem:s29+$0xFFFFFF00];
	[tilespmem:s29+$0xFFFFFEF0] =	vst v6  }
0x265: {  	v6 =	vld.idx.msk [tilespmem:v18+s3+$0x0], $0xffff;
	_ =	sdelay $0x2  }
0x266: {  	v19 =	vor.u32 v2, v17;
	_ =	sdelay $0x1  }
0x267: {  	v6 =	vadd.f32 v7, v6;
	_ =	sdelay $0x1  }
0x268: {  	v7 =	vld [tilespmem:s29+$0xFFFFFF10];
	[tilespmem:s29+$0xFFFFFF00] =	vst v6  }
0x269: {  	v6 =	vld.idx.msk [tilespmem:v19+s3+$0x0], $0xffff;
	_ =	sdelay $0x2  }
0x26a: {  	v20 =	vor.u32 v3, v17;
	_ =	sdelay $0x1  }
0x26b: {  	v6 =	vadd.f32 v7, v6;
	_ =	sdelay $0x1  }
0x26c: {  	v7 =	vld [tilespmem:s29+$0xFFFFFF20];
	[tilespmem:s29+$0xFFFFFF10] =	vst v6  }
0x26d: {  	v6 =	vld.idx.msk [tilespmem:v20+s3+$0x0], $0xffff;
	_ =	sdelay $0x2  }
0x26e: {  	v8 =	vor.u32 v4, v17;
	_ =	sdelay $0x1  }
0x26f: {  	v6 =	vadd.f32 v7, v6;
	_ =	sdelay $0x1  }
0x270: {  	v7 =	vld [tilespmem:s29+$0xFFFFFF30];
	[tilespmem:s29+$0xFFFFFF20] =	vst v6  }
0x271: {  	v6 =	vld.idx.msk [tilespmem:v8+s3+$0x0], $0xffff  }
0x272: {  	v21 =	vbroadcast v5, $0x5;
	_ =	sdelay $0x1  }
0x273: {  	v22 =	vor.u32 v1, v21;
	_ =	sdelay $0x1  }
0x274: {  	v6 =	vadd.f32 v7, v6;
	_ =	sdelay $0x1  }
0x275: {  	v7 =	vld [tilespmem:s29+$0xFFFFFF40];
	[tilespmem:s29+$0xFFFFFF30] =	vst v6  }
0x276: {  	v6 =	vld.idx.msk [tilespmem:v22+s3+$0x0], $0xffff;
	_ =	sdelay $0x2  }
0x277: {  	v23 =	vor.u32 v2, v21;
	_ =	sdelay $0x1  }
0x278: {  	v6 =	vadd.f32 v7, v6;
	_ =	sdelay $0x1  }
0x279: {  	v7 =	vld [tilespmem:s29+$0xFFFFFF50];
	[tilespmem:s29+$0xFFFFFF40] =	vst v6  }
0x27a: {  	v6 =	vld.idx.msk [tilespmem:v23+s3+$0x0], $0xffff;
	_ =	sdelay $0x2  }
0x27b: {  	v24 =	vor.u32 v3, v21;
	_ =	sdelay $0x1  }
0x27c: {  	v6 =	vadd.f32 v7, v6;
	_ =	sdelay $0x1  }
0x27d: {  	v7 =	vld [tilespmem:s29+$0xFFFFFF60];
	[tilespmem:s29+$0xFFFFFF50] =	vst v6  }
0x27e: {  	v6 =	vld.idx.msk [tilespmem:v24+s3+$0x0], $0xffff;
	_ =	sdelay $0x2  }
0x27f: {  	v8 =	vor.u32 v4, v21;
	_ =	sdelay $0x1  }
0x280: {  	v6 =	vadd.f32 v7, v6;
	_ =	sdelay $0x1  }
0x281: {  	v7 =	vld [tilespmem:s29+$0xFFFFFF70];
	[tilespmem:s29+$0xFFFFFF60] =	vst v6  }
0x282: {  	v6 =	vld.idx.msk [tilespmem:v8+s3+$0x0], $0xffff  }
0x283: {  	v25 =	vbroadcast v5, $0x6;
	_ =	sdelay $0x1  }
0x284: {  	v26 =	vor.u32 v1, v25;
	_ =	sdelay $0x1  }
0x285: {  	v6 =	vadd.f32 v7, v6;
	_ =	sdelay $0x1  }
0x286: {  	v7 =	vld [tilespmem:s29+$0xFFFFFF80];
	[tilespmem:s29+$0xFFFFFF70] =	vst v6  }
0x287: {  	v6 =	vld.idx.msk [tilespmem:v26+s3+$0x0], $0xffff;
	_ =	sdelay $0x2  }
0x288: {  	v27 =	vor.u32 v2, v25;
	_ =	sdelay $0x1  }
0x289: {  	v6 =	vadd.f32 v7, v6;
	_ =	sdelay $0x1  }
0x28a: {  	v7 =	vld [tilespmem:s29+$0xFFFFFF90];
	[tilespmem:s29+$0xFFFFFF80] =	vst v6  }
0x28b: {  	v6 =	vld.idx.msk [tilespmem:v27+s3+$0x0], $0xffff;
	_ =	sdelay $0x2  }
0x28c: {  	v28 =	vor.u32 v3, v25;
	_ =	sdelay $0x1  }
0x28d: {  	v6 =	vadd.f32 v7, v6;
	_ =	sdelay $0x1  }
0x28e: {  	v7 =	vld [tilespmem:s29+$0xFFFFFFA0];
	[tilespmem:s29+$0xFFFFFF90] =	vst v6  }
0x28f: {  	v6 =	vld.idx.msk [tilespmem:v28+s3+$0x0], $0xffff;
	_ =	sdelay $0x2  }
0x290: {  	v8 =	vor.u32 v4, v25;
	_ =	sdelay $0x1  }
0x291: {  	v6 =	vadd.f32 v7, v6;
	_ =	sdelay $0x1  }
0x292: {  	v7 =	vld [tilespmem:s29+$0xFFFFFFB0];
	[tilespmem:s29+$0xFFFFFFA0] =	vst v6  }
0x293: {  	v6 =	vld.idx.msk [tilespmem:v8+s3+$0x0], $0xffff  }
0x294: {  	v29 =	vbroadcast v5, $0x7;
	_ =	sdelay $0x1  }
0x295: {  	v30 =	vor.u32 v1, v29;
	_ =	sdelay $0x1  }
0x296: {  	v6 =	vadd.f32 v7, v6;
	_ =	sdelay $0x1  }
0x297: {  	v7 =	vld [tilespmem:s29+$0xFFFFFFC0];
	[tilespmem:s29+$0xFFFFFFB0] =	vst v6  }
0x298: {  	v6 =	vld.idx.msk [tilespmem:v30+s3+$0x0], $0xffff;
	_ =	sdelay $0x2  }
0x299: {  	v31 =	vor.u32 v2, v29;
	_ =	sdelay $0x1  }
0x29a: {  	v6 =	vadd.f32 v7, v6;
	_ =	sdelay $0x1  }
0x29b: {  	v7 =	vld [tilespmem:s29+$0xFFFFFFD0];
	[tilespmem:s29+$0xFFFFFFC0] =	vst v6  }
0x29c: {  	v6 =	vld.idx.msk [tilespmem:v31+s3+$0x0], $0xffff;
	_ =	sdelay $0x2  }
0x29d: {  	v32 =	vor.u32 v3, v29;
	_ =	sdelay $0x1  }
0x29e: {  	v6 =	vadd.f32 v7, v6;
	_ =	sdelay $0x1  }
0x29f: {  	v7 =	vld [tilespmem:s29+$0xFFFFFFE0];
	[tilespmem:s29+$0xFFFFFFD0] =	vst v6  }
0x2a0: {  	v6 =	vld.idx.msk [tilespmem:v32+s3+$0x0], $0xffff;
	_ =	sdelay $0x2  }
0x2a1: {  	v8 =	vor.u32 v4, v29;
	_ =	sdelay $0x1  }
0x2a2: {  	v6 =	vadd.f32 v7, v6;
	_ =	sdelay $0x1  }
0x2a3: {  	v7 =	vld [tilespmem:s29+$0xFFFFFFF0];
	[tilespmem:s29+$0xFFFFFFE0] =	vst v6  }
0x2a4: {  	v6 =	vld.idx.msk [tilespmem:v8+s3+$0x0], $0xffff  }
0x2a5: {  	v33 =	vbroadcast v5, $0x8;
	_ =	sdelay $0x1  }
0x2a6: {  	v34 =	vor.u32 v1, v33;
	_ =	sdelay $0x1  }
0x2a7: {  	v6 =	vadd.f32 v7, v6;
	_ =	sdelay $0x1  }
0x2a8: {  	v7 =	vld [tilespmem:s29+$0x0];
	[tilespmem:s29+$0xFFFFFFF0] =	vst v6  }
0x2a9: {  	v6 =	vld.idx.msk [tilespmem:v34+s3+$0x0], $0xffff;
	_ =	sdelay $0x2  }
0x2aa: {  	v35 =	vor.u32 v2, v33;
	_ =	sdelay $0x1  }
0x2ab: {  	v6 =	vadd.f32 v7, v6;
	_ =	sdelay $0x1  }
0x2ac: {  	v7 =	vld [tilespmem:s29+$0x10];
	[tilespmem:s29+$0x0] =	vst v6  }
0x2ad: {  	v6 =	vld.idx.msk [tilespmem:v35+s3+$0x0], $0xffff;
	_ =	sdelay $0x2  }
0x2ae: {  	v36 =	vor.u32 v3, v33;
	_ =	sdelay $0x1  }
0x2af: {  	v6 =	vadd.f32 v7, v6;
	_ =	sdelay $0x1  }
0x2b0: {  	v7 =	vld [tilespmem:s29+$0x20];
	[tilespmem:s29+$0x10] =	vst v6  }
0x2b1: {  	v6 =	vld.idx.msk [tilespmem:v36+s3+$0x0], $0xffff;
	_ =	sdelay $0x2  }
0x2b2: {  	v8 =	vor.u32 v4, v33;
	_ =	sdelay $0x1  }
0x2b3: {  	v6 =	vadd.f32 v7, v6;
	_ =	sdelay $0x1  }
0x2b4: {  	v7 =	vld [tilespmem:s29+$0x30];
	[tilespmem:s29+$0x20] =	vst v6  }
0x2b5: {  	v6 =	vld.idx.msk [tilespmem:v8+s3+$0x0], $0xffff  }
0x2b6: {  	v37 =	vbroadcast v5, $0x9;
	_ =	sdelay $0x1  }
0x2b7: {  	v38 =	vor.u32 v1, v37;
	_ =	sdelay $0x1  }
0x2b8: {  	v6 =	vadd.f32 v7, v6;
	_ =	sdelay $0x1  }
0x2b9: {  	v7 =	vld [tilespmem:s29+$0x40];
	[tilespmem:s29+$0x30] =	vst v6  }
0x2ba: {  	v6 =	vld.idx.msk [tilespmem:v38+s3+$0x0], $0xffff;
	_ =	sdelay $0x2  }
0x2bb: {  	v39 =	vor.u32 v2, v37;
	_ =	sdelay $0x1  }
0x2bc: {  	v6 =	vadd.f32 v7, v6;
	_ =	sdelay $0x1  }
0x2bd: {  	v7 =	vld [tilespmem:s29+$0x50];
	[tilespmem:s29+$0x40] =	vst v6  }
0x2be: {  	v6 =	vld.idx.msk [tilespmem:v39+s3+$0x0], $0xffff;
	_ =	sdelay $0x2  }
0x2bf: {  	v40 =	vor.u32 v3, v37;
	_ =	sdelay $0x1  }
0x2c0: {  	v6 =	vadd.f32 v7, v6;
	_ =	sdelay $0x1  }
0x2c1: {  	v7 =	vld [tilespmem:s29+$0x60];
	[tilespmem:s29+$0x50] =	vst v6  }
0x2c2: {  	v6 =	vld.idx.msk [tilespmem:v40+s3+$0x0], $0xffff;
	_ =	sdelay $0x2  }
0x2c3: {  	v8 =	vor.u32 v4, v37;
	_ =	sdelay $0x1  }
0x2c4: {  	v6 =	vadd.f32 v7, v6;
	_ =	sdelay $0x1  }
0x2c5: {  	v7 =	vld [tilespmem:s29+$0x70];
	[tilespmem:s29+$0x60] =	vst v6  }
0x2c6: {  	v6 =	vld.idx.msk [tilespmem:v8+s3+$0x0], $0xffff  }
0x2c7: {  	v41 =	vbroadcast v5, $0xA;
	_ =	sdelay $0x1  }
0x2c8: {  	v42 =	vor.u32 v1, v41;
	_ =	sdelay $0x1  }
0x2c9: {  	v6 =	vadd.f32 v7, v6;
	_ =	sdelay $0x1  }
0x2ca: {  	v7 =	vld [tilespmem:s29+$0x80];
	[tilespmem:s29+$0x70] =	vst v6  }
0x2cb: {  	v6 =	vld.idx.msk [tilespmem:v42+s3+$0x0], $0xffff;
	_ =	sdelay $0x2  }
0x2cc: {  	v43 =	vor.u32 v2, v41;
	_ =	sdelay $0x1  }
0x2cd: {  	v6 =	vadd.f32 v7, v6;
	_ =	sdelay $0x1  }
0x2ce: {  	v7 =	vld [tilespmem:s29+$0x90];
	[tilespmem:s29+$0x80] =	vst v6  }
0x2cf: {  	v6 =	vld.idx.msk [tilespmem:v43+s3+$0x0], $0xffff;
	_ =	sdelay $0x2  }
0x2d0: {  	v44 =	vor.u32 v3, v41;
	_ =	sdelay $0x1  }
0x2d1: {  	v6 =	vadd.f32 v7, v6;
	_ =	sdelay $0x1  }
0x2d2: {  	v7 =	vld [tilespmem:s29+$0xA0];
	[tilespmem:s29+$0x90] =	vst v6  }
0x2d3: {  	v6 =	vld.idx.msk [tilespmem:v44+s3+$0x0], $0xffff;
	_ =	sdelay $0x2  }
0x2d4: {  	v8 =	vor.u32 v4, v41;
	_ =	sdelay $0x1  }
0x2d5: {  	v6 =	vadd.f32 v7, v6;
	_ =	sdelay $0x1  }
0x2d6: {  	v7 =	vld [tilespmem:s29+$0xB0];
	[tilespmem:s29+$0xA0] =	vst v6  }
0x2d7: {  	v6 =	vld.idx.msk [tilespmem:v8+s3+$0x0], $0xffff  }
0x2d8: {  	v45 =	vbroadcast v5, $0xB;
	_ =	sdelay $0x1  }
0x2d9: {  	v46 =	vor.u32 v1, v45;
	_ =	sdelay $0x1  }
0x2da: {  	v6 =	vadd.f32 v7, v6;
	_ =	sdelay $0x1  }
0x2db: {  	v7 =	vld [tilespmem:s29+$0xC0];
	[tilespmem:s29+$0xB0] =	vst v6  }
0x2dc: {  	v6 =	vld.idx.msk [tilespmem:v46+s3+$0x0], $0xffff;
	_ =	sdelay $0x2  }
0x2dd: {  	v47 =	vor.u32 v2, v45;
	_ =	sdelay $0x1  }
0x2de: {  	v6 =	vadd.f32 v7, v6;
	_ =	sdelay $0x1  }
0x2df: {  	v7 =	vld [tilespmem:s29+$0xD0];
	[tilespmem:s29+$0xC0] =	vst v6  }
0x2e0: {  	v6 =	vld.idx.msk [tilespmem:v47+s3+$0x0], $0xffff;
	_ =	sdelay $0x2  }
0x2e1: {  	v48 =	vor.u32 v3, v45;
	_ =	sdelay $0x1  }
0x2e2: {  	v6 =	vadd.f32 v7, v6;
	_ =	sdelay $0x1  }
0x2e3: {  	v7 =	vld [tilespmem:s29+$0xE0];
	[tilespmem:s29+$0xD0] =	vst v6  }
0x2e4: {  	v6 =	vld.idx.msk [tilespmem:v48+s3+$0x0], $0xffff;
	_ =	sdelay $0x2  }
0x2e5: {  	v8 =	vor.u32 v4, v45;
	_ =	sdelay $0x1  }
0x2e6: {  	v6 =	vadd.f32 v7, v6;
	_ =	sdelay $0x1  }
0x2e7: {  	v7 =	vld [tilespmem:s29+$0xF0];
	[tilespmem:s29+$0xE0] =	vst v6  }
0x2e8: {  	v6 =	vld.idx.msk [tilespmem:v8+s3+$0x0], $0xffff  }
0x2e9: {  	v49 =	vbroadcast v5, $0xC;
	_ =	sdelay $0x1  }
0x2ea: {  	v50 =	vor.u32 v1, v49;
	_ =	sdelay $0x1  }
0x2eb: {  	v6 =	vadd.f32 v7, v6;
	_ =	sdelay $0x1  }
0x2ec: {  	v7 =	vld [tilespmem:s29+$0x100];
	[tilespmem:s29+$0xF0] =	vst v6  }
0x2ed: {  	v6 =	vld.idx.msk [tilespmem:v50+s3+$0x0], $0xffff;
	_ =	sdelay $0x2  }
0x2ee: {  	v51 =	vor.u32 v2, v49;
	_ =	sdelay $0x1  }
0x2ef: {  	v6 =	vadd.f32 v7, v6;
	_ =	sdelay $0x1  }
0x2f0: {  	v7 =	vld [tilespmem:s29+$0x110];
	[tilespmem:s29+$0x100] =	vst v6  }
0x2f1: {  	v6 =	vld.idx.msk [tilespmem:v51+s3+$0x0], $0xffff;
	_ =	sdelay $0x2  }
0x2f2: {  	v52 =	vor.u32 v3, v49;
	_ =	sdelay $0x1  }
0x2f3: {  	v6 =	vadd.f32 v7, v6;
	_ =	sdelay $0x1  }
0x2f4: {  	v7 =	vld [tilespmem:s29+$0x120];
	[tilespmem:s29+$0x110] =	vst v6  }
0x2f5: {  	v6 =	vld.idx.msk [tilespmem:v52+s3+$0x0], $0xffff;
	_ =	sdelay $0x2  }
0x2f6: {  	v8 =	vor.u32 v4, v49;
	_ =	sdelay $0x1  }
0x2f7: {  	v6 =	vadd.f32 v7, v6;
	_ =	sdelay $0x1  }
0x2f8: {  	v7 =	vld [tilespmem:s29+$0x130];
	[tilespmem:s29+$0x120] =	vst v6  }
0x2f9: {  	v6 =	vld.idx.msk [tilespmem:v8+s3+$0x0], $0xffff  }
0x2fa: {  	v53 =	vbroadcast v5, $0xD;
	_ =	sdelay $0x1  }
0x2fb: {  	v54 =	vor.u32 v1, v53;
	_ =	sdelay $0x1  }
0x2fc: {  	v6 =	vadd.f32 v7, v6;
	_ =	sdelay $0x1  }
0x2fd: {  	v7 =	vld [tilespmem:s29+$0x140];
	[tilespmem:s29+$0x130] =	vst v6  }
0x2fe: {  	v6 =	vld.idx.msk [tilespmem:v54+s3+$0x0], $0xffff;
	_ =	sdelay $0x2  }
0x2ff: {  	v55 =	vor.u32 v2, v53;
	_ =	sdelay $0x1  }
0x300: {  	v6 =	vadd.f32 v7, v6;
	_ =	sdelay $0x1  }
0x301: {  	v7 =	vld [tilespmem:s29+$0x150];
	[tilespmem:s29+$0x140] =	vst v6  }
0x302: {  	v6 =	vld.idx.msk [tilespmem:v55+s3+$0x0], $0xffff;
	_ =	sdelay $0x2  }
0x303: {  	v56 =	vor.u32 v3, v53;
	_ =	sdelay $0x1  }
0x304: {  	v6 =	vadd.f32 v7, v6;
	_ =	sdelay $0x1  }
0x305: {  	v7 =	vld [tilespmem:s29+$0x160];
	[tilespmem:s29+$0x150] =	vst v6  }
0x306: {  	v6 =	vld.idx.msk [tilespmem:v56+s3+$0x0], $0xffff;
	_ =	sdelay $0x2  }
0x307: {  	v8 =	vor.u32 v4, v53;
	_ =	sdelay $0x1  }
0x308: {  	v6 =	vadd.f32 v7, v6;
	_ =	sdelay $0x1  }
0x309: {  	v7 =	vld [tilespmem:s29+$0x170];
	[tilespmem:s29+$0x160] =	vst v6  }
0x30a: {  	v6 =	vld.idx.msk [tilespmem:v8+s3+$0x0], $0xffff  }
0x30b: {  	v57 =	vbroadcast v5, $0xE;
	_ =	sdelay $0x1  }
0x30c: {  	v58 =	vor.u32 v1, v57;
	_ =	sdelay $0x1  }
0x30d: {  	v6 =	vadd.f32 v7, v6;
	_ =	sdelay $0x1  }
0x30e: {  	v7 =	vld [tilespmem:s29+$0x180];
	[tilespmem:s29+$0x170] =	vst v6  }
0x30f: {  	v6 =	vld.idx.msk [tilespmem:v58+s3+$0x0], $0xffff;
	_ =	sdelay $0x2  }
0x310: {  	v59 =	vor.u32 v2, v57;
	_ =	sdelay $0x1  }
0x311: {  	v6 =	vadd.f32 v7, v6;
	_ =	sdelay $0x1  }
0x312: {  	v7 =	vld [tilespmem:s29+$0x190];
	[tilespmem:s29+$0x180] =	vst v6  }
0x313: {  	v6 =	vld.idx.msk [tilespmem:v59+s3+$0x0], $0xffff;
	_ =	sdelay $0x2  }
0x314: {  	v60 =	vor.u32 v3, v57;
	_ =	sdelay $0x1  }
0x315: {  	v6 =	vadd.f32 v7, v6;
	_ =	sdelay $0x1  }
0x316: {  	v7 =	vld [tilespmem:s29+$0x1A0];
	[tilespmem:s29+$0x190] =	vst v6  }
0x317: {  	v6 =	vld.idx.msk [tilespmem:v60+s3+$0x0], $0xffff;
	_ =	sdelay $0x2  }
0x318: {  	v8 =	vor.u32 v4, v57;
	_ =	sdelay $0x1  }
0x319: {  	v6 =	vadd.f32 v7, v6;
	_ =	sdelay $0x1  }
0x31a: {  	v7 =	vld [tilespmem:s29+$0x1B0];
	[tilespmem:s29+$0x1A0] =	vst v6  }
0x31b: {  	v6 =	vld.idx.msk [tilespmem:v8+s3+$0x0], $0xffff  }
0x31c: {  	v5 =	vbroadcast v5, $0xF;
	_ =	sdelay $0x1  }
0x31d: {  	v61 =	vor.u32 v1, v5;
	_ =	sdelay $0x1  }
0x31e: {  	v6 =	vadd.f32 v7, v6;
	_ =	sdelay $0x1  }
0x31f: {  	v7 =	vld [tilespmem:s29+$0x1C0];
	[tilespmem:s29+$0x1B0] =	vst v6  }
0x320: {  	v6 =	vld.idx.msk [tilespmem:v61+s3+$0x0], $0xffff;
	_ =	sdelay $0x2  }
0x321: {  	v62 =	vor.u32 v2, v5;
	_ =	sdelay $0x1  }
0x322: {  	v6 =	vadd.f32 v7, v6;
	_ =	sdelay $0x1  }
0x323: {  	v7 =	vld [tilespmem:s29+$0x1D0];
	[tilespmem:s29+$0x1C0] =	vst v6  }
0x324: {  	v6 =	vld.idx.msk [tilespmem:v62+s3+$0x0], $0xffff;
	_ =	sdelay $0x2  }
0x325: {  	v63 =	vor.u32 v3, v5;
	_ =	sdelay $0x1  }
0x326: {  	v6 =	vadd.f32 v7, v6;
	_ =	sdelay $0x1  }
0x327: {  	v7 =	vld [tilespmem:s29+$0x1E0];
	[tilespmem:s29+$0x1D0] =	vst v6  }
0x328: {  	v6 =	vld.idx.msk [tilespmem:v63+s3+$0x0], $0xffff;
	_ =	sdelay $0x2  }
0x329: {  	v5 =	vor.u32 v4, v5;
	_ =	sdelay $0x1  }
0x32a: {  	v6 =	vadd.f32 v7, v6;
	_ =	sdelay $0x1  }
0x32b: {  	[tilespmem:s29+$0x1E0] =	vst v6;
	v6 =	vld [tilespmem:s29+$0x1F0]  }
0x32c: {  	v5 =	vld.idx.msk [tilespmem:v5+s3+$0x0], $0xffff;
	_ =	sdelay $0x1  }
0x32d: {  	p0 =	sne.s32 s28, $0x300  }
.Ltmp1:
0x32e: {  	_ = 	snop;
	(pc) =	sbr.rel @p0 .LBB2_5-.Ltmp1, $3  }
0x32f: {  	_ = 	snop  }
0x330: {  	v5 =	vadd.f32 v6, v5;
	_ =	sdelay $0x1  }
0x331: {  	s28 =	sadd.s32 $0x40, s28;
	[tilespmem:s29+$0x1F0] =	vst v5;
	s29 =	sadd.s32 $0x400, s29  }
0x332: {  	s25 =	sadd.s32 $0x1, s25  }
0x333: {  	p0 =	sne.s32 s25, $0x40  }
.Ltmp2:
0x334: {  	_ = 	snop;
	(pc) =	sbr.rel @p0 .LBB2_2-.Ltmp2, $3  }
0x335: {  	_ =	sdelay $0x1  }
0x336: {  	s0 =	sadd.s32 s6, s26  }
0x337: {  	[hbm4b:s0+s3] =	stream.linear.scatter [tilespmem:s18], [sflag:$0x6], $0x3200, $0x38;
	[tilespmem:$0xEC00] =	vst v63  }
0x338: {  	s24 =	sadd.s32 $0x1, s24  }
0x339: {  	p0 =	sne.s32 s24, s11  }
.Ltmp3:
0x33a: {  	_ = 	snop;
	(pc) =	sbr.rel @p0 .LBB2_1-.Ltmp3, $4  }
0x33b: {  	_ = 	snop  }
0x33c: {  	_ =	swait.ge [sflag:s23], $0x3200  }
0x33d: {  	[sflag:s23] =	ssyncset.done $0x0  }
0x33e: {  	[sflag:s23] =	ssyncadd.s32 $0xFFFFCE00  }
0x33f: {  	_ =	sfence.sel $0x180000  }
0x340: {  	[bflag:$0x0] =	sbarrier.arrive $0xFFFF  }
0x341: {  	_ =	strace $0x90000047  }
0x342: {  	[bflag:$0x2] =	sbarrier.arrive $0xFFFF  }
0x343: {  	p0 =	sne.s32 s1, $0x0;
	s0 =	rddreg [dreg:$0x2]  }
0x344: {  	s0 =	sadd.s32 @!p0 $0x100000, s0  }
0x345: {  	[sflag:s0] =	ssyncadd.tile.s32 @!p0 $0x1;
	_ =	shalt  }
.Lfunc_end2:
_tile_overlayer_lowered:
.L_overlay_start_2:
0x346: {  	(tag) =	ssettag $0x2  }
0x347: {  	s0 =	rddreg [dreg:$0x0];
	s2 =	stileid.u32  }
0x348: {  	s1 =	rddreg [dreg:$0x1];
	p0 =	sne.s32 s2, $0x0  }
0x349: {  	s3 =	rddreg [dreg:$0x2];
	[bflag:$0x3] =	sbarrier.arrive $0xFFFF;
	s2 =	simm.s32 @!p0 $0x1C07  }
0x34a: {  	[timem:s3], [sflag:s2] =	dma.local @!p0 [hbm:s0], s1  }
0x34b: {  	s0 =	simm.s32 @!p0 $0x7  }
0x34c: {  	_ =	swait.ge @!p0 [sflag:s0], s1  }
0x34d: {  	s1 =	ssub.s32 @!p0 $0x0, s1;
	[sflag:s0] =	ssyncset.done @!p0 $0x0  }
0x34e: {  	[sflag:s0] =	ssyncadd.s32 @!p0 s1  }
0x34f: {  	[bflag:$0x3] =	sbarrier.arrive $0xFFFF  }
0x350: {  	_ =	shalt  }

// kernel: sparse-core-data-format-call.cloned.1.call-start
scs
called_computation_lowered:
.L_overlay_start_0:
0x0: {  	s2 =	sld [smem:$0x3FD9]  }
0x1: {  	s3 =	sld [smem:$0x3FFE];
	_ =	sdelay $0x1  }
0x2: {  	s1 =	srdreg.scid  }
0x3: {  	s0 =	sand.u32 $0x1, s1  }
0x4: {  	s18 =	sshll.u32 s0, $0xA;
	s2 =	sadd.s32 s3, s2  }
0x5: {  	s2 =	sadd.s32 s2, s18  }
0x6: {  	[smem:$0x3FC5] =	sst s2  }
0x7: {  	_ = 	snop  }
0x8: {  	s2 =	sld [smem:$0x3FD0];
	(tm) =	ssettm $0x1  }
0x9: {  	s19 =	sld [smem:$0x3FFB];
	_ =	sdelay $0x3  }
0xa: {  	_ =	strace s19  }
0xb: {  	s3 =	sld [smem:$0x3FFC];
	_ =	sdelay $0x3  }
0xc: {  	_ =	strace s3  }
0xd: {  	s3 =	sld [smem:$0x3FFD];
	_ =	sdelay $0x3  }
0xe: {  	_ =	strace s3  }
0xf: {  	_ =	strace $0x8FFFFFFF  }
0x10: {  	s20 =	sld [smem:$0x3FDB];
	_ =	sdelay $0x1  }
0x11: {  	s4 =	simm.s32 $_scs_section_size  }
0x12: {  	s5 =	simm.s32 $_size__tile_overlayer_lowered;
	s6 =	simm.s32 $_tile_overlayer_lowered  }
0x13: {  	s23 =	simm.s32 $0x1BFF;
	s22 =	sshll.u32 s6, $0x1;
	s3 =	sadd.s32 s4, s20  }
0x14: {  	s7 =	simm.s32 $0x0;
	s21 =	sshll.u32 s5, $0x1;
	s5 =	sadd.s32 s22, s3  }
0x15: {  	[timem:s7], [sflag:s23] =	dma.local [hbm:s5], s21  }
0x16: {  	_ =	swait.ge [sflag:s23], s21  }
0x17: {  	s4 =	ssub.s32 $0x0, s21;
	[sflag:s23] =	ssyncset.done $0x0  }
0x18: {  	[sflag:s23] =	ssyncadd.s32 s4;
	_ =	sdelay $0x1  }
0x19: {  	s24 =	simm.s32 $0x1B8B  }
0x1a: {  	_ =	swait.ge [sflag:s24], $0x1  }
0x1b: {  	[sflag:s24] =	ssyncset.done $0x0  }
0x1c: {  	s26 =	simm.s32 $0x1B8E;
	s25 =	sld [smem:$0x3FFE];
	[sflag:s24] =	ssyncadd.s32 $0xFFFFFFFF  }
0x1d: {  	s27 =	simm.s32 $execute0_lowered;
	[smem:$0x3FD2] =	sst s26  }
0x1e: {  	s5 =	sshll.u32 s27, $0x1;
	_ =	strace $0x80000049;
	[dreg:$0x1] =	wrdreg $0xFFFFFFFF  }
0x1f: {  	s28 =	simm.s32 $_size_execute0_lowered;
	s3 =	sadd.s32 s3, s5;
	[dreg:$0x0] =	wrdreg $0x0  }
0x20: {  	s5 =	sshll.u32 s28, $0x1;
	[dreg:$0x2] =	wrdreg s3  }
0x21: {  	[dreg:$0x3] =	wrdreg s5  }
0x22: {  	[dreg:$0x4] =	wrdreg $0xC0  }
0x23: {  	_ =	task [dreg:s7], $0x5FFFF  }
0x24: {  	[dreg:$0x1] =	wrdreg $0xFFFFFFFF  }
0x25: {  	[dreg:$0x0] =	wrdreg $0x60  }
0x26: {  	[dreg:$0x2] =	wrdreg s25  }
0x27: {  	[dreg:$0x3] =	wrdreg s2  }
0x28: {  	[dreg:$0x4] =	wrdreg $0x9  }
0x29: {  	_ =	task.clear_ibuf [dreg:s7], $0x5FFFF;
	_ =	strace $0x90000049  }
0x2a: {  	s29 =	simm.s32 $0x9;
	_ =	strace $0x8000004B  }
0x2b: {  	_ =	swait.ge [sflag:s29], $0x1  }
0x2c: {  	[sflag:s29] =	ssyncadd.s32 $0xFFFFFFFF  }
0x2d: {  	_ =	strace $0x9000004B  }
0x2e: {  	_ =	sfence  }
0x2f: {  	s30 =	sld [smem:$0x0];
	_ =	sdelay $0x2  }
0x30: {  	s31 =	sshll.u32 s1, $0xD;
	s1 =	sshrl.u32 s1, $0x2  }
0x31: {  	s3 =	sand.u32 $0x4000, s31;
	s1 =	sadd.s32 s1, s30  }
0x32: {  	s0 =	sor.u32 s3, s0;
	s1 =	sshll.u32 s1, $0x11  }
0x33: {  	s0 =	sor.u32 s1, s0  }
0x34: {  	s0 =	sadd.s32 $0x8F2B, s0  }
0x35: {  	[sflag:s0] =	ssyncadd.remote.s32 $0x1  }
0x36: {  	_ =	sfence.sel $0xFFFF  }
0x37: {  	[dreg:$0x0] =	wrdreg $0xFFFFFFFF;
	(pc) =	sbr.abs _section_cstart, $3  }
0x38: {  	[dreg:$0x1] =	wrdreg $0xFFFFFFFF  }
0x39: {  	_ =	task.clear_ibuf [dreg:s7], $0x2FFFF;
	_ =	strace $0x9FFFFFFF  }
0x3a: {  	(tm) =	ssettm $0x7FFFFFFF  }
0x3b: {  	_ =	shalt  }
tec
execute0_lowered:
.L_overlay_start_1:
0x0: {  	(tag) =	ssettag $0x1  }
0x1: {  	s0 =	srdreg.scid  }
0x2: {  	s1 =	sshll.u32 s0, $0x4  }
0x3: {  	s0 =	stileid.u32;
	s1 =	sand.u32 $0x10, s1  }
0x4: {  	s1 =	sor.u32 s0, s1  }
0x5: {  	s6 =	rddreg [dreg:$0x0];
	s4 =	simm.s32 $0x1;
	s2 =	sshll.u32 s1, $0x7  }
0x6: {  	s7 =	simm.s32 $0x2;
	s12 =	simm.s32 $0x0;
	s1 =	ssub.s32 $0x1000, s2  }
0x7: {  	s8 =	simm.s32 $0x8000;
	s13 =	simm.s32 $0x0;
	s3 =	sand.u32 $0xF80, s1  }
0x8: {  	s9 =	simm.s32 $0x0;
	s5 =	sshrl.u32 s1, $0xC;
	p0 =	sne.s32 s3, $0x0  }
.Ltmp0:
0x9: {  	s1 =	rddreg [dreg:$0x2];
	s4 =	simm.s32 @!p0 $0x0;
	(pc) =	sbr.rel .LBB1_1-.Ltmp0, $4  }
0xa: {  	s11 =	simm.s32 $0x0;
	s3 =	rddreg [dreg:$0x1];
	s5 =	sadd.s32 s4, s5  }
0xb: {  	_ =	strace $0x8000004A;
	s4 =	simm.s32 $0x1;
	s5 =	smul.u32 $0xC8, s5  }
0xc: {  	s6 =	sadd.s32 $0x65AC00, s6;
	s10 =	smov.u32 s2;
	[sflag:s4] =	ssyncpa.u1 $0x0  }
0xd: {  	p0 =	por $0x0, $0x0;
	[sflag:s7] =	ssyncpa.u1 $0x0;
	s7 =	sor.u32 $0x1, s5  }
.LBB1_4:
0xe: {  	s16 =	sshll.u32 s13, $0x3;
	s17 =	sand.u32 $0x78, s13  }
0xf: {  	s30 =	sand.u32 $0x7E00, s13;
	s12 =	sshll.u32 s12, $0xF;
	s16 =	sand.u32 $0xC00, s16  }
0x10: {  	[tilespmem:s15+$0x810 ss:$0x81] =	vst.msk $0xffff, v2;
	s31 =	sand.u32 $0x7, s13;
	s16 =	sor.u32 s17, s16;
	s17 =	sadd.s32 s3, s30  }
0x11: {  	[tilespmem:s15+$0x1020 ss:$0x81] =	vst.msk $0xffff, v0;
	s13 =	sshll.u32 s31, $0x12;
	s12 =	sadd.s32 s12, s17;
	s16 =	sshrl.u32 s16, $0x3  }
0x12: {  	[tilespmem:s15+$0x0 ss:$0x81] =	vst.msk $0xffff, v1;
	s13 =	sor.u32 $0x400, s13;
	s12 =	sadd.s32 s16, s12  }
0x13: {  	[hbm4b:s12+s13] =	stream.strided.scatter [tilespmem:s14], [sflag:$0x2], $0x2000, s8, s13, $0x20;
	[tilespmem:$0x8080] =	vst v63  }
.LBB1_5:
0x14: {  	s14 =	sadd.s32 $0x1, s9  }
0x15: {  	s12 =	sadd.s32 $0x1000, s10;
	s16 =	smov.u32 s10;
	p2 =	sgt.s32 s14, $0xC7  }
0x16: {  	s16 =	smov.u32 @p2 s12  }
0x17: {  	s14 =	simm.s32 @p2 $0x0;
	p2 =	sgt.s32 s16, $0xFFF  }
0x18: {  	s16 =	smov.u32 @p2 s2;
	p2 =	sne.s32 s11, s7  }
.Ltmp1:
0x19: {  	p1 =	slt.u32 s11, $0x2;
	(pc) =	sbr.rel @!p2 .LBB1_6-.Ltmp1, $4  }
0x1a: {  	s15 =	simm.s32 @!p1 $0x2  }
0x1b: {  	s13 =	smov.u32 s10;
	p0 =	por !p0, !p0;
	_ =	swait.ge @!p1 [sflag:s15], $0x2000  }
0x1c: {  	s12 =	smov.u32 s9;
	[sflag:s15] =	ssyncset.done @!p1 $0x0;
	s9 =	smov.u32 s14  }
0x1d: {  	s11 =	sadd.s32 $0x1, s11;
	[sflag:s15] =	ssyncadd.s32 @!p1 $0xFFFFE000;
	s10 =	smov.u32 s16  }
.LBB1_1:
0x1e: {  	p1 =	sge.u32 s11, s5  }
0x1f: {  	s14 =	sand.u32 @!p1 $0x1FFFFFF, s9  }
0x20: {  	s15 =	smulhi.u32 @!p1 $0x147AE15, s14;
	_ =	sdelay $0x1  }
0x21: {  	s15 =	smul.u32 @!p1 $0xC8, s15  }
0x22: {  	s16 =	sxor.u32 @!p1 $0xFFFFFFFF, s11;
	s17 =	smul.u32 @!p1 $0xC80, s10  }
0x23: {  	s31 =	sadd.s32 $0xFFFFFFFF, s11;
	s16 =	sshll.u32 @!p1 s16, $0xD;
	s14 =	ssub.s32 @!p1 s14, s15  }
0x24: {  	s15 =	sand.u32 @!p1 $0x2000, s16;
	s16 =	sadd.s32 @!p1 s6, s17;
	s14 =	sshll.u32 @!p1 s14, $0x4  }
0x25: {  	s17 =	simm.s32 @!p1 $0x6400;
	s14 =	sadd.s32 @!p1 s14, s16;
	s16 =	simm.s32 @!p1 $0x40  }
0x26: {  	[tilespmem:s15], [sflag:$0x1] =	stream.strided.gather @!p1 [hbm4b:s14+s16], $0x2000, s17, s16, $0x38;
	[tilespmem:$0x8080] =	vst v63  }
0x27: {  	p1 =	sge.u32 s31, s5  }
.Ltmp2:
0x28: {  	_ = 	snop;
	(pc) =	sbr.rel @p1 .LBB1_5-.Ltmp2, $1  }
0x29: {  	_ =	sdelay $0x3  }
0x2a: {  	s14 =	simm.s32 $0x1  }
0x2b: {  	_ =	swait.ge [sflag:s4], $0x2000;
	s14 =	simm.s32 @!p0 $0x0  }
0x2c: {  	[sflag:s4] =	ssyncset.done $0x0;
	s15 =	sshll.u32 s14, $0xD  }
0x2d: {  	[sflag:s4] =	ssyncadd.s32 $0xFFFFE000;
	s18 =	sor.u32 $0x20, s15  }
0x2e: {  	s14 =	smul.u32 $0x8100, s14;
	v3 =	vld [tilespmem:s18+$0x10]  }
0x2f: {  	s30 =	sand.u32 $0x1, s11;
	v2 =	vld [tilespmem:s18+$0xFFFFFFF0]  }
0x30: {  	s15 =	smul.u32 $0x8100, s30;
	s14 =	sshrl.u32 s14, $0x2;
	v0 =	vld [tilespmem:s18+$0x0]  }
0x31: {  	v1 =	vld [tilespmem:s18+$0xFFFFFFE0];
	s16 =	sor.u32 $0x4000, s14  }
0x32: {  	s31 =	sshrl.u32 s15, $0x2;
	s15 =	sadd.s32 $0x0, s16  }
0x33: {  	s17 =	simm.s32 $0x4;
	s18 =	sadd.s32 $0x40, s18;
	s14 =	sor.u32 $0x4000, s31;
	[tilespmem:s15+$0x1830 ss:$0x81] =	vst.msk $0xffff, v3  }
.LBB1_3:
0x34: {  	v3 =	vld [tilespmem:s18+$0x10];
	p1 =	sne.s32 s17, $0x1FC;
	[tilespmem:s15+$0x810 ss:$0x81] =	vst.msk $0xffff, v2;
	s19 =	smov.u32 s17;
	s17 =	sadd.s32 $0x4, s17  }
.Ltmp3:
0x35: {  	v2 =	vld [tilespmem:s18+$0xFFFFFFF0];
	[tilespmem:s15+$0x1020 ss:$0x81] =	vst.msk $0xffff, v0;
	(pc) =	sbr.rel @p1 .LBB1_3-.Ltmp3, $4  }
0x36: {  	v0 =	vld [tilespmem:s18+$0x0];
	[tilespmem:s15+$0x0 ss:$0x81] =	vst.msk $0xffff, v1  }
0x37: {  	s15 =	sshra.s32 s19, $0x2;
	v1 =	vld [tilespmem:s18+$0xFFFFFFE0]  }
0x38: {  	s15 =	sadd.s32 s15, s16  }
0x39: {  	s18 =	sadd.s32 $0x40, s18;
	[tilespmem:s15+$0x1830 ss:$0x81] =	vst.msk $0xffff, v3  }
.Ltmp4:
0x3a: {  	_ = 	snop;
	(pc) =	sbr.rel .LBB1_4-.Ltmp4, $1  }
0x3b: {  	_ =	sdelay $0x3  }
.LBB1_6:
0x3c: {  	_ =	sfence.sel $0x180000  }
0x3d: {  	s2 =	simm.s32 $0x1;
	[bflag:$0x0] =	sbarrier.arrive $0xFFFF  }
0x3e: {  	s31 =	simm.s32 $0x2;
	[sflag:s2] =	ssyncpa.u1 $0x1  }
0x3f: {  	[sflag:s31] =	ssyncpa.u1 $0x1  }
0x40: {  	p0 =	sne.s32 s0, $0x0;
	_ =	strace $0x9000004A  }
0x41: {  	s0 =	sadd.s32 @!p0 $0x100000, s1;
	[bflag:$0x2] =	sbarrier.arrive $0xFFFF  }
0x42: {  	[sflag:s0] =	ssyncadd.tile.s32 @!p0 $0x1;
	_ =	shalt  }
.Lfunc_end1:
_tile_overlayer_lowered:
.L_overlay_start_2:
0x43: {  	(tag) =	ssettag $0x2  }
0x44: {  	s0 =	rddreg [dreg:$0x0];
	s2 =	stileid.u32  }
0x45: {  	s1 =	rddreg [dreg:$0x1];
	p0 =	sne.s32 s2, $0x0  }
0x46: {  	s3 =	rddreg [dreg:$0x2];
	[bflag:$0x3] =	sbarrier.arrive $0xFFFF;
	s2 =	simm.s32 @!p0 $0x1C01  }
0x47: {  	[timem:s3], [sflag:s2] =	dma.local @!p0 [hbm:s0], s1  }
0x48: {  	s0 =	simm.s32 @!p0 $0x1  }
0x49: {  	_ =	swait.ge @!p0 [sflag:s0], s1  }
0x4a: {  	s1 =	ssub.s32 @!p0 $0x0, s1;
	[sflag:s0] =	ssyncset.done @!p0 $0x0  }
0x4b: {  	[sflag:s0] =	ssyncadd.s32 @!p0 s1  }
0x4c: {  	[bflag:$0x3] =	sbarrier.arrive $0xFFFF  }
0x4d: {  	_ =	shalt  }

</sc_bundles>
